<compile_context>
chip_gen: v7x
topology: tpu7x:2x2x1
jax: 0.10.2.dev20260603
libtpu: 0.0.44.dev20260713+nightly
codegen_flags: <defaults>
</compile_context>

<pallas_src>
import functools

import jax
import jax.numpy as jnp
from jax import lax
from jax.experimental import pallas as pl
from jax.experimental.pallas import tpu as pltpu
from jax.experimental.pallas import tpu_sc as plsc

_NC = 2
_NS = 16
_NW = _NC * _NS
_K = 128
_JJ = 4


def _sc_aggregate(x, src3, dst3, n_pad):
    n, d = x.shape
    nchunks = src3.shape[1]
    nrounds = nchunks // _JJ
    assert nrounds * _JJ == nchunks and nrounds >= 2
    rows_per_sub = n_pad // _NS

    mesh = plsc.VectorSubcoreMesh(core_axis_name="c", subcore_axis_name="s")

    @functools.partial(
        pl.kernel,
        mesh=mesh,
        out_type=(
            jax.ShapeDtypeStruct((n_pad, d), jnp.float32),
            jax.ShapeDtypeStruct((n_pad, d), jnp.float32),
        ),
        scratch_types=[
            pltpu.VMEM((_JJ, _K), jnp.int32),
            pltpu.VMEM((_JJ, _K), jnp.int32),
            pltpu.VMEM((2, _K, d), jnp.float32),
            pltpu.VMEM_SHARED((n_pad, d), jnp.float32),
        ] + [pltpu.SemaphoreType.DMA] * (2 * _JJ + 4),
    )
    def agg_kernel(x_hbm, src_hbm, dst_hbm, agg0_hbm, agg1_hbm,
                   srcs_v, dsts_v, rows_v, agg_s, *sems):
        issem = sems[:_JJ]
        idsem = sems[_JJ:2 * _JJ]
        gsem = sems[2 * _JJ:2 * _JJ + 2]
        ssem = sems[2 * _JJ + 2:]
        cid = lax.axis_index("c")
        sid = lax.axis_index("s")
        wid = sid * _NC + cid

        def isrc_start(v, c):
            pltpu.async_copy(src_hbm.at[wid, c], srcs_v.at[v], issem[v])

        def isrc_wait(v, c):
            pltpu.make_async_copy(
                src_hbm.at[wid, c], srcs_v.at[v], issem[v]).wait()

        def idst_start(v, c):
            pltpu.async_copy(dst_hbm.at[wid, c], dsts_v.at[v], idsem[v])

        def idst_wait(v, c):
            pltpu.make_async_copy(
                dst_hbm.at[wid, c], dsts_v.at[v], idsem[v]).wait()

        def gather_start(u, v):
            pltpu.async_copy(x_hbm.at[srcs_v.at[v]], rows_v.at[u], gsem[u])

        def gather_wait(u, v):
            pltpu.make_async_copy(
                x_hbm.at[srcs_v.at[v]], rows_v.at[u], gsem[u]).wait()

        def scatter_start(u, v):
            pltpu.async_copy(
                rows_v.at[u], agg_s.at[dsts_v.at[v]], ssem[u], add=True)

        def scatter_wait(u, v):
            pltpu.make_async_copy(
                rows_v.at[u], agg_s.at[dsts_v.at[v]], ssem[u]).wait()

        for j in range(_JJ):
            isrc_start(j, j)
            idst_start(j, j)

        def zbody(i, c):
            for j in range(d // 16):
                rows_v[0, i, pl.ds(j * 16, 16)] = jnp.zeros((16,), jnp.float32)
            return c
        lax.fori_loop(0, _K, zbody, 0)
        for j in range(rows_per_sub // _K):
            pltpu.sync_copy(
                rows_v.at[0], agg_s.at[pl.ds(sid * rows_per_sub + j * _K, _K)])
        plsc.subcore_barrier()

        def round_body(r, carry):
            for j in range(_JJ):
                c = r * _JJ + j
                uj = j % 2

                if j < 2:
                    def step1(j=j, c=c, uj=uj):
                        scatter_wait(uj, (j + 2) % _JJ)
                        idst_start((j + 2) % _JJ, c + 2)
                    pl.when(r > 0)(step1)
                else:
                    scatter_wait(uj, (j + 2) % _JJ)

                    def prefetch_dst(j=j, c=c):
                        idst_start((j + 2) % _JJ, c + 2)
                    pl.when(r < nrounds - 1)(prefetch_dst)

                isrc_wait(j, c)
                gather_start(uj, j)

                def step3(j=j, c=c):
                    up = (j - 1) % 2
                    vp = (j - 1) % _JJ
                    idst_wait(vp, c - 1)
                    gather_wait(up, vp)
                    scatter_start(up, vp)

                def prefetch_src(j=j, c=c):
                    isrc_start((j + 3) % _JJ, c + 3)

                if j == 0:
                    def step3_and_prefetch(step3=step3, prefetch_src=prefetch_src):
                        step3()
                        prefetch_src()
                    pl.when(r > 0)(step3_and_prefetch)
                else:
                    step3()
                    pl.when(r < nrounds - 1)(prefetch_src)
            return carry
        lax.fori_loop(0, nrounds, round_body, 0)

        last = nchunks - 1
        idst_wait((_JJ - 1) % _JJ, last)
        gather_wait(1, _JJ - 1)
        scatter_start(1, _JJ - 1)
        scatter_wait(0, (_JJ - 2) % _JJ)
        scatter_wait(1, _JJ - 1)
        plsc.subcore_barrier()

        wbase = pl.multiple_of(sid * rows_per_sub, _K)

        @pl.when(cid == 0)
        def _():
            pltpu.sync_copy(agg_s.at[pl.ds(wbase, rows_per_sub)],
                            agg0_hbm.at[pl.ds(wbase, rows_per_sub)])

        @pl.when(cid == 1)
        def _():
            pltpu.sync_copy(agg_s.at[pl.ds(wbase, rows_per_sub)],
                            agg1_hbm.at[pl.ds(wbase, rows_per_sub)])

    return agg_kernel(x, src3, dst3)


def _tc_update(x, a0, a1, w, b2d):
    n, d = x.shape

    def body(x_ref, a0_ref, a1_ref, w_ref, b_ref, xo_ref, s_ref):
        m = x_ref[...] + a0_ref[:n] + a1_ref[:n]
        y = jnp.dot(m, w_ref[...], preferred_element_type=jnp.float32)
        y = jnp.maximum(y + b_ref[...], 0.0)
        xo_ref[...] = y
        s_ref[...] = jnp.sum(y, axis=0, keepdims=True)

    return pl.pallas_call(
        body,
        out_shape=(
            jax.ShapeDtypeStruct((n, d), jnp.float32),
            jax.ShapeDtypeStruct((1, d), jnp.float32),
        ),
    )(x, a0, a1, w, b2d)


def kernel(h, edge_index, W1, b1, W2, b2, W3, b3):
    n, d = h.shape
    e = edge_index.shape[1]
    quantum = _NW * _K * _JJ
    epad = ((e + quantum - 1) // quantum) * quantum
    nchunks = epad // (_NW * _K)
    n_pad = ((n + 1 + _NS * _K - 1) // (_NS * _K)) * (_NS * _K)

    src = jnp.concatenate(
        [edge_index[0], jnp.zeros((epad - e,), jnp.int32)])
    dst = jnp.concatenate(
        [edge_index[1], jnp.full((epad - e,), n, jnp.int32)])
    src3 = src.reshape(_NW, nchunks, _K)
    dst3 = dst.reshape(_NW, nchunks, _K)

    x = h
    sums = []
    for (w, b) in ((W1, b1), (W2, b2), (W3, b3)):
        a0, a1 = _sc_aggregate(x, src3, dst3, n_pad)
        x, s = _tc_update(x, a0, a1, w, b.reshape(1, d))
        sums.append(s[0])
    return jnp.concatenate(sums)

# --- scband reference (transcript-rebuilt; emitter-appended) ---
"""Pipeline reference for scband-multi-layer-gnn-61366492725265 (READ-ONLY COPY).

The authoritative reference and input builder live on the scoring server;
editing this copy changes nothing except your own understanding.
"""

import jax, jax.numpy as jnp
import numpy as np

N = 10000
E = 320000
D = 128


def setup_inputs(seed: int = 0) -> dict:
    key = jax.random.key(seed)
    ks = jax.random.split(key, 9)
    h = jax.random.normal(ks[0], (N, D), dtype=jnp.float32)
    edge_index = jax.random.randint(ks[1], (2, E), 0, N, dtype=jnp.int32)
    s = 1.0 / np.sqrt(D)
    W1 = jax.random.normal(ks[2], (D, D), dtype=jnp.float32) * s
    b1 = jnp.zeros((D,), dtype=jnp.float32)
    W2 = jax.random.normal(ks[3], (D, D), dtype=jnp.float32) * s
    b2 = jnp.zeros((D,), dtype=jnp.float32)
    W3 = jax.random.normal(ks[4], (D, D), dtype=jnp.float32) * s
    b3 = jnp.zeros((D,), dtype=jnp.float32)
    return {"h": h, "edge_index": edge_index, "W1": W1, "b1": b1, "W2": W2, "b2": b2, "W3": W3, "b3": b3}


def reference(h, edge_index, W1, b1, W2, b2, W3, b3):
    # MultiLayerGNN with 3 GIN-style layers, agg_operator='concat',
    # neighbor_pooling_type='sum' readout over nodes, with_readout=True.
    src = edge_index[0]
    dst = edge_index[1]

    def gin_layer(x, W, b):
        # sum-aggregate neighbor messages (scatter-add over dst)
        agg = jnp.zeros_like(x).at[dst].add(x[src])
        m = x + agg  # (1 + eps) * x + agg, eps = 0
        return jax.nn.relu(m @ W + b)

    h_concat = []
    x = h
    for (W, b) in ((W1, b1), (W2, b2), (W3, b3)):
        x = gin_layer(x, W, b)
        h_concat.append(x)
    hc = jnp.concatenate(h_concat, axis=-1)  # [N, 3*D]
    # sum readout over all nodes
    return jnp.sum(hc, axis=0)  # [3*D]

if __name__ == "__main__":
    import jax
    _d = setup_inputs()
    print(jax.jit(kernel)(*tuple(_d.values())))

</pallas_src>

<mosaic_0001>
#map = affine_map<(d0, d1) -> (0, 0)>
#map1 = affine_map<(d0, d1) -> (0, 0, 0)>
module attributes {stable_mosaic.version = 14 : i64} {
  func.func @agg_kernel(%arg0: i32, %arg1: i32, %arg2: memref<10000x128xf32, #tpu.memory_space<hbm>>, %arg3: memref<32x80x128xi32, #tpu.memory_space<hbm>>, %arg4: memref<32x80x128xi32, #tpu.memory_space<hbm>>, %arg5: memref<10240x128xf32, #tpu.memory_space<hbm>>, %arg6: memref<10240x128xf32, #tpu.memory_space<hbm>>, %arg7: memref<4x128xi32, #tpu.memory_space<vmem>>, %arg8: memref<4x128xi32, #tpu.memory_space<vmem>>, %arg9: memref<2x128x128xf32, #tpu.memory_space<vmem>>, %arg10: memref<10240x128xf32, #tpu.memory_space<vmem_shared>>, %arg11: memref<!tpu.dma_semaphore, #tpu.memory_space<semaphore_mem>>, %arg12: memref<!tpu.dma_semaphore, #tpu.memory_space<semaphore_mem>>, %arg13: memref<!tpu.dma_semaphore, #tpu.memory_space<semaphore_mem>>, %arg14: memref<!tpu.dma_semaphore, #tpu.memory_space<semaphore_mem>>, %arg15: memref<!tpu.dma_semaphore, #tpu.memory_space<semaphore_mem>>, %arg16: memref<!tpu.dma_semaphore, #tpu.memory_space<semaphore_mem>>, %arg17: memref<!tpu.dma_semaphore, #tpu.memory_space<semaphore_mem>>, %arg18: memref<!tpu.dma_semaphore, #tpu.memory_space<semaphore_mem>>, %arg19: memref<!tpu.dma_semaphore, #tpu.memory_space<semaphore_mem>>, %arg20: memref<!tpu.dma_semaphore, #tpu.memory_space<semaphore_mem>>, %arg21: memref<!tpu.dma_semaphore, #tpu.memory_space<semaphore_mem>>, %arg22: memref<!tpu.dma_semaphore, #tpu.memory_space<semaphore_mem>>) attributes {dimension_semantics = [#tpu.dimension_semantics<core_parallel>, #tpu.dimension_semantics<subcore_parallel>], iteration_bounds = array<i64: 2, 16>, scalar_prefetch = 0 : i64, scratch_operands = 16 : i64, tpu.core_type = #tpu.core_type<sc_vector_subcore>, window_params = [{transform_indices = #map}, {transform_indices = #map1}, {transform_indices = #map1}, {transform_indices = #map}, {transform_indices = #map}]} {
    %mul3A = arith.constant 2 : i32
    %mul3A_0 = arith.muli %arg1, %mul3A : i32
    %add3A = arith.addi %mul3A_0, %arg0 : i32
    %dma_start3A = arith.constant 0 : i32
    %dma_start3A_1 = arith.constant 0 : i32
    %dma_start3A_2 = arith.constant 0 : i32
    %dma_start3A_3 = tpu.memref_slice %arg7[%dma_start3A_1, %dma_start3A_2] : memref<4x128xi32, #tpu.memory_space<vmem>> -> memref<1x128xi32, #tpu.memory_space<vmem>>
    %dma_start3A_4 = tpu.memref_squeeze %dma_start3A_3 : memref<1x128xi32, #tpu.memory_space<vmem>> -> memref<128xi32, #tpu.memory_space<vmem>>
    %dma_start3A_5 = arith.constant 0 : i32
    %dma_start3A_6 = tpu.memref_slice %arg3[%add3A, %dma_start3A, %dma_start3A_5] : memref<32x80x128xi32, #tpu.memory_space<hbm>> -> memref<1x1x128xi32, #tpu.memory_space<hbm>>
    %dma_start3A_7 = tpu.memref_squeeze %dma_start3A_6 : memref<1x1x128xi32, #tpu.memory_space<hbm>> -> memref<128xi32, #tpu.memory_space<hbm>>
    %dma_start3A_8 = arith.constant 0 : i32
    %dma_start3A_9 = tpu.memref_slice %arg7[%dma_start3A_1, %dma_start3A_8] : memref<4x128xi32, #tpu.memory_space<vmem>> -> memref<1x128xi32, #tpu.memory_space<vmem>>
    %dma_start3A_10 = tpu.memref_squeeze %dma_start3A_9 : memref<1x128xi32, #tpu.memory_space<vmem>> -> memref<128xi32, #tpu.memory_space<vmem>>
    %dma_start3A_11 = arith.constant 0 : i32
    %dma_start3A_12 = tpu.memref_slice %arg3[%add3A, %dma_start3A, %dma_start3A_11] : memref<32x80x128xi32, #tpu.memory_space<hbm>> -> memref<1x1x128xi32, #tpu.memory_space<hbm>>
    %dma_start3A_13 = tpu.memref_squeeze %dma_start3A_12 : memref<1x1x128xi32, #tpu.memory_space<hbm>> -> memref<128xi32, #tpu.memory_space<hbm>>
    tpu.enqueue_dma source(%dma_start3A_13 : memref<128xi32, #tpu.memory_space<hbm>>) target(%dma_start3A_10 : memref<128xi32, #tpu.memory_space<vmem>>) target_semaphore(%arg11 : memref<!tpu.dma_semaphore, #tpu.memory_space<semaphore_mem>>)
    %dma_start3A_14 = arith.constant 0 : i32
    %dma_start3A_15 = arith.constant 0 : i32
    %dma_start3A_16 = arith.constant 0 : i32
    %dma_start3A_17 = tpu.memref_slice %arg8[%dma_start3A_15, %dma_start3A_16] : memref<4x128xi32, #tpu.memory_space<vmem>> -> memref<1x128xi32, #tpu.memory_space<vmem>>
    %dma_start3A_18 = tpu.memref_squeeze %dma_start3A_17 : memref<1x128xi32, #tpu.memory_space<vmem>> -> memref<128xi32, #tpu.memory_space<vmem>>
    %dma_start3A_19 = arith.constant 0 : i32
    %dma_start3A_20 = tpu.memref_slice %arg4[%add3A, %dma_start3A_14, %dma_start3A_19] : memref<32x80x128xi32, #tpu.memory_space<hbm>> -> memref<1x1x128xi32, #tpu.memory_space<hbm>>
    %dma_start3A_21 = tpu.memref_squeeze %dma_start3A_20 : memref<1x1x128xi32, #tpu.memory_space<hbm>> -> memref<128xi32, #tpu.memory_space<hbm>>
    %dma_start3A_22 = arith.constant 0 : i32
    %dma_start3A_23 = tpu.memref_slice %arg8[%dma_start3A_15, %dma_start3A_22] : memref<4x128xi32, #tpu.memory_space<vmem>> -> memref<1x128xi32, #tpu.memory_space<vmem>>
    %dma_start3A_24 = tpu.memref_squeeze %dma_start3A_23 : memref<1x128xi32, #tpu.memory_space<vmem>> -> memref<128xi32, #tpu.memory_space<vmem>>
    %dma_start3A_25 = arith.constant 0 : i32
    %dma_start3A_26 = tpu.memref_slice %arg4[%add3A, %dma_start3A_14, %dma_start3A_25] : memref<32x80x128xi32, #tpu.memory_space<hbm>> -> memref<1x1x128xi32, #tpu.memory_space<hbm>>
    %dma_start3A_27 = tpu.memref_squeeze %dma_start3A_26 : memref<1x1x128xi32, #tpu.memory_space<hbm>> -> memref<128xi32, #tpu.memory_space<hbm>>
    tpu.enqueue_dma source(%dma_start3A_27 : memref<128xi32, #tpu.memory_space<hbm>>) target(%dma_start3A_24 : memref<128xi32, #tpu.memory_space<vmem>>) target_semaphore(%arg15 : memref<!tpu.dma_semaphore, #tpu.memory_space<semaphore_mem>>)
    %dma_start3A_28 = arith.constant 1 : i32
    %dma_start3A_29 = arith.constant 1 : i32
    %dma_start3A_30 = arith.constant 0 : i32
    %dma_start3A_31 = tpu.memref_slice %arg7[%dma_start3A_29, %dma_start3A_30] : memref<4x128xi32, #tpu.memory_space<vmem>> -> memref<1x128xi32, #tpu.memory_space<vmem>>
    %dma_start3A_32 = tpu.memref_squeeze %dma_start3A_31 : memref<1x128xi32, #tpu.memory_space<vmem>> -> memref<128xi32, #tpu.memory_space<vmem>>
    %dma_start3A_33 = arith.constant 0 : i32
    %dma_start3A_34 = tpu.memref_slice %arg3[%add3A, %dma_start3A_28, %dma_start3A_33] : memref<32x80x128xi32, #tpu.memory_space<hbm>> -> memref<1x1x128xi32, #tpu.memory_space<hbm>>
    %dma_start3A_35 = tpu.memref_squeeze %dma_start3A_34 : memref<1x1x128xi32, #tpu.memory_space<hbm>> -> memref<128xi32, #tpu.memory_space<hbm>>
    %dma_start3A_36 = arith.constant 0 : i32
    %dma_start3A_37 = tpu.memref_slice %arg7[%dma_start3A_29, %dma_start3A_36] : memref<4x128xi32, #tpu.memory_space<vmem>> -> memref<1x128xi32, #tpu.memory_space<vmem>>
    %dma_start3A_38 = tpu.memref_squeeze %dma_start3A_37 : memref<1x128xi32, #tpu.memory_space<vmem>> -> memref<128xi32, #tpu.memory_space<vmem>>
    %dma_start3A_39 = arith.constant 0 : i32
    %dma_start3A_40 = tpu.memref_slice %arg3[%add3A, %dma_start3A_28, %dma_start3A_39] : memref<32x80x128xi32, #tpu.memory_space<hbm>> -> memref<1x1x128xi32, #tpu.memory_space<hbm>>
    %dma_start3A_41 = tpu.memref_squeeze %dma_start3A_40 : memref<1x1x128xi32, #tpu.memory_space<hbm>> -> memref<128xi32, #tpu.memory_space<hbm>>
    tpu.enqueue_dma source(%dma_start3A_41 : memref<128xi32, #tpu.memory_space<hbm>>) target(%dma_start3A_38 : memref<128xi32, #tpu.memory_space<vmem>>) target_semaphore(%arg12 : memref<!tpu.dma_semaphore, #tpu.memory_space<semaphore_mem>>)
    %dma_start3A_42 = arith.constant 1 : i32
    %dma_start3A_43 = arith.constant 1 : i32
    %dma_start3A_44 = arith.constant 0 : i32
    %dma_start3A_45 = tpu.memref_slice %arg8[%dma_start3A_43, %dma_start3A_44] : memref<4x128xi32, #tpu.memory_space<vmem>> -> memref<1x128xi32, #tpu.memory_space<vmem>>
    %dma_start3A_46 = tpu.memref_squeeze %dma_start3A_45 : memref<1x128xi32, #tpu.memory_space<vmem>> -> memref<128xi32, #tpu.memory_space<vmem>>
    %dma_start3A_47 = arith.constant 0 : i32
    %dma_start3A_48 = tpu.memref_slice %arg4[%add3A, %dma_start3A_42, %dma_start3A_47] : memref<32x80x128xi32, #tpu.memory_space<hbm>> -> memref<1x1x128xi32, #tpu.memory_space<hbm>>
    %dma_start3A_49 = tpu.memref_squeeze %dma_start3A_48 : memref<1x1x128xi32, #tpu.memory_space<hbm>> -> memref<128xi32, #tpu.memory_space<hbm>>
    %dma_start3A_50 = arith.constant 0 : i32
    %dma_start3A_51 = tpu.memref_slice %arg8[%dma_start3A_43, %dma_start3A_50] : memref<4x128xi32, #tpu.memory_space<vmem>> -> memref<1x128xi32, #tpu.memory_space<vmem>>
    %dma_start3A_52 = tpu.memref_squeeze %dma_start3A_51 : memref<1x128xi32, #tpu.memory_space<vmem>> -> memref<128xi32, #tpu.memory_space<vmem>>
    %dma_start3A_53 = arith.constant 0 : i32
    %dma_start3A_54 = tpu.memref_slice %arg4[%add3A, %dma_start3A_42, %dma_start3A_53] : memref<32x80x128xi32, #tpu.memory_space<hbm>> -> memref<1x1x128xi32, #tpu.memory_space<hbm>>
    %dma_start3A_55 = tpu.memref_squeeze %dma_start3A_54 : memref<1x1x128xi32, #tpu.memory_space<hbm>> -> memref<128xi32, #tpu.memory_space<hbm>>
    tpu.enqueue_dma source(%dma_start3A_55 : memref<128xi32, #tpu.memory_space<hbm>>) target(%dma_start3A_52 : memref<128xi32, #tpu.memory_space<vmem>>) target_semaphore(%arg16 : memref<!tpu.dma_semaphore, #tpu.memory_space<semaphore_mem>>)
    %dma_start3A_56 = arith.constant 2 : i32
    %dma_start3A_57 = arith.constant 2 : i32
    %dma_start3A_58 = arith.constant 0 : i32
    %dma_start3A_59 = tpu.memref_slice %arg7[%dma_start3A_57, %dma_start3A_58] : memref<4x128xi32, #tpu.memory_space<vmem>> -> memref<1x128xi32, #tpu.memory_space<vmem>>
    %dma_start3A_60 = tpu.memref_squeeze %dma_start3A_59 : memref<1x128xi32, #tpu.memory_space<vmem>> -> memref<128xi32, #tpu.memory_space<vmem>>
    %dma_start3A_61 = arith.constant 0 : i32
    %dma_start3A_62 = tpu.memref_slice %arg3[%add3A, %dma_start3A_56, %dma_start3A_61] : memref<32x80x128xi32, #tpu.memory_space<hbm>> -> memref<1x1x128xi32, #tpu.memory_space<hbm>>
    %dma_start3A_63 = tpu.memref_squeeze %dma_start3A_62 : memref<1x1x128xi32, #tpu.memory_space<hbm>> -> memref<128xi32, #tpu.memory_space<hbm>>
    %dma_start3A_64 = arith.constant 0 : i32
    %dma_start3A_65 = tpu.memref_slice %arg7[%dma_start3A_57, %dma_start3A_64] : memref<4x128xi32, #tpu.memory_space<vmem>> -> memref<1x128xi32, #tpu.memory_space<vmem>>
    %dma_start3A_66 = tpu.memref_squeeze %dma_start3A_65 : memref<1x128xi32, #tpu.memory_space<vmem>> -> memref<128xi32, #tpu.memory_space<vmem>>
    %dma_start3A_67 = arith.constant 0 : i32
    %dma_start3A_68 = tpu.memref_slice %arg3[%add3A, %dma_start3A_56, %dma_start3A_67] : memref<32x80x128xi32, #tpu.memory_space<hbm>> -> memref<1x1x128xi32, #tpu.memory_space<hbm>>
    %dma_start3A_69 = tpu.memref_squeeze %dma_start3A_68 : memref<1x1x128xi32, #tpu.memory_space<hbm>> -> memref<128xi32, #tpu.memory_space<hbm>>
    tpu.enqueue_dma source(%dma_start3A_69 : memref<128xi32, #tpu.memory_space<hbm>>) target(%dma_start3A_66 : memref<128xi32, #tpu.memory_space<vmem>>) target_semaphore(%arg13 : memref<!tpu.dma_semaphore, #tpu.memory_space<semaphore_mem>>)
    %dma_start3A_70 = arith.constant 2 : i32
    %dma_start3A_71 = arith.constant 2 : i32
    %dma_start3A_72 = arith.constant 0 : i32
    %dma_start3A_73 = tpu.memref_slice %arg8[%dma_start3A_71, %dma_start3A_72] : memref<4x128xi32, #tpu.memory_space<vmem>> -> memref<1x128xi32, #tpu.memory_space<vmem>>
    %dma_start3A_74 = tpu.memref_squeeze %dma_start3A_73 : memref<1x128xi32, #tpu.memory_space<vmem>> -> memref<128xi32, #tpu.memory_space<vmem>>
    %dma_start3A_75 = arith.constant 0 : i32
    %dma_start3A_76 = tpu.memref_slice %arg4[%add3A, %dma_start3A_70, %dma_start3A_75] : memref<32x80x128xi32, #tpu.memory_space<hbm>> -> memref<1x1x128xi32, #tpu.memory_space<hbm>>
    %dma_start3A_77 = tpu.memref_squeeze %dma_start3A_76 : memref<1x1x128xi32, #tpu.memory_space<hbm>> -> memref<128xi32, #tpu.memory_space<hbm>>
    %dma_start3A_78 = arith.constant 0 : i32
    %dma_start3A_79 = tpu.memref_slice %arg8[%dma_start3A_71, %dma_start3A_78] : memref<4x128xi32, #tpu.memory_space<vmem>> -> memref<1x128xi32, #tpu.memory_space<vmem>>
    %dma_start3A_80 = tpu.memref_squeeze %dma_start3A_79 : memref<1x128xi32, #tpu.memory_space<vmem>> -> memref<128xi32, #tpu.memory_space<vmem>>
    %dma_start3A_81 = arith.constant 0 : i32
    %dma_start3A_82 = tpu.memref_slice %arg4[%add3A, %dma_start3A_70, %dma_start3A_81] : memref<32x80x128xi32, #tpu.memory_space<hbm>> -> memref<1x1x128xi32, #tpu.memory_space<hbm>>
    %dma_start3A_83 = tpu.memref_squeeze %dma_start3A_82 : memref<1x1x128xi32, #tpu.memory_space<hbm>> -> memref<128xi32, #tpu.memory_space<hbm>>
    tpu.enqueue_dma source(%dma_start3A_83 : memref<128xi32, #tpu.memory_space<hbm>>) target(%dma_start3A_80 : memref<128xi32, #tpu.memory_space<vmem>>) target_semaphore(%arg17 : memref<!tpu.dma_semaphore, #tpu.memory_space<semaphore_mem>>)
    %dma_start3A_84 = arith.constant 3 : i32
    %dma_start3A_85 = arith.constant 3 : i32
    %dma_start3A_86 = arith.constant 0 : i32
    %dma_start3A_87 = tpu.memref_slice %arg7[%dma_start3A_85, %dma_start3A_86] : memref<4x128xi32, #tpu.memory_space<vmem>> -> memref<1x128xi32, #tpu.memory_space<vmem>>
    %dma_start3A_88 = tpu.memref_squeeze %dma_start3A_87 : memref<1x128xi32, #tpu.memory_space<vmem>> -> memref<128xi32, #tpu.memory_space<vmem>>
    %dma_start3A_89 = arith.constant 0 : i32
    %dma_start3A_90 = tpu.memref_slice %arg3[%add3A, %dma_start3A_84, %dma_start3A_89] : memref<32x80x128xi32, #tpu.memory_space<hbm>> -> memref<1x1x128xi32, #tpu.memory_space<hbm>>
    %dma_start3A_91 = tpu.memref_squeeze %dma_start3A_90 : memref<1x1x128xi32, #tpu.memory_space<hbm>> -> memref<128xi32, #tpu.memory_space<hbm>>
    %dma_start3A_92 = arith.constant 0 : i32
    %dma_start3A_93 = tpu.memref_slice %arg7[%dma_start3A_85, %dma_start3A_92] : memref<4x128xi32, #tpu.memory_space<vmem>> -> memref<1x128xi32, #tpu.memory_space<vmem>>
    %dma_start3A_94 = tpu.memref_squeeze %dma_start3A_93 : memref<1x128xi32, #tpu.memory_space<vmem>> -> memref<128xi32, #tpu.memory_space<vmem>>
    %dma_start3A_95 = arith.constant 0 : i32
    %dma_start3A_96 = tpu.memref_slice %arg3[%add3A, %dma_start3A_84, %dma_start3A_95] : memref<32x80x128xi32, #tpu.memory_space<hbm>> -> memref<1x1x128xi32, #tpu.memory_space<hbm>>
    %dma_start3A_97 = tpu.memref_squeeze %dma_start3A_96 : memref<1x1x128xi32, #tpu.memory_space<hbm>> -> memref<128xi32, #tpu.memory_space<hbm>>
    tpu.enqueue_dma source(%dma_start3A_97 : memref<128xi32, #tpu.memory_space<hbm>>) target(%dma_start3A_94 : memref<128xi32, #tpu.memory_space<vmem>>) target_semaphore(%arg14 : memref<!tpu.dma_semaphore, #tpu.memory_space<semaphore_mem>>)
    %dma_start3A_98 = arith.constant 3 : i32
    %dma_start3A_99 = arith.constant 3 : i32
    %dma_start3A_100 = arith.constant 0 : i32
    %dma_start3A_101 = tpu.memref_slice %arg8[%dma_start3A_99, %dma_start3A_100] : memref<4x128xi32, #tpu.memory_space<vmem>> -> memref<1x128xi32, #tpu.memory_space<vmem>>
    %dma_start3A_102 = tpu.memref_squeeze %dma_start3A_101 : memref<1x128xi32, #tpu.memory_space<vmem>> -> memref<128xi32, #tpu.memory_space<vmem>>
    %dma_start3A_103 = arith.constant 0 : i32
    %dma_start3A_104 = tpu.memref_slice %arg4[%add3A, %dma_start3A_98, %dma_start3A_103] : memref<32x80x128xi32, #tpu.memory_space<hbm>> -> memref<1x1x128xi32, #tpu.memory_space<hbm>>
    %dma_start3A_105 = tpu.memref_squeeze %dma_start3A_104 : memref<1x1x128xi32, #tpu.memory_space<hbm>> -> memref<128xi32, #tpu.memory_space<hbm>>
    %dma_start3A_106 = arith.constant 0 : i32
    %dma_start3A_107 = tpu.memref_slice %arg8[%dma_start3A_99, %dma_start3A_106] : memref<4x128xi32, #tpu.memory_space<vmem>> -> memref<1x128xi32, #tpu.memory_space<vmem>>
    %dma_start3A_108 = tpu.memref_squeeze %dma_start3A_107 : memref<1x128xi32, #tpu.memory_space<vmem>> -> memref<128xi32, #tpu.memory_space<vmem>>
    %dma_start3A_109 = arith.constant 0 : i32
    %dma_start3A_110 = tpu.memref_slice %arg4[%add3A, %dma_start3A_98, %dma_start3A_109] : memref<32x80x128xi32, #tpu.memory_space<hbm>> -> memref<1x1x128xi32, #tpu.memory_space<hbm>>
    %dma_start3A_111 = tpu.memref_squeeze %dma_start3A_110 : memref<1x1x128xi32, #tpu.memory_space<hbm>> -> memref<128xi32, #tpu.memory_space<hbm>>
    tpu.enqueue_dma source(%dma_start3A_111 : memref<128xi32, #tpu.memory_space<hbm>>) target(%dma_start3A_108 : memref<128xi32, #tpu.memory_space<vmem>>) target_semaphore(%arg18 : memref<!tpu.dma_semaphore, #tpu.memory_space<semaphore_mem>>)
    %scan3A = arith.constant 0 : i32
    %scan3A_112 = arith.constant 0 : i32
    %scan3A_113 = arith.constant 128 : i32
    %scan3A_114 = arith.addi %scan3A_112, %scan3A_113 : i32
    %scan3A_115 = arith.constant 1 : i32
    scf.for %scan3A_218 = %scan3A_112 to %scan3A_114 step %scan3A_115  : i32 {
      %broadcast_in_dim3A = arith.constant 0.000000e+00 : f32
      %broadcast_in_dim3A_219 = vector.broadcast %broadcast_in_dim3A : f32 to vector<16xf32>
      %swap3A = arith.constant 0 : i32
      %swap3A_220 = arith.index_cast %swap3A : i32 to index
      %swap3A_221 = arith.index_cast %scan3A_218 : i32 to index
      %swap3A_222 = arith.constant 0 : index
      %swap3A_223 = tpu.vector_load %arg9[%swap3A_220, %swap3A_221, %swap3A_222] {strides = array<i32>} : memref<2x128x128xf32, #tpu.memory_space<vmem>>, vector<1x1x16xf32>,
      %swap3A_224 = vector.shape_cast %swap3A_223 : vector<1x1x16xf32> to vector<16xf32>
      %swap3A_225 = vector.shape_cast %broadcast_in_dim3A_219 : vector<16xf32> to vector<1x1x16xf32>
      tpu.vector_store %arg9[%swap3A_220, %swap3A_221, %swap3A_222], %swap3A_225 {strides = array<i32>} : memref<2x128x128xf32, #tpu.memory_space<vmem>>, vector<1x1x16xf32>,
      %broadcast_in_dim3A_226 = arith.constant 0.000000e+00 : f32
      %broadcast_in_dim3A_227 = vector.broadcast %broadcast_in_dim3A_226 : f32 to vector<16xf32>
      %swap3A_228 = arith.constant 0 : i32
      %swap3A_229 = arith.index_cast %swap3A_228 : i32 to index
      %swap3A_230 = arith.index_cast %scan3A_218 : i32 to index
      %swap3A_231 = arith.constant 16 : index
      %swap3A_232 = tpu.vector_load %arg9[%swap3A_229, %swap3A_230, %swap3A_231] {strides = array<i32>} : memref<2x128x128xf32, #tpu.memory_space<vmem>>, vector<1x1x16xf32>,
      %swap3A_233 = vector.shape_cast %swap3A_232 : vector<1x1x16xf32> to vector<16xf32>
      %swap3A_234 = vector.shape_cast %broadcast_in_dim3A_227 : vector<16xf32> to vector<1x1x16xf32>
      tpu.vector_store %arg9[%swap3A_229, %swap3A_230, %swap3A_231], %swap3A_234 {strides = array<i32>} : memref<2x128x128xf32, #tpu.memory_space<vmem>>, vector<1x1x16xf32>,
      %broadcast_in_dim3A_235 = arith.constant 0.000000e+00 : f32
      %broadcast_in_dim3A_236 = vector.broadcast %broadcast_in_dim3A_235 : f32 to vector<16xf32>
      %swap3A_237 = arith.constant 0 : i32
      %swap3A_238 = arith.index_cast %swap3A_237 : i32 to index
      %swap3A_239 = arith.index_cast %scan3A_218 : i32 to index
      %swap3A_240 = arith.constant 32 : index
      %swap3A_241 = tpu.vector_load %arg9[%swap3A_238, %swap3A_239, %swap3A_240] {strides = array<i32>} : memref<2x128x128xf32, #tpu.memory_space<vmem>>, vector<1x1x16xf32>,
      %swap3A_242 = vector.shape_cast %swap3A_241 : vector<1x1x16xf32> to vector<16xf32>
      %swap3A_243 = vector.shape_cast %broadcast_in_dim3A_236 : vector<16xf32> to vector<1x1x16xf32>
      tpu.vector_store %arg9[%swap3A_238, %swap3A_239, %swap3A_240], %swap3A_243 {strides = array<i32>} : memref<2x128x128xf32, #tpu.memory_space<vmem>>, vector<1x1x16xf32>,
      %broadcast_in_dim3A_244 = arith.constant 0.000000e+00 : f32
      %broadcast_in_dim3A_245 = vector.broadcast %broadcast_in_dim3A_244 : f32 to vector<16xf32>
      %swap3A_246 = arith.constant 0 : i32
      %swap3A_247 = arith.index_cast %swap3A_246 : i32 to index
      %swap3A_248 = arith.index_cast %scan3A_218 : i32 to index
      %swap3A_249 = arith.constant 48 : index
      %swap3A_250 = tpu.vector_load %arg9[%swap3A_247, %swap3A_248, %swap3A_249] {strides = array<i32>} : memref<2x128x128xf32, #tpu.memory_space<vmem>>, vector<1x1x16xf32>,
      %swap3A_251 = vector.shape_cast %swap3A_250 : vector<1x1x16xf32> to vector<16xf32>
      %swap3A_252 = vector.shape_cast %broadcast_in_dim3A_245 : vector<16xf32> to vector<1x1x16xf32>
      tpu.vector_store %arg9[%swap3A_247, %swap3A_248, %swap3A_249], %swap3A_252 {strides = array<i32>} : memref<2x128x128xf32, #tpu.memory_space<vmem>>, vector<1x1x16xf32>,
      %broadcast_in_dim3A_253 = arith.constant 0.000000e+00 : f32
      %broadcast_in_dim3A_254 = vector.broadcast %broadcast_in_dim3A_253 : f32 to vector<16xf32>
      %swap3A_255 = arith.constant 0 : i32
      %swap3A_256 = arith.index_cast %swap3A_255 : i32 to index
      %swap3A_257 = arith.index_cast %scan3A_218 : i32 to index
      %swap3A_258 = arith.constant 64 : index
      %swap3A_259 = tpu.vector_load %arg9[%swap3A_256, %swap3A_257, %swap3A_258] {strides = array<i32>} : memref<2x128x128xf32, #tpu.memory_space<vmem>>, vector<1x1x16xf32>,
      %swap3A_260 = vector.shape_cast %swap3A_259 : vector<1x1x16xf32> to vector<16xf32>
      %swap3A_261 = vector.shape_cast %broadcast_in_dim3A_254 : vector<16xf32> to vector<1x1x16xf32>
      tpu.vector_store %arg9[%swap3A_256, %swap3A_257, %swap3A_258], %swap3A_261 {strides = array<i32>} : memref<2x128x128xf32, #tpu.memory_space<vmem>>, vector<1x1x16xf32>,
      %broadcast_in_dim3A_262 = arith.constant 0.000000e+00 : f32
      %broadcast_in_dim3A_263 = vector.broadcast %broadcast_in_dim3A_262 : f32 to vector<16xf32>
      %swap3A_264 = arith.constant 0 : i32
      %swap3A_265 = arith.index_cast %swap3A_264 : i32 to index
      %swap3A_266 = arith.index_cast %scan3A_218 : i32 to index
      %swap3A_267 = arith.constant 80 : index
      %swap3A_268 = tpu.vector_load %arg9[%swap3A_265, %swap3A_266, %swap3A_267] {strides = array<i32>} : memref<2x128x128xf32, #tpu.memory_space<vmem>>, vector<1x1x16xf32>,
      %swap3A_269 = vector.shape_cast %swap3A_268 : vector<1x1x16xf32> to vector<16xf32>
      %swap3A_270 = vector.shape_cast %broadcast_in_dim3A_263 : vector<16xf32> to vector<1x1x16xf32>
      tpu.vector_store %arg9[%swap3A_265, %swap3A_266, %swap3A_267], %swap3A_270 {strides = array<i32>} : memref<2x128x128xf32, #tpu.memory_space<vmem>>, vector<1x1x16xf32>,
      %broadcast_in_dim3A_271 = arith.constant 0.000000e+00 : f32
      %broadcast_in_dim3A_272 = vector.broadcast %broadcast_in_dim3A_271 : f32 to vector<16xf32>
      %swap3A_273 = arith.constant 0 : i32
      %swap3A_274 = arith.index_cast %swap3A_273 : i32 to index
      %swap3A_275 = arith.index_cast %scan3A_218 : i32 to index
      %swap3A_276 = arith.constant 96 : index
      %swap3A_277 = tpu.vector_load %arg9[%swap3A_274, %swap3A_275, %swap3A_276] {strides = array<i32>} : memref<2x128x128xf32, #tpu.memory_space<vmem>>, vector<1x1x16xf32>,
      %swap3A_278 = vector.shape_cast %swap3A_277 : vector<1x1x16xf32> to vector<16xf32>
      %swap3A_279 = vector.shape_cast %broadcast_in_dim3A_272 : vector<16xf32> to vector<1x1x16xf32>
      tpu.vector_store %arg9[%swap3A_274, %swap3A_275, %swap3A_276], %swap3A_279 {strides = array<i32>} : memref<2x128x128xf32, #tpu.memory_space<vmem>>, vector<1x1x16xf32>,
      %broadcast_in_dim3A_280 = arith.constant 0.000000e+00 : f32
      %broadcast_in_dim3A_281 = vector.broadcast %broadcast_in_dim3A_280 : f32 to vector<16xf32>
      %swap3A_282 = arith.constant 0 : i32
      %swap3A_283 = arith.index_cast %swap3A_282 : i32 to index
      %swap3A_284 = arith.index_cast %scan3A_218 : i32 to index
      %swap3A_285 = arith.constant 112 : index
      %swap3A_286 = tpu.vector_load %arg9[%swap3A_283, %swap3A_284, %swap3A_285] {strides = array<i32>} : memref<2x128x128xf32, #tpu.memory_space<vmem>>, vector<1x1x16xf32>,
      %swap3A_287 = vector.shape_cast %swap3A_286 : vector<1x1x16xf32> to vector<16xf32>
      %swap3A_288 = vector.shape_cast %broadcast_in_dim3A_281 : vector<16xf32> to vector<1x1x16xf32>
      tpu.vector_store %arg9[%swap3A_283, %swap3A_284, %swap3A_285], %swap3A_288 {strides = array<i32>} : memref<2x128x128xf32, #tpu.memory_space<vmem>>, vector<1x1x16xf32>,
    }
    %scan3A_116 = arith.constant 128 : i32
    %mul3A_117 = arith.constant 640 : i32
    %mul3A_118 = arith.muli %arg1, %mul3A_117 : i32
    %add3A_119 = arith.constant 0 : i32
    %add3A_120 = arith.addi %mul3A_118, %add3A_119 : i32
    %run_scoped3A = arith.constant 0 : i32
    "tpu.region"() ({
      %run_scoped3A_218 = tpu.sem_alloc : memref<!tpu.dma_semaphore, #tpu.memory_space<semaphore_mem>>
      %dma_start3A_219 = arith.constant 0 : i32
      %dma_start3A_220 = arith.constant 0 : i32
      %dma_start3A_221 = tpu.memref_slice %arg9[%run_scoped3A, %dma_start3A_219, %dma_start3A_220] : memref<2x128x128xf32, #tpu.memory_space<vmem>> -> memref<1x128x128xf32, #tpu.memory_space<vmem>>
      %dma_start3A_222 = tpu.memref_squeeze %dma_start3A_221 : memref<1x128x128xf32, #tpu.memory_space<vmem>> -> memref<128x128xf32, #tpu.memory_space<vmem>>
      %dma_start3A_223 = arith.constant 0 : i32
      %dma_start3A_224 = tpu.memref_slice %arg10[%add3A_120, %dma_start3A_223] : memref<10240x128xf32, #tpu.memory_space<vmem_shared>> -> memref<128x128xf32, #tpu.memory_space<vmem_shared>>
      %dma_start3A_225 = arith.constant 0 : i32
      %dma_start3A_226 = tpu.memref_slice %arg10[%add3A_120, %dma_start3A_225] : memref<10240x128xf32, #tpu.memory_space<vmem_shared>> -> memref<128x128xf32, #tpu.memory_space<vmem_shared>>
      %dma_start3A_227 = arith.constant 0 : i32
      %dma_start3A_228 = arith.constant 0 : i32
      %dma_start3A_229 = tpu.memref_slice %arg9[%run_scoped3A, %dma_start3A_227, %dma_start3A_228] : memref<2x128x128xf32, #tpu.memory_space<vmem>> -> memref<1x128x128xf32, #tpu.memory_space<vmem>>
      %dma_start3A_230 = tpu.memref_squeeze %dma_start3A_229 : memref<1x128x128xf32, #tpu.memory_space<vmem>> -> memref<128x128xf32, #tpu.memory_space<vmem>>
      tpu.enqueue_dma source(%dma_start3A_230 : memref<128x128xf32, #tpu.memory_space<vmem>>) target(%dma_start3A_226 : memref<128x128xf32, #tpu.memory_space<vmem_shared>>) target_semaphore(%run_scoped3A_218 : memref<!tpu.dma_semaphore, #tpu.memory_space<semaphore_mem>>)
      %dma_wait3A_231 = arith.constant 0 : i32
      %dma_wait3A_232 = arith.constant 0 : i32
      %dma_wait3A_233 = tpu.memref_slice %arg9[%run_scoped3A, %dma_wait3A_231, %dma_wait3A_232] : memref<2x128x128xf32, #tpu.memory_space<vmem>> -> memref<1x128x128xf32, #tpu.memory_space<vmem>>
      %dma_wait3A_234 = tpu.memref_squeeze %dma_wait3A_233 : memref<1x128x128xf32, #tpu.memory_space<vmem>> -> memref<128x128xf32, #tpu.memory_space<vmem>>
      %dma_wait3A_235 = arith.constant 0 : i32
      %dma_wait3A_236 = tpu.memref_slice %arg10[%add3A_120, %dma_wait3A_235] : memref<10240x128xf32, #tpu.memory_space<vmem_shared>> -> memref<128x128xf32, #tpu.memory_space<vmem_shared>>
      %dma_wait3A_237 = arith.constant 0 : i32
      %dma_wait3A_238 = tpu.memref_slice %arg10[%add3A_120, %dma_wait3A_237] : memref<10240x128xf32, #tpu.memory_space<vmem_shared>> -> memref<128x128xf32, #tpu.memory_space<vmem_shared>>
      %dma_wait3A_239 = arith.constant 0 : i32
      %dma_wait3A_240 = arith.constant 0 : i32
      %dma_wait3A_241 = tpu.memref_slice %arg9[%run_scoped3A, %dma_wait3A_239, %dma_wait3A_240] : memref<2x128x128xf32, #tpu.memory_space<vmem>> -> memref<1x128x128xf32, #tpu.memory_space<vmem>>
      %dma_wait3A_242 = tpu.memref_squeeze %dma_wait3A_241 : memref<1x128x128xf32, #tpu.memory_space<vmem>> -> memref<128x128xf32, #tpu.memory_space<vmem>>
      tpu.wait_dma2 semaphore(%run_scoped3A_218 : memref<!tpu.dma_semaphore, #tpu.memory_space<semaphore_mem>>) src(%dma_wait3A_242 : memref<128x128xf32, #tpu.memory_space<vmem>>) dst(%dma_wait3A_238 : memref<128x128xf32, #tpu.memory_space<vmem_shared>>)
      tpu.yield
    }) : () -> ()
    %mul3A_121 = arith.constant 640 : i32
    %mul3A_122 = arith.muli %arg1, %mul3A_121 : i32
    %add3A_123 = arith.constant 128 : i32
    %add3A_124 = arith.addi %mul3A_122, %add3A_123 : i32
    %run_scoped3A_125 = arith.constant 0 : i32
    "tpu.region"() ({
      %run_scoped3A_218 = tpu.sem_alloc : memref<!tpu.dma_semaphore, #tpu.memory_space<semaphore_mem>>
      %dma_start3A_219 = arith.constant 0 : i32
      %dma_start3A_220 = arith.constant 0 : i32
      %dma_start3A_221 = tpu.memref_slice %arg9[%run_scoped3A_125, %dma_start3A_219, %dma_start3A_220] : memref<2x128x128xf32, #tpu.memory_space<vmem>> -> memref<1x128x128xf32, #tpu.memory_space<vmem>>
      %dma_start3A_222 = tpu.memref_squeeze %dma_start3A_221 : memref<1x128x128xf32, #tpu.memory_space<vmem>> -> memref<128x128xf32, #tpu.memory_space<vmem>>
      %dma_start3A_223 = arith.constant 0 : i32
      %dma_start3A_224 = tpu.memref_slice %arg10[%add3A_124, %dma_start3A_223] : memref<10240x128xf32, #tpu.memory_space<vmem_shared>> -> memref<128x128xf32, #tpu.memory_space<vmem_shared>>
      %dma_start3A_225 = arith.constant 0 : i32
      %dma_start3A_226 = tpu.memref_slice %arg10[%add3A_124, %dma_start3A_225] : memref<10240x128xf32, #tpu.memory_space<vmem_shared>> -> memref<128x128xf32, #tpu.memory_space<vmem_shared>>
      %dma_start3A_227 = arith.constant 0 : i32
      %dma_start3A_228 = arith.constant 0 : i32
      %dma_start3A_229 = tpu.memref_slice %arg9[%run_scoped3A_125, %dma_start3A_227, %dma_start3A_228] : memref<2x128x128xf32, #tpu.memory_space<vmem>> -> memref<1x128x128xf32, #tpu.memory_space<vmem>>
      %dma_start3A_230 = tpu.memref_squeeze %dma_start3A_229 : memref<1x128x128xf32, #tpu.memory_space<vmem>> -> memref<128x128xf32, #tpu.memory_space<vmem>>
      tpu.enqueue_dma source(%dma_start3A_230 : memref<128x128xf32, #tpu.memory_space<vmem>>) target(%dma_start3A_226 : memref<128x128xf32, #tpu.memory_space<vmem_shared>>) target_semaphore(%run_scoped3A_218 : memref<!tpu.dma_semaphore, #tpu.memory_space<semaphore_mem>>)
      %dma_wait3A_231 = arith.constant 0 : i32
      %dma_wait3A_232 = arith.constant 0 : i32
      %dma_wait3A_233 = tpu.memref_slice %arg9[%run_scoped3A_125, %dma_wait3A_231, %dma_wait3A_232] : memref<2x128x128xf32, #tpu.memory_space<vmem>> -> memref<1x128x128xf32, #tpu.memory_space<vmem>>
      %dma_wait3A_234 = tpu.memref_squeeze %dma_wait3A_233 : memref<1x128x128xf32, #tpu.memory_space<vmem>> -> memref<128x128xf32, #tpu.memory_space<vmem>>
      %dma_wait3A_235 = arith.constant 0 : i32
      %dma_wait3A_236 = tpu.memref_slice %arg10[%add3A_124, %dma_wait3A_235] : memref<10240x128xf32, #tpu.memory_space<vmem_shared>> -> memref<128x128xf32, #tpu.memory_space<vmem_shared>>
      %dma_wait3A_237 = arith.constant 0 : i32
      %dma_wait3A_238 = tpu.memref_slice %arg10[%add3A_124, %dma_wait3A_237] : memref<10240x128xf32, #tpu.memory_space<vmem_shared>> -> memref<128x128xf32, #tpu.memory_space<vmem_shared>>
      %dma_wait3A_239 = arith.constant 0 : i32
      %dma_wait3A_240 = arith.constant 0 : i32
      %dma_wait3A_241 = tpu.memref_slice %arg9[%run_scoped3A_125, %dma_wait3A_239, %dma_wait3A_240] : memref<2x128x128xf32, #tpu.memory_space<vmem>> -> memref<1x128x128xf32, #tpu.memory_space<vmem>>
      %dma_wait3A_242 = tpu.memref_squeeze %dma_wait3A_241 : memref<1x128x128xf32, #tpu.memory_space<vmem>> -> memref<128x128xf32, #tpu.memory_space<vmem>>
      tpu.wait_dma2 semaphore(%run_scoped3A_218 : memref<!tpu.dma_semaphore, #tpu.memory_space<semaphore_mem>>) src(%dma_wait3A_242 : memref<128x128xf32, #tpu.memory_space<vmem>>) dst(%dma_wait3A_238 : memref<128x128xf32, #tpu.memory_space<vmem_shared>>)
      tpu.yield
    }) : () -> ()
    %mul3A_126 = arith.constant 640 : i32
    %mul3A_127 = arith.muli %arg1, %mul3A_126 : i32
    %add3A_128 = arith.constant 256 : i32
    %add3A_129 = arith.addi %mul3A_127, %add3A_128 : i32
    %run_scoped3A_130 = arith.constant 0 : i32
    "tpu.region"() ({
      %run_scoped3A_218 = tpu.sem_alloc : memref<!tpu.dma_semaphore, #tpu.memory_space<semaphore_mem>>
      %dma_start3A_219 = arith.constant 0 : i32
      %dma_start3A_220 = arith.constant 0 : i32
      %dma_start3A_221 = tpu.memref_slice %arg9[%run_scoped3A_130, %dma_start3A_219, %dma_start3A_220] : memref<2x128x128xf32, #tpu.memory_space<vmem>> -> memref<1x128x128xf32, #tpu.memory_space<vmem>>
      %dma_start3A_222 = tpu.memref_squeeze %dma_start3A_221 : memref<1x128x128xf32, #tpu.memory_space<vmem>> -> memref<128x128xf32, #tpu.memory_space<vmem>>
      %dma_start3A_223 = arith.constant 0 : i32
      %dma_start3A_224 = tpu.memref_slice %arg10[%add3A_129, %dma_start3A_223] : memref<10240x128xf32, #tpu.memory_space<vmem_shared>> -> memref<128x128xf32, #tpu.memory_space<vmem_shared>>
      %dma_start3A_225 = arith.constant 0 : i32
      %dma_start3A_226 = tpu.memref_slice %arg10[%add3A_129, %dma_start3A_225] : memref<10240x128xf32, #tpu.memory_space<vmem_shared>> -> memref<128x128xf32, #tpu.memory_space<vmem_shared>>
      %dma_start3A_227 = arith.constant 0 : i32
      %dma_start3A_228 = arith.constant 0 : i32
      %dma_start3A_229 = tpu.memref_slice %arg9[%run_scoped3A_130, %dma_start3A_227, %dma_start3A_228] : memref<2x128x128xf32, #tpu.memory_space<vmem>> -> memref<1x128x128xf32, #tpu.memory_space<vmem>>
      %dma_start3A_230 = tpu.memref_squeeze %dma_start3A_229 : memref<1x128x128xf32, #tpu.memory_space<vmem>> -> memref<128x128xf32, #tpu.memory_space<vmem>>
      tpu.enqueue_dma source(%dma_start3A_230 : memref<128x128xf32, #tpu.memory_space<vmem>>) target(%dma_start3A_226 : memref<128x128xf32, #tpu.memory_space<vmem_shared>>) target_semaphore(%run_scoped3A_218 : memref<!tpu.dma_semaphore, #tpu.memory_space<semaphore_mem>>)
      %dma_wait3A_231 = arith.constant 0 : i32
      %dma_wait3A_232 = arith.constant 0 : i32
      %dma_wait3A_233 = tpu.memref_slice %arg9[%run_scoped3A_130, %dma_wait3A_231, %dma_wait3A_232] : memref<2x128x128xf32, #tpu.memory_space<vmem>> -> memref<1x128x128xf32, #tpu.memory_space<vmem>>
      %dma_wait3A_234 = tpu.memref_squeeze %dma_wait3A_233 : memref<1x128x128xf32, #tpu.memory_space<vmem>> -> memref<128x128xf32, #tpu.memory_space<vmem>>
      %dma_wait3A_235 = arith.constant 0 : i32
      %dma_wait3A_236 = tpu.memref_slice %arg10[%add3A_129, %dma_wait3A_235] : memref<10240x128xf32, #tpu.memory_space<vmem_shared>> -> memref<128x128xf32, #tpu.memory_space<vmem_shared>>
      %dma_wait3A_237 = arith.constant 0 : i32
      %dma_wait3A_238 = tpu.memref_slice %arg10[%add3A_129, %dma_wait3A_237] : memref<10240x128xf32, #tpu.memory_space<vmem_shared>> -> memref<128x128xf32, #tpu.memory_space<vmem_shared>>
      %dma_wait3A_239 = arith.constant 0 : i32
      %dma_wait3A_240 = arith.constant 0 : i32
      %dma_wait3A_241 = tpu.memref_slice %arg9[%run_scoped3A_130, %dma_wait3A_239, %dma_wait3A_240] : memref<2x128x128xf32, #tpu.memory_space<vmem>> -> memref<1x128x128xf32, #tpu.memory_space<vmem>>
      %dma_wait3A_242 = tpu.memref_squeeze %dma_wait3A_241 : memref<1x128x128xf32, #tpu.memory_space<vmem>> -> memref<128x128xf32, #tpu.memory_space<vmem>>
      tpu.wait_dma2 semaphore(%run_scoped3A_218 : memref<!tpu.dma_semaphore, #tpu.memory_space<semaphore_mem>>) src(%dma_wait3A_242 : memref<128x128xf32, #tpu.memory_space<vmem>>) dst(%dma_wait3A_238 : memref<128x128xf32, #tpu.memory_space<vmem_shared>>)
      tpu.yield
    }) : () -> ()
    %mul3A_131 = arith.constant 640 : i32
    %mul3A_132 = arith.muli %arg1, %mul3A_131 : i32
    %add3A_133 = arith.constant 384 : i32
    %add3A_134 = arith.addi %mul3A_132, %add3A_133 : i32
    %run_scoped3A_135 = arith.constant 0 : i32
    "tpu.region"() ({
      %run_scoped3A_218 = tpu.sem_alloc : memref<!tpu.dma_semaphore, #tpu.memory_space<semaphore_mem>>
      %dma_start3A_219 = arith.constant 0 : i32
      %dma_start3A_220 = arith.constant 0 : i32
      %dma_start3A_221 = tpu.memref_slice %arg9[%run_scoped3A_135, %dma_start3A_219, %dma_start3A_220] : memref<2x128x128xf32, #tpu.memory_space<vmem>> -> memref<1x128x128xf32, #tpu.memory_space<vmem>>
      %dma_start3A_222 = tpu.memref_squeeze %dma_start3A_221 : memref<1x128x128xf32, #tpu.memory_space<vmem>> -> memref<128x128xf32, #tpu.memory_space<vmem>>
      %dma_start3A_223 = arith.constant 0 : i32
      %dma_start3A_224 = tpu.memref_slice %arg10[%add3A_134, %dma_start3A_223] : memref<10240x128xf32, #tpu.memory_space<vmem_shared>> -> memref<128x128xf32, #tpu.memory_space<vmem_shared>>
      %dma_start3A_225 = arith.constant 0 : i32
      %dma_start3A_226 = tpu.memref_slice %arg10[%add3A_134, %dma_start3A_225] : memref<10240x128xf32, #tpu.memory_space<vmem_shared>> -> memref<128x128xf32, #tpu.memory_space<vmem_shared>>
      %dma_start3A_227 = arith.constant 0 : i32
      %dma_start3A_228 = arith.constant 0 : i32
      %dma_start3A_229 = tpu.memref_slice %arg9[%run_scoped3A_135, %dma_start3A_227, %dma_start3A_228] : memref<2x128x128xf32, #tpu.memory_space<vmem>> -> memref<1x128x128xf32, #tpu.memory_space<vmem>>
      %dma_start3A_230 = tpu.memref_squeeze %dma_start3A_229 : memref<1x128x128xf32, #tpu.memory_space<vmem>> -> memref<128x128xf32, #tpu.memory_space<vmem>>
      tpu.enqueue_dma source(%dma_start3A_230 : memref<128x128xf32, #tpu.memory_space<vmem>>) target(%dma_start3A_226 : memref<128x128xf32, #tpu.memory_space<vmem_shared>>) target_semaphore(%run_scoped3A_218 : memref<!tpu.dma_semaphore, #tpu.memory_space<semaphore_mem>>)
      %dma_wait3A_231 = arith.constant 0 : i32
      %dma_wait3A_232 = arith.constant 0 : i32
      %dma_wait3A_233 = tpu.memref_slice %arg9[%run_scoped3A_135, %dma_wait3A_231, %dma_wait3A_232] : memref<2x128x128xf32, #tpu.memory_space<vmem>> -> memref<1x128x128xf32, #tpu.memory_space<vmem>>
      %dma_wait3A_234 = tpu.memref_squeeze %dma_wait3A_233 : memref<1x128x128xf32, #tpu.memory_space<vmem>> -> memref<128x128xf32, #tpu.memory_space<vmem>>
      %dma_wait3A_235 = arith.constant 0 : i32
      %dma_wait3A_236 = tpu.memref_slice %arg10[%add3A_134, %dma_wait3A_235] : memref<10240x128xf32, #tpu.memory_space<vmem_shared>> -> memref<128x128xf32, #tpu.memory_space<vmem_shared>>
      %dma_wait3A_237 = arith.constant 0 : i32
      %dma_wait3A_238 = tpu.memref_slice %arg10[%add3A_134, %dma_wait3A_237] : memref<10240x128xf32, #tpu.memory_space<vmem_shared>> -> memref<128x128xf32, #tpu.memory_space<vmem_shared>>
      %dma_wait3A_239 = arith.constant 0 : i32
      %dma_wait3A_240 = arith.constant 0 : i32
      %dma_wait3A_241 = tpu.memref_slice %arg9[%run_scoped3A_135, %dma_wait3A_239, %dma_wait3A_240] : memref<2x128x128xf32, #tpu.memory_space<vmem>> -> memref<1x128x128xf32, #tpu.memory_space<vmem>>
      %dma_wait3A_242 = tpu.memref_squeeze %dma_wait3A_241 : memref<1x128x128xf32, #tpu.memory_space<vmem>> -> memref<128x128xf32, #tpu.memory_space<vmem>>
      tpu.wait_dma2 semaphore(%run_scoped3A_218 : memref<!tpu.dma_semaphore, #tpu.memory_space<semaphore_mem>>) src(%dma_wait3A_242 : memref<128x128xf32, #tpu.memory_space<vmem>>) dst(%dma_wait3A_238 : memref<128x128xf32, #tpu.memory_space<vmem_shared>>)
      tpu.yield
    }) : () -> ()
    %mul3A_136 = arith.constant 640 : i32
    %mul3A_137 = arith.muli %arg1, %mul3A_136 : i32
    %add3A_138 = arith.constant 512 : i32
    %add3A_139 = arith.addi %mul3A_137, %add3A_138 : i32
    %run_scoped3A_140 = arith.constant 0 : i32
    "tpu.region"() ({
      %run_scoped3A_218 = tpu.sem_alloc : memref<!tpu.dma_semaphore, #tpu.memory_space<semaphore_mem>>
      %dma_start3A_219 = arith.constant 0 : i32
      %dma_start3A_220 = arith.constant 0 : i32
      %dma_start3A_221 = tpu.memref_slice %arg9[%run_scoped3A_140, %dma_start3A_219, %dma_start3A_220] : memref<2x128x128xf32, #tpu.memory_space<vmem>> -> memref<1x128x128xf32, #tpu.memory_space<vmem>>
      %dma_start3A_222 = tpu.memref_squeeze %dma_start3A_221 : memref<1x128x128xf32, #tpu.memory_space<vmem>> -> memref<128x128xf32, #tpu.memory_space<vmem>>
      %dma_start3A_223 = arith.constant 0 : i32
      %dma_start3A_224 = tpu.memref_slice %arg10[%add3A_139, %dma_start3A_223] : memref<10240x128xf32, #tpu.memory_space<vmem_shared>> -> memref<128x128xf32, #tpu.memory_space<vmem_shared>>
      %dma_start3A_225 = arith.constant 0 : i32
      %dma_start3A_226 = tpu.memref_slice %arg10[%add3A_139, %dma_start3A_225] : memref<10240x128xf32, #tpu.memory_space<vmem_shared>> -> memref<128x128xf32, #tpu.memory_space<vmem_shared>>
      %dma_start3A_227 = arith.constant 0 : i32
      %dma_start3A_228 = arith.constant 0 : i32
      %dma_start3A_229 = tpu.memref_slice %arg9[%run_scoped3A_140, %dma_start3A_227, %dma_start3A_228] : memref<2x128x128xf32, #tpu.memory_space<vmem>> -> memref<1x128x128xf32, #tpu.memory_space<vmem>>
      %dma_start3A_230 = tpu.memref_squeeze %dma_start3A_229 : memref<1x128x128xf32, #tpu.memory_space<vmem>> -> memref<128x128xf32, #tpu.memory_space<vmem>>
      tpu.enqueue_dma source(%dma_start3A_230 : memref<128x128xf32, #tpu.memory_space<vmem>>) target(%dma_start3A_226 : memref<128x128xf32, #tpu.memory_space<vmem_shared>>) target_semaphore(%run_scoped3A_218 : memref<!tpu.dma_semaphore, #tpu.memory_space<semaphore_mem>>)
      %dma_wait3A_231 = arith.constant 0 : i32
      %dma_wait3A_232 = arith.constant 0 : i32
      %dma_wait3A_233 = tpu.memref_slice %arg9[%run_scoped3A_140, %dma_wait3A_231, %dma_wait3A_232] : memref<2x128x128xf32, #tpu.memory_space<vmem>> -> memref<1x128x128xf32, #tpu.memory_space<vmem>>
      %dma_wait3A_234 = tpu.memref_squeeze %dma_wait3A_233 : memref<1x128x128xf32, #tpu.memory_space<vmem>> -> memref<128x128xf32, #tpu.memory_space<vmem>>
      %dma_wait3A_235 = arith.constant 0 : i32
      %dma_wait3A_236 = tpu.memref_slice %arg10[%add3A_139, %dma_wait3A_235] : memref<10240x128xf32, #tpu.memory_space<vmem_shared>> -> memref<128x128xf32, #tpu.memory_space<vmem_shared>>
      %dma_wait3A_237 = arith.constant 0 : i32
      %dma_wait3A_238 = tpu.memref_slice %arg10[%add3A_139, %dma_wait3A_237] : memref<10240x128xf32, #tpu.memory_space<vmem_shared>> -> memref<128x128xf32, #tpu.memory_space<vmem_shared>>
      %dma_wait3A_239 = arith.constant 0 : i32
      %dma_wait3A_240 = arith.constant 0 : i32
      %dma_wait3A_241 = tpu.memref_slice %arg9[%run_scoped3A_140, %dma_wait3A_239, %dma_wait3A_240] : memref<2x128x128xf32, #tpu.memory_space<vmem>> -> memref<1x128x128xf32, #tpu.memory_space<vmem>>
      %dma_wait3A_242 = tpu.memref_squeeze %dma_wait3A_241 : memref<1x128x128xf32, #tpu.memory_space<vmem>> -> memref<128x128xf32, #tpu.memory_space<vmem>>
      tpu.wait_dma2 semaphore(%run_scoped3A_218 : memref<!tpu.dma_semaphore, #tpu.memory_space<semaphore_mem>>) src(%dma_wait3A_242 : memref<128x128xf32, #tpu.memory_space<vmem>>) dst(%dma_wait3A_238 : memref<128x128xf32, #tpu.memory_space<vmem_shared>>)
      tpu.yield
    }) : () -> ()
    %barrier3A = arith.constant 0 : index
    tpu.barrier barrier_id(%barrier3A)
    %scan3A_141 = arith.constant 0 : i32
    %scan3A_142 = arith.constant 0 : i32
    %scan3A_143 = arith.constant 20 : i32
    %scan3A_144 = arith.addi %scan3A_142, %scan3A_143 : i32
    %scan3A_145 = arith.constant 1 : i32
    scf.for %scan3A_218 = %scan3A_142 to %scan3A_144 step %scan3A_145  : i32 {
      %mul3A_219 = arith.constant 4 : i32
      %mul3A_220 = arith.muli %scan3A_218, %mul3A_219 : i32
      %add3A_221 = arith.constant 0 : i32
      %add3A_222 = arith.addi %mul3A_220, %add3A_221 : i32
      %gt3A = arith.constant 0 : i32
      %gt3A_223 = arith.cmpi sgt, %scan3A_218, %gt3A : i32
      %convert_element_type3A_224 = arith.extui %gt3A_223 : i1 to i32
      %cond3A_225 = arith.constant 0 : i32
      %cond3A_226 = arith.cmpi ne, %convert_element_type3A_224, %cond3A_225 : i32
      scf.if %cond3A_226 {
        %dma_wait3A_513 = arith.constant 0 : i32
        %dma_wait3A_514 = arith.constant 2 : i32
        %dma_wait3A_515 = arith.constant 0 : i32
        %dma_wait3A_516 = arith.constant 0 : i32
        %dma_wait3A_517 = tpu.memref_slice %arg9[%dma_wait3A_513, %dma_wait3A_515, %dma_wait3A_516] : memref<2x128x128xf32, #tpu.memory_space<vmem>> -> memref<1x128x128xf32, #tpu.memory_space<vmem>>
        %dma_wait3A_518 = tpu.memref_squeeze %dma_wait3A_517 : memref<1x128x128xf32, #tpu.memory_space<vmem>> -> memref<128x128xf32, #tpu.memory_space<vmem>>
        %dma_wait3A_519 = arith.constant 0 : i32
        %dma_wait3A_520 = tpu.memref_slice %arg8[%dma_wait3A_514, %dma_wait3A_519] : memref<4x128xi32, #tpu.memory_space<vmem>> -> memref<1x128xi32, #tpu.memory_space<vmem>>
        %dma_wait3A_521 = tpu.memref_squeeze %dma_wait3A_520 : memref<1x128xi32, #tpu.memory_space<vmem>> -> memref<128xi32, #tpu.memory_space<vmem>>
        %dma_wait3A_522 = arith.constant 0 : i32
        %dma_wait3A_523 = arith.constant 0 : i32
        %dma_wait3A_524 = tpu.memref_slice %arg10[%dma_wait3A_522, %dma_wait3A_523] : memref<10240x128xf32, #tpu.memory_space<vmem_shared>> -> memref<10240x128xf32, #tpu.memory_space<vmem_shared>>
        tpu.wait_indirect_dma semaphore(%arg21 : memref<!tpu.dma_semaphore, #tpu.memory_space<semaphore_mem>>) src(%dma_wait3A_518 : memref<128x128xf32, #tpu.memory_space<vmem>>) dst(%dma_wait3A_524 : memref<10240x128xf32, #tpu.memory_space<vmem_shared>>)
        %add3A_525 = arith.constant 2 : i32
        %add3A_526 = arith.addi %add3A_222, %add3A_525 : i32
        %dma_start3A_527 = arith.constant 2 : i32
        %dma_start3A_528 = arith.constant 0 : i32
        %dma_start3A_529 = tpu.memref_slice %arg8[%dma_start3A_527, %dma_start3A_528] : memref<4x128xi32, #tpu.memory_space<vmem>> -> memref<1x128xi32, #tpu.memory_space<vmem>>
        %dma_start3A_530 = tpu.memref_squeeze %dma_start3A_529 : memref<1x128xi32, #tpu.memory_space<vmem>> -> memref<128xi32, #tpu.memory_space<vmem>>
        %dma_start3A_531 = arith.constant 0 : i32
        %dma_start3A_532 = tpu.memref_slice %arg4[%add3A, %add3A_526, %dma_start3A_531] : memref<32x80x128xi32, #tpu.memory_space<hbm>> -> memref<1x1x128xi32, #tpu.memory_space<hbm>>
        %dma_start3A_533 = tpu.memref_squeeze %dma_start3A_532 : memref<1x1x128xi32, #tpu.memory_space<hbm>> -> memref<128xi32, #tpu.memory_space<hbm>>
        %dma_start3A_534 = arith.constant 0 : i32
        %dma_start3A_535 = tpu.memref_slice %arg8[%dma_start3A_527, %dma_start3A_534] : memref<4x128xi32, #tpu.memory_space<vmem>> -> memref<1x128xi32, #tpu.memory_space<vmem>>
        %dma_start3A_536 = tpu.memref_squeeze %dma_start3A_535 : memref<1x128xi32, #tpu.memory_space<vmem>> -> memref<128xi32, #tpu.memory_space<vmem>>
        %dma_start3A_537 = arith.constant 0 : i32
        %dma_start3A_538 = tpu.memref_slice %arg4[%add3A, %add3A_526, %dma_start3A_537] : memref<32x80x128xi32, #tpu.memory_space<hbm>> -> memref<1x1x128xi32, #tpu.memory_space<hbm>>
        %dma_start3A_539 = tpu.memref_squeeze %dma_start3A_538 : memref<1x1x128xi32, #tpu.memory_space<hbm>> -> memref<128xi32, #tpu.memory_space<hbm>>
        tpu.enqueue_dma source(%dma_start3A_539 : memref<128xi32, #tpu.memory_space<hbm>>) target(%dma_start3A_536 : memref<128xi32, #tpu.memory_space<vmem>>) target_semaphore(%arg17 : memref<!tpu.dma_semaphore, #tpu.memory_space<semaphore_mem>>)
      } else {
      }
      %dma_wait3A_227 = arith.constant 0 : i32
      %dma_wait3A_228 = arith.constant 0 : i32
      %dma_wait3A_229 = tpu.memref_slice %arg7[%dma_wait3A_227, %dma_wait3A_228] : memref<4x128xi32, #tpu.memory_space<vmem>> -> memref<1x128xi32, #tpu.memory_space<vmem>>
      %dma_wait3A_230 = tpu.memref_squeeze %dma_wait3A_229 : memref<1x128xi32, #tpu.memory_space<vmem>> -> memref<128xi32, #tpu.memory_space<vmem>>
      %dma_wait3A_231 = arith.constant 0 : i32
      %dma_wait3A_232 = tpu.memref_slice %arg3[%add3A, %add3A_222, %dma_wait3A_231] : memref<32x80x128xi32, #tpu.memory_space<hbm>> -> memref<1x1x128xi32, #tpu.memory_space<hbm>>
      %dma_wait3A_233 = tpu.memref_squeeze %dma_wait3A_232 : memref<1x1x128xi32, #tpu.memory_space<hbm>> -> memref<128xi32, #tpu.memory_space<hbm>>
      %dma_wait3A_234 = arith.constant 0 : i32
      %dma_wait3A_235 = tpu.memref_slice %arg7[%dma_wait3A_227, %dma_wait3A_234] : memref<4x128xi32, #tpu.memory_space<vmem>> -> memref<1x128xi32, #tpu.memory_space<vmem>>
      %dma_wait3A_236 = tpu.memref_squeeze %dma_wait3A_235 : memref<1x128xi32, #tpu.memory_space<vmem>> -> memref<128xi32, #tpu.memory_space<vmem>>
      %dma_wait3A_237 = arith.constant 0 : i32
      %dma_wait3A_238 = tpu.memref_slice %arg3[%add3A, %add3A_222, %dma_wait3A_237] : memref<32x80x128xi32, #tpu.memory_space<hbm>> -> memref<1x1x128xi32, #tpu.memory_space<hbm>>
      %dma_wait3A_239 = tpu.memref_squeeze %dma_wait3A_238 : memref<1x1x128xi32, #tpu.memory_space<hbm>> -> memref<128xi32, #tpu.memory_space<hbm>>
      tpu.wait_dma2 semaphore(%arg11 : memref<!tpu.dma_semaphore, #tpu.memory_space<semaphore_mem>>) src(%dma_wait3A_239 : memref<128xi32, #tpu.memory_space<hbm>>) dst(%dma_wait3A_236 : memref<128xi32, #tpu.memory_space<vmem>>)
      %dma_start3A_240 = arith.constant 0 : i32
      %dma_start3A_241 = arith.constant 0 : i32
      %dma_start3A_242 = arith.constant 0 : i32
      %dma_start3A_243 = arith.constant 0 : i32
      %dma_start3A_244 = tpu.memref_slice %arg9[%dma_start3A_241, %dma_start3A_242, %dma_start3A_243] : memref<2x128x128xf32, #tpu.memory_space<vmem>> -> memref<1x128x128xf32, #tpu.memory_space<vmem>>
      %dma_start3A_245 = tpu.memref_squeeze %dma_start3A_244 : memref<1x128x128xf32, #tpu.memory_space<vmem>> -> memref<128x128xf32, #tpu.memory_space<vmem>>
      %dma_start3A_246 = arith.constant 0 : i32
      %dma_start3A_247 = tpu.memref_slice %arg7[%dma_start3A_240, %dma_start3A_246] : memref<4x128xi32, #tpu.memory_space<vmem>> -> memref<1x128xi32, #tpu.memory_space<vmem>>
      %dma_start3A_248 = tpu.memref_squeeze %dma_start3A_247 : memref<1x128xi32, #tpu.memory_space<vmem>> -> memref<128xi32, #tpu.memory_space<vmem>>
      %dma_start3A_249 = arith.constant 0 : i32
      %dma_start3A_250 = arith.constant 0 : i32
      %dma_start3A_251 = tpu.memref_slice %arg2[%dma_start3A_249, %dma_start3A_250] : memref<10000x128xf32, #tpu.memory_space<hbm>> -> memref<10000x128xf32, #tpu.memory_space<hbm>>
      tpu.enqueue_indirect_dma source(%dma_start3A_251 : memref<10000x128xf32, #tpu.memory_space<hbm>>) target(%dma_start3A_245 : memref<128x128xf32, #tpu.memory_space<vmem>>) offsets(%dma_start3A_248 : memref<128xi32, #tpu.memory_space<vmem>>) semaphore(%arg19 : memref<!tpu.dma_semaphore, #tpu.memory_space<semaphore_mem>>)
      %gt3A_252 = arith.constant 0 : i32
      %gt3A_253 = arith.cmpi sgt, %scan3A_218, %gt3A_252 : i32
      %convert_element_type3A_254 = arith.extui %gt3A_253 : i1 to i32
      %cond3A_255 = arith.constant 0 : i32
      %cond3A_256 = arith.cmpi ne, %convert_element_type3A_254, %cond3A_255 : i32
      scf.if %cond3A_256 {
        %sub3A_513 = arith.constant 1 : i32
        %sub3A_514 = arith.subi %add3A_222, %sub3A_513 : i32
        %dma_wait3A_515 = arith.constant 3 : i32
        %dma_wait3A_516 = arith.constant 0 : i32
        %dma_wait3A_517 = tpu.memref_slice %arg8[%dma_wait3A_515, %dma_wait3A_516] : memref<4x128xi32, #tpu.memory_space<vmem>> -> memref<1x128xi32, #tpu.memory_space<vmem>>
        %dma_wait3A_518 = tpu.memref_squeeze %dma_wait3A_517 : memref<1x128xi32, #tpu.memory_space<vmem>> -> memref<128xi32, #tpu.memory_space<vmem>>
        %dma_wait3A_519 = arith.constant 0 : i32
        %dma_wait3A_520 = tpu.memref_slice %arg4[%add3A, %sub3A_514, %dma_wait3A_519] : memref<32x80x128xi32, #tpu.memory_space<hbm>> -> memref<1x1x128xi32, #tpu.memory_space<hbm>>
        %dma_wait3A_521 = tpu.memref_squeeze %dma_wait3A_520 : memref<1x1x128xi32, #tpu.memory_space<hbm>> -> memref<128xi32, #tpu.memory_space<hbm>>
        %dma_wait3A_522 = arith.constant 0 : i32
        %dma_wait3A_523 = tpu.memref_slice %arg8[%dma_wait3A_515, %dma_wait3A_522] : memref<4x128xi32, #tpu.memory_space<vmem>> -> memref<1x128xi32, #tpu.memory_space<vmem>>
        %dma_wait3A_524 = tpu.memref_squeeze %dma_wait3A_523 : memref<1x128xi32, #tpu.memory_space<vmem>> -> memref<128xi32, #tpu.memory_space<vmem>>
        %dma_wait3A_525 = arith.constant 0 : i32
        %dma_wait3A_526 = tpu.memref_slice %arg4[%add3A, %sub3A_514, %dma_wait3A_525] : memref<32x80x128xi32, #tpu.memory_space<hbm>> -> memref<1x1x128xi32, #tpu.memory_space<hbm>>
        %dma_wait3A_527 = tpu.memref_squeeze %dma_wait3A_526 : memref<1x1x128xi32, #tpu.memory_space<hbm>> -> memref<128xi32, #tpu.memory_space<hbm>>
        tpu.wait_dma2 semaphore(%arg18 : memref<!tpu.dma_semaphore, #tpu.memory_space<semaphore_mem>>) src(%dma_wait3A_527 : memref<128xi32, #tpu.memory_space<hbm>>) dst(%dma_wait3A_524 : memref<128xi32, #tpu.memory_space<vmem>>)
        %dma_wait3A_528 = arith.constant 3 : i32
        %dma_wait3A_529 = arith.constant 1 : i32
        %dma_wait3A_530 = arith.constant 0 : i32
        %dma_wait3A_531 = arith.constant 0 : i32
        %dma_wait3A_532 = tpu.memref_slice %arg9[%dma_wait3A_529, %dma_wait3A_530, %dma_wait3A_531] : memref<2x128x128xf32, #tpu.memory_space<vmem>> -> memref<1x128x128xf32, #tpu.memory_space<vmem>>
        %dma_wait3A_533 = tpu.memref_squeeze %dma_wait3A_532 : memref<1x128x128xf32, #tpu.memory_space<vmem>> -> memref<128x128xf32, #tpu.memory_space<vmem>>
        %dma_wait3A_534 = arith.constant 0 : i32
        %dma_wait3A_535 = tpu.memref_slice %arg7[%dma_wait3A_528, %dma_wait3A_534] : memref<4x128xi32, #tpu.memory_space<vmem>> -> memref<1x128xi32, #tpu.memory_space<vmem>>
        %dma_wait3A_536 = tpu.memref_squeeze %dma_wait3A_535 : memref<1x128xi32, #tpu.memory_space<vmem>> -> memref<128xi32, #tpu.memory_space<vmem>>
        %dma_wait3A_537 = arith.constant 0 : i32
        %dma_wait3A_538 = arith.constant 0 : i32
        %dma_wait3A_539 = tpu.memref_slice %arg2[%dma_wait3A_537, %dma_wait3A_538] : memref<10000x128xf32, #tpu.memory_space<hbm>> -> memref<10000x128xf32, #tpu.memory_space<hbm>>
        tpu.wait_indirect_dma semaphore(%arg20 : memref<!tpu.dma_semaphore, #tpu.memory_space<semaphore_mem>>) src(%dma_wait3A_539 : memref<10000x128xf32, #tpu.memory_space<hbm>>) dst(%dma_wait3A_533 : memref<128x128xf32, #tpu.memory_space<vmem>>)
        %dma_start3A_540 = arith.constant 1 : i32
        %dma_start3A_541 = arith.constant 3 : i32
        %dma_start3A_542 = arith.constant 0 : i32
        %dma_start3A_543 = arith.constant 0 : i32
        %dma_start3A_544 = tpu.memref_slice %arg9[%dma_start3A_540, %dma_start3A_542, %dma_start3A_543] : memref<2x128x128xf32, #tpu.memory_space<vmem>> -> memref<1x128x128xf32, #tpu.memory_space<vmem>>
        %dma_start3A_545 = tpu.memref_squeeze %dma_start3A_544 : memref<1x128x128xf32, #tpu.memory_space<vmem>> -> memref<128x128xf32, #tpu.memory_space<vmem>>
        %dma_start3A_546 = arith.constant 0 : i32
        %dma_start3A_547 = tpu.memref_slice %arg8[%dma_start3A_541, %dma_start3A_546] : memref<4x128xi32, #tpu.memory_space<vmem>> -> memref<1x128xi32, #tpu.memory_space<vmem>>
        %dma_start3A_548 = tpu.memref_squeeze %dma_start3A_547 : memref<1x128xi32, #tpu.memory_space<vmem>> -> memref<128xi32, #tpu.memory_space<vmem>>
        %dma_start3A_549 = arith.constant 0 : i32
        %dma_start3A_550 = arith.constant 0 : i32
        %dma_start3A_551 = tpu.memref_slice %arg10[%dma_start3A_549, %dma_start3A_550] : memref<10240x128xf32, #tpu.memory_space<vmem_shared>> -> memref<10240x128xf32, #tpu.memory_space<vmem_shared>>
        tpu.enqueue_indirect_dma source(%dma_start3A_545 : memref<128x128xf32, #tpu.memory_space<vmem>>) target(%dma_start3A_551 : memref<10240x128xf32, #tpu.memory_space<vmem_shared>>) offsets(%dma_start3A_548 : memref<128xi32, #tpu.memory_space<vmem>>) semaphore(%arg22 : memref<!tpu.dma_semaphore, #tpu.memory_space<semaphore_mem>>) {add = true}
        %add3A_552 = arith.constant 3 : i32
        %add3A_553 = arith.addi %add3A_222, %add3A_552 : i32
        %dma_start3A_554 = arith.constant 3 : i32
        %dma_start3A_555 = arith.constant 0 : i32
        %dma_start3A_556 = tpu.memref_slice %arg7[%dma_start3A_554, %dma_start3A_555] : memref<4x128xi32, #tpu.memory_space<vmem>> -> memref<1x128xi32, #tpu.memory_space<vmem>>
        %dma_start3A_557 = tpu.memref_squeeze %dma_start3A_556 : memref<1x128xi32, #tpu.memory_space<vmem>> -> memref<128xi32, #tpu.memory_space<vmem>>
        %dma_start3A_558 = arith.constant 0 : i32
        %dma_start3A_559 = tpu.memref_slice %arg3[%add3A, %add3A_553, %dma_start3A_558] : memref<32x80x128xi32, #tpu.memory_space<hbm>> -> memref<1x1x128xi32, #tpu.memory_space<hbm>>
        %dma_start3A_560 = tpu.memref_squeeze %dma_start3A_559 : memref<1x1x128xi32, #tpu.memory_space<hbm>> -> memref<128xi32, #tpu.memory_space<hbm>>
        %dma_start3A_561 = arith.constant 0 : i32
        %dma_start3A_562 = tpu.memref_slice %arg7[%dma_start3A_554, %dma_start3A_561] : memref<4x128xi32, #tpu.memory_space<vmem>> -> memref<1x128xi32, #tpu.memory_space<vmem>>
        %dma_start3A_563 = tpu.memref_squeeze %dma_start3A_562 : memref<1x128xi32, #tpu.memory_space<vmem>> -> memref<128xi32, #tpu.memory_space<vmem>>
        %dma_start3A_564 = arith.constant 0 : i32
        %dma_start3A_565 = tpu.memref_slice %arg3[%add3A, %add3A_553, %dma_start3A_564] : memref<32x80x128xi32, #tpu.memory_space<hbm>> -> memref<1x1x128xi32, #tpu.memory_space<hbm>>
        %dma_start3A_566 = tpu.memref_squeeze %dma_start3A_565 : memref<1x1x128xi32, #tpu.memory_space<hbm>> -> memref<128xi32, #tpu.memory_space<hbm>>
        tpu.enqueue_dma source(%dma_start3A_566 : memref<128xi32, #tpu.memory_space<hbm>>) target(%dma_start3A_563 : memref<128xi32, #tpu.memory_space<vmem>>) target_semaphore(%arg14 : memref<!tpu.dma_semaphore, #tpu.memory_space<semaphore_mem>>)
      } else {
      }
      %mul3A_257 = arith.constant 4 : i32
      %mul3A_258 = arith.muli %scan3A_218, %mul3A_257 : i32
      %add3A_259 = arith.constant 1 : i32
      %add3A_260 = arith.addi %mul3A_258, %add3A_259 : i32
      %gt3A_261 = arith.constant 0 : i32
      %gt3A_262 = arith.cmpi sgt, %scan3A_218, %gt3A_261 : i32
      %convert_element_type3A_263 = arith.extui %gt3A_262 : i1 to i32
      %cond3A_264 = arith.constant 0 : i32
      %cond3A_265 = arith.cmpi ne, %convert_element_type3A_263, %cond3A_264 : i32
      scf.if %cond3A_265 {
        %dma_wait3A_513 = arith.constant 1 : i32
        %dma_wait3A_514 = arith.constant 3 : i32
        %dma_wait3A_515 = arith.constant 0 : i32
        %dma_wait3A_516 = arith.constant 0 : i32
        %dma_wait3A_517 = tpu.memref_slice %arg9[%dma_wait3A_513, %dma_wait3A_515, %dma_wait3A_516] : memref<2x128x128xf32, #tpu.memory_space<vmem>> -> memref<1x128x128xf32, #tpu.memory_space<vmem>>
        %dma_wait3A_518 = tpu.memref_squeeze %dma_wait3A_517 : memref<1x128x128xf32, #tpu.memory_space<vmem>> -> memref<128x128xf32, #tpu.memory_space<vmem>>
        %dma_wait3A_519 = arith.constant 0 : i32
        %dma_wait3A_520 = tpu.memref_slice %arg8[%dma_wait3A_514, %dma_wait3A_519] : memref<4x128xi32, #tpu.memory_space<vmem>> -> memref<1x128xi32, #tpu.memory_space<vmem>>
        %dma_wait3A_521 = tpu.memref_squeeze %dma_wait3A_520 : memref<1x128xi32, #tpu.memory_space<vmem>> -> memref<128xi32, #tpu.memory_space<vmem>>
        %dma_wait3A_522 = arith.constant 0 : i32
        %dma_wait3A_523 = arith.constant 0 : i32
        %dma_wait3A_524 = tpu.memref_slice %arg10[%dma_wait3A_522, %dma_wait3A_523] : memref<10240x128xf32, #tpu.memory_space<vmem_shared>> -> memref<10240x128xf32, #tpu.memory_space<vmem_shared>>
        tpu.wait_indirect_dma semaphore(%arg22 : memref<!tpu.dma_semaphore, #tpu.memory_space<semaphore_mem>>) src(%dma_wait3A_518 : memref<128x128xf32, #tpu.memory_space<vmem>>) dst(%dma_wait3A_524 : memref<10240x128xf32, #tpu.memory_space<vmem_shared>>)
        %add3A_525 = arith.constant 2 : i32
        %add3A_526 = arith.addi %add3A_260, %add3A_525 : i32
        %dma_start3A_527 = arith.constant 3 : i32
        %dma_start3A_528 = arith.constant 0 : i32
        %dma_start3A_529 = tpu.memref_slice %arg8[%dma_start3A_527, %dma_start3A_528] : memref<4x128xi32, #tpu.memory_space<vmem>> -> memref<1x128xi32, #tpu.memory_space<vmem>>
        %dma_start3A_530 = tpu.memref_squeeze %dma_start3A_529 : memref<1x128xi32, #tpu.memory_space<vmem>> -> memref<128xi32, #tpu.memory_space<vmem>>
        %dma_start3A_531 = arith.constant 0 : i32
        %dma_start3A_532 = tpu.memref_slice %arg4[%add3A, %add3A_526, %dma_start3A_531] : memref<32x80x128xi32, #tpu.memory_space<hbm>> -> memref<1x1x128xi32, #tpu.memory_space<hbm>>
        %dma_start3A_533 = tpu.memref_squeeze %dma_start3A_532 : memref<1x1x128xi32, #tpu.memory_space<hbm>> -> memref<128xi32, #tpu.memory_space<hbm>>
        %dma_start3A_534 = arith.constant 0 : i32
        %dma_start3A_535 = tpu.memref_slice %arg8[%dma_start3A_527, %dma_start3A_534] : memref<4x128xi32, #tpu.memory_space<vmem>> -> memref<1x128xi32, #tpu.memory_space<vmem>>
        %dma_start3A_536 = tpu.memref_squeeze %dma_start3A_535 : memref<1x128xi32, #tpu.memory_space<vmem>> -> memref<128xi32, #tpu.memory_space<vmem>>
        %dma_start3A_537 = arith.constant 0 : i32
        %dma_start3A_538 = tpu.memref_slice %arg4[%add3A, %add3A_526, %dma_start3A_537] : memref<32x80x128xi32, #tpu.memory_space<hbm>> -> memref<1x1x128xi32, #tpu.memory_space<hbm>>
        %dma_start3A_539 = tpu.memref_squeeze %dma_start3A_538 : memref<1x1x128xi32, #tpu.memory_space<hbm>> -> memref<128xi32, #tpu.memory_space<hbm>>
        tpu.enqueue_dma source(%dma_start3A_539 : memref<128xi32, #tpu.memory_space<hbm>>) target(%dma_start3A_536 : memref<128xi32, #tpu.memory_space<vmem>>) target_semaphore(%arg18 : memref<!tpu.dma_semaphore, #tpu.memory_space<semaphore_mem>>)
      } else {
      }
      %dma_wait3A_266 = arith.constant 1 : i32
      %dma_wait3A_267 = arith.constant 0 : i32
      %dma_wait3A_268 = tpu.memref_slice %arg7[%dma_wait3A_266, %dma_wait3A_267] : memref<4x128xi32, #tpu.memory_space<vmem>> -> memref<1x128xi32, #tpu.memory_space<vmem>>
      %dma_wait3A_269 = tpu.memref_squeeze %dma_wait3A_268 : memref<1x128xi32, #tpu.memory_space<vmem>> -> memref<128xi32, #tpu.memory_space<vmem>>
      %dma_wait3A_270 = arith.constant 0 : i32
      %dma_wait3A_271 = tpu.memref_slice %arg3[%add3A, %add3A_260, %dma_wait3A_270] : memref<32x80x128xi32, #tpu.memory_space<hbm>> -> memref<1x1x128xi32, #tpu.memory_space<hbm>>
      %dma_wait3A_272 = tpu.memref_squeeze %dma_wait3A_271 : memref<1x1x128xi32, #tpu.memory_space<hbm>> -> memref<128xi32, #tpu.memory_space<hbm>>
      %dma_wait3A_273 = arith.constant 0 : i32
      %dma_wait3A_274 = tpu.memref_slice %arg7[%dma_wait3A_266, %dma_wait3A_273] : memref<4x128xi32, #tpu.memory_space<vmem>> -> memref<1x128xi32, #tpu.memory_space<vmem>>
      %dma_wait3A_275 = tpu.memref_squeeze %dma_wait3A_274 : memref<1x128xi32, #tpu.memory_space<vmem>> -> memref<128xi32, #tpu.memory_space<vmem>>
      %dma_wait3A_276 = arith.constant 0 : i32
      %dma_wait3A_277 = tpu.memref_slice %arg3[%add3A, %add3A_260, %dma_wait3A_276] : memref<32x80x128xi32, #tpu.memory_space<hbm>> -> memref<1x1x128xi32, #tpu.memory_space<hbm>>
      %dma_wait3A_278 = tpu.memref_squeeze %dma_wait3A_277 : memref<1x1x128xi32, #tpu.memory_space<hbm>> -> memref<128xi32, #tpu.memory_space<hbm>>
      tpu.wait_dma2 semaphore(%arg12 : memref<!tpu.dma_semaphore, #tpu.memory_space<semaphore_mem>>) src(%dma_wait3A_278 : memref<128xi32, #tpu.memory_space<hbm>>) dst(%dma_wait3A_275 : memref<128xi32, #tpu.memory_space<vmem>>)
      %dma_start3A_279 = arith.constant 1 : i32
      %dma_start3A_280 = arith.constant 1 : i32
      %dma_start3A_281 = arith.constant 0 : i32
      %dma_start3A_282 = arith.constant 0 : i32
      %dma_start3A_283 = tpu.memref_slice %arg9[%dma_start3A_280, %dma_start3A_281, %dma_start3A_282] : memref<2x128x128xf32, #tpu.memory_space<vmem>> -> memref<1x128x128xf32, #tpu.memory_space<vmem>>
      %dma_start3A_284 = tpu.memref_squeeze %dma_start3A_283 : memref<1x128x128xf32, #tpu.memory_space<vmem>> -> memref<128x128xf32, #tpu.memory_space<vmem>>
      %dma_start3A_285 = arith.constant 0 : i32
      %dma_start3A_286 = tpu.memref_slice %arg7[%dma_start3A_279, %dma_start3A_285] : memref<4x128xi32, #tpu.memory_space<vmem>> -> memref<1x128xi32, #tpu.memory_space<vmem>>
      %dma_start3A_287 = tpu.memref_squeeze %dma_start3A_286 : memref<1x128xi32, #tpu.memory_space<vmem>> -> memref<128xi32, #tpu.memory_space<vmem>>
      %dma_start3A_288 = arith.constant 0 : i32
      %dma_start3A_289 = arith.constant 0 : i32
      %dma_start3A_290 = tpu.memref_slice %arg2[%dma_start3A_288, %dma_start3A_289] : memref<10000x128xf32, #tpu.memory_space<hbm>> -> memref<10000x128xf32, #tpu.memory_space<hbm>>
      tpu.enqueue_indirect_dma source(%dma_start3A_290 : memref<10000x128xf32, #tpu.memory_space<hbm>>) target(%dma_start3A_284 : memref<128x128xf32, #tpu.memory_space<vmem>>) offsets(%dma_start3A_287 : memref<128xi32, #tpu.memory_space<vmem>>) semaphore(%arg20 : memref<!tpu.dma_semaphore, #tpu.memory_space<semaphore_mem>>)
      %sub3A = arith.constant 1 : i32
      %sub3A_291 = arith.subi %add3A_260, %sub3A : i32
      %dma_wait3A_292 = arith.constant 0 : i32
      %dma_wait3A_293 = arith.constant 0 : i32
      %dma_wait3A_294 = tpu.memref_slice %arg8[%dma_wait3A_292, %dma_wait3A_293] : memref<4x128xi32, #tpu.memory_space<vmem>> -> memref<1x128xi32, #tpu.memory_space<vmem>>
      %dma_wait3A_295 = tpu.memref_squeeze %dma_wait3A_294 : memref<1x128xi32, #tpu.memory_space<vmem>> -> memref<128xi32, #tpu.memory_space<vmem>>
      %dma_wait3A_296 = arith.constant 0 : i32
      %dma_wait3A_297 = tpu.memref_slice %arg4[%add3A, %sub3A_291, %dma_wait3A_296] : memref<32x80x128xi32, #tpu.memory_space<hbm>> -> memref<1x1x128xi32, #tpu.memory_space<hbm>>
      %dma_wait3A_298 = tpu.memref_squeeze %dma_wait3A_297 : memref<1x1x128xi32, #tpu.memory_space<hbm>> -> memref<128xi32, #tpu.memory_space<hbm>>
      %dma_wait3A_299 = arith.constant 0 : i32
      %dma_wait3A_300 = tpu.memref_slice %arg8[%dma_wait3A_292, %dma_wait3A_299] : memref<4x128xi32, #tpu.memory_space<vmem>> -> memref<1x128xi32, #tpu.memory_space<vmem>>
      %dma_wait3A_301 = tpu.memref_squeeze %dma_wait3A_300 : memref<1x128xi32, #tpu.memory_space<vmem>> -> memref<128xi32, #tpu.memory_space<vmem>>
      %dma_wait3A_302 = arith.constant 0 : i32
      %dma_wait3A_303 = tpu.memref_slice %arg4[%add3A, %sub3A_291, %dma_wait3A_302] : memref<32x80x128xi32, #tpu.memory_space<hbm>> -> memref<1x1x128xi32, #tpu.memory_space<hbm>>
      %dma_wait3A_304 = tpu.memref_squeeze %dma_wait3A_303 : memref<1x1x128xi32, #tpu.memory_space<hbm>> -> memref<128xi32, #tpu.memory_space<hbm>>
      tpu.wait_dma2 semaphore(%arg15 : memref<!tpu.dma_semaphore, #tpu.memory_space<semaphore_mem>>) src(%dma_wait3A_304 : memref<128xi32, #tpu.memory_space<hbm>>) dst(%dma_wait3A_301 : memref<128xi32, #tpu.memory_space<vmem>>)
      %dma_wait3A_305 = arith.constant 0 : i32
      %dma_wait3A_306 = arith.constant 0 : i32
      %dma_wait3A_307 = arith.constant 0 : i32
      %dma_wait3A_308 = arith.constant 0 : i32
      %dma_wait3A_309 = tpu.memref_slice %arg9[%dma_wait3A_306, %dma_wait3A_307, %dma_wait3A_308] : memref<2x128x128xf32, #tpu.memory_space<vmem>> -> memref<1x128x128xf32, #tpu.memory_space<vmem>>
      %dma_wait3A_310 = tpu.memref_squeeze %dma_wait3A_309 : memref<1x128x128xf32, #tpu.memory_space<vmem>> -> memref<128x128xf32, #tpu.memory_space<vmem>>
      %dma_wait3A_311 = arith.constant 0 : i32
      %dma_wait3A_312 = tpu.memref_slice %arg7[%dma_wait3A_305, %dma_wait3A_311] : memref<4x128xi32, #tpu.memory_space<vmem>> -> memref<1x128xi32, #tpu.memory_space<vmem>>
      %dma_wait3A_313 = tpu.memref_squeeze %dma_wait3A_312 : memref<1x128xi32, #tpu.memory_space<vmem>> -> memref<128xi32, #tpu.memory_space<vmem>>
      %dma_wait3A_314 = arith.constant 0 : i32
      %dma_wait3A_315 = arith.constant 0 : i32
      %dma_wait3A_316 = tpu.memref_slice %arg2[%dma_wait3A_314, %dma_wait3A_315] : memref<10000x128xf32, #tpu.memory_space<hbm>> -> memref<10000x128xf32, #tpu.memory_space<hbm>>
      tpu.wait_indirect_dma semaphore(%arg19 : memref<!tpu.dma_semaphore, #tpu.memory_space<semaphore_mem>>) src(%dma_wait3A_316 : memref<10000x128xf32, #tpu.memory_space<hbm>>) dst(%dma_wait3A_310 : memref<128x128xf32, #tpu.memory_space<vmem>>)
      %dma_start3A_317 = arith.constant 0 : i32
      %dma_start3A_318 = arith.constant 0 : i32
      %dma_start3A_319 = arith.constant 0 : i32
      %dma_start3A_320 = arith.constant 0 : i32
      %dma_start3A_321 = tpu.memref_slice %arg9[%dma_start3A_317, %dma_start3A_319, %dma_start3A_320] : memref<2x128x128xf32, #tpu.memory_space<vmem>> -> memref<1x128x128xf32, #tpu.memory_space<vmem>>
      %dma_start3A_322 = tpu.memref_squeeze %dma_start3A_321 : memref<1x128x128xf32, #tpu.memory_space<vmem>> -> memref<128x128xf32, #tpu.memory_space<vmem>>
      %dma_start3A_323 = arith.constant 0 : i32
      %dma_start3A_324 = tpu.memref_slice %arg8[%dma_start3A_318, %dma_start3A_323] : memref<4x128xi32, #tpu.memory_space<vmem>> -> memref<1x128xi32, #tpu.memory_space<vmem>>
      %dma_start3A_325 = tpu.memref_squeeze %dma_start3A_324 : memref<1x128xi32, #tpu.memory_space<vmem>> -> memref<128xi32, #tpu.memory_space<vmem>>
      %dma_start3A_326 = arith.constant 0 : i32
      %dma_start3A_327 = arith.constant 0 : i32
      %dma_start3A_328 = tpu.memref_slice %arg10[%dma_start3A_326, %dma_start3A_327] : memref<10240x128xf32, #tpu.memory_space<vmem_shared>> -> memref<10240x128xf32, #tpu.memory_space<vmem_shared>>
      tpu.enqueue_indirect_dma source(%dma_start3A_322 : memref<128x128xf32, #tpu.memory_space<vmem>>) target(%dma_start3A_328 : memref<10240x128xf32, #tpu.memory_space<vmem_shared>>) offsets(%dma_start3A_325 : memref<128xi32, #tpu.memory_space<vmem>>) semaphore(%arg21 : memref<!tpu.dma_semaphore, #tpu.memory_space<semaphore_mem>>) {add = true}
      %lt3A = arith.constant 19 : i32
      %lt3A_329 = arith.cmpi slt, %scan3A_218, %lt3A : i32
      %convert_element_type3A_330 = arith.extui %lt3A_329 : i1 to i32
      %cond3A_331 = arith.constant 0 : i32
      %cond3A_332 = arith.cmpi ne, %convert_element_type3A_330, %cond3A_331 : i32
      scf.if %cond3A_332 {
        %add3A_513 = arith.constant 3 : i32
        %add3A_514 = arith.addi %add3A_260, %add3A_513 : i32
        %dma_start3A_515 = arith.constant 0 : i32
        %dma_start3A_516 = arith.constant 0 : i32
        %dma_start3A_517 = tpu.memref_slice %arg7[%dma_start3A_515, %dma_start3A_516] : memref<4x128xi32, #tpu.memory_space<vmem>> -> memref<1x128xi32, #tpu.memory_space<vmem>>
        %dma_start3A_518 = tpu.memref_squeeze %dma_start3A_517 : memref<1x128xi32, #tpu.memory_space<vmem>> -> memref<128xi32, #tpu.memory_space<vmem>>
        %dma_start3A_519 = arith.constant 0 : i32
        %dma_start3A_520 = tpu.memref_slice %arg3[%add3A, %add3A_514, %dma_start3A_519] : memref<32x80x128xi32, #tpu.memory_space<hbm>> -> memref<1x1x128xi32, #tpu.memory_space<hbm>>
        %dma_start3A_521 = tpu.memref_squeeze %dma_start3A_520 : memref<1x1x128xi32, #tpu.memory_space<hbm>> -> memref<128xi32, #tpu.memory_space<hbm>>
        %dma_start3A_522 = arith.constant 0 : i32
        %dma_start3A_523 = tpu.memref_slice %arg7[%dma_start3A_515, %dma_start3A_522] : memref<4x128xi32, #tpu.memory_space<vmem>> -> memref<1x128xi32, #tpu.memory_space<vmem>>
        %dma_start3A_524 = tpu.memref_squeeze %dma_start3A_523 : memref<1x128xi32, #tpu.memory_space<vmem>> -> memref<128xi32, #tpu.memory_space<vmem>>
        %dma_start3A_525 = arith.constant 0 : i32
        %dma_start3A_526 = tpu.memref_slice %arg3[%add3A, %add3A_514, %dma_start3A_525] : memref<32x80x128xi32, #tpu.memory_space<hbm>> -> memref<1x1x128xi32, #tpu.memory_space<hbm>>
        %dma_start3A_527 = tpu.memref_squeeze %dma_start3A_526 : memref<1x1x128xi32, #tpu.memory_space<hbm>> -> memref<128xi32, #tpu.memory_space<hbm>>
        tpu.enqueue_dma source(%dma_start3A_527 : memref<128xi32, #tpu.memory_space<hbm>>) target(%dma_start3A_524 : memref<128xi32, #tpu.memory_space<vmem>>) target_semaphore(%arg11 : memref<!tpu.dma_semaphore, #tpu.memory_space<semaphore_mem>>)
      } else {
      }
      %mul3A_333 = arith.constant 4 : i32
      %mul3A_334 = arith.muli %scan3A_218, %mul3A_333 : i32
      %add3A_335 = arith.constant 2 : i32
      %add3A_336 = arith.addi %mul3A_334, %add3A_335 : i32
      %dma_wait3A_337 = arith.constant 0 : i32
      %dma_wait3A_338 = arith.constant 0 : i32
      %dma_wait3A_339 = arith.constant 0 : i32
      %dma_wait3A_340 = arith.constant 0 : i32
      %dma_wait3A_341 = tpu.memref_slice %arg9[%dma_wait3A_337, %dma_wait3A_339, %dma_wait3A_340] : memref<2x128x128xf32, #tpu.memory_space<vmem>> -> memref<1x128x128xf32, #tpu.memory_space<vmem>>
      %dma_wait3A_342 = tpu.memref_squeeze %dma_wait3A_341 : memref<1x128x128xf32, #tpu.memory_space<vmem>> -> memref<128x128xf32, #tpu.memory_space<vmem>>
      %dma_wait3A_343 = arith.constant 0 : i32
      %dma_wait3A_344 = tpu.memref_slice %arg8[%dma_wait3A_338, %dma_wait3A_343] : memref<4x128xi32, #tpu.memory_space<vmem>> -> memref<1x128xi32, #tpu.memory_space<vmem>>
      %dma_wait3A_345 = tpu.memref_squeeze %dma_wait3A_344 : memref<1x128xi32, #tpu.memory_space<vmem>> -> memref<128xi32, #tpu.memory_space<vmem>>
      %dma_wait3A_346 = arith.constant 0 : i32
      %dma_wait3A_347 = arith.constant 0 : i32
      %dma_wait3A_348 = tpu.memref_slice %arg10[%dma_wait3A_346, %dma_wait3A_347] : memref<10240x128xf32, #tpu.memory_space<vmem_shared>> -> memref<10240x128xf32, #tpu.memory_space<vmem_shared>>
      tpu.wait_indirect_dma semaphore(%arg21 : memref<!tpu.dma_semaphore, #tpu.memory_space<semaphore_mem>>) src(%dma_wait3A_342 : memref<128x128xf32, #tpu.memory_space<vmem>>) dst(%dma_wait3A_348 : memref<10240x128xf32, #tpu.memory_space<vmem_shared>>)
      %lt3A_349 = arith.constant 19 : i32
      %lt3A_350 = arith.cmpi slt, %scan3A_218, %lt3A_349 : i32
      %convert_element_type3A_351 = arith.extui %lt3A_350 : i1 to i32
      %cond3A_352 = arith.constant 0 : i32
      %cond3A_353 = arith.cmpi ne, %convert_element_type3A_351, %cond3A_352 : i32
      scf.if %cond3A_353 {
        %add3A_513 = arith.constant 2 : i32
        %add3A_514 = arith.addi %add3A_336, %add3A_513 : i32
        %dma_start3A_515 = arith.constant 0 : i32
        %dma_start3A_516 = arith.constant 0 : i32
        %dma_start3A_517 = tpu.memref_slice %arg8[%dma_start3A_515, %dma_start3A_516] : memref<4x128xi32, #tpu.memory_space<vmem>> -> memref<1x128xi32, #tpu.memory_space<vmem>>
        %dma_start3A_518 = tpu.memref_squeeze %dma_start3A_517 : memref<1x128xi32, #tpu.memory_space<vmem>> -> memref<128xi32, #tpu.memory_space<vmem>>
        %dma_start3A_519 = arith.constant 0 : i32
        %dma_start3A_520 = tpu.memref_slice %arg4[%add3A, %add3A_514, %dma_start3A_519] : memref<32x80x128xi32, #tpu.memory_space<hbm>> -> memref<1x1x128xi32, #tpu.memory_space<hbm>>
        %dma_start3A_521 = tpu.memref_squeeze %dma_start3A_520 : memref<1x1x128xi32, #tpu.memory_space<hbm>> -> memref<128xi32, #tpu.memory_space<hbm>>
        %dma_start3A_522 = arith.constant 0 : i32
        %dma_start3A_523 = tpu.memref_slice %arg8[%dma_start3A_515, %dma_start3A_522] : memref<4x128xi32, #tpu.memory_space<vmem>> -> memref<1x128xi32, #tpu.memory_space<vmem>>
        %dma_start3A_524 = tpu.memref_squeeze %dma_start3A_523 : memref<1x128xi32, #tpu.memory_space<vmem>> -> memref<128xi32, #tpu.memory_space<vmem>>
        %dma_start3A_525 = arith.constant 0 : i32
        %dma_start3A_526 = tpu.memref_slice %arg4[%add3A, %add3A_514, %dma_start3A_525] : memref<32x80x128xi32, #tpu.memory_space<hbm>> -> memref<1x1x128xi32, #tpu.memory_space<hbm>>
        %dma_start3A_527 = tpu.memref_squeeze %dma_start3A_526 : memref<1x1x128xi32, #tpu.memory_space<hbm>> -> memref<128xi32, #tpu.memory_space<hbm>>
        tpu.enqueue_dma source(%dma_start3A_527 : memref<128xi32, #tpu.memory_space<hbm>>) target(%dma_start3A_524 : memref<128xi32, #tpu.memory_space<vmem>>) target_semaphore(%arg15 : memref<!tpu.dma_semaphore, #tpu.memory_space<semaphore_mem>>)
      } else {
      }
      %dma_wait3A_354 = arith.constant 2 : i32
      %dma_wait3A_355 = arith.constant 0 : i32
      %dma_wait3A_356 = tpu.memref_slice %arg7[%dma_wait3A_354, %dma_wait3A_355] : memref<4x128xi32, #tpu.memory_space<vmem>> -> memref<1x128xi32, #tpu.memory_space<vmem>>
      %dma_wait3A_357 = tpu.memref_squeeze %dma_wait3A_356 : memref<1x128xi32, #tpu.memory_space<vmem>> -> memref<128xi32, #tpu.memory_space<vmem>>
      %dma_wait3A_358 = arith.constant 0 : i32
      %dma_wait3A_359 = tpu.memref_slice %arg3[%add3A, %add3A_336, %dma_wait3A_358] : memref<32x80x128xi32, #tpu.memory_space<hbm>> -> memref<1x1x128xi32, #tpu.memory_space<hbm>>
      %dma_wait3A_360 = tpu.memref_squeeze %dma_wait3A_359 : memref<1x1x128xi32, #tpu.memory_space<hbm>> -> memref<128xi32, #tpu.memory_space<hbm>>
      %dma_wait3A_361 = arith.constant 0 : i32
      %dma_wait3A_362 = tpu.memref_slice %arg7[%dma_wait3A_354, %dma_wait3A_361] : memref<4x128xi32, #tpu.memory_space<vmem>> -> memref<1x128xi32, #tpu.memory_space<vmem>>
      %dma_wait3A_363 = tpu.memref_squeeze %dma_wait3A_362 : memref<1x128xi32, #tpu.memory_space<vmem>> -> memref<128xi32, #tpu.memory_space<vmem>>
      %dma_wait3A_364 = arith.constant 0 : i32
      %dma_wait3A_365 = tpu.memref_slice %arg3[%add3A, %add3A_336, %dma_wait3A_364] : memref<32x80x128xi32, #tpu.memory_space<hbm>> -> memref<1x1x128xi32, #tpu.memory_space<hbm>>
      %dma_wait3A_366 = tpu.memref_squeeze %dma_wait3A_365 : memref<1x1x128xi32, #tpu.memory_space<hbm>> -> memref<128xi32, #tpu.memory_space<hbm>>
      tpu.wait_dma2 semaphore(%arg13 : memref<!tpu.dma_semaphore, #tpu.memory_space<semaphore_mem>>) src(%dma_wait3A_366 : memref<128xi32, #tpu.memory_space<hbm>>) dst(%dma_wait3A_363 : memref<128xi32, #tpu.memory_space<vmem>>)
      %dma_start3A_367 = arith.constant 2 : i32
      %dma_start3A_368 = arith.constant 0 : i32
      %dma_start3A_369 = arith.constant 0 : i32
      %dma_start3A_370 = arith.constant 0 : i32
      %dma_start3A_371 = tpu.memref_slice %arg9[%dma_start3A_368, %dma_start3A_369, %dma_start3A_370] : memref<2x128x128xf32, #tpu.memory_space<vmem>> -> memref<1x128x128xf32, #tpu.memory_space<vmem>>
      %dma_start3A_372 = tpu.memref_squeeze %dma_start3A_371 : memref<1x128x128xf32, #tpu.memory_space<vmem>> -> memref<128x128xf32, #tpu.memory_space<vmem>>
      %dma_start3A_373 = arith.constant 0 : i32
      %dma_start3A_374 = tpu.memref_slice %arg7[%dma_start3A_367, %dma_start3A_373] : memref<4x128xi32, #tpu.memory_space<vmem>> -> memref<1x128xi32, #tpu.memory_space<vmem>>
      %dma_start3A_375 = tpu.memref_squeeze %dma_start3A_374 : memref<1x128xi32, #tpu.memory_space<vmem>> -> memref<128xi32, #tpu.memory_space<vmem>>
      %dma_start3A_376 = arith.constant 0 : i32
      %dma_start3A_377 = arith.constant 0 : i32
      %dma_start3A_378 = tpu.memref_slice %arg2[%dma_start3A_376, %dma_start3A_377] : memref<10000x128xf32, #tpu.memory_space<hbm>> -> memref<10000x128xf32, #tpu.memory_space<hbm>>
      tpu.enqueue_indirect_dma source(%dma_start3A_378 : memref<10000x128xf32, #tpu.memory_space<hbm>>) target(%dma_start3A_372 : memref<128x128xf32, #tpu.memory_space<vmem>>) offsets(%dma_start3A_375 : memref<128xi32, #tpu.memory_space<vmem>>) semaphore(%arg19 : memref<!tpu.dma_semaphore, #tpu.memory_space<semaphore_mem>>)
      %sub3A_379 = arith.constant 1 : i32
      %sub3A_380 = arith.subi %add3A_336, %sub3A_379 : i32
      %dma_wait3A_381 = arith.constant 1 : i32
      %dma_wait3A_382 = arith.constant 0 : i32
      %dma_wait3A_383 = tpu.memref_slice %arg8[%dma_wait3A_381, %dma_wait3A_382] : memref<4x128xi32, #tpu.memory_space<vmem>> -> memref<1x128xi32, #tpu.memory_space<vmem>>
      %dma_wait3A_384 = tpu.memref_squeeze %dma_wait3A_383 : memref<1x128xi32, #tpu.memory_space<vmem>> -> memref<128xi32, #tpu.memory_space<vmem>>
      %dma_wait3A_385 = arith.constant 0 : i32
      %dma_wait3A_386 = tpu.memref_slice %arg4[%add3A, %sub3A_380, %dma_wait3A_385] : memref<32x80x128xi32, #tpu.memory_space<hbm>> -> memref<1x1x128xi32, #tpu.memory_space<hbm>>
      %dma_wait3A_387 = tpu.memref_squeeze %dma_wait3A_386 : memref<1x1x128xi32, #tpu.memory_space<hbm>> -> memref<128xi32, #tpu.memory_space<hbm>>
      %dma_wait3A_388 = arith.constant 0 : i32
      %dma_wait3A_389 = tpu.memref_slice %arg8[%dma_wait3A_381, %dma_wait3A_388] : memref<4x128xi32, #tpu.memory_space<vmem>> -> memref<1x128xi32, #tpu.memory_space<vmem>>
      %dma_wait3A_390 = tpu.memref_squeeze %dma_wait3A_389 : memref<1x128xi32, #tpu.memory_space<vmem>> -> memref<128xi32, #tpu.memory_space<vmem>>
      %dma_wait3A_391 = arith.constant 0 : i32
      %dma_wait3A_392 = tpu.memref_slice %arg4[%add3A, %sub3A_380, %dma_wait3A_391] : memref<32x80x128xi32, #tpu.memory_space<hbm>> -> memref<1x1x128xi32, #tpu.memory_space<hbm>>
      %dma_wait3A_393 = tpu.memref_squeeze %dma_wait3A_392 : memref<1x1x128xi32, #tpu.memory_space<hbm>> -> memref<128xi32, #tpu.memory_space<hbm>>
      tpu.wait_dma2 semaphore(%arg16 : memref<!tpu.dma_semaphore, #tpu.memory_space<semaphore_mem>>) src(%dma_wait3A_393 : memref<128xi32, #tpu.memory_space<hbm>>) dst(%dma_wait3A_390 : memref<128xi32, #tpu.memory_space<vmem>>)
      %dma_wait3A_394 = arith.constant 1 : i32
      %dma_wait3A_395 = arith.constant 1 : i32
      %dma_wait3A_396 = arith.constant 0 : i32
      %dma_wait3A_397 = arith.constant 0 : i32
      %dma_wait3A_398 = tpu.memref_slice %arg9[%dma_wait3A_395, %dma_wait3A_396, %dma_wait3A_397] : memref<2x128x128xf32, #tpu.memory_space<vmem>> -> memref<1x128x128xf32, #tpu.memory_space<vmem>>
      %dma_wait3A_399 = tpu.memref_squeeze %dma_wait3A_398 : memref<1x128x128xf32, #tpu.memory_space<vmem>> -> memref<128x128xf32, #tpu.memory_space<vmem>>
      %dma_wait3A_400 = arith.constant 0 : i32
      %dma_wait3A_401 = tpu.memref_slice %arg7[%dma_wait3A_394, %dma_wait3A_400] : memref<4x128xi32, #tpu.memory_space<vmem>> -> memref<1x128xi32, #tpu.memory_space<vmem>>
      %dma_wait3A_402 = tpu.memref_squeeze %dma_wait3A_401 : memref<1x128xi32, #tpu.memory_space<vmem>> -> memref<128xi32, #tpu.memory_space<vmem>>
      %dma_wait3A_403 = arith.constant 0 : i32
      %dma_wait3A_404 = arith.constant 0 : i32
      %dma_wait3A_405 = tpu.memref_slice %arg2[%dma_wait3A_403, %dma_wait3A_404] : memref<10000x128xf32, #tpu.memory_space<hbm>> -> memref<10000x128xf32, #tpu.memory_space<hbm>>
      tpu.wait_indirect_dma semaphore(%arg20 : memref<!tpu.dma_semaphore, #tpu.memory_space<semaphore_mem>>) src(%dma_wait3A_405 : memref<10000x128xf32, #tpu.memory_space<hbm>>) dst(%dma_wait3A_399 : memref<128x128xf32, #tpu.memory_space<vmem>>)
      %dma_start3A_406 = arith.constant 1 : i32
      %dma_start3A_407 = arith.constant 1 : i32
      %dma_start3A_408 = arith.constant 0 : i32
      %dma_start3A_409 = arith.constant 0 : i32
      %dma_start3A_410 = tpu.memref_slice %arg9[%dma_start3A_406, %dma_start3A_408, %dma_start3A_409] : memref<2x128x128xf32, #tpu.memory_space<vmem>> -> memref<1x128x128xf32, #tpu.memory_space<vmem>>
      %dma_start3A_411 = tpu.memref_squeeze %dma_start3A_410 : memref<1x128x128xf32, #tpu.memory_space<vmem>> -> memref<128x128xf32, #tpu.memory_space<vmem>>
      %dma_start3A_412 = arith.constant 0 : i32
      %dma_start3A_413 = tpu.memref_slice %arg8[%dma_start3A_407, %dma_start3A_412] : memref<4x128xi32, #tpu.memory_space<vmem>> -> memref<1x128xi32, #tpu.memory_space<vmem>>
      %dma_start3A_414 = tpu.memref_squeeze %dma_start3A_413 : memref<1x128xi32, #tpu.memory_space<vmem>> -> memref<128xi32, #tpu.memory_space<vmem>>
      %dma_start3A_415 = arith.constant 0 : i32
      %dma_start3A_416 = arith.constant 0 : i32
      %dma_start3A_417 = tpu.memref_slice %arg10[%dma_start3A_415, %dma_start3A_416] : memref<10240x128xf32, #tpu.memory_space<vmem_shared>> -> memref<10240x128xf32, #tpu.memory_space<vmem_shared>>
      tpu.enqueue_indirect_dma source(%dma_start3A_411 : memref<128x128xf32, #tpu.memory_space<vmem>>) target(%dma_start3A_417 : memref<10240x128xf32, #tpu.memory_space<vmem_shared>>) offsets(%dma_start3A_414 : memref<128xi32, #tpu.memory_space<vmem>>) semaphore(%arg22 : memref<!tpu.dma_semaphore, #tpu.memory_space<semaphore_mem>>) {add = true}
      %lt3A_418 = arith.constant 19 : i32
      %lt3A_419 = arith.cmpi slt, %scan3A_218, %lt3A_418 : i32
      %convert_element_type3A_420 = arith.extui %lt3A_419 : i1 to i32
      %cond3A_421 = arith.constant 0 : i32
      %cond3A_422 = arith.cmpi ne, %convert_element_type3A_420, %cond3A_421 : i32
      scf.if %cond3A_422 {
        %add3A_513 = arith.constant 3 : i32
        %add3A_514 = arith.addi %add3A_336, %add3A_513 : i32
        %dma_start3A_515 = arith.constant 1 : i32
        %dma_start3A_516 = arith.constant 0 : i32
        %dma_start3A_517 = tpu.memref_slice %arg7[%dma_start3A_515, %dma_start3A_516] : memref<4x128xi32, #tpu.memory_space<vmem>> -> memref<1x128xi32, #tpu.memory_space<vmem>>
        %dma_start3A_518 = tpu.memref_squeeze %dma_start3A_517 : memref<1x128xi32, #tpu.memory_space<vmem>> -> memref<128xi32, #tpu.memory_space<vmem>>
        %dma_start3A_519 = arith.constant 0 : i32
        %dma_start3A_520 = tpu.memref_slice %arg3[%add3A, %add3A_514, %dma_start3A_519] : memref<32x80x128xi32, #tpu.memory_space<hbm>> -> memref<1x1x128xi32, #tpu.memory_space<hbm>>
        %dma_start3A_521 = tpu.memref_squeeze %dma_start3A_520 : memref<1x1x128xi32, #tpu.memory_space<hbm>> -> memref<128xi32, #tpu.memory_space<hbm>>
        %dma_start3A_522 = arith.constant 0 : i32
        %dma_start3A_523 = tpu.memref_slice %arg7[%dma_start3A_515, %dma_start3A_522] : memref<4x128xi32, #tpu.memory_space<vmem>> -> memref<1x128xi32, #tpu.memory_space<vmem>>
        %dma_start3A_524 = tpu.memref_squeeze %dma_start3A_523 : memref<1x128xi32, #tpu.memory_space<vmem>> -> memref<128xi32, #tpu.memory_space<vmem>>
        %dma_start3A_525 = arith.constant 0 : i32
        %dma_start3A_526 = tpu.memref_slice %arg3[%add3A, %add3A_514, %dma_start3A_525] : memref<32x80x128xi32, #tpu.memory_space<hbm>> -> memref<1x1x128xi32, #tpu.memory_space<hbm>>
        %dma_start3A_527 = tpu.memref_squeeze %dma_start3A_526 : memref<1x1x128xi32, #tpu.memory_space<hbm>> -> memref<128xi32, #tpu.memory_space<hbm>>
        tpu.enqueue_dma source(%dma_start3A_527 : memref<128xi32, #tpu.memory_space<hbm>>) target(%dma_start3A_524 : memref<128xi32, #tpu.memory_space<vmem>>) target_semaphore(%arg12 : memref<!tpu.dma_semaphore, #tpu.memory_space<semaphore_mem>>)
      } else {
      }
      %mul3A_423 = arith.constant 4 : i32
      %mul3A_424 = arith.muli %scan3A_218, %mul3A_423 : i32
      %add3A_425 = arith.constant 3 : i32
      %add3A_426 = arith.addi %mul3A_424, %add3A_425 : i32
      %dma_wait3A_427 = arith.constant 1 : i32
      %dma_wait3A_428 = arith.constant 1 : i32
      %dma_wait3A_429 = arith.constant 0 : i32
      %dma_wait3A_430 = arith.constant 0 : i32
      %dma_wait3A_431 = tpu.memref_slice %arg9[%dma_wait3A_427, %dma_wait3A_429, %dma_wait3A_430] : memref<2x128x128xf32, #tpu.memory_space<vmem>> -> memref<1x128x128xf32, #tpu.memory_space<vmem>>
      %dma_wait3A_432 = tpu.memref_squeeze %dma_wait3A_431 : memref<1x128x128xf32, #tpu.memory_space<vmem>> -> memref<128x128xf32, #tpu.memory_space<vmem>>
      %dma_wait3A_433 = arith.constant 0 : i32
      %dma_wait3A_434 = tpu.memref_slice %arg8[%dma_wait3A_428, %dma_wait3A_433] : memref<4x128xi32, #tpu.memory_space<vmem>> -> memref<1x128xi32, #tpu.memory_space<vmem>>
      %dma_wait3A_435 = tpu.memref_squeeze %dma_wait3A_434 : memref<1x128xi32, #tpu.memory_space<vmem>> -> memref<128xi32, #tpu.memory_space<vmem>>
      %dma_wait3A_436 = arith.constant 0 : i32
      %dma_wait3A_437 = arith.constant 0 : i32
      %dma_wait3A_438 = tpu.memref_slice %arg10[%dma_wait3A_436, %dma_wait3A_437] : memref<10240x128xf32, #tpu.memory_space<vmem_shared>> -> memref<10240x128xf32, #tpu.memory_space<vmem_shared>>
      tpu.wait_indirect_dma semaphore(%arg22 : memref<!tpu.dma_semaphore, #tpu.memory_space<semaphore_mem>>) src(%dma_wait3A_432 : memref<128x128xf32, #tpu.memory_space<vmem>>) dst(%dma_wait3A_438 : memref<10240x128xf32, #tpu.memory_space<vmem_shared>>)
      %lt3A_439 = arith.constant 19 : i32
      %lt3A_440 = arith.cmpi slt, %scan3A_218, %lt3A_439 : i32
      %convert_element_type3A_441 = arith.extui %lt3A_440 : i1 to i32
      %cond3A_442 = arith.constant 0 : i32
      %cond3A_443 = arith.cmpi ne, %convert_element_type3A_441, %cond3A_442 : i32
      scf.if %cond3A_443 {
        %add3A_513 = arith.constant 2 : i32
        %add3A_514 = arith.addi %add3A_426, %add3A_513 : i32
        %dma_start3A_515 = arith.constant 1 : i32
        %dma_start3A_516 = arith.constant 0 : i32
        %dma_start3A_517 = tpu.memref_slice %arg8[%dma_start3A_515, %dma_start3A_516] : memref<4x128xi32, #tpu.memory_space<vmem>> -> memref<1x128xi32, #tpu.memory_space<vmem>>
        %dma_start3A_518 = tpu.memref_squeeze %dma_start3A_517 : memref<1x128xi32, #tpu.memory_space<vmem>> -> memref<128xi32, #tpu.memory_space<vmem>>
        %dma_start3A_519 = arith.constant 0 : i32
        %dma_start3A_520 = tpu.memref_slice %arg4[%add3A, %add3A_514, %dma_start3A_519] : memref<32x80x128xi32, #tpu.memory_space<hbm>> -> memref<1x1x128xi32, #tpu.memory_space<hbm>>
        %dma_start3A_521 = tpu.memref_squeeze %dma_start3A_520 : memref<1x1x128xi32, #tpu.memory_space<hbm>> -> memref<128xi32, #tpu.memory_space<hbm>>
        %dma_start3A_522 = arith.constant 0 : i32
        %dma_start3A_523 = tpu.memref_slice %arg8[%dma_start3A_515, %dma_start3A_522] : memref<4x128xi32, #tpu.memory_space<vmem>> -> memref<1x128xi32, #tpu.memory_space<vmem>>
        %dma_start3A_524 = tpu.memref_squeeze %dma_start3A_523 : memref<1x128xi32, #tpu.memory_space<vmem>> -> memref<128xi32, #tpu.memory_space<vmem>>
        %dma_start3A_525 = arith.constant 0 : i32
        %dma_start3A_526 = tpu.memref_slice %arg4[%add3A, %add3A_514, %dma_start3A_525] : memref<32x80x128xi32, #tpu.memory_space<hbm>> -> memref<1x1x128xi32, #tpu.memory_space<hbm>>
        %dma_start3A_527 = tpu.memref_squeeze %dma_start3A_526 : memref<1x1x128xi32, #tpu.memory_space<hbm>> -> memref<128xi32, #tpu.memory_space<hbm>>
        tpu.enqueue_dma source(%dma_start3A_527 : memref<128xi32, #tpu.memory_space<hbm>>) target(%dma_start3A_524 : memref<128xi32, #tpu.memory_space<vmem>>) target_semaphore(%arg16 : memref<!tpu.dma_semaphore, #tpu.memory_space<semaphore_mem>>)
      } else {
      }
      %dma_wait3A_444 = arith.constant 3 : i32
      %dma_wait3A_445 = arith.constant 0 : i32
      %dma_wait3A_446 = tpu.memref_slice %arg7[%dma_wait3A_444, %dma_wait3A_445] : memref<4x128xi32, #tpu.memory_space<vmem>> -> memref<1x128xi32, #tpu.memory_space<vmem>>
      %dma_wait3A_447 = tpu.memref_squeeze %dma_wait3A_446 : memref<1x128xi32, #tpu.memory_space<vmem>> -> memref<128xi32, #tpu.memory_space<vmem>>
      %dma_wait3A_448 = arith.constant 0 : i32
      %dma_wait3A_449 = tpu.memref_slice %arg3[%add3A, %add3A_426, %dma_wait3A_448] : memref<32x80x128xi32, #tpu.memory_space<hbm>> -> memref<1x1x128xi32, #tpu.memory_space<hbm>>
      %dma_wait3A_450 = tpu.memref_squeeze %dma_wait3A_449 : memref<1x1x128xi32, #tpu.memory_space<hbm>> -> memref<128xi32, #tpu.memory_space<hbm>>
      %dma_wait3A_451 = arith.constant 0 : i32
      %dma_wait3A_452 = tpu.memref_slice %arg7[%dma_wait3A_444, %dma_wait3A_451] : memref<4x128xi32, #tpu.memory_space<vmem>> -> memref<1x128xi32, #tpu.memory_space<vmem>>
      %dma_wait3A_453 = tpu.memref_squeeze %dma_wait3A_452 : memref<1x128xi32, #tpu.memory_space<vmem>> -> memref<128xi32, #tpu.memory_space<vmem>>
      %dma_wait3A_454 = arith.constant 0 : i32
      %dma_wait3A_455 = tpu.memref_slice %arg3[%add3A, %add3A_426, %dma_wait3A_454] : memref<32x80x128xi32, #tpu.memory_space<hbm>> -> memref<1x1x128xi32, #tpu.memory_space<hbm>>
      %dma_wait3A_456 = tpu.memref_squeeze %dma_wait3A_455 : memref<1x1x128xi32, #tpu.memory_space<hbm>> -> memref<128xi32, #tpu.memory_space<hbm>>
      tpu.wait_dma2 semaphore(%arg14 : memref<!tpu.dma_semaphore, #tpu.memory_space<semaphore_mem>>) src(%dma_wait3A_456 : memref<128xi32, #tpu.memory_space<hbm>>) dst(%dma_wait3A_453 : memref<128xi32, #tpu.memory_space<vmem>>)
      %dma_start3A_457 = arith.constant 3 : i32
      %dma_start3A_458 = arith.constant 1 : i32
      %dma_start3A_459 = arith.constant 0 : i32
      %dma_start3A_460 = arith.constant 0 : i32
      %dma_start3A_461 = tpu.memref_slice %arg9[%dma_start3A_458, %dma_start3A_459, %dma_start3A_460] : memref<2x128x128xf32, #tpu.memory_space<vmem>> -> memref<1x128x128xf32, #tpu.memory_space<vmem>>
      %dma_start3A_462 = tpu.memref_squeeze %dma_start3A_461 : memref<1x128x128xf32, #tpu.memory_space<vmem>> -> memref<128x128xf32, #tpu.memory_space<vmem>>
      %dma_start3A_463 = arith.constant 0 : i32
      %dma_start3A_464 = tpu.memref_slice %arg7[%dma_start3A_457, %dma_start3A_463] : memref<4x128xi32, #tpu.memory_space<vmem>> -> memref<1x128xi32, #tpu.memory_space<vmem>>
      %dma_start3A_465 = tpu.memref_squeeze %dma_start3A_464 : memref<1x128xi32, #tpu.memory_space<vmem>> -> memref<128xi32, #tpu.memory_space<vmem>>
      %dma_start3A_466 = arith.constant 0 : i32
      %dma_start3A_467 = arith.constant 0 : i32
      %dma_start3A_468 = tpu.memref_slice %arg2[%dma_start3A_466, %dma_start3A_467] : memref<10000x128xf32, #tpu.memory_space<hbm>> -> memref<10000x128xf32, #tpu.memory_space<hbm>>
      tpu.enqueue_indirect_dma source(%dma_start3A_468 : memref<10000x128xf32, #tpu.memory_space<hbm>>) target(%dma_start3A_462 : memref<128x128xf32, #tpu.memory_space<vmem>>) offsets(%dma_start3A_465 : memref<128xi32, #tpu.memory_space<vmem>>) semaphore(%arg20 : memref<!tpu.dma_semaphore, #tpu.memory_space<semaphore_mem>>)
      %sub3A_469 = arith.constant 1 : i32
      %sub3A_470 = arith.subi %add3A_426, %sub3A_469 : i32
      %dma_wait3A_471 = arith.constant 2 : i32
      %dma_wait3A_472 = arith.constant 0 : i32
      %dma_wait3A_473 = tpu.memref_slice %arg8[%dma_wait3A_471, %dma_wait3A_472] : memref<4x128xi32, #tpu.memory_space<vmem>> -> memref<1x128xi32, #tpu.memory_space<vmem>>
      %dma_wait3A_474 = tpu.memref_squeeze %dma_wait3A_473 : memref<1x128xi32, #tpu.memory_space<vmem>> -> memref<128xi32, #tpu.memory_space<vmem>>
      %dma_wait3A_475 = arith.constant 0 : i32
      %dma_wait3A_476 = tpu.memref_slice %arg4[%add3A, %sub3A_470, %dma_wait3A_475] : memref<32x80x128xi32, #tpu.memory_space<hbm>> -> memref<1x1x128xi32, #tpu.memory_space<hbm>>
      %dma_wait3A_477 = tpu.memref_squeeze %dma_wait3A_476 : memref<1x1x128xi32, #tpu.memory_space<hbm>> -> memref<128xi32, #tpu.memory_space<hbm>>
      %dma_wait3A_478 = arith.constant 0 : i32
      %dma_wait3A_479 = tpu.memref_slice %arg8[%dma_wait3A_471, %dma_wait3A_478] : memref<4x128xi32, #tpu.memory_space<vmem>> -> memref<1x128xi32, #tpu.memory_space<vmem>>
      %dma_wait3A_480 = tpu.memref_squeeze %dma_wait3A_479 : memref<1x128xi32, #tpu.memory_space<vmem>> -> memref<128xi32, #tpu.memory_space<vmem>>
      %dma_wait3A_481 = arith.constant 0 : i32
      %dma_wait3A_482 = tpu.memref_slice %arg4[%add3A, %sub3A_470, %dma_wait3A_481] : memref<32x80x128xi32, #tpu.memory_space<hbm>> -> memref<1x1x128xi32, #tpu.memory_space<hbm>>
      %dma_wait3A_483 = tpu.memref_squeeze %dma_wait3A_482 : memref<1x1x128xi32, #tpu.memory_space<hbm>> -> memref<128xi32, #tpu.memory_space<hbm>>
      tpu.wait_dma2 semaphore(%arg17 : memref<!tpu.dma_semaphore, #tpu.memory_space<semaphore_mem>>) src(%dma_wait3A_483 : memref<128xi32, #tpu.memory_space<hbm>>) dst(%dma_wait3A_480 : memref<128xi32, #tpu.memory_space<vmem>>)
      %dma_wait3A_484 = arith.constant 2 : i32
      %dma_wait3A_485 = arith.constant 0 : i32
      %dma_wait3A_486 = arith.constant 0 : i32
      %dma_wait3A_487 = arith.constant 0 : i32
      %dma_wait3A_488 = tpu.memref_slice %arg9[%dma_wait3A_485, %dma_wait3A_486, %dma_wait3A_487] : memref<2x128x128xf32, #tpu.memory_space<vmem>> -> memref<1x128x128xf32, #tpu.memory_space<vmem>>
      %dma_wait3A_489 = tpu.memref_squeeze %dma_wait3A_488 : memref<1x128x128xf32, #tpu.memory_space<vmem>> -> memref<128x128xf32, #tpu.memory_space<vmem>>
      %dma_wait3A_490 = arith.constant 0 : i32
      %dma_wait3A_491 = tpu.memref_slice %arg7[%dma_wait3A_484, %dma_wait3A_490] : memref<4x128xi32, #tpu.memory_space<vmem>> -> memref<1x128xi32, #tpu.memory_space<vmem>>
      %dma_wait3A_492 = tpu.memref_squeeze %dma_wait3A_491 : memref<1x128xi32, #tpu.memory_space<vmem>> -> memref<128xi32, #tpu.memory_space<vmem>>
      %dma_wait3A_493 = arith.constant 0 : i32
      %dma_wait3A_494 = arith.constant 0 : i32
      %dma_wait3A_495 = tpu.memref_slice %arg2[%dma_wait3A_493, %dma_wait3A_494] : memref<10000x128xf32, #tpu.memory_space<hbm>> -> memref<10000x128xf32, #tpu.memory_space<hbm>>
      tpu.wait_indirect_dma semaphore(%arg19 : memref<!tpu.dma_semaphore, #tpu.memory_space<semaphore_mem>>) src(%dma_wait3A_495 : memref<10000x128xf32, #tpu.memory_space<hbm>>) dst(%dma_wait3A_489 : memref<128x128xf32, #tpu.memory_space<vmem>>)
      %dma_start3A_496 = arith.constant 0 : i32
      %dma_start3A_497 = arith.constant 2 : i32
      %dma_start3A_498 = arith.constant 0 : i32
      %dma_start3A_499 = arith.constant 0 : i32
      %dma_start3A_500 = tpu.memref_slice %arg9[%dma_start3A_496, %dma_start3A_498, %dma_start3A_499] : memref<2x128x128xf32, #tpu.memory_space<vmem>> -> memref<1x128x128xf32, #tpu.memory_space<vmem>>
      %dma_start3A_501 = tpu.memref_squeeze %dma_start3A_500 : memref<1x128x128xf32, #tpu.memory_space<vmem>> -> memref<128x128xf32, #tpu.memory_space<vmem>>
      %dma_start3A_502 = arith.constant 0 : i32
      %dma_start3A_503 = tpu.memref_slice %arg8[%dma_start3A_497, %dma_start3A_502] : memref<4x128xi32, #tpu.memory_space<vmem>> -> memref<1x128xi32, #tpu.memory_space<vmem>>
      %dma_start3A_504 = tpu.memref_squeeze %dma_start3A_503 : memref<1x128xi32, #tpu.memory_space<vmem>> -> memref<128xi32, #tpu.memory_space<vmem>>
      %dma_start3A_505 = arith.constant 0 : i32
      %dma_start3A_506 = arith.constant 0 : i32
      %dma_start3A_507 = tpu.memref_slice %arg10[%dma_start3A_505, %dma_start3A_506] : memref<10240x128xf32, #tpu.memory_space<vmem_shared>> -> memref<10240x128xf32, #tpu.memory_space<vmem_shared>>
      tpu.enqueue_indirect_dma source(%dma_start3A_501 : memref<128x128xf32, #tpu.memory_space<vmem>>) target(%dma_start3A_507 : memref<10240x128xf32, #tpu.memory_space<vmem_shared>>) offsets(%dma_start3A_504 : memref<128xi32, #tpu.memory_space<vmem>>) semaphore(%arg21 : memref<!tpu.dma_semaphore, #tpu.memory_space<semaphore_mem>>) {add = true}
      %lt3A_508 = arith.constant 19 : i32
      %lt3A_509 = arith.cmpi slt, %scan3A_218, %lt3A_508 : i32
      %convert_element_type3A_510 = arith.extui %lt3A_509 : i1 to i32
      %cond3A_511 = arith.constant 0 : i32
      %cond3A_512 = arith.cmpi ne, %convert_element_type3A_510, %cond3A_511 : i32
      scf.if %cond3A_512 {
        %add3A_513 = arith.constant 3 : i32
        %add3A_514 = arith.addi %add3A_426, %add3A_513 : i32
        %dma_start3A_515 = arith.constant 2 : i32
        %dma_start3A_516 = arith.constant 0 : i32
        %dma_start3A_517 = tpu.memref_slice %arg7[%dma_start3A_515, %dma_start3A_516] : memref<4x128xi32, #tpu.memory_space<vmem>> -> memref<1x128xi32, #tpu.memory_space<vmem>>
        %dma_start3A_518 = tpu.memref_squeeze %dma_start3A_517 : memref<1x128xi32, #tpu.memory_space<vmem>> -> memref<128xi32, #tpu.memory_space<vmem>>
        %dma_start3A_519 = arith.constant 0 : i32
        %dma_start3A_520 = tpu.memref_slice %arg3[%add3A, %add3A_514, %dma_start3A_519] : memref<32x80x128xi32, #tpu.memory_space<hbm>> -> memref<1x1x128xi32, #tpu.memory_space<hbm>>
        %dma_start3A_521 = tpu.memref_squeeze %dma_start3A_520 : memref<1x1x128xi32, #tpu.memory_space<hbm>> -> memref<128xi32, #tpu.memory_space<hbm>>
        %dma_start3A_522 = arith.constant 0 : i32
        %dma_start3A_523 = tpu.memref_slice %arg7[%dma_start3A_515, %dma_start3A_522] : memref<4x128xi32, #tpu.memory_space<vmem>> -> memref<1x128xi32, #tpu.memory_space<vmem>>
        %dma_start3A_524 = tpu.memref_squeeze %dma_start3A_523 : memref<1x128xi32, #tpu.memory_space<vmem>> -> memref<128xi32, #tpu.memory_space<vmem>>
        %dma_start3A_525 = arith.constant 0 : i32
        %dma_start3A_526 = tpu.memref_slice %arg3[%add3A, %add3A_514, %dma_start3A_525] : memref<32x80x128xi32, #tpu.memory_space<hbm>> -> memref<1x1x128xi32, #tpu.memory_space<hbm>>
        %dma_start3A_527 = tpu.memref_squeeze %dma_start3A_526 : memref<1x1x128xi32, #tpu.memory_space<hbm>> -> memref<128xi32, #tpu.memory_space<hbm>>
        tpu.enqueue_dma source(%dma_start3A_527 : memref<128xi32, #tpu.memory_space<hbm>>) target(%dma_start3A_524 : memref<128xi32, #tpu.memory_space<vmem>>) target_semaphore(%arg13 : memref<!tpu.dma_semaphore, #tpu.memory_space<semaphore_mem>>)
      } else {
      }
    }
    %scan3A_146 = arith.constant 20 : i32
    %dma_wait3A = arith.constant 79 : i32
    %dma_wait3A_147 = arith.constant 3 : i32
    %dma_wait3A_148 = arith.constant 0 : i32
    %dma_wait3A_149 = tpu.memref_slice %arg8[%dma_wait3A_147, %dma_wait3A_148] : memref<4x128xi32, #tpu.memory_space<vmem>> -> memref<1x128xi32, #tpu.memory_space<vmem>>
    %dma_wait3A_150 = tpu.memref_squeeze %dma_wait3A_149 : memref<1x128xi32, #tpu.memory_space<vmem>> -> memref<128xi32, #tpu.memory_space<vmem>>
    %dma_wait3A_151 = arith.constant 0 : i32
    %dma_wait3A_152 = tpu.memref_slice %arg4[%add3A, %dma_wait3A, %dma_wait3A_151] : memref<32x80x128xi32, #tpu.memory_space<hbm>> -> memref<1x1x128xi32, #tpu.memory_space<hbm>>
    %dma_wait3A_153 = tpu.memref_squeeze %dma_wait3A_152 : memref<1x1x128xi32, #tpu.memory_space<hbm>> -> memref<128xi32, #tpu.memory_space<hbm>>
    %dma_wait3A_154 = arith.constant 0 : i32
    %dma_wait3A_155 = tpu.memref_slice %arg8[%dma_wait3A_147, %dma_wait3A_154] : memref<4x128xi32, #tpu.memory_space<vmem>> -> memref<1x128xi32, #tpu.memory_space<vmem>>
    %dma_wait3A_156 = tpu.memref_squeeze %dma_wait3A_155 : memref<1x128xi32, #tpu.memory_space<vmem>> -> memref<128xi32, #tpu.memory_space<vmem>>
    %dma_wait3A_157 = arith.constant 0 : i32
    %dma_wait3A_158 = tpu.memref_slice %arg4[%add3A, %dma_wait3A, %dma_wait3A_157] : memref<32x80x128xi32, #tpu.memory_space<hbm>> -> memref<1x1x128xi32, #tpu.memory_space<hbm>>
    %dma_wait3A_159 = tpu.memref_squeeze %dma_wait3A_158 : memref<1x1x128xi32, #tpu.memory_space<hbm>> -> memref<128xi32, #tpu.memory_space<hbm>>
    tpu.wait_dma2 semaphore(%arg18 : memref<!tpu.dma_semaphore, #tpu.memory_space<semaphore_mem>>) src(%dma_wait3A_159 : memref<128xi32, #tpu.memory_space<hbm>>) dst(%dma_wait3A_156 : memref<128xi32, #tpu.memory_space<vmem>>)
    %dma_wait3A_160 = arith.constant 3 : i32
    %dma_wait3A_161 = arith.constant 1 : i32
    %dma_wait3A_162 = arith.constant 0 : i32
    %dma_wait3A_163 = arith.constant 0 : i32
    %dma_wait3A_164 = tpu.memref_slice %arg9[%dma_wait3A_161, %dma_wait3A_162, %dma_wait3A_163] : memref<2x128x128xf32, #tpu.memory_space<vmem>> -> memref<1x128x128xf32, #tpu.memory_space<vmem>>
    %dma_wait3A_165 = tpu.memref_squeeze %dma_wait3A_164 : memref<1x128x128xf32, #tpu.memory_space<vmem>> -> memref<128x128xf32, #tpu.memory_space<vmem>>
    %dma_wait3A_166 = arith.constant 0 : i32
    %dma_wait3A_167 = tpu.memref_slice %arg7[%dma_wait3A_160, %dma_wait3A_166] : memref<4x128xi32, #tpu.memory_space<vmem>> -> memref<1x128xi32, #tpu.memory_space<vmem>>
    %dma_wait3A_168 = tpu.memref_squeeze %dma_wait3A_167 : memref<1x128xi32, #tpu.memory_space<vmem>> -> memref<128xi32, #tpu.memory_space<vmem>>
    %dma_wait3A_169 = arith.constant 0 : i32
    %dma_wait3A_170 = arith.constant 0 : i32
    %dma_wait3A_171 = tpu.memref_slice %arg2[%dma_wait3A_169, %dma_wait3A_170] : memref<10000x128xf32, #tpu.memory_space<hbm>> -> memref<10000x128xf32, #tpu.memory_space<hbm>>
    tpu.wait_indirect_dma semaphore(%arg20 : memref<!tpu.dma_semaphore, #tpu.memory_space<semaphore_mem>>) src(%dma_wait3A_171 : memref<10000x128xf32, #tpu.memory_space<hbm>>) dst(%dma_wait3A_165 : memref<128x128xf32, #tpu.memory_space<vmem>>)
    %dma_start3A_172 = arith.constant 1 : i32
    %dma_start3A_173 = arith.constant 3 : i32
    %dma_start3A_174 = arith.constant 0 : i32
    %dma_start3A_175 = arith.constant 0 : i32
    %dma_start3A_176 = tpu.memref_slice %arg9[%dma_start3A_172, %dma_start3A_174, %dma_start3A_175] : memref<2x128x128xf32, #tpu.memory_space<vmem>> -> memref<1x128x128xf32, #tpu.memory_space<vmem>>
    %dma_start3A_177 = tpu.memref_squeeze %dma_start3A_176 : memref<1x128x128xf32, #tpu.memory_space<vmem>> -> memref<128x128xf32, #tpu.memory_space<vmem>>
    %dma_start3A_178 = arith.constant 0 : i32
    %dma_start3A_179 = tpu.memref_slice %arg8[%dma_start3A_173, %dma_start3A_178] : memref<4x128xi32, #tpu.memory_space<vmem>> -> memref<1x128xi32, #tpu.memory_space<vmem>>
    %dma_start3A_180 = tpu.memref_squeeze %dma_start3A_179 : memref<1x128xi32, #tpu.memory_space<vmem>> -> memref<128xi32, #tpu.memory_space<vmem>>
    %dma_start3A_181 = arith.constant 0 : i32
    %dma_start3A_182 = arith.constant 0 : i32
    %dma_start3A_183 = tpu.memref_slice %arg10[%dma_start3A_181, %dma_start3A_182] : memref<10240x128xf32, #tpu.memory_space<vmem_shared>> -> memref<10240x128xf32, #tpu.memory_space<vmem_shared>>
    tpu.enqueue_indirect_dma source(%dma_start3A_177 : memref<128x128xf32, #tpu.memory_space<vmem>>) target(%dma_start3A_183 : memref<10240x128xf32, #tpu.memory_space<vmem_shared>>) offsets(%dma_start3A_180 : memref<128xi32, #tpu.memory_space<vmem>>) semaphore(%arg22 : memref<!tpu.dma_semaphore, #tpu.memory_space<semaphore_mem>>) {add = true}
    %dma_wait3A_184 = arith.constant 0 : i32
    %dma_wait3A_185 = arith.constant 2 : i32
    %dma_wait3A_186 = arith.constant 0 : i32
    %dma_wait3A_187 = arith.constant 0 : i32
    %dma_wait3A_188 = tpu.memref_slice %arg9[%dma_wait3A_184, %dma_wait3A_186, %dma_wait3A_187] : memref<2x128x128xf32, #tpu.memory_space<vmem>> -> memref<1x128x128xf32, #tpu.memory_space<vmem>>
    %dma_wait3A_189 = tpu.memref_squeeze %dma_wait3A_188 : memref<1x128x128xf32, #tpu.memory_space<vmem>> -> memref<128x128xf32, #tpu.memory_space<vmem>>
    %dma_wait3A_190 = arith.constant 0 : i32
    %dma_wait3A_191 = tpu.memref_slice %arg8[%dma_wait3A_185, %dma_wait3A_190] : memref<4x128xi32, #tpu.memory_space<vmem>> -> memref<1x128xi32, #tpu.memory_space<vmem>>
    %dma_wait3A_192 = tpu.memref_squeeze %dma_wait3A_191 : memref<1x128xi32, #tpu.memory_space<vmem>> -> memref<128xi32, #tpu.memory_space<vmem>>
    %dma_wait3A_193 = arith.constant 0 : i32
    %dma_wait3A_194 = arith.constant 0 : i32
    %dma_wait3A_195 = tpu.memref_slice %arg10[%dma_wait3A_193, %dma_wait3A_194] : memref<10240x128xf32, #tpu.memory_space<vmem_shared>> -> memref<10240x128xf32, #tpu.memory_space<vmem_shared>>
    tpu.wait_indirect_dma semaphore(%arg21 : memref<!tpu.dma_semaphore, #tpu.memory_space<semaphore_mem>>) src(%dma_wait3A_189 : memref<128x128xf32, #tpu.memory_space<vmem>>) dst(%dma_wait3A_195 : memref<10240x128xf32, #tpu.memory_space<vmem_shared>>)
    %dma_wait3A_196 = arith.constant 1 : i32
    %dma_wait3A_197 = arith.constant 3 : i32
    %dma_wait3A_198 = arith.constant 0 : i32
    %dma_wait3A_199 = arith.constant 0 : i32
    %dma_wait3A_200 = tpu.memref_slice %arg9[%dma_wait3A_196, %dma_wait3A_198, %dma_wait3A_199] : memref<2x128x128xf32, #tpu.memory_space<vmem>> -> memref<1x128x128xf32, #tpu.memory_space<vmem>>
    %dma_wait3A_201 = tpu.memref_squeeze %dma_wait3A_200 : memref<1x128x128xf32, #tpu.memory_space<vmem>> -> memref<128x128xf32, #tpu.memory_space<vmem>>
    %dma_wait3A_202 = arith.constant 0 : i32
    %dma_wait3A_203 = tpu.memref_slice %arg8[%dma_wait3A_197, %dma_wait3A_202] : memref<4x128xi32, #tpu.memory_space<vmem>> -> memref<1x128xi32, #tpu.memory_space<vmem>>
    %dma_wait3A_204 = tpu.memref_squeeze %dma_wait3A_203 : memref<1x128xi32, #tpu.memory_space<vmem>> -> memref<128xi32, #tpu.memory_space<vmem>>
    %dma_wait3A_205 = arith.constant 0 : i32
    %dma_wait3A_206 = arith.constant 0 : i32
    %dma_wait3A_207 = tpu.memref_slice %arg10[%dma_wait3A_205, %dma_wait3A_206] : memref<10240x128xf32, #tpu.memory_space<vmem_shared>> -> memref<10240x128xf32, #tpu.memory_space<vmem_shared>>
    tpu.wait_indirect_dma semaphore(%arg22 : memref<!tpu.dma_semaphore, #tpu.memory_space<semaphore_mem>>) src(%dma_wait3A_201 : memref<128x128xf32, #tpu.memory_space<vmem>>) dst(%dma_wait3A_207 : memref<10240x128xf32, #tpu.memory_space<vmem_shared>>)
    %barrier3A_208 = arith.constant 0 : index
    tpu.barrier barrier_id(%barrier3A_208)
    %mul3A_209 = arith.constant 640 : i32
    %mul3A_210 = arith.muli %arg1, %mul3A_209 : i32
    %multiple_of3A = tpu.assume_multiple %mul3A_210, 128 : i32
    %eq3A = arith.constant 0 : i32
    %eq3A_211 = arith.cmpi eq, %arg0, %eq3A : i32
    %convert_element_type3A = arith.extui %eq3A_211 : i1 to i32
    %cond3A = arith.constant 0 : i32
    %cond3A_212 = arith.cmpi ne, %convert_element_type3A, %cond3A : i32
    scf.if %cond3A_212 {
      "tpu.region"() ({
        %run_scoped3A_218 = tpu.sem_alloc : memref<!tpu.dma_semaphore, #tpu.memory_space<semaphore_mem>>
        %dma_start3A_219 = arith.constant 0 : i32
        %dma_start3A_220 = tpu.memref_slice %arg5[%multiple_of3A, %dma_start3A_219] : memref<10240x128xf32, #tpu.memory_space<hbm>> -> memref<640x128xf32, #tpu.memory_space<hbm>>
        %dma_start3A_221 = arith.constant 0 : i32
        %dma_start3A_222 = tpu.memref_slice %arg10[%multiple_of3A, %dma_start3A_221] : memref<10240x128xf32, #tpu.memory_space<vmem_shared>> -> memref<640x128xf32, #tpu.memory_space<vmem_shared>>
        tpu.enqueue_dma source(%dma_start3A_222 : memref<640x128xf32, #tpu.memory_space<vmem_shared>>) target(%dma_start3A_220 : memref<640x128xf32, #tpu.memory_space<hbm>>) target_semaphore(%run_scoped3A_218 : memref<!tpu.dma_semaphore, #tpu.memory_space<semaphore_mem>>)
        %dma_wait3A_223 = arith.constant 0 : i32
        %dma_wait3A_224 = tpu.memref_slice %arg5[%multiple_of3A, %dma_wait3A_223] : memref<10240x128xf32, #tpu.memory_space<hbm>> -> memref<640x128xf32, #tpu.memory_space<hbm>>
        %dma_wait3A_225 = arith.constant 0 : i32
        %dma_wait3A_226 = tpu.memref_slice %arg10[%multiple_of3A, %dma_wait3A_225] : memref<10240x128xf32, #tpu.memory_space<vmem_shared>> -> memref<640x128xf32, #tpu.memory_space<vmem_shared>>
        tpu.wait_dma2 semaphore(%run_scoped3A_218 : memref<!tpu.dma_semaphore, #tpu.memory_space<semaphore_mem>>) src(%dma_wait3A_226 : memref<640x128xf32, #tpu.memory_space<vmem_shared>>) dst(%dma_wait3A_224 : memref<640x128xf32, #tpu.memory_space<hbm>>)
        tpu.yield
      }) : () -> ()
    } else {
    }
    %eq3A_213 = arith.constant 1 : i32
    %eq3A_214 = arith.cmpi eq, %arg0, %eq3A_213 : i32
    %convert_element_type3A_215 = arith.extui %eq3A_214 : i1 to i32
    %cond3A_216 = arith.constant 0 : i32
    %cond3A_217 = arith.cmpi ne, %convert_element_type3A_215, %cond3A_216 : i32
    scf.if %cond3A_217 {
      "tpu.region"() ({
        %run_scoped3A_218 = tpu.sem_alloc : memref<!tpu.dma_semaphore, #tpu.memory_space<semaphore_mem>>
        %dma_start3A_219 = arith.constant 0 : i32
        %dma_start3A_220 = tpu.memref_slice %arg6[%multiple_of3A, %dma_start3A_219] : memref<10240x128xf32, #tpu.memory_space<hbm>> -> memref<640x128xf32, #tpu.memory_space<hbm>>
        %dma_start3A_221 = arith.constant 0 : i32
        %dma_start3A_222 = tpu.memref_slice %arg10[%multiple_of3A, %dma_start3A_221] : memref<10240x128xf32, #tpu.memory_space<vmem_shared>> -> memref<640x128xf32, #tpu.memory_space<vmem_shared>>
        tpu.enqueue_dma source(%dma_start3A_222 : memref<640x128xf32, #tpu.memory_space<vmem_shared>>) target(%dma_start3A_220 : memref<640x128xf32, #tpu.memory_space<hbm>>) target_semaphore(%run_scoped3A_218 : memref<!tpu.dma_semaphore, #tpu.memory_space<semaphore_mem>>)
        %dma_wait3A_223 = arith.constant 0 : i32
        %dma_wait3A_224 = tpu.memref_slice %arg6[%multiple_of3A, %dma_wait3A_223] : memref<10240x128xf32, #tpu.memory_space<hbm>> -> memref<640x128xf32, #tpu.memory_space<hbm>>
        %dma_wait3A_225 = arith.constant 0 : i32
        %dma_wait3A_226 = tpu.memref_slice %arg10[%multiple_of3A, %dma_wait3A_225] : memref<10240x128xf32, #tpu.memory_space<vmem_shared>> -> memref<640x128xf32, #tpu.memory_space<vmem_shared>>
        tpu.wait_dma2 semaphore(%run_scoped3A_218 : memref<!tpu.dma_semaphore, #tpu.memory_space<semaphore_mem>>) src(%dma_wait3A_226 : memref<640x128xf32, #tpu.memory_space<vmem_shared>>) dst(%dma_wait3A_224 : memref<640x128xf32, #tpu.memory_space<hbm>>)
        tpu.yield
      }) : () -> ()
    } else {
    }
    return
  }
}

#map = affine_map<(d0, d1) -> (0, 0)>
#map1 = affine_map<(d0, d1) -> (0, 0, 0)>
module attributes {stable_mosaic.version = 14 : i64} {
  func.func @agg_kernel(%arg0: i32, %arg1: i32, %arg2: memref<10000x128xf32, #tpu.memory_space<hbm>>, %arg3: memref<32x80x128xi32, #tpu.memory_space<hbm>>, %arg4: memref<32x80x128xi32, #tpu.memory_space<hbm>>, %arg5: memref<10240x128xf32, #tpu.memory_space<hbm>>, %arg6: memref<10240x128xf32, #tpu.memory_space<hbm>>, %arg7: memref<4x128xi32, #tpu.memory_space<vmem>>, %arg8: memref<4x128xi32, #tpu.memory_space<vmem>>, %arg9: memref<2x128x128xf32, #tpu.memory_space<vmem>>, %arg10: memref<10240x128xf32, #tpu.memory_space<vmem_shared>>, %arg11: memref<!tpu.dma_semaphore, #tpu.memory_space<semaphore_mem>>, %arg12: memref<!tpu.dma_semaphore, #tpu.memory_space<semaphore_mem>>, %arg13: memref<!tpu.dma_semaphore, #tpu.memory_space<semaphore_mem>>, %arg14: memref<!tpu.dma_semaphore, #tpu.memory_space<semaphore_mem>>, %arg15: memref<!tpu.dma_semaphore, #tpu.memory_space<semaphore_mem>>, %arg16: memref<!tpu.dma_semaphore, #tpu.memory_space<semaphore_mem>>, %arg17: memref<!tpu.dma_semaphore, #tpu.memory_space<semaphore_mem>>, %arg18: memref<!tpu.dma_semaphore, #tpu.memory_space<semaphore_mem>>, %arg19: memref<!tpu.dma_semaphore, #tpu.memory_space<semaphore_mem>>, %arg20: memref<!tpu.dma_semaphore, #tpu.memory_space<semaphore_mem>>, %arg21: memref<!tpu.dma_semaphore, #tpu.memory_space<semaphore_mem>>, %arg22: memref<!tpu.dma_semaphore, #tpu.memory_space<semaphore_mem>>) attributes {dimension_semantics = [#tpu.dimension_semantics<core_parallel>, #tpu.dimension_semantics<subcore_parallel>], iteration_bounds = array<i64: 2, 16>, scalar_prefetch = 0 : i64, scratch_operands = 16 : i64, tpu.core_type = #tpu.core_type<sc_vector_subcore>, window_params = [{transform_indices = #map}, {transform_indices = #map1}, {transform_indices = #map1}, {transform_indices = #map}, {transform_indices = #map}]} {
    %mul3A = arith.constant 2 : i32
    %mul3A_0 = arith.muli %arg1, %mul3A : i32
    %add3A = arith.addi %mul3A_0, %arg0 : i32
    %dma_start3A = arith.constant 0 : i32
    %dma_start3A_1 = arith.constant 0 : i32
    %dma_start3A_2 = arith.constant 0 : i32
    %dma_start3A_3 = tpu.memref_slice %arg7[%dma_start3A_1, %dma_start3A_2] : memref<4x128xi32, #tpu.memory_space<vmem>> -> memref<1x128xi32, #tpu.memory_space<vmem>>
    %dma_start3A_4 = tpu.memref_squeeze %dma_start3A_3 : memref<1x128xi32, #tpu.memory_space<vmem>> -> memref<128xi32, #tpu.memory_space<vmem>>
    %dma_start3A_5 = arith.constant 0 : i32
    %dma_start3A_6 = tpu.memref_slice %arg3[%add3A, %dma_start3A, %dma_start3A_5] : memref<32x80x128xi32, #tpu.memory_space<hbm>> -> memref<1x1x128xi32, #tpu.memory_space<hbm>>
    %dma_start3A_7 = tpu.memref_squeeze %dma_start3A_6 : memref<1x1x128xi32, #tpu.memory_space<hbm>> -> memref<128xi32, #tpu.memory_space<hbm>>
    %dma_start3A_8 = arith.constant 0 : i32
    %dma_start3A_9 = tpu.memref_slice %arg7[%dma_start3A_1, %dma_start3A_8] : memref<4x128xi32, #tpu.memory_space<vmem>> -> memref<1x128xi32, #tpu.memory_space<vmem>>
    %dma_start3A_10 = tpu.memref_squeeze %dma_start3A_9 : memref<1x128xi32, #tpu.memory_space<vmem>> -> memref<128xi32, #tpu.memory_space<vmem>>
    %dma_start3A_11 = arith.constant 0 : i32
    %dma_start3A_12 = tpu.memref_slice %arg3[%add3A, %dma_start3A, %dma_start3A_11] : memref<32x80x128xi32, #tpu.memory_space<hbm>> -> memref<1x1x128xi32, #tpu.memory_space<hbm>>
    %dma_start3A_13 = tpu.memref_squeeze %dma_start3A_12 : memref<1x1x128xi32, #tpu.memory_space<hbm>> -> memref<128xi32, #tpu.memory_space<hbm>>
    tpu.enqueue_dma source(%dma_start3A_13 : memref<128xi32, #tpu.memory_space<hbm>>) target(%dma_start3A_10 : memref<128xi32, #tpu.memory_space<vmem>>) target_semaphore(%arg11 : memref<!tpu.dma_semaphore, #tpu.memory_space<semaphore_mem>>)
    %dma_start3A_14 = arith.constant 0 : i32
    %dma_start3A_15 = arith.constant 0 : i32
    %dma_start3A_16 = arith.constant 0 : i32
    %dma_start3A_17 = tpu.memref_slice %arg8[%dma_start3A_15, %dma_start3A_16] : memref<4x128xi32, #tpu.memory_space<vmem>> -> memref<1x128xi32, #tpu.memory_space<vmem>>
    %dma_start3A_18 = tpu.memref_squeeze %dma_start3A_17 : memref<1x128xi32, #tpu.memory_space<vmem>> -> memref<128xi32, #tpu.memory_space<vmem>>
    %dma_start3A_19 = arith.constant 0 : i32
    %dma_start3A_20 = tpu.memref_slice %arg4[%add3A, %dma_start3A_14, %dma_start3A_19] : memref<32x80x128xi32, #tpu.memory_space<hbm>> -> memref<1x1x128xi32, #tpu.memory_space<hbm>>
    %dma_start3A_21 = tpu.memref_squeeze %dma_start3A_20 : memref<1x1x128xi32, #tpu.memory_space<hbm>> -> memref<128xi32, #tpu.memory_space<hbm>>
    %dma_start3A_22 = arith.constant 0 : i32
    %dma_start3A_23 = tpu.memref_slice %arg8[%dma_start3A_15, %dma_start3A_22] : memref<4x128xi32, #tpu.memory_space<vmem>> -> memref<1x128xi32, #tpu.memory_space<vmem>>
    %dma_start3A_24 = tpu.memref_squeeze %dma_start3A_23 : memref<1x128xi32, #tpu.memory_space<vmem>> -> memref<128xi32, #tpu.memory_space<vmem>>
    %dma_start3A_25 = arith.constant 0 : i32
    %dma_start3A_26 = tpu.memref_slice %arg4[%add3A, %dma_start3A_14, %dma_start3A_25] : memref<32x80x128xi32, #tpu.memory_space<hbm>> -> memref<1x1x128xi32, #tpu.memory_space<hbm>>
    %dma_start3A_27 = tpu.memref_squeeze %dma_start3A_26 : memref<1x1x128xi32, #tpu.memory_space<hbm>> -> memref<128xi32, #tpu.memory_space<hbm>>
    tpu.enqueue_dma source(%dma_start3A_27 : memref<128xi32, #tpu.memory_space<hbm>>) target(%dma_start3A_24 : memref<128xi32, #tpu.memory_space<vmem>>) target_semaphore(%arg15 : memref<!tpu.dma_semaphore, #tpu.memory_space<semaphore_mem>>)
    %dma_start3A_28 = arith.constant 1 : i32
    %dma_start3A_29 = arith.constant 1 : i32
    %dma_start3A_30 = arith.constant 0 : i32
    %dma_start3A_31 = tpu.memref_slice %arg7[%dma_start3A_29, %dma_start3A_30] : memref<4x128xi32, #tpu.memory_space<vmem>> -> memref<1x128xi32, #tpu.memory_space<vmem>>
    %dma_start3A_32 = tpu.memref_squeeze %dma_start3A_31 : memref<1x128xi32, #tpu.memory_space<vmem>> -> memref<128xi32, #tpu.memory_space<vmem>>
    %dma_start3A_33 = arith.constant 0 : i32
    %dma_start3A_34 = tpu.memref_slice %arg3[%add3A, %dma_start3A_28, %dma_start3A_33] : memref<32x80x128xi32, #tpu.memory_space<hbm>> -> memref<1x1x128xi32, #tpu.memory_space<hbm>>
    %dma_start3A_35 = tpu.memref_squeeze %dma_start3A_34 : memref<1x1x128xi32, #tpu.memory_space<hbm>> -> memref<128xi32, #tpu.memory_space<hbm>>
    %dma_start3A_36 = arith.constant 0 : i32
    %dma_start3A_37 = tpu.memref_slice %arg7[%dma_start3A_29, %dma_start3A_36] : memref<4x128xi32, #tpu.memory_space<vmem>> -> memref<1x128xi32, #tpu.memory_space<vmem>>
    %dma_start3A_38 = tpu.memref_squeeze %dma_start3A_37 : memref<1x128xi32, #tpu.memory_space<vmem>> -> memref<128xi32, #tpu.memory_space<vmem>>
    %dma_start3A_39 = arith.constant 0 : i32
    %dma_start3A_40 = tpu.memref_slice %arg3[%add3A, %dma_start3A_28, %dma_start3A_39] : memref<32x80x128xi32, #tpu.memory_space<hbm>> -> memref<1x1x128xi32, #tpu.memory_space<hbm>>
    %dma_start3A_41 = tpu.memref_squeeze %dma_start3A_40 : memref<1x1x128xi32, #tpu.memory_space<hbm>> -> memref<128xi32, #tpu.memory_space<hbm>>
    tpu.enqueue_dma source(%dma_start3A_41 : memref<128xi32, #tpu.memory_space<hbm>>) target(%dma_start3A_38 : memref<128xi32, #tpu.memory_space<vmem>>) target_semaphore(%arg12 : memref<!tpu.dma_semaphore, #tpu.memory_space<semaphore_mem>>)
    %dma_start3A_42 = arith.constant 1 : i32
    %dma_start3A_43 = arith.constant 1 : i32
    %dma_start3A_44 = arith.constant 0 : i32
    %dma_start3A_45 = tpu.memref_slice %arg8[%dma_start3A_43, %dma_start3A_44] : memref<4x128xi32, #tpu.memory_space<vmem>> -> memref<1x128xi32, #tpu.memory_space<vmem>>
    %dma_start3A_46 = tpu.memref_squeeze %dma_start3A_45 : memref<1x128xi32, #tpu.memory_space<vmem>> -> memref<128xi32, #tpu.memory_space<vmem>>
    %dma_start3A_47 = arith.constant 0 : i32
    %dma_start3A_48 = tpu.memref_slice %arg4[%add3A, %dma_start3A_42, %dma_start3A_47] : memref<32x80x128xi32, #tpu.memory_space<hbm>> -> memref<1x1x128xi32, #tpu.memory_space<hbm>>
    %dma_start3A_49 = tpu.memref_squeeze %dma_start3A_48 : memref<1x1x128xi32, #tpu.memory_space<hbm>> -> memref<128xi32, #tpu.memory_space<hbm>>
    %dma_start3A_50 = arith.constant 0 : i32
    %dma_start3A_51 = tpu.memref_slice %arg8[%dma_start3A_43, %dma_start3A_50] : memref<4x128xi32, #tpu.memory_space<vmem>> -> memref<1x128xi32, #tpu.memory_space<vmem>>
    %dma_start3A_52 = tpu.memref_squeeze %dma_start3A_51 : memref<1x128xi32, #tpu.memory_space<vmem>> -> memref<128xi32, #tpu.memory_space<vmem>>
    %dma_start3A_53 = arith.constant 0 : i32
    %dma_start3A_54 = tpu.memref_slice %arg4[%add3A, %dma_start3A_42, %dma_start3A_53] : memref<32x80x128xi32, #tpu.memory_space<hbm>> -> memref<1x1x128xi32, #tpu.memory_space<hbm>>
    %dma_start3A_55 = tpu.memref_squeeze %dma_start3A_54 : memref<1x1x128xi32, #tpu.memory_space<hbm>> -> memref<128xi32, #tpu.memory_space<hbm>>
    tpu.enqueue_dma source(%dma_start3A_55 : memref<128xi32, #tpu.memory_space<hbm>>) target(%dma_start3A_52 : memref<128xi32, #tpu.memory_space<vmem>>) target_semaphore(%arg16 : memref<!tpu.dma_semaphore, #tpu.memory_space<semaphore_mem>>)
    %dma_start3A_56 = arith.constant 2 : i32
    %dma_start3A_57 = arith.constant 2 : i32
    %dma_start3A_58 = arith.constant 0 : i32
    %dma_start3A_59 = tpu.memref_slice %arg7[%dma_start3A_57, %dma_start3A_58] : memref<4x128xi32, #tpu.memory_space<vmem>> -> memref<1x128xi32, #tpu.memory_space<vmem>>
    %dma_start3A_60 = tpu.memref_squeeze %dma_start3A_59 : memref<1x128xi32, #tpu.memory_space<vmem>> -> memref<128xi32, #tpu.memory_space<vmem>>
    %dma_start3A_61 = arith.constant 0 : i32
    %dma_start3A_62 = tpu.memref_slice %arg3[%add3A, %dma_start3A_56, %dma_start3A_61] : memref<32x80x128xi32, #tpu.memory_space<hbm>> -> memref<1x1x128xi32, #tpu.memory_space<hbm>>
    %dma_start3A_63 = tpu.memref_squeeze %dma_start3A_62 : memref<1x1x128xi32, #tpu.memory_space<hbm>> -> memref<128xi32, #tpu.memory_space<hbm>>
    %dma_start3A_64 = arith.constant 0 : i32
    %dma_start3A_65 = tpu.memref_slice %arg7[%dma_start3A_57, %dma_start3A_64] : memref<4x128xi32, #tpu.memory_space<vmem>> -> memref<1x128xi32, #tpu.memory_space<vmem>>
    %dma_start3A_66 = tpu.memref_squeeze %dma_start3A_65 : memref<1x128xi32, #tpu.memory_space<vmem>> -> memref<128xi32, #tpu.memory_space<vmem>>
    %dma_start3A_67 = arith.constant 0 : i32
    %dma_start3A_68 = tpu.memref_slice %arg3[%add3A, %dma_start3A_56, %dma_start3A_67] : memref<32x80x128xi32, #tpu.memory_space<hbm>> -> memref<1x1x128xi32, #tpu.memory_space<hbm>>
    %dma_start3A_69 = tpu.memref_squeeze %dma_start3A_68 : memref<1x1x128xi32, #tpu.memory_space<hbm>> -> memref<128xi32, #tpu.memory_space<hbm>>
    tpu.enqueue_dma source(%dma_start3A_69 : memref<128xi32, #tpu.memory_space<hbm>>) target(%dma_start3A_66 : memref<128xi32, #tpu.memory_space<vmem>>) target_semaphore(%arg13 : memref<!tpu.dma_semaphore, #tpu.memory_space<semaphore_mem>>)
    %dma_start3A_70 = arith.constant 2 : i32
    %dma_start3A_71 = arith.constant 2 : i32
    %dma_start3A_72 = arith.constant 0 : i32
    %dma_start3A_73 = tpu.memref_slice %arg8[%dma_start3A_71, %dma_start3A_72] : memref<4x128xi32, #tpu.memory_space<vmem>> -> memref<1x128xi32, #tpu.memory_space<vmem>>
    %dma_start3A_74 = tpu.memref_squeeze %dma_start3A_73 : memref<1x128xi32, #tpu.memory_space<vmem>> -> memref<128xi32, #tpu.memory_space<vmem>>
    %dma_start3A_75 = arith.constant 0 : i32
    %dma_start3A_76 = tpu.memref_slice %arg4[%add3A, %dma_start3A_70, %dma_start3A_75] : memref<32x80x128xi32, #tpu.memory_space<hbm>> -> memref<1x1x128xi32, #tpu.memory_space<hbm>>
    %dma_start3A_77 = tpu.memref_squeeze %dma_start3A_76 : memref<1x1x128xi32, #tpu.memory_space<hbm>> -> memref<128xi32, #tpu.memory_space<hbm>>
    %dma_start3A_78 = arith.constant 0 : i32
    %dma_start3A_79 = tpu.memref_slice %arg8[%dma_start3A_71, %dma_start3A_78] : memref<4x128xi32, #tpu.memory_space<vmem>> -> memref<1x128xi32, #tpu.memory_space<vmem>>
    %dma_start3A_80 = tpu.memref_squeeze %dma_start3A_79 : memref<1x128xi32, #tpu.memory_space<vmem>> -> memref<128xi32, #tpu.memory_space<vmem>>
    %dma_start3A_81 = arith.constant 0 : i32
    %dma_start3A_82 = tpu.memref_slice %arg4[%add3A, %dma_start3A_70, %dma_start3A_81] : memref<32x80x128xi32, #tpu.memory_space<hbm>> -> memref<1x1x128xi32, #tpu.memory_space<hbm>>
    %dma_start3A_83 = tpu.memref_squeeze %dma_start3A_82 : memref<1x1x128xi32, #tpu.memory_space<hbm>> -> memref<128xi32, #tpu.memory_space<hbm>>
    tpu.enqueue_dma source(%dma_start3A_83 : memref<128xi32, #tpu.memory_space<hbm>>) target(%dma_start3A_80 : memref<128xi32, #tpu.memory_space<vmem>>) target_semaphore(%arg17 : memref<!tpu.dma_semaphore, #tpu.memory_space<semaphore_mem>>)
    %dma_start3A_84 = arith.constant 3 : i32
    %dma_start3A_85 = arith.constant 3 : i32
    %dma_start3A_86 = arith.constant 0 : i32
    %dma_start3A_87 = tpu.memref_slice %arg7[%dma_start3A_85, %dma_start3A_86] : memref<4x128xi32, #tpu.memory_space<vmem>> -> memref<1x128xi32, #tpu.memory_space<vmem>>
    %dma_start3A_88 = tpu.memref_squeeze %dma_start3A_87 : memref<1x128xi32, #tpu.memory_space<vmem>> -> memref<128xi32, #tpu.memory_space<vmem>>
    %dma_start3A_89 = arith.constant 0 : i32
    %dma_start3A_90 = tpu.memref_slice %arg3[%add3A, %dma_start3A_84, %dma_start3A_89] : memref<32x80x128xi32, #tpu.memory_space<hbm>> -> memref<1x1x128xi32, #tpu.memory_space<hbm>>
    %dma_start3A_91 = tpu.memref_squeeze %dma_start3A_90 : memref<1x1x128xi32, #tpu.memory_space<hbm>> -> memref<128xi32, #tpu.memory_space<hbm>>
    %dma_start3A_92 = arith.constant 0 : i32
    %dma_start3A_93 = tpu.memref_slice %arg7[%dma_start3A_85, %dma_start3A_92] : memref<4x128xi32, #tpu.memory_space<vmem>> -> memref<1x128xi32, #tpu.memory_space<vmem>>
    %dma_start3A_94 = tpu.memref_squeeze %dma_start3A_93 : memref<1x128xi32, #tpu.memory_space<vmem>> -> memref<128xi32, #tpu.memory_space<vmem>>
    %dma_start3A_95 = arith.constant 0 : i32
    %dma_start3A_96 = tpu.memref_slice %arg3[%add3A, %dma_start3A_84, %dma_start3A_95] : memref<32x80x128xi32, #tpu.memory_space<hbm>> -> memref<1x1x128xi32, #tpu.memory_space<hbm>>
    %dma_start3A_97 = tpu.memref_squeeze %dma_start3A_96 : memref<1x1x128xi32, #tpu.memory_space<hbm>> -> memref<128xi32, #tpu.memory_space<hbm>>
    tpu.enqueue_dma source(%dma_start3A_97 : memref<128xi32, #tpu.memory_space<hbm>>) target(%dma_start3A_94 : memref<128xi32, #tpu.memory_space<vmem>>) target_semaphore(%arg14 : memref<!tpu.dma_semaphore, #tpu.memory_space<semaphore_mem>>)
    %dma_start3A_98 = arith.constant 3 : i32
    %dma_start3A_99 = arith.constant 3 : i32
    %dma_start3A_100 = arith.constant 0 : i32
    %dma_start3A_101 = tpu.memref_slice %arg8[%dma_start3A_99, %dma_start3A_100] : memref<4x128xi32, #tpu.memory_space<vmem>> -> memref<1x128xi32, #tpu.memory_space<vmem>>
    %dma_start3A_102 = tpu.memref_squeeze %dma_start3A_101 : memref<1x128xi32, #tpu.memory_space<vmem>> -> memref<128xi32, #tpu.memory_space<vmem>>
    %dma_start3A_103 = arith.constant 0 : i32
    %dma_start3A_104 = tpu.memref_slice %arg4[%add3A, %dma_start3A_98, %dma_start3A_103] : memref<32x80x128xi32, #tpu.memory_space<hbm>> -> memref<1x1x128xi32, #tpu.memory_space<hbm>>
    %dma_start3A_105 = tpu.memref_squeeze %dma_start3A_104 : memref<1x1x128xi32, #tpu.memory_space<hbm>> -> memref<128xi32, #tpu.memory_space<hbm>>
    %dma_start3A_106 = arith.constant 0 : i32
    %dma_start3A_107 = tpu.memref_slice %arg8[%dma_start3A_99, %dma_start3A_106] : memref<4x128xi32, #tpu.memory_space<vmem>> -> memref<1x128xi32, #tpu.memory_space<vmem>>
    %dma_start3A_108 = tpu.memref_squeeze %dma_start3A_107 : memref<1x128xi32, #tpu.memory_space<vmem>> -> memref<128xi32, #tpu.memory_space<vmem>>
    %dma_start3A_109 = arith.constant 0 : i32
    %dma_start3A_110 = tpu.memref_slice %arg4[%add3A, %dma_start3A_98, %dma_start3A_109] : memref<32x80x128xi32, #tpu.memory_space<hbm>> -> memref<1x1x128xi32, #tpu.memory_space<hbm>>
    %dma_start3A_111 = tpu.memref_squeeze %dma_start3A_110 : memref<1x1x128xi32, #tpu.memory_space<hbm>> -> memref<128xi32, #tpu.memory_space<hbm>>
    tpu.enqueue_dma source(%dma_start3A_111 : memref<128xi32, #tpu.memory_space<hbm>>) target(%dma_start3A_108 : memref<128xi32, #tpu.memory_space<vmem>>) target_semaphore(%arg18 : memref<!tpu.dma_semaphore, #tpu.memory_space<semaphore_mem>>)
    %scan3A = arith.constant 0 : i32
    %scan3A_112 = arith.constant 0 : i32
    %scan3A_113 = arith.constant 128 : i32
    %scan3A_114 = arith.addi %scan3A_112, %scan3A_113 : i32
    %scan3A_115 = arith.constant 1 : i32
    scf.for %scan3A_218 = %scan3A_112 to %scan3A_114 step %scan3A_115  : i32 {
      %broadcast_in_dim3A = arith.constant 0.000000e+00 : f32
      %broadcast_in_dim3A_219 = vector.broadcast %broadcast_in_dim3A : f32 to vector<16xf32>
      %swap3A = arith.constant 0 : i32
      %swap3A_220 = arith.index_cast %swap3A : i32 to index
      %swap3A_221 = arith.index_cast %scan3A_218 : i32 to index
      %swap3A_222 = arith.constant 0 : index
      %swap3A_223 = tpu.vector_load %arg9[%swap3A_220, %swap3A_221, %swap3A_222] {strides = array<i32>} : memref<2x128x128xf32, #tpu.memory_space<vmem>>, vector<1x1x16xf32>,
      %swap3A_224 = vector.shape_cast %swap3A_223 : vector<1x1x16xf32> to vector<16xf32>
      %swap3A_225 = vector.shape_cast %broadcast_in_dim3A_219 : vector<16xf32> to vector<1x1x16xf32>
      tpu.vector_store %arg9[%swap3A_220, %swap3A_221, %swap3A_222], %swap3A_225 {strides = array<i32>} : memref<2x128x128xf32, #tpu.memory_space<vmem>>, vector<1x1x16xf32>,
      %broadcast_in_dim3A_226 = arith.constant 0.000000e+00 : f32
      %broadcast_in_dim3A_227 = vector.broadcast %broadcast_in_dim3A_226 : f32 to vector<16xf32>
      %swap3A_228 = arith.constant 0 : i32
      %swap3A_229 = arith.index_cast %swap3A_228 : i32 to index
      %swap3A_230 = arith.index_cast %scan3A_218 : i32 to index
      %swap3A_231 = arith.constant 16 : index
      %swap3A_232 = tpu.vector_load %arg9[%swap3A_229, %swap3A_230, %swap3A_231] {strides = array<i32>} : memref<2x128x128xf32, #tpu.memory_space<vmem>>, vector<1x1x16xf32>,
      %swap3A_233 = vector.shape_cast %swap3A_232 : vector<1x1x16xf32> to vector<16xf32>
      %swap3A_234 = vector.shape_cast %broadcast_in_dim3A_227 : vector<16xf32> to vector<1x1x16xf32>
      tpu.vector_store %arg9[%swap3A_229, %swap3A_230, %swap3A_231], %swap3A_234 {strides = array<i32>} : memref<2x128x128xf32, #tpu.memory_space<vmem>>, vector<1x1x16xf32>,
      %broadcast_in_dim3A_235 = arith.constant 0.000000e+00 : f32
      %broadcast_in_dim3A_236 = vector.broadcast %broadcast_in_dim3A_235 : f32 to vector<16xf32>
      %swap3A_237 = arith.constant 0 : i32
      %swap3A_238 = arith.index_cast %swap3A_237 : i32 to index
      %swap3A_239 = arith.index_cast %scan3A_218 : i32 to index
      %swap3A_240 = arith.constant 32 : index
      %swap3A_241 = tpu.vector_load %arg9[%swap3A_238, %swap3A_239, %swap3A_240] {strides = array<i32>} : memref<2x128x128xf32, #tpu.memory_space<vmem>>, vector<1x1x16xf32>,
      %swap3A_242 = vector.shape_cast %swap3A_241 : vector<1x1x16xf32> to vector<16xf32>
      %swap3A_243 = vector.shape_cast %broadcast_in_dim3A_236 : vector<16xf32> to vector<1x1x16xf32>
      tpu.vector_store %arg9[%swap3A_238, %swap3A_239, %swap3A_240], %swap3A_243 {strides = array<i32>} : memref<2x128x128xf32, #tpu.memory_space<vmem>>, vector<1x1x16xf32>,
      %broadcast_in_dim3A_244 = arith.constant 0.000000e+00 : f32
      %broadcast_in_dim3A_245 = vector.broadcast %broadcast_in_dim3A_244 : f32 to vector<16xf32>
      %swap3A_246 = arith.constant 0 : i32
      %swap3A_247 = arith.index_cast %swap3A_246 : i32 to index
      %swap3A_248 = arith.index_cast %scan3A_218 : i32 to index
      %swap3A_249 = arith.constant 48 : index
      %swap3A_250 = tpu.vector_load %arg9[%swap3A_247, %swap3A_248, %swap3A_249] {strides = array<i32>} : memref<2x128x128xf32, #tpu.memory_space<vmem>>, vector<1x1x16xf32>,
      %swap3A_251 = vector.shape_cast %swap3A_250 : vector<1x1x16xf32> to vector<16xf32>
      %swap3A_252 = vector.shape_cast %broadcast_in_dim3A_245 : vector<16xf32> to vector<1x1x16xf32>
      tpu.vector_store %arg9[%swap3A_247, %swap3A_248, %swap3A_249], %swap3A_252 {strides = array<i32>} : memref<2x128x128xf32, #tpu.memory_space<vmem>>, vector<1x1x16xf32>,
      %broadcast_in_dim3A_253 = arith.constant 0.000000e+00 : f32
      %broadcast_in_dim3A_254 = vector.broadcast %broadcast_in_dim3A_253 : f32 to vector<16xf32>
      %swap3A_255 = arith.constant 0 : i32
      %swap3A_256 = arith.index_cast %swap3A_255 : i32 to index
      %swap3A_257 = arith.index_cast %scan3A_218 : i32 to index
      %swap3A_258 = arith.constant 64 : index
      %swap3A_259 = tpu.vector_load %arg9[%swap3A_256, %swap3A_257, %swap3A_258] {strides = array<i32>} : memref<2x128x128xf32, #tpu.memory_space<vmem>>, vector<1x1x16xf32>,
      %swap3A_260 = vector.shape_cast %swap3A_259 : vector<1x1x16xf32> to vector<16xf32>
      %swap3A_261 = vector.shape_cast %broadcast_in_dim3A_254 : vector<16xf32> to vector<1x1x16xf32>
      tpu.vector_store %arg9[%swap3A_256, %swap3A_257, %swap3A_258], %swap3A_261 {strides = array<i32>} : memref<2x128x128xf32, #tpu.memory_space<vmem>>, vector<1x1x16xf32>,
      %broadcast_in_dim3A_262 = arith.constant 0.000000e+00 : f32
      %broadcast_in_dim3A_263 = vector.broadcast %broadcast_in_dim3A_262 : f32 to vector<16xf32>
      %swap3A_264 = arith.constant 0 : i32
      %swap3A_265 = arith.index_cast %swap3A_264 : i32 to index
      %swap3A_266 = arith.index_cast %scan3A_218 : i32 to index
      %swap3A_267 = arith.constant 80 : index
      %swap3A_268 = tpu.vector_load %arg9[%swap3A_265, %swap3A_266, %swap3A_267] {strides = array<i32>} : memref<2x128x128xf32, #tpu.memory_space<vmem>>, vector<1x1x16xf32>,
      %swap3A_269 = vector.shape_cast %swap3A_268 : vector<1x1x16xf32> to vector<16xf32>
      %swap3A_270 = vector.shape_cast %broadcast_in_dim3A_263 : vector<16xf32> to vector<1x1x16xf32>
      tpu.vector_store %arg9[%swap3A_265, %swap3A_266, %swap3A_267], %swap3A_270 {strides = array<i32>} : memref<2x128x128xf32, #tpu.memory_space<vmem>>, vector<1x1x16xf32>,
      %broadcast_in_dim3A_271 = arith.constant 0.000000e+00 : f32
      %broadcast_in_dim3A_272 = vector.broadcast %broadcast_in_dim3A_271 : f32 to vector<16xf32>
      %swap3A_273 = arith.constant 0 : i32
      %swap3A_274 = arith.index_cast %swap3A_273 : i32 to index
      %swap3A_275 = arith.index_cast %scan3A_218 : i32 to index
      %swap3A_276 = arith.constant 96 : index
      %swap3A_277 = tpu.vector_load %arg9[%swap3A_274, %swap3A_275, %swap3A_276] {strides = array<i32>} : memref<2x128x128xf32, #tpu.memory_space<vmem>>, vector<1x1x16xf32>,
      %swap3A_278 = vector.shape_cast %swap3A_277 : vector<1x1x16xf32> to vector<16xf32>
      %swap3A_279 = vector.shape_cast %broadcast_in_dim3A_272 : vector<16xf32> to vector<1x1x16xf32>
      tpu.vector_store %arg9[%swap3A_274, %swap3A_275, %swap3A_276], %swap3A_279 {strides = array<i32>} : memref<2x128x128xf32, #tpu.memory_space<vmem>>, vector<1x1x16xf32>,
      %broadcast_in_dim3A_280 = arith.constant 0.000000e+00 : f32
      %broadcast_in_dim3A_281 = vector.broadcast %broadcast_in_dim3A_280 : f32 to vector<16xf32>
      %swap3A_282 = arith.constant 0 : i32
      %swap3A_283 = arith.index_cast %swap3A_282 : i32 to index
      %swap3A_284 = arith.index_cast %scan3A_218 : i32 to index
      %swap3A_285 = arith.constant 112 : index
      %swap3A_286 = tpu.vector_load %arg9[%swap3A_283, %swap3A_284, %swap3A_285] {strides = array<i32>} : memref<2x128x128xf32, #tpu.memory_space<vmem>>, vector<1x1x16xf32>,
      %swap3A_287 = vector.shape_cast %swap3A_286 : vector<1x1x16xf32> to vector<16xf32>
      %swap3A_288 = vector.shape_cast %broadcast_in_dim3A_281 : vector<16xf32> to vector<1x1x16xf32>
      tpu.vector_store %arg9[%swap3A_283, %swap3A_284, %swap3A_285], %swap3A_288 {strides = array<i32>} : memref<2x128x128xf32, #tpu.memory_space<vmem>>, vector<1x1x16xf32>,
    }
    %scan3A_116 = arith.constant 128 : i32
    %mul3A_117 = arith.constant 640 : i32
    %mul3A_118 = arith.muli %arg1, %mul3A_117 : i32
    %add3A_119 = arith.constant 0 : i32
    %add3A_120 = arith.addi %mul3A_118, %add3A_119 : i32
    %run_scoped3A = arith.constant 0 : i32
    "tpu.region"() ({
      %run_scoped3A_218 = tpu.sem_alloc : memref<!tpu.dma_semaphore, #tpu.memory_space<semaphore_mem>>
      %dma_start3A_219 = arith.constant 0 : i32
      %dma_start3A_220 = arith.constant 0 : i32
      %dma_start3A_221 = tpu.memref_slice %arg9[%run_scoped3A, %dma_start3A_219, %dma_start3A_220] : memref<2x128x128xf32, #tpu.memory_space<vmem>> -> memref<1x128x128xf32, #tpu.memory_space<vmem>>
      %dma_start3A_222 = tpu.memref_squeeze %dma_start3A_221 : memref<1x128x128xf32, #tpu.memory_space<vmem>> -> memref<128x128xf32, #tpu.memory_space<vmem>>
      %dma_start3A_223 = arith.constant 0 : i32
      %dma_start3A_224 = tpu.memref_slice %arg10[%add3A_120, %dma_start3A_223] : memref<10240x128xf32, #tpu.memory_space<vmem_shared>> -> memref<128x128xf32, #tpu.memory_space<vmem_shared>>
      %dma_start3A_225 = arith.constant 0 : i32
      %dma_start3A_226 = tpu.memref_slice %arg10[%add3A_120, %dma_start3A_225] : memref<10240x128xf32, #tpu.memory_space<vmem_shared>> -> memref<128x128xf32, #tpu.memory_space<vmem_shared>>
      %dma_start3A_227 = arith.constant 0 : i32
      %dma_start3A_228 = arith.constant 0 : i32
      %dma_start3A_229 = tpu.memref_slice %arg9[%run_scoped3A, %dma_start3A_227, %dma_start3A_228] : memref<2x128x128xf32, #tpu.memory_space<vmem>> -> memref<1x128x128xf32, #tpu.memory_space<vmem>>
      %dma_start3A_230 = tpu.memref_squeeze %dma_start3A_229 : memref<1x128x128xf32, #tpu.memory_space<vmem>> -> memref<128x128xf32, #tpu.memory_space<vmem>>
      tpu.enqueue_dma source(%dma_start3A_230 : memref<128x128xf32, #tpu.memory_space<vmem>>) target(%dma_start3A_226 : memref<128x128xf32, #tpu.memory_space<vmem_shared>>) target_semaphore(%run_scoped3A_218 : memref<!tpu.dma_semaphore, #tpu.memory_space<semaphore_mem>>)
      %dma_wait3A_231 = arith.constant 0 : i32
      %dma_wait3A_232 = arith.constant 0 : i32
      %dma_wait3A_233 = tpu.memref_slice %arg9[%run_scoped3A, %dma_wait3A_231, %dma_wait3A_232] : memref<2x128x128xf32, #tpu.memory_space<vmem>> -> memref<1x128x128xf32, #tpu.memory_space<vmem>>
      %dma_wait3A_234 = tpu.memref_squeeze %dma_wait3A_233 : memref<1x128x128xf32, #tpu.memory_space<vmem>> -> memref<128x128xf32, #tpu.memory_space<vmem>>
      %dma_wait3A_235 = arith.constant 0 : i32
      %dma_wait3A_236 = tpu.memref_slice %arg10[%add3A_120, %dma_wait3A_235] : memref<10240x128xf32, #tpu.memory_space<vmem_shared>> -> memref<128x128xf32, #tpu.memory_space<vmem_shared>>
      %dma_wait3A_237 = arith.constant 0 : i32
      %dma_wait3A_238 = tpu.memref_slice %arg10[%add3A_120, %dma_wait3A_237] : memref<10240x128xf32, #tpu.memory_space<vmem_shared>> -> memref<128x128xf32, #tpu.memory_space<vmem_shared>>
      %dma_wait3A_239 = arith.constant 0 : i32
      %dma_wait3A_240 = arith.constant 0 : i32
      %dma_wait3A_241 = tpu.memref_slice %arg9[%run_scoped3A, %dma_wait3A_239, %dma_wait3A_240] : memref<2x128x128xf32, #tpu.memory_space<vmem>> -> memref<1x128x128xf32, #tpu.memory_space<vmem>>
      %dma_wait3A_242 = tpu.memref_squeeze %dma_wait3A_241 : memref<1x128x128xf32, #tpu.memory_space<vmem>> -> memref<128x128xf32, #tpu.memory_space<vmem>>
      tpu.wait_dma2 semaphore(%run_scoped3A_218 : memref<!tpu.dma_semaphore, #tpu.memory_space<semaphore_mem>>) src(%dma_wait3A_242 : memref<128x128xf32, #tpu.memory_space<vmem>>) dst(%dma_wait3A_238 : memref<128x128xf32, #tpu.memory_space<vmem_shared>>)
      tpu.yield
    }) : () -> ()
    %mul3A_121 = arith.constant 640 : i32
    %mul3A_122 = arith.muli %arg1, %mul3A_121 : i32
    %add3A_123 = arith.constant 128 : i32
    %add3A_124 = arith.addi %mul3A_122, %add3A_123 : i32
    %run_scoped3A_125 = arith.constant 0 : i32
    "tpu.region"() ({
      %run_scoped3A_218 = tpu.sem_alloc : memref<!tpu.dma_semaphore, #tpu.memory_space<semaphore_mem>>
      %dma_start3A_219 = arith.constant 0 : i32
      %dma_start3A_220 = arith.constant 0 : i32
      %dma_start3A_221 = tpu.memref_slice %arg9[%run_scoped3A_125, %dma_start3A_219, %dma_start3A_220] : memref<2x128x128xf32, #tpu.memory_space<vmem>> -> memref<1x128x128xf32, #tpu.memory_space<vmem>>
      %dma_start3A_222 = tpu.memref_squeeze %dma_start3A_221 : memref<1x128x128xf32, #tpu.memory_space<vmem>> -> memref<128x128xf32, #tpu.memory_space<vmem>>
      %dma_start3A_223 = arith.constant 0 : i32
      %dma_start3A_224 = tpu.memref_slice %arg10[%add3A_124, %dma_start3A_223] : memref<10240x128xf32, #tpu.memory_space<vmem_shared>> -> memref<128x128xf32, #tpu.memory_space<vmem_shared>>
      %dma_start3A_225 = arith.constant 0 : i32
      %dma_start3A_226 = tpu.memref_slice %arg10[%add3A_124, %dma_start3A_225] : memref<10240x128xf32, #tpu.memory_space<vmem_shared>> -> memref<128x128xf32, #tpu.memory_space<vmem_shared>>
      %dma_start3A_227 = arith.constant 0 : i32
      %dma_start3A_228 = arith.constant 0 : i32
      %dma_start3A_229 = tpu.memref_slice %arg9[%run_scoped3A_125, %dma_start3A_227, %dma_start3A_228] : memref<2x128x128xf32, #tpu.memory_space<vmem>> -> memref<1x128x128xf32, #tpu.memory_space<vmem>>
      %dma_start3A_230 = tpu.memref_squeeze %dma_start3A_229 : memref<1x128x128xf32, #tpu.memory_space<vmem>> -> memref<128x128xf32, #tpu.memory_space<vmem>>
      tpu.enqueue_dma source(%dma_start3A_230 : memref<128x128xf32, #tpu.memory_space<vmem>>) target(%dma_start3A_226 : memref<128x128xf32, #tpu.memory_space<vmem_shared>>) target_semaphore(%run_scoped3A_218 : memref<!tpu.dma_semaphore, #tpu.memory_space<semaphore_mem>>)
      %dma_wait3A_231 = arith.constant 0 : i32
      %dma_wait3A_232 = arith.constant 0 : i32
      %dma_wait3A_233 = tpu.memref_slice %arg9[%run_scoped3A_125, %dma_wait3A_231, %dma_wait3A_232] : memref<2x128x128xf32, #tpu.memory_space<vmem>> -> memref<1x128x128xf32, #tpu.memory_space<vmem>>
      %dma_wait3A_234 = tpu.memref_squeeze %dma_wait3A_233 : memref<1x128x128xf32, #tpu.memory_space<vmem>> -> memref<128x128xf32, #tpu.memory_space<vmem>>
      %dma_wait3A_235 = arith.constant 0 : i32
      %dma_wait3A_236 = tpu.memref_slice %arg10[%add3A_124, %dma_wait3A_235] : memref<10240x128xf32, #tpu.memory_space<vmem_shared>> -> memref<128x128xf32, #tpu.memory_space<vmem_shared>>
      %dma_wait3A_237 = arith.constant 0 : i32
      %dma_wait3A_238 = tpu.memref_slice %arg10[%add3A_124, %dma_wait3A_237] : memref<10240x128xf32, #tpu.memory_space<vmem_shared>> -> memref<128x128xf32, #tpu.memory_space<vmem_shared>>
      %dma_wait3A_239 = arith.constant 0 : i32
      %dma_wait3A_240 = arith.constant 0 : i32
      %dma_wait3A_241 = tpu.memref_slice %arg9[%run_scoped3A_125, %dma_wait3A_239, %dma_wait3A_240] : memref<2x128x128xf32, #tpu.memory_space<vmem>> -> memref<1x128x128xf32, #tpu.memory_space<vmem>>
      %dma_wait3A_242 = tpu.memref_squeeze %dma_wait3A_241 : memref<1x128x128xf32, #tpu.memory_space<vmem>> -> memref<128x128xf32, #tpu.memory_space<vmem>>
      tpu.wait_dma2 semaphore(%run_scoped3A_218 : memref<!tpu.dma_semaphore, #tpu.memory_space<semaphore_mem>>) src(%dma_wait3A_242 : memref<128x128xf32, #tpu.memory_space<vmem>>) dst(%dma_wait3A_238 : memref<128x128xf32, #tpu.memory_space<vmem_shared>>)
      tpu.yield
    }) : () -> ()
    %mul3A_126 = arith.constant 640 : i32
    %mul3A_127 = arith.muli %arg1, %mul3A_126 : i32
    %add3A_128 = arith.constant 256 : i32
    %add3A_129 = arith.addi %mul3A_127, %add3A_128 : i32
    %run_scoped3A_130 = arith.constant 0 : i32
    "tpu.region"() ({
      %run_scoped3A_218 = tpu.sem_alloc : memref<!tpu.dma_semaphore, #tpu.memory_space<semaphore_mem>>
      %dma_start3A_219 = arith.constant 0 : i32
      %dma_start3A_220 = arith.constant 0 : i32
      %dma_start3A_221 = tpu.memref_slice %arg9[%run_scoped3A_130, %dma_start3A_219, %dma_start3A_220] : memref<2x128x128xf32, #tpu.memory_space<vmem>> -> memref<1x128x128xf32, #tpu.memory_space<vmem>>
      %dma_start3A_222 = tpu.memref_squeeze %dma_start3A_221 : memref<1x128x128xf32, #tpu.memory_space<vmem>> -> memref<128x128xf32, #tpu.memory_space<vmem>>
      %dma_start3A_223 = arith.constant 0 : i32
      %dma_start3A_224 = tpu.memref_slice %arg10[%add3A_129, %dma_start3A_223] : memref<10240x128xf32, #tpu.memory_space<vmem_shared>> -> memref<128x128xf32, #tpu.memory_space<vmem_shared>>
      %dma_start3A_225 = arith.constant 0 : i32
      %dma_start3A_226 = tpu.memref_slice %arg10[%add3A_129, %dma_start3A_225] : memref<10240x128xf32, #tpu.memory_space<vmem_shared>> -> memref<128x128xf32, #tpu.memory_space<vmem_shared>>
      %dma_start3A_227 = arith.constant 0 : i32
      %dma_start3A_228 = arith.constant 0 : i32
      %dma_start3A_229 = tpu.memref_slice %arg9[%run_scoped3A_130, %dma_start3A_227, %dma_start3A_228] : memref<2x128x128xf32, #tpu.memory_space<vmem>> -> memref<1x128x128xf32, #tpu.memory_space<vmem>>
      %dma_start3A_230 = tpu.memref_squeeze %dma_start3A_229 : memref<1x128x128xf32, #tpu.memory_space<vmem>> -> memref<128x128xf32, #tpu.memory_space<vmem>>
      tpu.enqueue_dma source(%dma_start3A_230 : memref<128x128xf32, #tpu.memory_space<vmem>>) target(%dma_start3A_226 : memref<128x128xf32, #tpu.memory_space<vmem_shared>>) target_semaphore(%run_scoped3A_218 : memref<!tpu.dma_semaphore, #tpu.memory_space<semaphore_mem>>)
      %dma_wait3A_231 = arith.constant 0 : i32
      %dma_wait3A_232 = arith.constant 0 : i32
      %dma_wait3A_233 = tpu.memref_slice %arg9[%run_scoped3A_130, %dma_wait3A_231, %dma_wait3A_232] : memref<2x128x128xf32, #tpu.memory_space<vmem>> -> memref<1x128x128xf32, #tpu.memory_space<vmem>>
      %dma_wait3A_234 = tpu.memref_squeeze %dma_wait3A_233 : memref<1x128x128xf32, #tpu.memory_space<vmem>> -> memref<128x128xf32, #tpu.memory_space<vmem>>
      %dma_wait3A_235 = arith.constant 0 : i32
      %dma_wait3A_236 = tpu.memref_slice %arg10[%add3A_129, %dma_wait3A_235] : memref<10240x128xf32, #tpu.memory_space<vmem_shared>> -> memref<128x128xf32, #tpu.memory_space<vmem_shared>>
      %dma_wait3A_237 = arith.constant 0 : i32
      %dma_wait3A_238 = tpu.memref_slice %arg10[%add3A_129, %dma_wait3A_237] : memref<10240x128xf32, #tpu.memory_space<vmem_shared>> -> memref<128x128xf32, #tpu.memory_space<vmem_shared>>
      %dma_wait3A_239 = arith.constant 0 : i32
      %dma_wait3A_240 = arith.constant 0 : i32
      %dma_wait3A_241 = tpu.memref_slice %arg9[%run_scoped3A_130, %dma_wait3A_239, %dma_wait3A_240] : memref<2x128x128xf32, #tpu.memory_space<vmem>> -> memref<1x128x128xf32, #tpu.memory_space<vmem>>
      %dma_wait3A_242 = tpu.memref_squeeze %dma_wait3A_241 : memref<1x128x128xf32, #tpu.memory_space<vmem>> -> memref<128x128xf32, #tpu.memory_space<vmem>>
      tpu.wait_dma2 semaphore(%run_scoped3A_218 : memref<!tpu.dma_semaphore, #tpu.memory_space<semaphore_mem>>) src(%dma_wait3A_242 : memref<128x128xf32, #tpu.memory_space<vmem>>) dst(%dma_wait3A_238 : memref<128x128xf32, #tpu.memory_space<vmem_shared>>)
      tpu.yield
    }) : () -> ()
    %mul3A_131 = arith.constant 640 : i32
    %mul3A_132 = arith.muli %arg1, %mul3A_131 : i32
    %add3A_133 = arith.constant 384 : i32
    %add3A_134 = arith.addi %mul3A_132, %add3A_133 : i32
    %run_scoped3A_135 = arith.constant 0 : i32
    "tpu.region"() ({
      %run_scoped3A_218 = tpu.sem_alloc : memref<!tpu.dma_semaphore, #tpu.memory_space<semaphore_mem>>
      %dma_start3A_219 = arith.constant 0 : i32
      %dma_start3A_220 = arith.constant 0 : i32
      %dma_start3A_221 = tpu.memref_slice %arg9[%run_scoped3A_135, %dma_start3A_219, %dma_start3A_220] : memref<2x128x128xf32, #tpu.memory_space<vmem>> -> memref<1x128x128xf32, #tpu.memory_space<vmem>>
      %dma_start3A_222 = tpu.memref_squeeze %dma_start3A_221 : memref<1x128x128xf32, #tpu.memory_space<vmem>> -> memref<128x128xf32, #tpu.memory_space<vmem>>
      %dma_start3A_223 = arith.constant 0 : i32
      %dma_start3A_224 = tpu.memref_slice %arg10[%add3A_134, %dma_start3A_223] : memref<10240x128xf32, #tpu.memory_space<vmem_shared>> -> memref<128x128xf32, #tpu.memory_space<vmem_shared>>
      %dma_start3A_225 = arith.constant 0 : i32
      %dma_start3A_226 = tpu.memref_slice %arg10[%add3A_134, %dma_start3A_225] : memref<10240x128xf32, #tpu.memory_space<vmem_shared>> -> memref<128x128xf32, #tpu.memory_space<vmem_shared>>
      %dma_start3A_227 = arith.constant 0 : i32
      %dma_start3A_228 = arith.constant 0 : i32
      %dma_start3A_229 = tpu.memref_slice %arg9[%run_scoped3A_135, %dma_start3A_227, %dma_start3A_228] : memref<2x128x128xf32, #tpu.memory_space<vmem>> -> memref<1x128x128xf32, #tpu.memory_space<vmem>>
      %dma_start3A_230 = tpu.memref_squeeze %dma_start3A_229 : memref<1x128x128xf32, #tpu.memory_space<vmem>> -> memref<128x128xf32, #tpu.memory_space<vmem>>
      tpu.enqueue_dma source(%dma_start3A_230 : memref<128x128xf32, #tpu.memory_space<vmem>>) target(%dma_start3A_226 : memref<128x128xf32, #tpu.memory_space<vmem_shared>>) target_semaphore(%run_scoped3A_218 : memref<!tpu.dma_semaphore, #tpu.memory_space<semaphore_mem>>)
      %dma_wait3A_231 = arith.constant 0 : i32
      %dma_wait3A_232 = arith.constant 0 : i32
      %dma_wait3A_233 = tpu.memref_slice %arg9[%run_scoped3A_135, %dma_wait3A_231, %dma_wait3A_232] : memref<2x128x128xf32, #tpu.memory_space<vmem>> -> memref<1x128x128xf32, #tpu.memory_space<vmem>>
      %dma_wait3A_234 = tpu.memref_squeeze %dma_wait3A_233 : memref<1x128x128xf32, #tpu.memory_space<vmem>> -> memref<128x128xf32, #tpu.memory_space<vmem>>
      %dma_wait3A_235 = arith.constant 0 : i32
      %dma_wait3A_236 = tpu.memref_slice %arg10[%add3A_134, %dma_wait3A_235] : memref<10240x128xf32, #tpu.memory_space<vmem_shared>> -> memref<128x128xf32, #tpu.memory_space<vmem_shared>>
      %dma_wait3A_237 = arith.constant 0 : i32
      %dma_wait3A_238 = tpu.memref_slice %arg10[%add3A_134, %dma_wait3A_237] : memref<10240x128xf32, #tpu.memory_space<vmem_shared>> -> memref<128x128xf32, #tpu.memory_space<vmem_shared>>
      %dma_wait3A_239 = arith.constant 0 : i32
      %dma_wait3A_240 = arith.constant 0 : i32
      %dma_wait3A_241 = tpu.memref_slice %arg9[%run_scoped3A_135, %dma_wait3A_239, %dma_wait3A_240] : memref<2x128x128xf32, #tpu.memory_space<vmem>> -> memref<1x128x128xf32, #tpu.memory_space<vmem>>
      %dma_wait3A_242 = tpu.memref_squeeze %dma_wait3A_241 : memref<1x128x128xf32, #tpu.memory_space<vmem>> -> memref<128x128xf32, #tpu.memory_space<vmem>>
      tpu.wait_dma2 semaphore(%run_scoped3A_218 : memref<!tpu.dma_semaphore, #tpu.memory_space<semaphore_mem>>) src(%dma_wait3A_242 : memref<128x128xf32, #tpu.memory_space<vmem>>) dst(%dma_wait3A_238 : memref<128x128xf32, #tpu.memory_space<vmem_shared>>)
      tpu.yield
    }) : () -> ()
    %mul3A_136 = arith.constant 640 : i32
    %mul3A_137 = arith.muli %arg1, %mul3A_136 : i32
    %add3A_138 = arith.constant 512 : i32
    %add3A_139 = arith.addi %mul3A_137, %add3A_138 : i32
    %run_scoped3A_140 = arith.constant 0 : i32
    "tpu.region"() ({
      %run_scoped3A_218 = tpu.sem_alloc : memref<!tpu.dma_semaphore, #tpu.memory_space<semaphore_mem>>
      %dma_start3A_219 = arith.constant 0 : i32
      %dma_start3A_220 = arith.constant 0 : i32
      %dma_start3A_221 = tpu.memref_slice %arg9[%run_scoped3A_140, %dma_start3A_219, %dma_start3A_220] : memref<2x128x128xf32, #tpu.memory_space<vmem>> -> memref<1x128x128xf32, #tpu.memory_space<vmem>>
      %dma_start3A_222 = tpu.memref_squeeze %dma_start3A_221 : memref<1x128x128xf32, #tpu.memory_space<vmem>> -> memref<128x128xf32, #tpu.memory_space<vmem>>
      %dma_start3A_223 = arith.constant 0 : i32
      %dma_start3A_224 = tpu.memref_slice %arg10[%add3A_139, %dma_start3A_223] : memref<10240x128xf32, #tpu.memory_space<vmem_shared>> -> memref<128x128xf32, #tpu.memory_space<vmem_shared>>
      %dma_start3A_225 = arith.constant 0 : i32
      %dma_start3A_226 = tpu.memref_slice %arg10[%add3A_139, %dma_start3A_225] : memref<10240x128xf32, #tpu.memory_space<vmem_shared>> -> memref<128x128xf32, #tpu.memory_space<vmem_shared>>
      %dma_start3A_227 = arith.constant 0 : i32
      %dma_start3A_228 = arith.constant 0 : i32
      %dma_start3A_229 = tpu.memref_slice %arg9[%run_scoped3A_140, %dma_start3A_227, %dma_start3A_228] : memref<2x128x128xf32, #tpu.memory_space<vmem>> -> memref<1x128x128xf32, #tpu.memory_space<vmem>>
      %dma_start3A_230 = tpu.memref_squeeze %dma_start3A_229 : memref<1x128x128xf32, #tpu.memory_space<vmem>> -> memref<128x128xf32, #tpu.memory_space<vmem>>
      tpu.enqueue_dma source(%dma_start3A_230 : memref<128x128xf32, #tpu.memory_space<vmem>>) target(%dma_start3A_226 : memref<128x128xf32, #tpu.memory_space<vmem_shared>>) target_semaphore(%run_scoped3A_218 : memref<!tpu.dma_semaphore, #tpu.memory_space<semaphore_mem>>)
      %dma_wait3A_231 = arith.constant 0 : i32
      %dma_wait3A_232 = arith.constant 0 : i32
      %dma_wait3A_233 = tpu.memref_slice %arg9[%run_scoped3A_140, %dma_wait3A_231, %dma_wait3A_232] : memref<2x128x128xf32, #tpu.memory_space<vmem>> -> memref<1x128x128xf32, #tpu.memory_space<vmem>>
      %dma_wait3A_234 = tpu.memref_squeeze %dma_wait3A_233 : memref<1x128x128xf32, #tpu.memory_space<vmem>> -> memref<128x128xf32, #tpu.memory_space<vmem>>
      %dma_wait3A_235 = arith.constant 0 : i32
      %dma_wait3A_236 = tpu.memref_slice %arg10[%add3A_139, %dma_wait3A_235] : memref<10240x128xf32, #tpu.memory_space<vmem_shared>> -> memref<128x128xf32, #tpu.memory_space<vmem_shared>>
      %dma_wait3A_237 = arith.constant 0 : i32
      %dma_wait3A_238 = tpu.memref_slice %arg10[%add3A_139, %dma_wait3A_237] : memref<10240x128xf32, #tpu.memory_space<vmem_shared>> -> memref<128x128xf32, #tpu.memory_space<vmem_shared>>
      %dma_wait3A_239 = arith.constant 0 : i32
      %dma_wait3A_240 = arith.constant 0 : i32
      %dma_wait3A_241 = tpu.memref_slice %arg9[%run_scoped3A_140, %dma_wait3A_239, %dma_wait3A_240] : memref<2x128x128xf32, #tpu.memory_space<vmem>> -> memref<1x128x128xf32, #tpu.memory_space<vmem>>
      %dma_wait3A_242 = tpu.memref_squeeze %dma_wait3A_241 : memref<1x128x128xf32, #tpu.memory_space<vmem>> -> memref<128x128xf32, #tpu.memory_space<vmem>>
      tpu.wait_dma2 semaphore(%run_scoped3A_218 : memref<!tpu.dma_semaphore, #tpu.memory_space<semaphore_mem>>) src(%dma_wait3A_242 : memref<128x128xf32, #tpu.memory_space<vmem>>) dst(%dma_wait3A_238 : memref<128x128xf32, #tpu.memory_space<vmem_shared>>)
      tpu.yield
    }) : () -> ()
    %barrier3A = arith.constant 0 : index
    tpu.barrier barrier_id(%barrier3A)
    %scan3A_141 = arith.constant 0 : i32
    %scan3A_142 = arith.constant 0 : i32
    %scan3A_143 = arith.constant 20 : i32
    %scan3A_144 = arith.addi %scan3A_142, %scan3A_143 : i32
    %scan3A_145 = arith.constant 1 : i32
    scf.for %scan3A_218 = %scan3A_142 to %scan3A_144 step %scan3A_145  : i32 {
      %mul3A_219 = arith.constant 4 : i32
      %mul3A_220 = arith.muli %scan3A_218, %mul3A_219 : i32
      %add3A_221 = arith.constant 0 : i32
      %add3A_222 = arith.addi %mul3A_220, %add3A_221 : i32
      %gt3A = arith.constant 0 : i32
      %gt3A_223 = arith.cmpi sgt, %scan3A_218, %gt3A : i32
      %convert_element_type3A_224 = arith.extui %gt3A_223 : i1 to i32
      %cond3A_225 = arith.constant 0 : i32
      %cond3A_226 = arith.cmpi ne, %convert_element_type3A_224, %cond3A_225 : i32
      scf.if %cond3A_226 {
        %dma_wait3A_513 = arith.constant 0 : i32
        %dma_wait3A_514 = arith.constant 2 : i32
        %dma_wait3A_515 = arith.constant 0 : i32
        %dma_wait3A_516 = arith.constant 0 : i32
        %dma_wait3A_517 = tpu.memref_slice %arg9[%dma_wait3A_513, %dma_wait3A_515, %dma_wait3A_516] : memref<2x128x128xf32, #tpu.memory_space<vmem>> -> memref<1x128x128xf32, #tpu.memory_space<vmem>>
        %dma_wait3A_518 = tpu.memref_squeeze %dma_wait3A_517 : memref<1x128x128xf32, #tpu.memory_space<vmem>> -> memref<128x128xf32, #tpu.memory_space<vmem>>
        %dma_wait3A_519 = arith.constant 0 : i32
        %dma_wait3A_520 = tpu.memref_slice %arg8[%dma_wait3A_514, %dma_wait3A_519] : memref<4x128xi32, #tpu.memory_space<vmem>> -> memref<1x128xi32, #tpu.memory_space<vmem>>
        %dma_wait3A_521 = tpu.memref_squeeze %dma_wait3A_520 : memref<1x128xi32, #tpu.memory_space<vmem>> -> memref<128xi32, #tpu.memory_space<vmem>>
        %dma_wait3A_522 = arith.constant 0 : i32
        %dma_wait3A_523 = arith.constant 0 : i32
        %dma_wait3A_524 = tpu.memref_slice %arg10[%dma_wait3A_522, %dma_wait3A_523] : memref<10240x128xf32, #tpu.memory_space<vmem_shared>> -> memref<10240x128xf32, #tpu.memory_space<vmem_shared>>
        tpu.wait_indirect_dma semaphore(%arg21 : memref<!tpu.dma_semaphore, #tpu.memory_space<semaphore_mem>>) src(%dma_wait3A_518 : memref<128x128xf32, #tpu.memory_space<vmem>>) dst(%dma_wait3A_524 : memref<10240x128xf32, #tpu.memory_space<vmem_shared>>)
        %add3A_525 = arith.constant 2 : i32
        %add3A_526 = arith.addi %add3A_222, %add3A_525 : i32
        %dma_start3A_527 = arith.constant 2 : i32
        %dma_start3A_528 = arith.constant 0 : i32
        %dma_start3A_529 = tpu.memref_slice %arg8[%dma_start3A_527, %dma_start3A_528] : memref<4x128xi32, #tpu.memory_space<vmem>> -> memref<1x128xi32, #tpu.memory_space<vmem>>
        %dma_start3A_530 = tpu.memref_squeeze %dma_start3A_529 : memref<1x128xi32, #tpu.memory_space<vmem>> -> memref<128xi32, #tpu.memory_space<vmem>>
        %dma_start3A_531 = arith.constant 0 : i32
        %dma_start3A_532 = tpu.memref_slice %arg4[%add3A, %add3A_526, %dma_start3A_531] : memref<32x80x128xi32, #tpu.memory_space<hbm>> -> memref<1x1x128xi32, #tpu.memory_space<hbm>>
        %dma_start3A_533 = tpu.memref_squeeze %dma_start3A_532 : memref<1x1x128xi32, #tpu.memory_space<hbm>> -> memref<128xi32, #tpu.memory_space<hbm>>
        %dma_start3A_534 = arith.constant 0 : i32
        %dma_start3A_535 = tpu.memref_slice %arg8[%dma_start3A_527, %dma_start3A_534] : memref<4x128xi32, #tpu.memory_space<vmem>> -> memref<1x128xi32, #tpu.memory_space<vmem>>
        %dma_start3A_536 = tpu.memref_squeeze %dma_start3A_535 : memref<1x128xi32, #tpu.memory_space<vmem>> -> memref<128xi32, #tpu.memory_space<vmem>>
        %dma_start3A_537 = arith.constant 0 : i32
        %dma_start3A_538 = tpu.memref_slice %arg4[%add3A, %add3A_526, %dma_start3A_537] : memref<32x80x128xi32, #tpu.memory_space<hbm>> -> memref<1x1x128xi32, #tpu.memory_space<hbm>>
        %dma_start3A_539 = tpu.memref_squeeze %dma_start3A_538 : memref<1x1x128xi32, #tpu.memory_space<hbm>> -> memref<128xi32, #tpu.memory_space<hbm>>
        tpu.enqueue_dma source(%dma_start3A_539 : memref<128xi32, #tpu.memory_space<hbm>>) target(%dma_start3A_536 : memref<128xi32, #tpu.memory_space<vmem>>) target_semaphore(%arg17 : memref<!tpu.dma_semaphore, #tpu.memory_space<semaphore_mem>>)
      } else {
      }
      %dma_wait3A_227 = arith.constant 0 : i32
      %dma_wait3A_228 = arith.constant 0 : i32
      %dma_wait3A_229 = tpu.memref_slice %arg7[%dma_wait3A_227, %dma_wait3A_228] : memref<4x128xi32, #tpu.memory_space<vmem>> -> memref<1x128xi32, #tpu.memory_space<vmem>>
      %dma_wait3A_230 = tpu.memref_squeeze %dma_wait3A_229 : memref<1x128xi32, #tpu.memory_space<vmem>> -> memref<128xi32, #tpu.memory_space<vmem>>
      %dma_wait3A_231 = arith.constant 0 : i32
      %dma_wait3A_232 = tpu.memref_slice %arg3[%add3A, %add3A_222, %dma_wait3A_231] : memref<32x80x128xi32, #tpu.memory_space<hbm>> -> memref<1x1x128xi32, #tpu.memory_space<hbm>>
      %dma_wait3A_233 = tpu.memref_squeeze %dma_wait3A_232 : memref<1x1x128xi32, #tpu.memory_space<hbm>> -> memref<128xi32, #tpu.memory_space<hbm>>
      %dma_wait3A_234 = arith.constant 0 : i32
      %dma_wait3A_235 = tpu.memref_slice %arg7[%dma_wait3A_227, %dma_wait3A_234] : memref<4x128xi32, #tpu.memory_space<vmem>> -> memref<1x128xi32, #tpu.memory_space<vmem>>
      %dma_wait3A_236 = tpu.memref_squeeze %dma_wait3A_235 : memref<1x128xi32, #tpu.memory_space<vmem>> -> memref<128xi32, #tpu.memory_space<vmem>>
      %dma_wait3A_237 = arith.constant 0 : i32
      %dma_wait3A_238 = tpu.memref_slice %arg3[%add3A, %add3A_222, %dma_wait3A_237] : memref<32x80x128xi32, #tpu.memory_space<hbm>> -> memref<1x1x128xi32, #tpu.memory_space<hbm>>
      %dma_wait3A_239 = tpu.memref_squeeze %dma_wait3A_238 : memref<1x1x128xi32, #tpu.memory_space<hbm>> -> memref<128xi32, #tpu.memory_space<hbm>>
      tpu.wait_dma2 semaphore(%arg11 : memref<!tpu.dma_semaphore, #tpu.memory_space<semaphore_mem>>) src(%dma_wait3A_239 : memref<128xi32, #tpu.memory_space<hbm>>) dst(%dma_wait3A_236 : memref<128xi32, #tpu.memory_space<vmem>>)
      %dma_start3A_240 = arith.constant 0 : i32
      %dma_start3A_241 = arith.constant 0 : i32
      %dma_start3A_242 = arith.constant 0 : i32
      %dma_start3A_243 = arith.constant 0 : i32
      %dma_start3A_244 = tpu.memref_slice %arg9[%dma_start3A_241, %dma_start3A_242, %dma_start3A_243] : memref<2x128x128xf32, #tpu.memory_space<vmem>> -> memref<1x128x128xf32, #tpu.memory_space<vmem>>
      %dma_start3A_245 = tpu.memref_squeeze %dma_start3A_244 : memref<1x128x128xf32, #tpu.memory_space<vmem>> -> memref<128x128xf32, #tpu.memory_space<vmem>>
      %dma_start3A_246 = arith.constant 0 : i32
      %dma_start3A_247 = tpu.memref_slice %arg7[%dma_start3A_240, %dma_start3A_246] : memref<4x128xi32, #tpu.memory_space<vmem>> -> memref<1x128xi32, #tpu.memory_space<vmem>>
      %dma_start3A_248 = tpu.memref_squeeze %dma_start3A_247 : memref<1x128xi32, #tpu.memory_space<vmem>> -> memref<128xi32, #tpu.memory_space<vmem>>
      %dma_start3A_249 = arith.constant 0 : i32
      %dma_start3A_250 = arith.constant 0 : i32
      %dma_start3A_251 = tpu.memref_slice %arg2[%dma_start3A_249, %dma_start3A_250] : memref<10000x128xf32, #tpu.memory_space<hbm>> -> memref<10000x128xf32, #tpu.memory_space<hbm>>
      tpu.enqueue_indirect_dma source(%dma_start3A_251 : memref<10000x128xf32, #tpu.memory_space<hbm>>) target(%dma_start3A_245 : memref<128x128xf32, #tpu.memory_space<vmem>>) offsets(%dma_start3A_248 : memref<128xi32, #tpu.memory_space<vmem>>) semaphore(%arg19 : memref<!tpu.dma_semaphore, #tpu.memory_space<semaphore_mem>>)
      %gt3A_252 = arith.constant 0 : i32
      %gt3A_253 = arith.cmpi sgt, %scan3A_218, %gt3A_252 : i32
      %convert_element_type3A_254 = arith.extui %gt3A_253 : i1 to i32
      %cond3A_255 = arith.constant 0 : i32
      %cond3A_256 = arith.cmpi ne, %convert_element_type3A_254, %cond3A_255 : i32
      scf.if %cond3A_256 {
        %sub3A_513 = arith.constant 1 : i32
        %sub3A_514 = arith.subi %add3A_222, %sub3A_513 : i32
        %dma_wait3A_515 = arith.constant 3 : i32
        %dma_wait3A_516 = arith.constant 0 : i32
        %dma_wait3A_517 = tpu.memref_slice %arg8[%dma_wait3A_515, %dma_wait3A_516] : memref<4x128xi32, #tpu.memory_space<vmem>> -> memref<1x128xi32, #tpu.memory_space<vmem>>
        %dma_wait3A_518 = tpu.memref_squeeze %dma_wait3A_517 : memref<1x128xi32, #tpu.memory_space<vmem>> -> memref<128xi32, #tpu.memory_space<vmem>>
        %dma_wait3A_519 = arith.constant 0 : i32
        %dma_wait3A_520 = tpu.memref_slice %arg4[%add3A, %sub3A_514, %dma_wait3A_519] : memref<32x80x128xi32, #tpu.memory_space<hbm>> -> memref<1x1x128xi32, #tpu.memory_space<hbm>>
        %dma_wait3A_521 = tpu.memref_squeeze %dma_wait3A_520 : memref<1x1x128xi32, #tpu.memory_space<hbm>> -> memref<128xi32, #tpu.memory_space<hbm>>
        %dma_wait3A_522 = arith.constant 0 : i32
        %dma_wait3A_523 = tpu.memref_slice %arg8[%dma_wait3A_515, %dma_wait3A_522] : memref<4x128xi32, #tpu.memory_space<vmem>> -> memref<1x128xi32, #tpu.memory_space<vmem>>
        %dma_wait3A_524 = tpu.memref_squeeze %dma_wait3A_523 : memref<1x128xi32, #tpu.memory_space<vmem>> -> memref<128xi32, #tpu.memory_space<vmem>>
        %dma_wait3A_525 = arith.constant 0 : i32
        %dma_wait3A_526 = tpu.memref_slice %arg4[%add3A, %sub3A_514, %dma_wait3A_525] : memref<32x80x128xi32, #tpu.memory_space<hbm>> -> memref<1x1x128xi32, #tpu.memory_space<hbm>>
        %dma_wait3A_527 = tpu.memref_squeeze %dma_wait3A_526 : memref<1x1x128xi32, #tpu.memory_space<hbm>> -> memref<128xi32, #tpu.memory_space<hbm>>
        tpu.wait_dma2 semaphore(%arg18 : memref<!tpu.dma_semaphore, #tpu.memory_space<semaphore_mem>>) src(%dma_wait3A_527 : memref<128xi32, #tpu.memory_space<hbm>>) dst(%dma_wait3A_524 : memref<128xi32, #tpu.memory_space<vmem>>)
        %dma_wait3A_528 = arith.constant 3 : i32
        %dma_wait3A_529 = arith.constant 1 : i32
        %dma_wait3A_530 = arith.constant 0 : i32
        %dma_wait3A_531 = arith.constant 0 : i32
        %dma_wait3A_532 = tpu.memref_slice %arg9[%dma_wait3A_529, %dma_wait3A_530, %dma_wait3A_531] : memref<2x128x128xf32, #tpu.memory_space<vmem>> -> memref<1x128x128xf32, #tpu.memory_space<vmem>>
        %dma_wait3A_533 = tpu.memref_squeeze %dma_wait3A_532 : memref<1x128x128xf32, #tpu.memory_space<vmem>> -> memref<128x128xf32, #tpu.memory_space<vmem>>
        %dma_wait3A_534 = arith.constant 0 : i32
        %dma_wait3A_535 = tpu.memref_slice %arg7[%dma_wait3A_528, %dma_wait3A_534] : memref<4x128xi32, #tpu.memory_space<vmem>> -> memref<1x128xi32, #tpu.memory_space<vmem>>
        %dma_wait3A_536 = tpu.memref_squeeze %dma_wait3A_535 : memref<1x128xi32, #tpu.memory_space<vmem>> -> memref<128xi32, #tpu.memory_space<vmem>>
        %dma_wait3A_537 = arith.constant 0 : i32
        %dma_wait3A_538 = arith.constant 0 : i32
        %dma_wait3A_539 = tpu.memref_slice %arg2[%dma_wait3A_537, %dma_wait3A_538] : memref<10000x128xf32, #tpu.memory_space<hbm>> -> memref<10000x128xf32, #tpu.memory_space<hbm>>
        tpu.wait_indirect_dma semaphore(%arg20 : memref<!tpu.dma_semaphore, #tpu.memory_space<semaphore_mem>>) src(%dma_wait3A_539 : memref<10000x128xf32, #tpu.memory_space<hbm>>) dst(%dma_wait3A_533 : memref<128x128xf32, #tpu.memory_space<vmem>>)
        %dma_start3A_540 = arith.constant 1 : i32
        %dma_start3A_541 = arith.constant 3 : i32
        %dma_start3A_542 = arith.constant 0 : i32
        %dma_start3A_543 = arith.constant 0 : i32
        %dma_start3A_544 = tpu.memref_slice %arg9[%dma_start3A_540, %dma_start3A_542, %dma_start3A_543] : memref<2x128x128xf32, #tpu.memory_space<vmem>> -> memref<1x128x128xf32, #tpu.memory_space<vmem>>
        %dma_start3A_545 = tpu.memref_squeeze %dma_start3A_544 : memref<1x128x128xf32, #tpu.memory_space<vmem>> -> memref<128x128xf32, #tpu.memory_space<vmem>>
        %dma_start3A_546 = arith.constant 0 : i32
        %dma_start3A_547 = tpu.memref_slice %arg8[%dma_start3A_541, %dma_start3A_546] : memref<4x128xi32, #tpu.memory_space<vmem>> -> memref<1x128xi32, #tpu.memory_space<vmem>>
        %dma_start3A_548 = tpu.memref_squeeze %dma_start3A_547 : memref<1x128xi32, #tpu.memory_space<vmem>> -> memref<128xi32, #tpu.memory_space<vmem>>
        %dma_start3A_549 = arith.constant 0 : i32
        %dma_start3A_550 = arith.constant 0 : i32
        %dma_start3A_551 = tpu.memref_slice %arg10[%dma_start3A_549, %dma_start3A_550] : memref<10240x128xf32, #tpu.memory_space<vmem_shared>> -> memref<10240x128xf32, #tpu.memory_space<vmem_shared>>
        tpu.enqueue_indirect_dma source(%dma_start3A_545 : memref<128x128xf32, #tpu.memory_space<vmem>>) target(%dma_start3A_551 : memref<10240x128xf32, #tpu.memory_space<vmem_shared>>) offsets(%dma_start3A_548 : memref<128xi32, #tpu.memory_space<vmem>>) semaphore(%arg22 : memref<!tpu.dma_semaphore, #tpu.memory_space<semaphore_mem>>) {add = true}
        %add3A_552 = arith.constant 3 : i32
        %add3A_553 = arith.addi %add3A_222, %add3A_552 : i32
        %dma_start3A_554 = arith.constant 3 : i32
        %dma_start3A_555 = arith.constant 0 : i32
        %dma_start3A_556 = tpu.memref_slice %arg7[%dma_start3A_554, %dma_start3A_555] : memref<4x128xi32, #tpu.memory_space<vmem>> -> memref<1x128xi32, #tpu.memory_space<vmem>>
        %dma_start3A_557 = tpu.memref_squeeze %dma_start3A_556 : memref<1x128xi32, #tpu.memory_space<vmem>> -> memref<128xi32, #tpu.memory_space<vmem>>
        %dma_start3A_558 = arith.constant 0 : i32
        %dma_start3A_559 = tpu.memref_slice %arg3[%add3A, %add3A_553, %dma_start3A_558] : memref<32x80x128xi32, #tpu.memory_space<hbm>> -> memref<1x1x128xi32, #tpu.memory_space<hbm>>
        %dma_start3A_560 = tpu.memref_squeeze %dma_start3A_559 : memref<1x1x128xi32, #tpu.memory_space<hbm>> -> memref<128xi32, #tpu.memory_space<hbm>>
        %dma_start3A_561 = arith.constant 0 : i32
        %dma_start3A_562 = tpu.memref_slice %arg7[%dma_start3A_554, %dma_start3A_561] : memref<4x128xi32, #tpu.memory_space<vmem>> -> memref<1x128xi32, #tpu.memory_space<vmem>>
        %dma_start3A_563 = tpu.memref_squeeze %dma_start3A_562 : memref<1x128xi32, #tpu.memory_space<vmem>> -> memref<128xi32, #tpu.memory_space<vmem>>
        %dma_start3A_564 = arith.constant 0 : i32
        %dma_start3A_565 = tpu.memref_slice %arg3[%add3A, %add3A_553, %dma_start3A_564] : memref<32x80x128xi32, #tpu.memory_space<hbm>> -> memref<1x1x128xi32, #tpu.memory_space<hbm>>
        %dma_start3A_566 = tpu.memref_squeeze %dma_start3A_565 : memref<1x1x128xi32, #tpu.memory_space<hbm>> -> memref<128xi32, #tpu.memory_space<hbm>>
        tpu.enqueue_dma source(%dma_start3A_566 : memref<128xi32, #tpu.memory_space<hbm>>) target(%dma_start3A_563 : memref<128xi32, #tpu.memory_space<vmem>>) target_semaphore(%arg14 : memref<!tpu.dma_semaphore, #tpu.memory_space<semaphore_mem>>)
      } else {
      }
      %mul3A_257 = arith.constant 4 : i32
      %mul3A_258 = arith.muli %scan3A_218, %mul3A_257 : i32
      %add3A_259 = arith.constant 1 : i32
      %add3A_260 = arith.addi %mul3A_258, %add3A_259 : i32
      %gt3A_261 = arith.constant 0 : i32
      %gt3A_262 = arith.cmpi sgt, %scan3A_218, %gt3A_261 : i32
      %convert_element_type3A_263 = arith.extui %gt3A_262 : i1 to i32
      %cond3A_264 = arith.constant 0 : i32
      %cond3A_265 = arith.cmpi ne, %convert_element_type3A_263, %cond3A_264 : i32
      scf.if %cond3A_265 {
        %dma_wait3A_513 = arith.constant 1 : i32
        %dma_wait3A_514 = arith.constant 3 : i32
        %dma_wait3A_515 = arith.constant 0 : i32
        %dma_wait3A_516 = arith.constant 0 : i32
        %dma_wait3A_517 = tpu.memref_slice %arg9[%dma_wait3A_513, %dma_wait3A_515, %dma_wait3A_516] : memref<2x128x128xf32, #tpu.memory_space<vmem>> -> memref<1x128x128xf32, #tpu.memory_space<vmem>>
        %dma_wait3A_518 = tpu.memref_squeeze %dma_wait3A_517 : memref<1x128x128xf32, #tpu.memory_space<vmem>> -> memref<128x128xf32, #tpu.memory_space<vmem>>
        %dma_wait3A_519 = arith.constant 0 : i32
        %dma_wait3A_520 = tpu.memref_slice %arg8[%dma_wait3A_514, %dma_wait3A_519] : memref<4x128xi32, #tpu.memory_space<vmem>> -> memref<1x128xi32, #tpu.memory_space<vmem>>
        %dma_wait3A_521 = tpu.memref_squeeze %dma_wait3A_520 : memref<1x128xi32, #tpu.memory_space<vmem>> -> memref<128xi32, #tpu.memory_space<vmem>>
        %dma_wait3A_522 = arith.constant 0 : i32
        %dma_wait3A_523 = arith.constant 0 : i32
        %dma_wait3A_524 = tpu.memref_slice %arg10[%dma_wait3A_522, %dma_wait3A_523] : memref<10240x128xf32, #tpu.memory_space<vmem_shared>> -> memref<10240x128xf32, #tpu.memory_space<vmem_shared>>
        tpu.wait_indirect_dma semaphore(%arg22 : memref<!tpu.dma_semaphore, #tpu.memory_space<semaphore_mem>>) src(%dma_wait3A_518 : memref<128x128xf32, #tpu.memory_space<vmem>>) dst(%dma_wait3A_524 : memref<10240x128xf32, #tpu.memory_space<vmem_shared>>)
        %add3A_525 = arith.constant 2 : i32
        %add3A_526 = arith.addi %add3A_260, %add3A_525 : i32
        %dma_start3A_527 = arith.constant 3 : i32
        %dma_start3A_528 = arith.constant 0 : i32
        %dma_start3A_529 = tpu.memref_slice %arg8[%dma_start3A_527, %dma_start3A_528] : memref<4x128xi32, #tpu.memory_space<vmem>> -> memref<1x128xi32, #tpu.memory_space<vmem>>
        %dma_start3A_530 = tpu.memref_squeeze %dma_start3A_529 : memref<1x128xi32, #tpu.memory_space<vmem>> -> memref<128xi32, #tpu.memory_space<vmem>>
        %dma_start3A_531 = arith.constant 0 : i32
        %dma_start3A_532 = tpu.memref_slice %arg4[%add3A, %add3A_526, %dma_start3A_531] : memref<32x80x128xi32, #tpu.memory_space<hbm>> -> memref<1x1x128xi32, #tpu.memory_space<hbm>>
        %dma_start3A_533 = tpu.memref_squeeze %dma_start3A_532 : memref<1x1x128xi32, #tpu.memory_space<hbm>> -> memref<128xi32, #tpu.memory_space<hbm>>
        %dma_start3A_534 = arith.constant 0 : i32
        %dma_start3A_535 = tpu.memref_slice %arg8[%dma_start3A_527, %dma_start3A_534] : memref<4x128xi32, #tpu.memory_space<vmem>> -> memref<1x128xi32, #tpu.memory_space<vmem>>
        %dma_start3A_536 = tpu.memref_squeeze %dma_start3A_535 : memref<1x128xi32, #tpu.memory_space<vmem>> -> memref<128xi32, #tpu.memory_space<vmem>>
        %dma_start3A_537 = arith.constant 0 : i32
        %dma_start3A_538 = tpu.memref_slice %arg4[%add3A, %add3A_526, %dma_start3A_537] : memref<32x80x128xi32, #tpu.memory_space<hbm>> -> memref<1x1x128xi32, #tpu.memory_space<hbm>>
        %dma_start3A_539 = tpu.memref_squeeze %dma_start3A_538 : memref<1x1x128xi32, #tpu.memory_space<hbm>> -> memref<128xi32, #tpu.memory_space<hbm>>
        tpu.enqueue_dma source(%dma_start3A_539 : memref<128xi32, #tpu.memory_space<hbm>>) target(%dma_start3A_536 : memref<128xi32, #tpu.memory_space<vmem>>) target_semaphore(%arg18 : memref<!tpu.dma_semaphore, #tpu.memory_space<semaphore_mem>>)
      } else {
      }
      %dma_wait3A_266 = arith.constant 1 : i32
      %dma_wait3A_267 = arith.constant 0 : i32
      %dma_wait3A_268 = tpu.memref_slice %arg7[%dma_wait3A_266, %dma_wait3A_267] : memref<4x128xi32, #tpu.memory_space<vmem>> -> memref<1x128xi32, #tpu.memory_space<vmem>>
      %dma_wait3A_269 = tpu.memref_squeeze %dma_wait3A_268 : memref<1x128xi32, #tpu.memory_space<vmem>> -> memref<128xi32, #tpu.memory_space<vmem>>
      %dma_wait3A_270 = arith.constant 0 : i32
      %dma_wait3A_271 = tpu.memref_slice %arg3[%add3A, %add3A_260, %dma_wait3A_270] : memref<32x80x128xi32, #tpu.memory_space<hbm>> -> memref<1x1x128xi32, #tpu.memory_space<hbm>>
      %dma_wait3A_272 = tpu.memref_squeeze %dma_wait3A_271 : memref<1x1x128xi32, #tpu.memory_space<hbm>> -> memref<128xi32, #tpu.memory_space<hbm>>
      %dma_wait3A_273 = arith.constant 0 : i32
      %dma_wait3A_274 = tpu.memref_slice %arg7[%dma_wait3A_266, %dma_wait3A_273] : memref<4x128xi32, #tpu.memory_space<vmem>> -> memref<1x128xi32, #tpu.memory_space<vmem>>
      %dma_wait3A_275 = tpu.memref_squeeze %dma_wait3A_274 : memref<1x128xi32, #tpu.memory_space<vmem>> -> memref<128xi32, #tpu.memory_space<vmem>>
      %dma_wait3A_276 = arith.constant 0 : i32
      %dma_wait3A_277 = tpu.memref_slice %arg3[%add3A, %add3A_260, %dma_wait3A_276] : memref<32x80x128xi32, #tpu.memory_space<hbm>> -> memref<1x1x128xi32, #tpu.memory_space<hbm>>
      %dma_wait3A_278 = tpu.memref_squeeze %dma_wait3A_277 : memref<1x1x128xi32, #tpu.memory_space<hbm>> -> memref<128xi32, #tpu.memory_space<hbm>>
      tpu.wait_dma2 semaphore(%arg12 : memref<!tpu.dma_semaphore, #tpu.memory_space<semaphore_mem>>) src(%dma_wait3A_278 : memref<128xi32, #tpu.memory_space<hbm>>) dst(%dma_wait3A_275 : memref<128xi32, #tpu.memory_space<vmem>>)
      %dma_start3A_279 = arith.constant 1 : i32
      %dma_start3A_280 = arith.constant 1 : i32
      %dma_start3A_281 = arith.constant 0 : i32
      %dma_start3A_282 = arith.constant 0 : i32
      %dma_start3A_283 = tpu.memref_slice %arg9[%dma_start3A_280, %dma_start3A_281, %dma_start3A_282] : memref<2x128x128xf32, #tpu.memory_space<vmem>> -> memref<1x128x128xf32, #tpu.memory_space<vmem>>
      %dma_start3A_284 = tpu.memref_squeeze %dma_start3A_283 : memref<1x128x128xf32, #tpu.memory_space<vmem>> -> memref<128x128xf32, #tpu.memory_space<vmem>>
      %dma_start3A_285 = arith.constant 0 : i32
      %dma_start3A_286 = tpu.memref_slice %arg7[%dma_start3A_279, %dma_start3A_285] : memref<4x128xi32, #tpu.memory_space<vmem>> -> memref<1x128xi32, #tpu.memory_space<vmem>>
      %dma_start3A_287 = tpu.memref_squeeze %dma_start3A_286 : memref<1x128xi32, #tpu.memory_space<vmem>> -> memref<128xi32, #tpu.memory_space<vmem>>
      %dma_start3A_288 = arith.constant 0 : i32
      %dma_start3A_289 = arith.constant 0 : i32
      %dma_start3A_290 = tpu.memref_slice %arg2[%dma_start3A_288, %dma_start3A_289] : memref<10000x128xf32, #tpu.memory_space<hbm>> -> memref<10000x128xf32, #tpu.memory_space<hbm>>
      tpu.enqueue_indirect_dma source(%dma_start3A_290 : memref<10000x128xf32, #tpu.memory_space<hbm>>) target(%dma_start3A_284 : memref<128x128xf32, #tpu.memory_space<vmem>>) offsets(%dma_start3A_287 : memref<128xi32, #tpu.memory_space<vmem>>) semaphore(%arg20 : memref<!tpu.dma_semaphore, #tpu.memory_space<semaphore_mem>>)
      %sub3A = arith.constant 1 : i32
      %sub3A_291 = arith.subi %add3A_260, %sub3A : i32
      %dma_wait3A_292 = arith.constant 0 : i32
      %dma_wait3A_293 = arith.constant 0 : i32
      %dma_wait3A_294 = tpu.memref_slice %arg8[%dma_wait3A_292, %dma_wait3A_293] : memref<4x128xi32, #tpu.memory_space<vmem>> -> memref<1x128xi32, #tpu.memory_space<vmem>>
      %dma_wait3A_295 = tpu.memref_squeeze %dma_wait3A_294 : memref<1x128xi32, #tpu.memory_space<vmem>> -> memref<128xi32, #tpu.memory_space<vmem>>
      %dma_wait3A_296 = arith.constant 0 : i32
      %dma_wait3A_297 = tpu.memref_slice %arg4[%add3A, %sub3A_291, %dma_wait3A_296] : memref<32x80x128xi32, #tpu.memory_space<hbm>> -> memref<1x1x128xi32, #tpu.memory_space<hbm>>
      %dma_wait3A_298 = tpu.memref_squeeze %dma_wait3A_297 : memref<1x1x128xi32, #tpu.memory_space<hbm>> -> memref<128xi32, #tpu.memory_space<hbm>>
      %dma_wait3A_299 = arith.constant 0 : i32
      %dma_wait3A_300 = tpu.memref_slice %arg8[%dma_wait3A_292, %dma_wait3A_299] : memref<4x128xi32, #tpu.memory_space<vmem>> -> memref<1x128xi32, #tpu.memory_space<vmem>>
      %dma_wait3A_301 = tpu.memref_squeeze %dma_wait3A_300 : memref<1x128xi32, #tpu.memory_space<vmem>> -> memref<128xi32, #tpu.memory_space<vmem>>
      %dma_wait3A_302 = arith.constant 0 : i32
      %dma_wait3A_303 = tpu.memref_slice %arg4[%add3A, %sub3A_291, %dma_wait3A_302] : memref<32x80x128xi32, #tpu.memory_space<hbm>> -> memref<1x1x128xi32, #tpu.memory_space<hbm>>
      %dma_wait3A_304 = tpu.memref_squeeze %dma_wait3A_303 : memref<1x1x128xi32, #tpu.memory_space<hbm>> -> memref<128xi32, #tpu.memory_space<hbm>>
      tpu.wait_dma2 semaphore(%arg15 : memref<!tpu.dma_semaphore, #tpu.memory_space<semaphore_mem>>) src(%dma_wait3A_304 : memref<128xi32, #tpu.memory_space<hbm>>) dst(%dma_wait3A_301 : memref<128xi32, #tpu.memory_space<vmem>>)
      %dma_wait3A_305 = arith.constant 0 : i32
      %dma_wait3A_306 = arith.constant 0 : i32
      %dma_wait3A_307 = arith.constant 0 : i32
      %dma_wait3A_308 = arith.constant 0 : i32
      %dma_wait3A_309 = tpu.memref_slice %arg9[%dma_wait3A_306, %dma_wait3A_307, %dma_wait3A_308] : memref<2x128x128xf32, #tpu.memory_space<vmem>> -> memref<1x128x128xf32, #tpu.memory_space<vmem>>
      %dma_wait3A_310 = tpu.memref_squeeze %dma_wait3A_309 : memref<1x128x128xf32, #tpu.memory_space<vmem>> -> memref<128x128xf32, #tpu.memory_space<vmem>>
      %dma_wait3A_311 = arith.constant 0 : i32
      %dma_wait3A_312 = tpu.memref_slice %arg7[%dma_wait3A_305, %dma_wait3A_311] : memref<4x128xi32, #tpu.memory_space<vmem>> -> memref<1x128xi32, #tpu.memory_space<vmem>>
      %dma_wait3A_313 = tpu.memref_squeeze %dma_wait3A_312 : memref<1x128xi32, #tpu.memory_space<vmem>> -> memref<128xi32, #tpu.memory_space<vmem>>
      %dma_wait3A_314 = arith.constant 0 : i32
      %dma_wait3A_315 = arith.constant 0 : i32
      %dma_wait3A_316 = tpu.memref_slice %arg2[%dma_wait3A_314, %dma_wait3A_315] : memref<10000x128xf32, #tpu.memory_space<hbm>> -> memref<10000x128xf32, #tpu.memory_space<hbm>>
      tpu.wait_indirect_dma semaphore(%arg19 : memref<!tpu.dma_semaphore, #tpu.memory_space<semaphore_mem>>) src(%dma_wait3A_316 : memref<10000x128xf32, #tpu.memory_space<hbm>>) dst(%dma_wait3A_310 : memref<128x128xf32, #tpu.memory_space<vmem>>)
      %dma_start3A_317 = arith.constant 0 : i32
      %dma_start3A_318 = arith.constant 0 : i32
      %dma_start3A_319 = arith.constant 0 : i32
      %dma_start3A_320 = arith.constant 0 : i32
      %dma_start3A_321 = tpu.memref_slice %arg9[%dma_start3A_317, %dma_start3A_319, %dma_start3A_320] : memref<2x128x128xf32, #tpu.memory_space<vmem>> -> memref<1x128x128xf32, #tpu.memory_space<vmem>>
      %dma_start3A_322 = tpu.memref_squeeze %dma_start3A_321 : memref<1x128x128xf32, #tpu.memory_space<vmem>> -> memref<128x128xf32, #tpu.memory_space<vmem>>
      %dma_start3A_323 = arith.constant 0 : i32
      %dma_start3A_324 = tpu.memref_slice %arg8[%dma_start3A_318, %dma_start3A_323] : memref<4x128xi32, #tpu.memory_space<vmem>> -> memref<1x128xi32, #tpu.memory_space<vmem>>
      %dma_start3A_325 = tpu.memref_squeeze %dma_start3A_324 : memref<1x128xi32, #tpu.memory_space<vmem>> -> memref<128xi32, #tpu.memory_space<vmem>>
      %dma_start3A_326 = arith.constant 0 : i32
      %dma_start3A_327 = arith.constant 0 : i32
      %dma_start3A_328 = tpu.memref_slice %arg10[%dma_start3A_326, %dma_start3A_327] : memref<10240x128xf32, #tpu.memory_space<vmem_shared>> -> memref<10240x128xf32, #tpu.memory_space<vmem_shared>>
      tpu.enqueue_indirect_dma source(%dma_start3A_322 : memref<128x128xf32, #tpu.memory_space<vmem>>) target(%dma_start3A_328 : memref<10240x128xf32, #tpu.memory_space<vmem_shared>>) offsets(%dma_start3A_325 : memref<128xi32, #tpu.memory_space<vmem>>) semaphore(%arg21 : memref<!tpu.dma_semaphore, #tpu.memory_space<semaphore_mem>>) {add = true}
      %lt3A = arith.constant 19 : i32
      %lt3A_329 = arith.cmpi slt, %scan3A_218, %lt3A : i32
      %convert_element_type3A_330 = arith.extui %lt3A_329 : i1 to i32
      %cond3A_331 = arith.constant 0 : i32
      %cond3A_332 = arith.cmpi ne, %convert_element_type3A_330, %cond3A_331 : i32
      scf.if %cond3A_332 {
        %add3A_513 = arith.constant 3 : i32
        %add3A_514 = arith.addi %add3A_260, %add3A_513 : i32
        %dma_start3A_515 = arith.constant 0 : i32
        %dma_start3A_516 = arith.constant 0 : i32
        %dma_start3A_517 = tpu.memref_slice %arg7[%dma_start3A_515, %dma_start3A_516] : memref<4x128xi32, #tpu.memory_space<vmem>> -> memref<1x128xi32, #tpu.memory_space<vmem>>
        %dma_start3A_518 = tpu.memref_squeeze %dma_start3A_517 : memref<1x128xi32, #tpu.memory_space<vmem>> -> memref<128xi32, #tpu.memory_space<vmem>>
        %dma_start3A_519 = arith.constant 0 : i32
        %dma_start3A_520 = tpu.memref_slice %arg3[%add3A, %add3A_514, %dma_start3A_519] : memref<32x80x128xi32, #tpu.memory_space<hbm>> -> memref<1x1x128xi32, #tpu.memory_space<hbm>>
        %dma_start3A_521 = tpu.memref_squeeze %dma_start3A_520 : memref<1x1x128xi32, #tpu.memory_space<hbm>> -> memref<128xi32, #tpu.memory_space<hbm>>
        %dma_start3A_522 = arith.constant 0 : i32
        %dma_start3A_523 = tpu.memref_slice %arg7[%dma_start3A_515, %dma_start3A_522] : memref<4x128xi32, #tpu.memory_space<vmem>> -> memref<1x128xi32, #tpu.memory_space<vmem>>
        %dma_start3A_524 = tpu.memref_squeeze %dma_start3A_523 : memref<1x128xi32, #tpu.memory_space<vmem>> -> memref<128xi32, #tpu.memory_space<vmem>>
        %dma_start3A_525 = arith.constant 0 : i32
        %dma_start3A_526 = tpu.memref_slice %arg3[%add3A, %add3A_514, %dma_start3A_525] : memref<32x80x128xi32, #tpu.memory_space<hbm>> -> memref<1x1x128xi32, #tpu.memory_space<hbm>>
        %dma_start3A_527 = tpu.memref_squeeze %dma_start3A_526 : memref<1x1x128xi32, #tpu.memory_space<hbm>> -> memref<128xi32, #tpu.memory_space<hbm>>
        tpu.enqueue_dma source(%dma_start3A_527 : memref<128xi32, #tpu.memory_space<hbm>>) target(%dma_start3A_524 : memref<128xi32, #tpu.memory_space<vmem>>) target_semaphore(%arg11 : memref<!tpu.dma_semaphore, #tpu.memory_space<semaphore_mem>>)
      } else {
      }
      %mul3A_333 = arith.constant 4 : i32
      %mul3A_334 = arith.muli %scan3A_218, %mul3A_333 : i32
      %add3A_335 = arith.constant 2 : i32
      %add3A_336 = arith.addi %mul3A_334, %add3A_335 : i32
      %dma_wait3A_337 = arith.constant 0 : i32
      %dma_wait3A_338 = arith.constant 0 : i32
      %dma_wait3A_339 = arith.constant 0 : i32
      %dma_wait3A_340 = arith.constant 0 : i32
      %dma_wait3A_341 = tpu.memref_slice %arg9[%dma_wait3A_337, %dma_wait3A_339, %dma_wait3A_340] : memref<2x128x128xf32, #tpu.memory_space<vmem>> -> memref<1x128x128xf32, #tpu.memory_space<vmem>>
      %dma_wait3A_342 = tpu.memref_squeeze %dma_wait3A_341 : memref<1x128x128xf32, #tpu.memory_space<vmem>> -> memref<128x128xf32, #tpu.memory_space<vmem>>
      %dma_wait3A_343 = arith.constant 0 : i32
      %dma_wait3A_344 = tpu.memref_slice %arg8[%dma_wait3A_338, %dma_wait3A_343] : memref<4x128xi32, #tpu.memory_space<vmem>> -> memref<1x128xi32, #tpu.memory_space<vmem>>
      %dma_wait3A_345 = tpu.memref_squeeze %dma_wait3A_344 : memref<1x128xi32, #tpu.memory_space<vmem>> -> memref<128xi32, #tpu.memory_space<vmem>>
      %dma_wait3A_346 = arith.constant 0 : i32
      %dma_wait3A_347 = arith.constant 0 : i32
      %dma_wait3A_348 = tpu.memref_slice %arg10[%dma_wait3A_346, %dma_wait3A_347] : memref<10240x128xf32, #tpu.memory_space<vmem_shared>> -> memref<10240x128xf32, #tpu.memory_space<vmem_shared>>
      tpu.wait_indirect_dma semaphore(%arg21 : memref<!tpu.dma_semaphore, #tpu.memory_space<semaphore_mem>>) src(%dma_wait3A_342 : memref<128x128xf32, #tpu.memory_space<vmem>>) dst(%dma_wait3A_348 : memref<10240x128xf32, #tpu.memory_space<vmem_shared>>)
      %lt3A_349 = arith.constant 19 : i32
      %lt3A_350 = arith.cmpi slt, %scan3A_218, %lt3A_349 : i32
      %convert_element_type3A_351 = arith.extui %lt3A_350 : i1 to i32
      %cond3A_352 = arith.constant 0 : i32
      %cond3A_353 = arith.cmpi ne, %convert_element_type3A_351, %cond3A_352 : i32
      scf.if %cond3A_353 {
        %add3A_513 = arith.constant 2 : i32
        %add3A_514 = arith.addi %add3A_336, %add3A_513 : i32
        %dma_start3A_515 = arith.constant 0 : i32
        %dma_start3A_516 = arith.constant 0 : i32
        %dma_start3A_517 = tpu.memref_slice %arg8[%dma_start3A_515, %dma_start3A_516] : memref<4x128xi32, #tpu.memory_space<vmem>> -> memref<1x128xi32, #tpu.memory_space<vmem>>
        %dma_start3A_518 = tpu.memref_squeeze %dma_start3A_517 : memref<1x128xi32, #tpu.memory_space<vmem>> -> memref<128xi32, #tpu.memory_space<vmem>>
        %dma_start3A_519 = arith.constant 0 : i32
        %dma_start3A_520 = tpu.memref_slice %arg4[%add3A, %add3A_514, %dma_start3A_519] : memref<32x80x128xi32, #tpu.memory_space<hbm>> -> memref<1x1x128xi32, #tpu.memory_space<hbm>>
        %dma_start3A_521 = tpu.memref_squeeze %dma_start3A_520 : memref<1x1x128xi32, #tpu.memory_space<hbm>> -> memref<128xi32, #tpu.memory_space<hbm>>
        %dma_start3A_522 = arith.constant 0 : i32
        %dma_start3A_523 = tpu.memref_slice %arg8[%dma_start3A_515, %dma_start3A_522] : memref<4x128xi32, #tpu.memory_space<vmem>> -> memref<1x128xi32, #tpu.memory_space<vmem>>
        %dma_start3A_524 = tpu.memref_squeeze %dma_start3A_523 : memref<1x128xi32, #tpu.memory_space<vmem>> -> memref<128xi32, #tpu.memory_space<vmem>>
        %dma_start3A_525 = arith.constant 0 : i32
        %dma_start3A_526 = tpu.memref_slice %arg4[%add3A, %add3A_514, %dma_start3A_525] : memref<32x80x128xi32, #tpu.memory_space<hbm>> -> memref<1x1x128xi32, #tpu.memory_space<hbm>>
        %dma_start3A_527 = tpu.memref_squeeze %dma_start3A_526 : memref<1x1x128xi32, #tpu.memory_space<hbm>> -> memref<128xi32, #tpu.memory_space<hbm>>
        tpu.enqueue_dma source(%dma_start3A_527 : memref<128xi32, #tpu.memory_space<hbm>>) target(%dma_start3A_524 : memref<128xi32, #tpu.memory_space<vmem>>) target_semaphore(%arg15 : memref<!tpu.dma_semaphore, #tpu.memory_space<semaphore_mem>>)
      } else {
      }
      %dma_wait3A_354 = arith.constant 2 : i32
      %dma_wait3A_355 = arith.constant 0 : i32
      %dma_wait3A_356 = tpu.memref_slice %arg7[%dma_wait3A_354, %dma_wait3A_355] : memref<4x128xi32, #tpu.memory_space<vmem>> -> memref<1x128xi32, #tpu.memory_space<vmem>>
      %dma_wait3A_357 = tpu.memref_squeeze %dma_wait3A_356 : memref<1x128xi32, #tpu.memory_space<vmem>> -> memref<128xi32, #tpu.memory_space<vmem>>
      %dma_wait3A_358 = arith.constant 0 : i32
      %dma_wait3A_359 = tpu.memref_slice %arg3[%add3A, %add3A_336, %dma_wait3A_358] : memref<32x80x128xi32, #tpu.memory_space<hbm>> -> memref<1x1x128xi32, #tpu.memory_space<hbm>>
      %dma_wait3A_360 = tpu.memref_squeeze %dma_wait3A_359 : memref<1x1x128xi32, #tpu.memory_space<hbm>> -> memref<128xi32, #tpu.memory_space<hbm>>
      %dma_wait3A_361 = arith.constant 0 : i32
      %dma_wait3A_362 = tpu.memref_slice %arg7[%dma_wait3A_354, %dma_wait3A_361] : memref<4x128xi32, #tpu.memory_space<vmem>> -> memref<1x128xi32, #tpu.memory_space<vmem>>
      %dma_wait3A_363 = tpu.memref_squeeze %dma_wait3A_362 : memref<1x128xi32, #tpu.memory_space<vmem>> -> memref<128xi32, #tpu.memory_space<vmem>>
      %dma_wait3A_364 = arith.constant 0 : i32
      %dma_wait3A_365 = tpu.memref_slice %arg3[%add3A, %add3A_336, %dma_wait3A_364] : memref<32x80x128xi32, #tpu.memory_space<hbm>> -> memref<1x1x128xi32, #tpu.memory_space<hbm>>
      %dma_wait3A_366 = tpu.memref_squeeze %dma_wait3A_365 : memref<1x1x128xi32, #tpu.memory_space<hbm>> -> memref<128xi32, #tpu.memory_space<hbm>>
      tpu.wait_dma2 semaphore(%arg13 : memref<!tpu.dma_semaphore, #tpu.memory_space<semaphore_mem>>) src(%dma_wait3A_366 : memref<128xi32, #tpu.memory_space<hbm>>) dst(%dma_wait3A_363 : memref<128xi32, #tpu.memory_space<vmem>>)
      %dma_start3A_367 = arith.constant 2 : i32
      %dma_start3A_368 = arith.constant 0 : i32
      %dma_start3A_369 = arith.constant 0 : i32
      %dma_start3A_370 = arith.constant 0 : i32
      %dma_start3A_371 = tpu.memref_slice %arg9[%dma_start3A_368, %dma_start3A_369, %dma_start3A_370] : memref<2x128x128xf32, #tpu.memory_space<vmem>> -> memref<1x128x128xf32, #tpu.memory_space<vmem>>
      %dma_start3A_372 = tpu.memref_squeeze %dma_start3A_371 : memref<1x128x128xf32, #tpu.memory_space<vmem>> -> memref<128x128xf32, #tpu.memory_space<vmem>>
      %dma_start3A_373 = arith.constant 0 : i32
      %dma_start3A_374 = tpu.memref_slice %arg7[%dma_start3A_367, %dma_start3A_373] : memref<4x128xi32, #tpu.memory_space<vmem>> -> memref<1x128xi32, #tpu.memory_space<vmem>>
      %dma_start3A_375 = tpu.memref_squeeze %dma_start3A_374 : memref<1x128xi32, #tpu.memory_space<vmem>> -> memref<128xi32, #tpu.memory_space<vmem>>
      %dma_start3A_376 = arith.constant 0 : i32
      %dma_start3A_377 = arith.constant 0 : i32
      %dma_start3A_378 = tpu.memref_slice %arg2[%dma_start3A_376, %dma_start3A_377] : memref<10000x128xf32, #tpu.memory_space<hbm>> -> memref<10000x128xf32, #tpu.memory_space<hbm>>
      tpu.enqueue_indirect_dma source(%dma_start3A_378 : memref<10000x128xf32, #tpu.memory_space<hbm>>) target(%dma_start3A_372 : memref<128x128xf32, #tpu.memory_space<vmem>>) offsets(%dma_start3A_375 : memref<128xi32, #tpu.memory_space<vmem>>) semaphore(%arg19 : memref<!tpu.dma_semaphore, #tpu.memory_space<semaphore_mem>>)
      %sub3A_379 = arith.constant 1 : i32
      %sub3A_380 = arith.subi %add3A_336, %sub3A_379 : i32
      %dma_wait3A_381 = arith.constant 1 : i32
      %dma_wait3A_382 = arith.constant 0 : i32
      %dma_wait3A_383 = tpu.memref_slice %arg8[%dma_wait3A_381, %dma_wait3A_382] : memref<4x128xi32, #tpu.memory_space<vmem>> -> memref<1x128xi32, #tpu.memory_space<vmem>>
      %dma_wait3A_384 = tpu.memref_squeeze %dma_wait3A_383 : memref<1x128xi32, #tpu.memory_space<vmem>> -> memref<128xi32, #tpu.memory_space<vmem>>
      %dma_wait3A_385 = arith.constant 0 : i32
      %dma_wait3A_386 = tpu.memref_slice %arg4[%add3A, %sub3A_380, %dma_wait3A_385] : memref<32x80x128xi32, #tpu.memory_space<hbm>> -> memref<1x1x128xi32, #tpu.memory_space<hbm>>
      %dma_wait3A_387 = tpu.memref_squeeze %dma_wait3A_386 : memref<1x1x128xi32, #tpu.memory_space<hbm>> -> memref<128xi32, #tpu.memory_space<hbm>>
      %dma_wait3A_388 = arith.constant 0 : i32
      %dma_wait3A_389 = tpu.memref_slice %arg8[%dma_wait3A_381, %dma_wait3A_388] : memref<4x128xi32, #tpu.memory_space<vmem>> -> memref<1x128xi32, #tpu.memory_space<vmem>>
      %dma_wait3A_390 = tpu.memref_squeeze %dma_wait3A_389 : memref<1x128xi32, #tpu.memory_space<vmem>> -> memref<128xi32, #tpu.memory_space<vmem>>
      %dma_wait3A_391 = arith.constant 0 : i32
      %dma_wait3A_392 = tpu.memref_slice %arg4[%add3A, %sub3A_380, %dma_wait3A_391] : memref<32x80x128xi32, #tpu.memory_space<hbm>> -> memref<1x1x128xi32, #tpu.memory_space<hbm>>
      %dma_wait3A_393 = tpu.memref_squeeze %dma_wait3A_392 : memref<1x1x128xi32, #tpu.memory_space<hbm>> -> memref<128xi32, #tpu.memory_space<hbm>>
      tpu.wait_dma2 semaphore(%arg16 : memref<!tpu.dma_semaphore, #tpu.memory_space<semaphore_mem>>) src(%dma_wait3A_393 : memref<128xi32, #tpu.memory_space<hbm>>) dst(%dma_wait3A_390 : memref<128xi32, #tpu.memory_space<vmem>>)
      %dma_wait3A_394 = arith.constant 1 : i32
      %dma_wait3A_395 = arith.constant 1 : i32
      %dma_wait3A_396 = arith.constant 0 : i32
      %dma_wait3A_397 = arith.constant 0 : i32
      %dma_wait3A_398 = tpu.memref_slice %arg9[%dma_wait3A_395, %dma_wait3A_396, %dma_wait3A_397] : memref<2x128x128xf32, #tpu.memory_space<vmem>> -> memref<1x128x128xf32, #tpu.memory_space<vmem>>
      %dma_wait3A_399 = tpu.memref_squeeze %dma_wait3A_398 : memref<1x128x128xf32, #tpu.memory_space<vmem>> -> memref<128x128xf32, #tpu.memory_space<vmem>>
      %dma_wait3A_400 = arith.constant 0 : i32
      %dma_wait3A_401 = tpu.memref_slice %arg7[%dma_wait3A_394, %dma_wait3A_400] : memref<4x128xi32, #tpu.memory_space<vmem>> -> memref<1x128xi32, #tpu.memory_space<vmem>>
      %dma_wait3A_402 = tpu.memref_squeeze %dma_wait3A_401 : memref<1x128xi32, #tpu.memory_space<vmem>> -> memref<128xi32, #tpu.memory_space<vmem>>
      %dma_wait3A_403 = arith.constant 0 : i32
      %dma_wait3A_404 = arith.constant 0 : i32
      %dma_wait3A_405 = tpu.memref_slice %arg2[%dma_wait3A_403, %dma_wait3A_404] : memref<10000x128xf32, #tpu.memory_space<hbm>> -> memref<10000x128xf32, #tpu.memory_space<hbm>>
      tpu.wait_indirect_dma semaphore(%arg20 : memref<!tpu.dma_semaphore, #tpu.memory_space<semaphore_mem>>) src(%dma_wait3A_405 : memref<10000x128xf32, #tpu.memory_space<hbm>>) dst(%dma_wait3A_399 : memref<128x128xf32, #tpu.memory_space<vmem>>)
      %dma_start3A_406 = arith.constant 1 : i32
      %dma_start3A_407 = arith.constant 1 : i32
      %dma_start3A_408 = arith.constant 0 : i32
      %dma_start3A_409 = arith.constant 0 : i32
      %dma_start3A_410 = tpu.memref_slice %arg9[%dma_start3A_406, %dma_start3A_408, %dma_start3A_409] : memref<2x128x128xf32, #tpu.memory_space<vmem>> -> memref<1x128x128xf32, #tpu.memory_space<vmem>>
      %dma_start3A_411 = tpu.memref_squeeze %dma_start3A_410 : memref<1x128x128xf32, #tpu.memory_space<vmem>> -> memref<128x128xf32, #tpu.memory_space<vmem>>
      %dma_start3A_412 = arith.constant 0 : i32
      %dma_start3A_413 = tpu.memref_slice %arg8[%dma_start3A_407, %dma_start3A_412] : memref<4x128xi32, #tpu.memory_space<vmem>> -> memref<1x128xi32, #tpu.memory_space<vmem>>
      %dma_start3A_414 = tpu.memref_squeeze %dma_start3A_413 : memref<1x128xi32, #tpu.memory_space<vmem>> -> memref<128xi32, #tpu.memory_space<vmem>>
      %dma_start3A_415 = arith.constant 0 : i32
      %dma_start3A_416 = arith.constant 0 : i32
      %dma_start3A_417 = tpu.memref_slice %arg10[%dma_start3A_415, %dma_start3A_416] : memref<10240x128xf32, #tpu.memory_space<vmem_shared>> -> memref<10240x128xf32, #tpu.memory_space<vmem_shared>>
      tpu.enqueue_indirect_dma source(%dma_start3A_411 : memref<128x128xf32, #tpu.memory_space<vmem>>) target(%dma_start3A_417 : memref<10240x128xf32, #tpu.memory_space<vmem_shared>>) offsets(%dma_start3A_414 : memref<128xi32, #tpu.memory_space<vmem>>) semaphore(%arg22 : memref<!tpu.dma_semaphore, #tpu.memory_space<semaphore_mem>>) {add = true}
      %lt3A_418 = arith.constant 19 : i32
      %lt3A_419 = arith.cmpi slt, %scan3A_218, %lt3A_418 : i32
      %convert_element_type3A_420 = arith.extui %lt3A_419 : i1 to i32
      %cond3A_421 = arith.constant 0 : i32
      %cond3A_422 = arith.cmpi ne, %convert_element_type3A_420, %cond3A_421 : i32
      scf.if %cond3A_422 {
        %add3A_513 = arith.constant 3 : i32
        %add3A_514 = arith.addi %add3A_336, %add3A_513 : i32
        %dma_start3A_515 = arith.constant 1 : i32
        %dma_start3A_516 = arith.constant 0 : i32
        %dma_start3A_517 = tpu.memref_slice %arg7[%dma_start3A_515, %dma_start3A_516] : memref<4x128xi32, #tpu.memory_space<vmem>> -> memref<1x128xi32, #tpu.memory_space<vmem>>
        %dma_start3A_518 = tpu.memref_squeeze %dma_start3A_517 : memref<1x128xi32, #tpu.memory_space<vmem>> -> memref<128xi32, #tpu.memory_space<vmem>>
        %dma_start3A_519 = arith.constant 0 : i32
        %dma_start3A_520 = tpu.memref_slice %arg3[%add3A, %add3A_514, %dma_start3A_519] : memref<32x80x128xi32, #tpu.memory_space<hbm>> -> memref<1x1x128xi32, #tpu.memory_space<hbm>>
        %dma_start3A_521 = tpu.memref_squeeze %dma_start3A_520 : memref<1x1x128xi32, #tpu.memory_space<hbm>> -> memref<128xi32, #tpu.memory_space<hbm>>
        %dma_start3A_522 = arith.constant 0 : i32
        %dma_start3A_523 = tpu.memref_slice %arg7[%dma_start3A_515, %dma_start3A_522] : memref<4x128xi32, #tpu.memory_space<vmem>> -> memref<1x128xi32, #tpu.memory_space<vmem>>
        %dma_start3A_524 = tpu.memref_squeeze %dma_start3A_523 : memref<1x128xi32, #tpu.memory_space<vmem>> -> memref<128xi32, #tpu.memory_space<vmem>>
        %dma_start3A_525 = arith.constant 0 : i32
        %dma_start3A_526 = tpu.memref_slice %arg3[%add3A, %add3A_514, %dma_start3A_525] : memref<32x80x128xi32, #tpu.memory_space<hbm>> -> memref<1x1x128xi32, #tpu.memory_space<hbm>>
        %dma_start3A_527 = tpu.memref_squeeze %dma_start3A_526 : memref<1x1x128xi32, #tpu.memory_space<hbm>> -> memref<128xi32, #tpu.memory_space<hbm>>
        tpu.enqueue_dma source(%dma_start3A_527 : memref<128xi32, #tpu.memory_space<hbm>>) target(%dma_start3A_524 : memref<128xi32, #tpu.memory_space<vmem>>) target_semaphore(%arg12 : memref<!tpu.dma_semaphore, #tpu.memory_space<semaphore_mem>>)
      } else {
      }
      %mul3A_423 = arith.constant 4 : i32
      %mul3A_424 = arith.muli %scan3A_218, %mul3A_423 : i32
      %add3A_425 = arith.constant 3 : i32
      %add3A_426 = arith.addi %mul3A_424, %add3A_425 : i32
      %dma_wait3A_427 = arith.constant 1 : i32
      %dma_wait3A_428 = arith.constant 1 : i32
      %dma_wait3A_429 = arith.constant 0 : i32
      %dma_wait3A_430 = arith.constant 0 : i32
      %dma_wait3A_431 = tpu.memref_slice %arg9[%dma_wait3A_427, %dma_wait3A_429, %dma_wait3A_430] : memref<2x128x128xf32, #tpu.memory_space<vmem>> -> memref<1x128x128xf32, #tpu.memory_space<vmem>>
      %dma_wait3A_432 = tpu.memref_squeeze %dma_wait3A_431 : memref<1x128x128xf32, #tpu.memory_space<vmem>> -> memref<128x128xf32, #tpu.memory_space<vmem>>
      %dma_wait3A_433 = arith.constant 0 : i32
      %dma_wait3A_434 = tpu.memref_slice %arg8[%dma_wait3A_428, %dma_wait3A_433] : memref<4x128xi32, #tpu.memory_space<vmem>> -> memref<1x128xi32, #tpu.memory_space<vmem>>
      %dma_wait3A_435 = tpu.memref_squeeze %dma_wait3A_434 : memref<1x128xi32, #tpu.memory_space<vmem>> -> memref<128xi32, #tpu.memory_space<vmem>>
      %dma_wait3A_436 = arith.constant 0 : i32
      %dma_wait3A_437 = arith.constant 0 : i32
      %dma_wait3A_438 = tpu.memref_slice %arg10[%dma_wait3A_436, %dma_wait3A_437] : memref<10240x128xf32, #tpu.memory_space<vmem_shared>> -> memref<10240x128xf32, #tpu.memory_space<vmem_shared>>
      tpu.wait_indirect_dma semaphore(%arg22 : memref<!tpu.dma_semaphore, #tpu.memory_space<semaphore_mem>>) src(%dma_wait3A_432 : memref<128x128xf32, #tpu.memory_space<vmem>>) dst(%dma_wait3A_438 : memref<10240x128xf32, #tpu.memory_space<vmem_shared>>)
      %lt3A_439 = arith.constant 19 : i32
      %lt3A_440 = arith.cmpi slt, %scan3A_218, %lt3A_439 : i32
      %convert_element_type3A_441 = arith.extui %lt3A_440 : i1 to i32
      %cond3A_442 = arith.constant 0 : i32
      %cond3A_443 = arith.cmpi ne, %convert_element_type3A_441, %cond3A_442 : i32
      scf.if %cond3A_443 {
        %add3A_513 = arith.constant 2 : i32
        %add3A_514 = arith.addi %add3A_426, %add3A_513 : i32
        %dma_start3A_515 = arith.constant 1 : i32
        %dma_start3A_516 = arith.constant 0 : i32
        %dma_start3A_517 = tpu.memref_slice %arg8[%dma_start3A_515, %dma_start3A_516] : memref<4x128xi32, #tpu.memory_space<vmem>> -> memref<1x128xi32, #tpu.memory_space<vmem>>
        %dma_start3A_518 = tpu.memref_squeeze %dma_start3A_517 : memref<1x128xi32, #tpu.memory_space<vmem>> -> memref<128xi32, #tpu.memory_space<vmem>>
        %dma_start3A_519 = arith.constant 0 : i32
        %dma_start3A_520 = tpu.memref_slice %arg4[%add3A, %add3A_514, %dma_start3A_519] : memref<32x80x128xi32, #tpu.memory_space<hbm>> -> memref<1x1x128xi32, #tpu.memory_space<hbm>>
        %dma_start3A_521 = tpu.memref_squeeze %dma_start3A_520 : memref<1x1x128xi32, #tpu.memory_space<hbm>> -> memref<128xi32, #tpu.memory_space<hbm>>
        %dma_start3A_522 = arith.constant 0 : i32
        %dma_start3A_523 = tpu.memref_slice %arg8[%dma_start3A_515, %dma_start3A_522] : memref<4x128xi32, #tpu.memory_space<vmem>> -> memref<1x128xi32, #tpu.memory_space<vmem>>
        %dma_start3A_524 = tpu.memref_squeeze %dma_start3A_523 : memref<1x128xi32, #tpu.memory_space<vmem>> -> memref<128xi32, #tpu.memory_space<vmem>>
        %dma_start3A_525 = arith.constant 0 : i32
        %dma_start3A_526 = tpu.memref_slice %arg4[%add3A, %add3A_514, %dma_start3A_525] : memref<32x80x128xi32, #tpu.memory_space<hbm>> -> memref<1x1x128xi32, #tpu.memory_space<hbm>>
        %dma_start3A_527 = tpu.memref_squeeze %dma_start3A_526 : memref<1x1x128xi32, #tpu.memory_space<hbm>> -> memref<128xi32, #tpu.memory_space<hbm>>
        tpu.enqueue_dma source(%dma_start3A_527 : memref<128xi32, #tpu.memory_space<hbm>>) target(%dma_start3A_524 : memref<128xi32, #tpu.memory_space<vmem>>) target_semaphore(%arg16 : memref<!tpu.dma_semaphore, #tpu.memory_space<semaphore_mem>>)
      } else {
      }
      %dma_wait3A_444 = arith.constant 3 : i32
      %dma_wait3A_445 = arith.constant 0 : i32
      %dma_wait3A_446 = tpu.memref_slice %arg7[%dma_wait3A_444, %dma_wait3A_445] : memref<4x128xi32, #tpu.memory_space<vmem>> -> memref<1x128xi32, #tpu.memory_space<vmem>>
      %dma_wait3A_447 = tpu.memref_squeeze %dma_wait3A_446 : memref<1x128xi32, #tpu.memory_space<vmem>> -> memref<128xi32, #tpu.memory_space<vmem>>
      %dma_wait3A_448 = arith.constant 0 : i32
      %dma_wait3A_449 = tpu.memref_slice %arg3[%add3A, %add3A_426, %dma_wait3A_448] : memref<32x80x128xi32, #tpu.memory_space<hbm>> -> memref<1x1x128xi32, #tpu.memory_space<hbm>>
      %dma_wait3A_450 = tpu.memref_squeeze %dma_wait3A_449 : memref<1x1x128xi32, #tpu.memory_space<hbm>> -> memref<128xi32, #tpu.memory_space<hbm>>
      %dma_wait3A_451 = arith.constant 0 : i32
      %dma_wait3A_452 = tpu.memref_slice %arg7[%dma_wait3A_444, %dma_wait3A_451] : memref<4x128xi32, #tpu.memory_space<vmem>> -> memref<1x128xi32, #tpu.memory_space<vmem>>
      %dma_wait3A_453 = tpu.memref_squeeze %dma_wait3A_452 : memref<1x128xi32, #tpu.memory_space<vmem>> -> memref<128xi32, #tpu.memory_space<vmem>>
      %dma_wait3A_454 = arith.constant 0 : i32
      %dma_wait3A_455 = tpu.memref_slice %arg3[%add3A, %add3A_426, %dma_wait3A_454] : memref<32x80x128xi32, #tpu.memory_space<hbm>> -> memref<1x1x128xi32, #tpu.memory_space<hbm>>
      %dma_wait3A_456 = tpu.memref_squeeze %dma_wait3A_455 : memref<1x1x128xi32, #tpu.memory_space<hbm>> -> memref<128xi32, #tpu.memory_space<hbm>>
      tpu.wait_dma2 semaphore(%arg14 : memref<!tpu.dma_semaphore, #tpu.memory_space<semaphore_mem>>) src(%dma_wait3A_456 : memref<128xi32, #tpu.memory_space<hbm>>) dst(%dma_wait3A_453 : memref<128xi32, #tpu.memory_space<vmem>>)
      %dma_start3A_457 = arith.constant 3 : i32
      %dma_start3A_458 = arith.constant 1 : i32
      %dma_start3A_459 = arith.constant 0 : i32
      %dma_start3A_460 = arith.constant 0 : i32
      %dma_start3A_461 = tpu.memref_slice %arg9[%dma_start3A_458, %dma_start3A_459, %dma_start3A_460] : memref<2x128x128xf32, #tpu.memory_space<vmem>> -> memref<1x128x128xf32, #tpu.memory_space<vmem>>
      %dma_start3A_462 = tpu.memref_squeeze %dma_start3A_461 : memref<1x128x128xf32, #tpu.memory_space<vmem>> -> memref<128x128xf32, #tpu.memory_space<vmem>>
      %dma_start3A_463 = arith.constant 0 : i32
      %dma_start3A_464 = tpu.memref_slice %arg7[%dma_start3A_457, %dma_start3A_463] : memref<4x128xi32, #tpu.memory_space<vmem>> -> memref<1x128xi32, #tpu.memory_space<vmem>>
      %dma_start3A_465 = tpu.memref_squeeze %dma_start3A_464 : memref<1x128xi32, #tpu.memory_space<vmem>> -> memref<128xi32, #tpu.memory_space<vmem>>
      %dma_start3A_466 = arith.constant 0 : i32
      %dma_start3A_467 = arith.constant 0 : i32
      %dma_start3A_468 = tpu.memref_slice %arg2[%dma_start3A_466, %dma_start3A_467] : memref<10000x128xf32, #tpu.memory_space<hbm>> -> memref<10000x128xf32, #tpu.memory_space<hbm>>
      tpu.enqueue_indirect_dma source(%dma_start3A_468 : memref<10000x128xf32, #tpu.memory_space<hbm>>) target(%dma_start3A_462 : memref<128x128xf32, #tpu.memory_space<vmem>>) offsets(%dma_start3A_465 : memref<128xi32, #tpu.memory_space<vmem>>) semaphore(%arg20 : memref<!tpu.dma_semaphore, #tpu.memory_space<semaphore_mem>>)
      %sub3A_469 = arith.constant 1 : i32
      %sub3A_470 = arith.subi %add3A_426, %sub3A_469 : i32
      %dma_wait3A_471 = arith.constant 2 : i32
      %dma_wait3A_472 = arith.constant 0 : i32
      %dma_wait3A_473 = tpu.memref_slice %arg8[%dma_wait3A_471, %dma_wait3A_472] : memref<4x128xi32, #tpu.memory_space<vmem>> -> memref<1x128xi32, #tpu.memory_space<vmem>>
      %dma_wait3A_474 = tpu.memref_squeeze %dma_wait3A_473 : memref<1x128xi32, #tpu.memory_space<vmem>> -> memref<128xi32, #tpu.memory_space<vmem>>
      %dma_wait3A_475 = arith.constant 0 : i32
      %dma_wait3A_476 = tpu.memref_slice %arg4[%add3A, %sub3A_470, %dma_wait3A_475] : memref<32x80x128xi32, #tpu.memory_space<hbm>> -> memref<1x1x128xi32, #tpu.memory_space<hbm>>
      %dma_wait3A_477 = tpu.memref_squeeze %dma_wait3A_476 : memref<1x1x128xi32, #tpu.memory_space<hbm>> -> memref<128xi32, #tpu.memory_space<hbm>>
      %dma_wait3A_478 = arith.constant 0 : i32
      %dma_wait3A_479 = tpu.memref_slice %arg8[%dma_wait3A_471, %dma_wait3A_478] : memref<4x128xi32, #tpu.memory_space<vmem>> -> memref<1x128xi32, #tpu.memory_space<vmem>>
      %dma_wait3A_480 = tpu.memref_squeeze %dma_wait3A_479 : memref<1x128xi32, #tpu.memory_space<vmem>> -> memref<128xi32, #tpu.memory_space<vmem>>
      %dma_wait3A_481 = arith.constant 0 : i32
      %dma_wait3A_482 = tpu.memref_slice %arg4[%add3A, %sub3A_470, %dma_wait3A_481] : memref<32x80x128xi32, #tpu.memory_space<hbm>> -> memref<1x1x128xi32, #tpu.memory_space<hbm>>
      %dma_wait3A_483 = tpu.memref_squeeze %dma_wait3A_482 : memref<1x1x128xi32, #tpu.memory_space<hbm>> -> memref<128xi32, #tpu.memory_space<hbm>>
      tpu.wait_dma2 semaphore(%arg17 : memref<!tpu.dma_semaphore, #tpu.memory_space<semaphore_mem>>) src(%dma_wait3A_483 : memref<128xi32, #tpu.memory_space<hbm>>) dst(%dma_wait3A_480 : memref<128xi32, #tpu.memory_space<vmem>>)
      %dma_wait3A_484 = arith.constant 2 : i32
      %dma_wait3A_485 = arith.constant 0 : i32
      %dma_wait3A_486 = arith.constant 0 : i32
      %dma_wait3A_487 = arith.constant 0 : i32
      %dma_wait3A_488 = tpu.memref_slice %arg9[%dma_wait3A_485, %dma_wait3A_486, %dma_wait3A_487] : memref<2x128x128xf32, #tpu.memory_space<vmem>> -> memref<1x128x128xf32, #tpu.memory_space<vmem>>
      %dma_wait3A_489 = tpu.memref_squeeze %dma_wait3A_488 : memref<1x128x128xf32, #tpu.memory_space<vmem>> -> memref<128x128xf32, #tpu.memory_space<vmem>>
      %dma_wait3A_490 = arith.constant 0 : i32
      %dma_wait3A_491 = tpu.memref_slice %arg7[%dma_wait3A_484, %dma_wait3A_490] : memref<4x128xi32, #tpu.memory_space<vmem>> -> memref<1x128xi32, #tpu.memory_space<vmem>>
      %dma_wait3A_492 = tpu.memref_squeeze %dma_wait3A_491 : memref<1x128xi32, #tpu.memory_space<vmem>> -> memref<128xi32, #tpu.memory_space<vmem>>
      %dma_wait3A_493 = arith.constant 0 : i32
      %dma_wait3A_494 = arith.constant 0 : i32
      %dma_wait3A_495 = tpu.memref_slice %arg2[%dma_wait3A_493, %dma_wait3A_494] : memref<10000x128xf32, #tpu.memory_space<hbm>> -> memref<10000x128xf32, #tpu.memory_space<hbm>>
      tpu.wait_indirect_dma semaphore(%arg19 : memref<!tpu.dma_semaphore, #tpu.memory_space<semaphore_mem>>) src(%dma_wait3A_495 : memref<10000x128xf32, #tpu.memory_space<hbm>>) dst(%dma_wait3A_489 : memref<128x128xf32, #tpu.memory_space<vmem>>)
      %dma_start3A_496 = arith.constant 0 : i32
      %dma_start3A_497 = arith.constant 2 : i32
      %dma_start3A_498 = arith.constant 0 : i32
      %dma_start3A_499 = arith.constant 0 : i32
      %dma_start3A_500 = tpu.memref_slice %arg9[%dma_start3A_496, %dma_start3A_498, %dma_start3A_499] : memref<2x128x128xf32, #tpu.memory_space<vmem>> -> memref<1x128x128xf32, #tpu.memory_space<vmem>>
      %dma_start3A_501 = tpu.memref_squeeze %dma_start3A_500 : memref<1x128x128xf32, #tpu.memory_space<vmem>> -> memref<128x128xf32, #tpu.memory_space<vmem>>
      %dma_start3A_502 = arith.constant 0 : i32
      %dma_start3A_503 = tpu.memref_slice %arg8[%dma_start3A_497, %dma_start3A_502] : memref<4x128xi32, #tpu.memory_space<vmem>> -> memref<1x128xi32, #tpu.memory_space<vmem>>
      %dma_start3A_504 = tpu.memref_squeeze %dma_start3A_503 : memref<1x128xi32, #tpu.memory_space<vmem>> -> memref<128xi32, #tpu.memory_space<vmem>>
      %dma_start3A_505 = arith.constant 0 : i32
      %dma_start3A_506 = arith.constant 0 : i32
      %dma_start3A_507 = tpu.memref_slice %arg10[%dma_start3A_505, %dma_start3A_506] : memref<10240x128xf32, #tpu.memory_space<vmem_shared>> -> memref<10240x128xf32, #tpu.memory_space<vmem_shared>>
      tpu.enqueue_indirect_dma source(%dma_start3A_501 : memref<128x128xf32, #tpu.memory_space<vmem>>) target(%dma_start3A_507 : memref<10240x128xf32, #tpu.memory_space<vmem_shared>>) offsets(%dma_start3A_504 : memref<128xi32, #tpu.memory_space<vmem>>) semaphore(%arg21 : memref<!tpu.dma_semaphore, #tpu.memory_space<semaphore_mem>>) {add = true}
      %lt3A_508 = arith.constant 19 : i32
      %lt3A_509 = arith.cmpi slt, %scan3A_218, %lt3A_508 : i32
      %convert_element_type3A_510 = arith.extui %lt3A_509 : i1 to i32
      %cond3A_511 = arith.constant 0 : i32
      %cond3A_512 = arith.cmpi ne, %convert_element_type3A_510, %cond3A_511 : i32
      scf.if %cond3A_512 {
        %add3A_513 = arith.constant 3 : i32
        %add3A_514 = arith.addi %add3A_426, %add3A_513 : i32
        %dma_start3A_515 = arith.constant 2 : i32
        %dma_start3A_516 = arith.constant 0 : i32
        %dma_start3A_517 = tpu.memref_slice %arg7[%dma_start3A_515, %dma_start3A_516] : memref<4x128xi32, #tpu.memory_space<vmem>> -> memref<1x128xi32, #tpu.memory_space<vmem>>
        %dma_start3A_518 = tpu.memref_squeeze %dma_start3A_517 : memref<1x128xi32, #tpu.memory_space<vmem>> -> memref<128xi32, #tpu.memory_space<vmem>>
        %dma_start3A_519 = arith.constant 0 : i32
        %dma_start3A_520 = tpu.memref_slice %arg3[%add3A, %add3A_514, %dma_start3A_519] : memref<32x80x128xi32, #tpu.memory_space<hbm>> -> memref<1x1x128xi32, #tpu.memory_space<hbm>>
        %dma_start3A_521 = tpu.memref_squeeze %dma_start3A_520 : memref<1x1x128xi32, #tpu.memory_space<hbm>> -> memref<128xi32, #tpu.memory_space<hbm>>
        %dma_start3A_522 = arith.constant 0 : i32
        %dma_start3A_523 = tpu.memref_slice %arg7[%dma_start3A_515, %dma_start3A_522] : memref<4x128xi32, #tpu.memory_space<vmem>> -> memref<1x128xi32, #tpu.memory_space<vmem>>
        %dma_start3A_524 = tpu.memref_squeeze %dma_start3A_523 : memref<1x128xi32, #tpu.memory_space<vmem>> -> memref<128xi32, #tpu.memory_space<vmem>>
        %dma_start3A_525 = arith.constant 0 : i32
        %dma_start3A_526 = tpu.memref_slice %arg3[%add3A, %add3A_514, %dma_start3A_525] : memref<32x80x128xi32, #tpu.memory_space<hbm>> -> memref<1x1x128xi32, #tpu.memory_space<hbm>>
        %dma_start3A_527 = tpu.memref_squeeze %dma_start3A_526 : memref<1x1x128xi32, #tpu.memory_space<hbm>> -> memref<128xi32, #tpu.memory_space<hbm>>
        tpu.enqueue_dma source(%dma_start3A_527 : memref<128xi32, #tpu.memory_space<hbm>>) target(%dma_start3A_524 : memref<128xi32, #tpu.memory_space<vmem>>) target_semaphore(%arg13 : memref<!tpu.dma_semaphore, #tpu.memory_space<semaphore_mem>>)
      } else {
      }
    }
    %scan3A_146 = arith.constant 20 : i32
    %dma_wait3A = arith.constant 79 : i32
    %dma_wait3A_147 = arith.constant 3 : i32
    %dma_wait3A_148 = arith.constant 0 : i32
    %dma_wait3A_149 = tpu.memref_slice %arg8[%dma_wait3A_147, %dma_wait3A_148] : memref<4x128xi32, #tpu.memory_space<vmem>> -> memref<1x128xi32, #tpu.memory_space<vmem>>
    %dma_wait3A_150 = tpu.memref_squeeze %dma_wait3A_149 : memref<1x128xi32, #tpu.memory_space<vmem>> -> memref<128xi32, #tpu.memory_space<vmem>>
    %dma_wait3A_151 = arith.constant 0 : i32
    %dma_wait3A_152 = tpu.memref_slice %arg4[%add3A, %dma_wait3A, %dma_wait3A_151] : memref<32x80x128xi32, #tpu.memory_space<hbm>> -> memref<1x1x128xi32, #tpu.memory_space<hbm>>
    %dma_wait3A_153 = tpu.memref_squeeze %dma_wait3A_152 : memref<1x1x128xi32, #tpu.memory_space<hbm>> -> memref<128xi32, #tpu.memory_space<hbm>>
    %dma_wait3A_154 = arith.constant 0 : i32
    %dma_wait3A_155 = tpu.memref_slice %arg8[%dma_wait3A_147, %dma_wait3A_154] : memref<4x128xi32, #tpu.memory_space<vmem>> -> memref<1x128xi32, #tpu.memory_space<vmem>>
    %dma_wait3A_156 = tpu.memref_squeeze %dma_wait3A_155 : memref<1x128xi32, #tpu.memory_space<vmem>> -> memref<128xi32, #tpu.memory_space<vmem>>
    %dma_wait3A_157 = arith.constant 0 : i32
    %dma_wait3A_158 = tpu.memref_slice %arg4[%add3A, %dma_wait3A, %dma_wait3A_157] : memref<32x80x128xi32, #tpu.memory_space<hbm>> -> memref<1x1x128xi32, #tpu.memory_space<hbm>>
    %dma_wait3A_159 = tpu.memref_squeeze %dma_wait3A_158 : memref<1x1x128xi32, #tpu.memory_space<hbm>> -> memref<128xi32, #tpu.memory_space<hbm>>
    tpu.wait_dma2 semaphore(%arg18 : memref<!tpu.dma_semaphore, #tpu.memory_space<semaphore_mem>>) src(%dma_wait3A_159 : memref<128xi32, #tpu.memory_space<hbm>>) dst(%dma_wait3A_156 : memref<128xi32, #tpu.memory_space<vmem>>)
    %dma_wait3A_160 = arith.constant 3 : i32
    %dma_wait3A_161 = arith.constant 1 : i32
    %dma_wait3A_162 = arith.constant 0 : i32
    %dma_wait3A_163 = arith.constant 0 : i32
    %dma_wait3A_164 = tpu.memref_slice %arg9[%dma_wait3A_161, %dma_wait3A_162, %dma_wait3A_163] : memref<2x128x128xf32, #tpu.memory_space<vmem>> -> memref<1x128x128xf32, #tpu.memory_space<vmem>>
    %dma_wait3A_165 = tpu.memref_squeeze %dma_wait3A_164 : memref<1x128x128xf32, #tpu.memory_space<vmem>> -> memref<128x128xf32, #tpu.memory_space<vmem>>
    %dma_wait3A_166 = arith.constant 0 : i32
    %dma_wait3A_167 = tpu.memref_slice %arg7[%dma_wait3A_160, %dma_wait3A_166] : memref<4x128xi32, #tpu.memory_space<vmem>> -> memref<1x128xi32, #tpu.memory_space<vmem>>
    %dma_wait3A_168 = tpu.memref_squeeze %dma_wait3A_167 : memref<1x128xi32, #tpu.memory_space<vmem>> -> memref<128xi32, #tpu.memory_space<vmem>>
    %dma_wait3A_169 = arith.constant 0 : i32
    %dma_wait3A_170 = arith.constant 0 : i32
    %dma_wait3A_171 = tpu.memref_slice %arg2[%dma_wait3A_169, %dma_wait3A_170] : memref<10000x128xf32, #tpu.memory_space<hbm>> -> memref<10000x128xf32, #tpu.memory_space<hbm>>
    tpu.wait_indirect_dma semaphore(%arg20 : memref<!tpu.dma_semaphore, #tpu.memory_space<semaphore_mem>>) src(%dma_wait3A_171 : memref<10000x128xf32, #tpu.memory_space<hbm>>) dst(%dma_wait3A_165 : memref<128x128xf32, #tpu.memory_space<vmem>>)
    %dma_start3A_172 = arith.constant 1 : i32
    %dma_start3A_173 = arith.constant 3 : i32
    %dma_start3A_174 = arith.constant 0 : i32
    %dma_start3A_175 = arith.constant 0 : i32
    %dma_start3A_176 = tpu.memref_slice %arg9[%dma_start3A_172, %dma_start3A_174, %dma_start3A_175] : memref<2x128x128xf32, #tpu.memory_space<vmem>> -> memref<1x128x128xf32, #tpu.memory_space<vmem>>
    %dma_start3A_177 = tpu.memref_squeeze %dma_start3A_176 : memref<1x128x128xf32, #tpu.memory_space<vmem>> -> memref<128x128xf32, #tpu.memory_space<vmem>>
    %dma_start3A_178 = arith.constant 0 : i32
    %dma_start3A_179 = tpu.memref_slice %arg8[%dma_start3A_173, %dma_start3A_178] : memref<4x128xi32, #tpu.memory_space<vmem>> -> memref<1x128xi32, #tpu.memory_space<vmem>>
    %dma_start3A_180 = tpu.memref_squeeze %dma_start3A_179 : memref<1x128xi32, #tpu.memory_space<vmem>> -> memref<128xi32, #tpu.memory_space<vmem>>
    %dma_start3A_181 = arith.constant 0 : i32
    %dma_start3A_182 = arith.constant 0 : i32
    %dma_start3A_183 = tpu.memref_slice %arg10[%dma_start3A_181, %dma_start3A_182] : memref<10240x128xf32, #tpu.memory_space<vmem_shared>> -> memref<10240x128xf32, #tpu.memory_space<vmem_shared>>
    tpu.enqueue_indirect_dma source(%dma_start3A_177 : memref<128x128xf32, #tpu.memory_space<vmem>>) target(%dma_start3A_183 : memref<10240x128xf32, #tpu.memory_space<vmem_shared>>) offsets(%dma_start3A_180 : memref<128xi32, #tpu.memory_space<vmem>>) semaphore(%arg22 : memref<!tpu.dma_semaphore, #tpu.memory_space<semaphore_mem>>) {add = true}
    %dma_wait3A_184 = arith.constant 0 : i32
    %dma_wait3A_185 = arith.constant 2 : i32
    %dma_wait3A_186 = arith.constant 0 : i32
    %dma_wait3A_187 = arith.constant 0 : i32
    %dma_wait3A_188 = tpu.memref_slice %arg9[%dma_wait3A_184, %dma_wait3A_186, %dma_wait3A_187] : memref<2x128x128xf32, #tpu.memory_space<vmem>> -> memref<1x128x128xf32, #tpu.memory_space<vmem>>
    %dma_wait3A_189 = tpu.memref_squeeze %dma_wait3A_188 : memref<1x128x128xf32, #tpu.memory_space<vmem>> -> memref<128x128xf32, #tpu.memory_space<vmem>>
    %dma_wait3A_190 = arith.constant 0 : i32
    %dma_wait3A_191 = tpu.memref_slice %arg8[%dma_wait3A_185, %dma_wait3A_190] : memref<4x128xi32, #tpu.memory_space<vmem>> -> memref<1x128xi32, #tpu.memory_space<vmem>>
    %dma_wait3A_192 = tpu.memref_squeeze %dma_wait3A_191 : memref<1x128xi32, #tpu.memory_space<vmem>> -> memref<128xi32, #tpu.memory_space<vmem>>
    %dma_wait3A_193 = arith.constant 0 : i32
    %dma_wait3A_194 = arith.constant 0 : i32
    %dma_wait3A_195 = tpu.memref_slice %arg10[%dma_wait3A_193, %dma_wait3A_194] : memref<10240x128xf32, #tpu.memory_space<vmem_shared>> -> memref<10240x128xf32, #tpu.memory_space<vmem_shared>>
    tpu.wait_indirect_dma semaphore(%arg21 : memref<!tpu.dma_semaphore, #tpu.memory_space<semaphore_mem>>) src(%dma_wait3A_189 : memref<128x128xf32, #tpu.memory_space<vmem>>) dst(%dma_wait3A_195 : memref<10240x128xf32, #tpu.memory_space<vmem_shared>>)
    %dma_wait3A_196 = arith.constant 1 : i32
    %dma_wait3A_197 = arith.constant 3 : i32
    %dma_wait3A_198 = arith.constant 0 : i32
    %dma_wait3A_199 = arith.constant 0 : i32
    %dma_wait3A_200 = tpu.memref_slice %arg9[%dma_wait3A_196, %dma_wait3A_198, %dma_wait3A_199] : memref<2x128x128xf32, #tpu.memory_space<vmem>> -> memref<1x128x128xf32, #tpu.memory_space<vmem>>
    %dma_wait3A_201 = tpu.memref_squeeze %dma_wait3A_200 : memref<1x128x128xf32, #tpu.memory_space<vmem>> -> memref<128x128xf32, #tpu.memory_space<vmem>>
    %dma_wait3A_202 = arith.constant 0 : i32
    %dma_wait3A_203 = tpu.memref_slice %arg8[%dma_wait3A_197, %dma_wait3A_202] : memref<4x128xi32, #tpu.memory_space<vmem>> -> memref<1x128xi32, #tpu.memory_space<vmem>>
    %dma_wait3A_204 = tpu.memref_squeeze %dma_wait3A_203 : memref<1x128xi32, #tpu.memory_space<vmem>> -> memref<128xi32, #tpu.memory_space<vmem>>
    %dma_wait3A_205 = arith.constant 0 : i32
    %dma_wait3A_206 = arith.constant 0 : i32
    %dma_wait3A_207 = tpu.memref_slice %arg10[%dma_wait3A_205, %dma_wait3A_206] : memref<10240x128xf32, #tpu.memory_space<vmem_shared>> -> memref<10240x128xf32, #tpu.memory_space<vmem_shared>>
    tpu.wait_indirect_dma semaphore(%arg22 : memref<!tpu.dma_semaphore, #tpu.memory_space<semaphore_mem>>) src(%dma_wait3A_201 : memref<128x128xf32, #tpu.memory_space<vmem>>) dst(%dma_wait3A_207 : memref<10240x128xf32, #tpu.memory_space<vmem_shared>>)
    %barrier3A_208 = arith.constant 0 : index
    tpu.barrier barrier_id(%barrier3A_208)
    %mul3A_209 = arith.constant 640 : i32
    %mul3A_210 = arith.muli %arg1, %mul3A_209 : i32
    %multiple_of3A = tpu.assume_multiple %mul3A_210, 128 : i32
    %eq3A = arith.constant 0 : i32
    %eq3A_211 = arith.cmpi eq, %arg0, %eq3A : i32
    %convert_element_type3A = arith.extui %eq3A_211 : i1 to i32
    %cond3A = arith.constant 0 : i32
    %cond3A_212 = arith.cmpi ne, %convert_element_type3A, %cond3A : i32
    scf.if %cond3A_212 {
      "tpu.region"() ({
        %run_scoped3A_218 = tpu.sem_alloc : memref<!tpu.dma_semaphore, #tpu.memory_space<semaphore_mem>>
        %dma_start3A_219 = arith.constant 0 : i32
        %dma_start3A_220 = tpu.memref_slice %arg5[%multiple_of3A, %dma_start3A_219] : memref<10240x128xf32, #tpu.memory_space<hbm>> -> memref<640x128xf32, #tpu.memory_space<hbm>>
        %dma_start3A_221 = arith.constant 0 : i32
        %dma_start3A_222 = tpu.memref_slice %arg10[%multiple_of3A, %dma_start3A_221] : memref<10240x128xf32, #tpu.memory_space<vmem_shared>> -> memref<640x128xf32, #tpu.memory_space<vmem_shared>>
        tpu.enqueue_dma source(%dma_start3A_222 : memref<640x128xf32, #tpu.memory_space<vmem_shared>>) target(%dma_start3A_220 : memref<640x128xf32, #tpu.memory_space<hbm>>) target_semaphore(%run_scoped3A_218 : memref<!tpu.dma_semaphore, #tpu.memory_space<semaphore_mem>>)
        %dma_wait3A_223 = arith.constant 0 : i32
        %dma_wait3A_224 = tpu.memref_slice %arg5[%multiple_of3A, %dma_wait3A_223] : memref<10240x128xf32, #tpu.memory_space<hbm>> -> memref<640x128xf32, #tpu.memory_space<hbm>>
        %dma_wait3A_225 = arith.constant 0 : i32
        %dma_wait3A_226 = tpu.memref_slice %arg10[%multiple_of3A, %dma_wait3A_225] : memref<10240x128xf32, #tpu.memory_space<vmem_shared>> -> memref<640x128xf32, #tpu.memory_space<vmem_shared>>
        tpu.wait_dma2 semaphore(%run_scoped3A_218 : memref<!tpu.dma_semaphore, #tpu.memory_space<semaphore_mem>>) src(%dma_wait3A_226 : memref<640x128xf32, #tpu.memory_space<vmem_shared>>) dst(%dma_wait3A_224 : memref<640x128xf32, #tpu.memory_space<hbm>>)
        tpu.yield
      }) : () -> ()
    } else {
    }
    %eq3A_213 = arith.constant 1 : i32
    %eq3A_214 = arith.cmpi eq, %arg0, %eq3A_213 : i32
    %convert_element_type3A_215 = arith.extui %eq3A_214 : i1 to i32
    %cond3A_216 = arith.constant 0 : i32
    %cond3A_217 = arith.cmpi ne, %convert_element_type3A_215, %cond3A_216 : i32
    scf.if %cond3A_217 {
      "tpu.region"() ({
        %run_scoped3A_218 = tpu.sem_alloc : memref<!tpu.dma_semaphore, #tpu.memory_space<semaphore_mem>>
        %dma_start3A_219 = arith.constant 0 : i32
        %dma_start3A_220 = tpu.memref_slice %arg6[%multiple_of3A, %dma_start3A_219] : memref<10240x128xf32, #tpu.memory_space<hbm>> -> memref<640x128xf32, #tpu.memory_space<hbm>>
        %dma_start3A_221 = arith.constant 0 : i32
        %dma_start3A_222 = tpu.memref_slice %arg10[%multiple_of3A, %dma_start3A_221] : memref<10240x128xf32, #tpu.memory_space<vmem_shared>> -> memref<640x128xf32, #tpu.memory_space<vmem_shared>>
        tpu.enqueue_dma source(%dma_start3A_222 : memref<640x128xf32, #tpu.memory_space<vmem_shared>>) target(%dma_start3A_220 : memref<640x128xf32, #tpu.memory_space<hbm>>) target_semaphore(%run_scoped3A_218 : memref<!tpu.dma_semaphore, #tpu.memory_space<semaphore_mem>>)
        %dma_wait3A_223 = arith.constant 0 : i32
        %dma_wait3A_224 = tpu.memref_slice %arg6[%multiple_of3A, %dma_wait3A_223] : memref<10240x128xf32, #tpu.memory_space<hbm>> -> memref<640x128xf32, #tpu.memory_space<hbm>>
        %dma_wait3A_225 = arith.constant 0 : i32
        %dma_wait3A_226 = tpu.memref_slice %arg10[%multiple_of3A, %dma_wait3A_225] : memref<10240x128xf32, #tpu.memory_space<vmem_shared>> -> memref<640x128xf32, #tpu.memory_space<vmem_shared>>
        tpu.wait_dma2 semaphore(%run_scoped3A_218 : memref<!tpu.dma_semaphore, #tpu.memory_space<semaphore_mem>>) src(%dma_wait3A_226 : memref<640x128xf32, #tpu.memory_space<vmem_shared>>) dst(%dma_wait3A_224 : memref<640x128xf32, #tpu.memory_space<hbm>>)
        tpu.yield
      }) : () -> ()
    } else {
    }
    return
  }
}

#map = affine_map<(d0, d1) -> (0, 0)>
#map1 = affine_map<(d0, d1) -> (0, 0, 0)>
module attributes {stable_mosaic.version = 14 : i64} {
  func.func @agg_kernel(%arg0: i32, %arg1: i32, %arg2: memref<10000x128xf32, #tpu.memory_space<hbm>>, %arg3: memref<32x80x128xi32, #tpu.memory_space<hbm>>, %arg4: memref<32x80x128xi32, #tpu.memory_space<hbm>>, %arg5: memref<10240x128xf32, #tpu.memory_space<hbm>>, %arg6: memref<10240x128xf32, #tpu.memory_space<hbm>>, %arg7: memref<4x128xi32, #tpu.memory_space<vmem>>, %arg8: memref<4x128xi32, #tpu.memory_space<vmem>>, %arg9: memref<2x128x128xf32, #tpu.memory_space<vmem>>, %arg10: memref<10240x128xf32, #tpu.memory_space<vmem_shared>>, %arg11: memref<!tpu.dma_semaphore, #tpu.memory_space<semaphore_mem>>, %arg12: memref<!tpu.dma_semaphore, #tpu.memory_space<semaphore_mem>>, %arg13: memref<!tpu.dma_semaphore, #tpu.memory_space<semaphore_mem>>, %arg14: memref<!tpu.dma_semaphore, #tpu.memory_space<semaphore_mem>>, %arg15: memref<!tpu.dma_semaphore, #tpu.memory_space<semaphore_mem>>, %arg16: memref<!tpu.dma_semaphore, #tpu.memory_space<semaphore_mem>>, %arg17: memref<!tpu.dma_semaphore, #tpu.memory_space<semaphore_mem>>, %arg18: memref<!tpu.dma_semaphore, #tpu.memory_space<semaphore_mem>>, %arg19: memref<!tpu.dma_semaphore, #tpu.memory_space<semaphore_mem>>, %arg20: memref<!tpu.dma_semaphore, #tpu.memory_space<semaphore_mem>>, %arg21: memref<!tpu.dma_semaphore, #tpu.memory_space<semaphore_mem>>, %arg22: memref<!tpu.dma_semaphore, #tpu.memory_space<semaphore_mem>>) attributes {dimension_semantics = [#tpu.dimension_semantics<core_parallel>, #tpu.dimension_semantics<subcore_parallel>], iteration_bounds = array<i64: 2, 16>, scalar_prefetch = 0 : i64, scratch_operands = 16 : i64, tpu.core_type = #tpu.core_type<sc_vector_subcore>, window_params = [{transform_indices = #map}, {transform_indices = #map1}, {transform_indices = #map1}, {transform_indices = #map}, {transform_indices = #map}]} {
    %mul3A = arith.constant 2 : i32
    %mul3A_0 = arith.muli %arg1, %mul3A : i32
    %add3A = arith.addi %mul3A_0, %arg0 : i32
    %dma_start3A = arith.constant 0 : i32
    %dma_start3A_1 = arith.constant 0 : i32
    %dma_start3A_2 = arith.constant 0 : i32
    %dma_start3A_3 = tpu.memref_slice %arg7[%dma_start3A_1, %dma_start3A_2] : memref<4x128xi32, #tpu.memory_space<vmem>> -> memref<1x128xi32, #tpu.memory_space<vmem>>
    %dma_start3A_4 = tpu.memref_squeeze %dma_start3A_3 : memref<1x128xi32, #tpu.memory_space<vmem>> -> memref<128xi32, #tpu.memory_space<vmem>>
    %dma_start3A_5 = arith.constant 0 : i32
    %dma_start3A_6 = tpu.memref_slice %arg3[%add3A, %dma_start3A, %dma_start3A_5] : memref<32x80x128xi32, #tpu.memory_space<hbm>> -> memref<1x1x128xi32, #tpu.memory_space<hbm>>
    %dma_start3A_7 = tpu.memref_squeeze %dma_start3A_6 : memref<1x1x128xi32, #tpu.memory_space<hbm>> -> memref<128xi32, #tpu.memory_space<hbm>>
    %dma_start3A_8 = arith.constant 0 : i32
    %dma_start3A_9 = tpu.memref_slice %arg7[%dma_start3A_1, %dma_start3A_8] : memref<4x128xi32, #tpu.memory_space<vmem>> -> memref<1x128xi32, #tpu.memory_space<vmem>>
    %dma_start3A_10 = tpu.memref_squeeze %dma_start3A_9 : memref<1x128xi32, #tpu.memory_space<vmem>> -> memref<128xi32, #tpu.memory_space<vmem>>
    %dma_start3A_11 = arith.constant 0 : i32
    %dma_start3A_12 = tpu.memref_slice %arg3[%add3A, %dma_start3A, %dma_start3A_11] : memref<32x80x128xi32, #tpu.memory_space<hbm>> -> memref<1x1x128xi32, #tpu.memory_space<hbm>>
    %dma_start3A_13 = tpu.memref_squeeze %dma_start3A_12 : memref<1x1x128xi32, #tpu.memory_space<hbm>> -> memref<128xi32, #tpu.memory_space<hbm>>
    tpu.enqueue_dma source(%dma_start3A_13 : memref<128xi32, #tpu.memory_space<hbm>>) target(%dma_start3A_10 : memref<128xi32, #tpu.memory_space<vmem>>) target_semaphore(%arg11 : memref<!tpu.dma_semaphore, #tpu.memory_space<semaphore_mem>>)
    %dma_start3A_14 = arith.constant 0 : i32
    %dma_start3A_15 = arith.constant 0 : i32
    %dma_start3A_16 = arith.constant 0 : i32
    %dma_start3A_17 = tpu.memref_slice %arg8[%dma_start3A_15, %dma_start3A_16] : memref<4x128xi32, #tpu.memory_space<vmem>> -> memref<1x128xi32, #tpu.memory_space<vmem>>
    %dma_start3A_18 = tpu.memref_squeeze %dma_start3A_17 : memref<1x128xi32, #tpu.memory_space<vmem>> -> memref<128xi32, #tpu.memory_space<vmem>>
    %dma_start3A_19 = arith.constant 0 : i32
    %dma_start3A_20 = tpu.memref_slice %arg4[%add3A, %dma_start3A_14, %dma_start3A_19] : memref<32x80x128xi32, #tpu.memory_space<hbm>> -> memref<1x1x128xi32, #tpu.memory_space<hbm>>
    %dma_start3A_21 = tpu.memref_squeeze %dma_start3A_20 : memref<1x1x128xi32, #tpu.memory_space<hbm>> -> memref<128xi32, #tpu.memory_space<hbm>>
    %dma_start3A_22 = arith.constant 0 : i32
    %dma_start3A_23 = tpu.memref_slice %arg8[%dma_start3A_15, %dma_start3A_22] : memref<4x128xi32, #tpu.memory_space<vmem>> -> memref<1x128xi32, #tpu.memory_space<vmem>>
    %dma_start3A_24 = tpu.memref_squeeze %dma_start3A_23 : memref<1x128xi32, #tpu.memory_space<vmem>> -> memref<128xi32, #tpu.memory_space<vmem>>
    %dma_start3A_25 = arith.constant 0 : i32
    %dma_start3A_26 = tpu.memref_slice %arg4[%add3A, %dma_start3A_14, %dma_start3A_25] : memref<32x80x128xi32, #tpu.memory_space<hbm>> -> memref<1x1x128xi32, #tpu.memory_space<hbm>>
    %dma_start3A_27 = tpu.memref_squeeze %dma_start3A_26 : memref<1x1x128xi32, #tpu.memory_space<hbm>> -> memref<128xi32, #tpu.memory_space<hbm>>
    tpu.enqueue_dma source(%dma_start3A_27 : memref<128xi32, #tpu.memory_space<hbm>>) target(%dma_start3A_24 : memref<128xi32, #tpu.memory_space<vmem>>) target_semaphore(%arg15 : memref<!tpu.dma_semaphore, #tpu.memory_space<semaphore_mem>>)
    %dma_start3A_28 = arith.constant 1 : i32
    %dma_start3A_29 = arith.constant 1 : i32
    %dma_start3A_30 = arith.constant 0 : i32
    %dma_start3A_31 = tpu.memref_slice %arg7[%dma_start3A_29, %dma_start3A_30] : memref<4x128xi32, #tpu.memory_space<vmem>> -> memref<1x128xi32, #tpu.memory_space<vmem>>
    %dma_start3A_32 = tpu.memref_squeeze %dma_start3A_31 : memref<1x128xi32, #tpu.memory_space<vmem>> -> memref<128xi32, #tpu.memory_space<vmem>>
    %dma_start3A_33 = arith.constant 0 : i32
    %dma_start3A_34 = tpu.memref_slice %arg3[%add3A, %dma_start3A_28, %dma_start3A_33] : memref<32x80x128xi32, #tpu.memory_space<hbm>> -> memref<1x1x128xi32, #tpu.memory_space<hbm>>
    %dma_start3A_35 = tpu.memref_squeeze %dma_start3A_34 : memref<1x1x128xi32, #tpu.memory_space<hbm>> -> memref<128xi32, #tpu.memory_space<hbm>>
    %dma_start3A_36 = arith.constant 0 : i32
    %dma_start3A_37 = tpu.memref_slice %arg7[%dma_start3A_29, %dma_start3A_36] : memref<4x128xi32, #tpu.memory_space<vmem>> -> memref<1x128xi32, #tpu.memory_space<vmem>>
    %dma_start3A_38 = tpu.memref_squeeze %dma_start3A_37 : memref<1x128xi32, #tpu.memory_space<vmem>> -> memref<128xi32, #tpu.memory_space<vmem>>
    %dma_start3A_39 = arith.constant 0 : i32
    %dma_start3A_40 = tpu.memref_slice %arg3[%add3A, %dma_start3A_28, %dma_start3A_39] : memref<32x80x128xi32, #tpu.memory_space<hbm>> -> memref<1x1x128xi32, #tpu.memory_space<hbm>>
    %dma_start3A_41 = tpu.memref_squeeze %dma_start3A_40 : memref<1x1x128xi32, #tpu.memory_space<hbm>> -> memref<128xi32, #tpu.memory_space<hbm>>
    tpu.enqueue_dma source(%dma_start3A_41 : memref<128xi32, #tpu.memory_space<hbm>>) target(%dma_start3A_38 : memref<128xi32, #tpu.memory_space<vmem>>) target_semaphore(%arg12 : memref<!tpu.dma_semaphore, #tpu.memory_space<semaphore_mem>>)
    %dma_start3A_42 = arith.constant 1 : i32
    %dma_start3A_43 = arith.constant 1 : i32
    %dma_start3A_44 = arith.constant 0 : i32
    %dma_start3A_45 = tpu.memref_slice %arg8[%dma_start3A_43, %dma_start3A_44] : memref<4x128xi32, #tpu.memory_space<vmem>> -> memref<1x128xi32, #tpu.memory_space<vmem>>
    %dma_start3A_46 = tpu.memref_squeeze %dma_start3A_45 : memref<1x128xi32, #tpu.memory_space<vmem>> -> memref<128xi32, #tpu.memory_space<vmem>>
    %dma_start3A_47 = arith.constant 0 : i32
    %dma_start3A_48 = tpu.memref_slice %arg4[%add3A, %dma_start3A_42, %dma_start3A_47] : memref<32x80x128xi32, #tpu.memory_space<hbm>> -> memref<1x1x128xi32, #tpu.memory_space<hbm>>
    %dma_start3A_49 = tpu.memref_squeeze %dma_start3A_48 : memref<1x1x128xi32, #tpu.memory_space<hbm>> -> memref<128xi32, #tpu.memory_space<hbm>>
    %dma_start3A_50 = arith.constant 0 : i32
    %dma_start3A_51 = tpu.memref_slice %arg8[%dma_start3A_43, %dma_start3A_50] : memref<4x128xi32, #tpu.memory_space<vmem>> -> memref<1x128xi32, #tpu.memory_space<vmem>>
    %dma_start3A_52 = tpu.memref_squeeze %dma_start3A_51 : memref<1x128xi32, #tpu.memory_space<vmem>> -> memref<128xi32, #tpu.memory_space<vmem>>
    %dma_start3A_53 = arith.constant 0 : i32
    %dma_start3A_54 = tpu.memref_slice %arg4[%add3A, %dma_start3A_42, %dma_start3A_53] : memref<32x80x128xi32, #tpu.memory_space<hbm>> -> memref<1x1x128xi32, #tpu.memory_space<hbm>>
    %dma_start3A_55 = tpu.memref_squeeze %dma_start3A_54 : memref<1x1x128xi32, #tpu.memory_space<hbm>> -> memref<128xi32, #tpu.memory_space<hbm>>
    tpu.enqueue_dma source(%dma_start3A_55 : memref<128xi32, #tpu.memory_space<hbm>>) target(%dma_start3A_52 : memref<128xi32, #tpu.memory_space<vmem>>) target_semaphore(%arg16 : memref<!tpu.dma_semaphore, #tpu.memory_space<semaphore_mem>>)
    %dma_start3A_56 = arith.constant 2 : i32
    %dma_start3A_57 = arith.constant 2 : i32
    %dma_start3A_58 = arith.constant 0 : i32
    %dma_start3A_59 = tpu.memref_slice %arg7[%dma_start3A_57, %dma_start3A_58] : memref<4x128xi32, #tpu.memory_space<vmem>> -> memref<1x128xi32, #tpu.memory_space<vmem>>
    %dma_start3A_60 = tpu.memref_squeeze %dma_start3A_59 : memref<1x128xi32, #tpu.memory_space<vmem>> -> memref<128xi32, #tpu.memory_space<vmem>>
    %dma_start3A_61 = arith.constant 0 : i32
    %dma_start3A_62 = tpu.memref_slice %arg3[%add3A, %dma_start3A_56, %dma_start3A_61] : memref<32x80x128xi32, #tpu.memory_space<hbm>> -> memref<1x1x128xi32, #tpu.memory_space<hbm>>
    %dma_start3A_63 = tpu.memref_squeeze %dma_start3A_62 : memref<1x1x128xi32, #tpu.memory_space<hbm>> -> memref<128xi32, #tpu.memory_space<hbm>>
    %dma_start3A_64 = arith.constant 0 : i32
    %dma_start3A_65 = tpu.memref_slice %arg7[%dma_start3A_57, %dma_start3A_64] : memref<4x128xi32, #tpu.memory_space<vmem>> -> memref<1x128xi32, #tpu.memory_space<vmem>>
    %dma_start3A_66 = tpu.memref_squeeze %dma_start3A_65 : memref<1x128xi32, #tpu.memory_space<vmem>> -> memref<128xi32, #tpu.memory_space<vmem>>
    %dma_start3A_67 = arith.constant 0 : i32
    %dma_start3A_68 = tpu.memref_slice %arg3[%add3A, %dma_start3A_56, %dma_start3A_67] : memref<32x80x128xi32, #tpu.memory_space<hbm>> -> memref<1x1x128xi32, #tpu.memory_space<hbm>>
    %dma_start3A_69 = tpu.memref_squeeze %dma_start3A_68 : memref<1x1x128xi32, #tpu.memory_space<hbm>> -> memref<128xi32, #tpu.memory_space<hbm>>
    tpu.enqueue_dma source(%dma_start3A_69 : memref<128xi32, #tpu.memory_space<hbm>>) target(%dma_start3A_66 : memref<128xi32, #tpu.memory_space<vmem>>) target_semaphore(%arg13 : memref<!tpu.dma_semaphore, #tpu.memory_space<semaphore_mem>>)
    %dma_start3A_70 = arith.constant 2 : i32
    %dma_start3A_71 = arith.constant 2 : i32
    %dma_start3A_72 = arith.constant 0 : i32
    %dma_start3A_73 = tpu.memref_slice %arg8[%dma_start3A_71, %dma_start3A_72] : memref<4x128xi32, #tpu.memory_space<vmem>> -> memref<1x128xi32, #tpu.memory_space<vmem>>
    %dma_start3A_74 = tpu.memref_squeeze %dma_start3A_73 : memref<1x128xi32, #tpu.memory_space<vmem>> -> memref<128xi32, #tpu.memory_space<vmem>>
    %dma_start3A_75 = arith.constant 0 : i32
    %dma_start3A_76 = tpu.memref_slice %arg4[%add3A, %dma_start3A_70, %dma_start3A_75] : memref<32x80x128xi32, #tpu.memory_space<hbm>> -> memref<1x1x128xi32, #tpu.memory_space<hbm>>
    %dma_start3A_77 = tpu.memref_squeeze %dma_start3A_76 : memref<1x1x128xi32, #tpu.memory_space<hbm>> -> memref<128xi32, #tpu.memory_space<hbm>>
    %dma_start3A_78 = arith.constant 0 : i32
    %dma_start3A_79 = tpu.memref_slice %arg8[%dma_start3A_71, %dma_start3A_78] : memref<4x128xi32, #tpu.memory_space<vmem>> -> memref<1x128xi32, #tpu.memory_space<vmem>>
    %dma_start3A_80 = tpu.memref_squeeze %dma_start3A_79 : memref<1x128xi32, #tpu.memory_space<vmem>> -> memref<128xi32, #tpu.memory_space<vmem>>
    %dma_start3A_81 = arith.constant 0 : i32
    %dma_start3A_82 = tpu.memref_slice %arg4[%add3A, %dma_start3A_70, %dma_start3A_81] : memref<32x80x128xi32, #tpu.memory_space<hbm>> -> memref<1x1x128xi32, #tpu.memory_space<hbm>>
    %dma_start3A_83 = tpu.memref_squeeze %dma_start3A_82 : memref<1x1x128xi32, #tpu.memory_space<hbm>> -> memref<128xi32, #tpu.memory_space<hbm>>
    tpu.enqueue_dma source(%dma_start3A_83 : memref<128xi32, #tpu.memory_space<hbm>>) target(%dma_start3A_80 : memref<128xi32, #tpu.memory_space<vmem>>) target_semaphore(%arg17 : memref<!tpu.dma_semaphore, #tpu.memory_space<semaphore_mem>>)
    %dma_start3A_84 = arith.constant 3 : i32
    %dma_start3A_85 = arith.constant 3 : i32
    %dma_start3A_86 = arith.constant 0 : i32
    %dma_start3A_87 = tpu.memref_slice %arg7[%dma_start3A_85, %dma_start3A_86] : memref<4x128xi32, #tpu.memory_space<vmem>> -> memref<1x128xi32, #tpu.memory_space<vmem>>
    %dma_start3A_88 = tpu.memref_squeeze %dma_start3A_87 : memref<1x128xi32, #tpu.memory_space<vmem>> -> memref<128xi32, #tpu.memory_space<vmem>>
    %dma_start3A_89 = arith.constant 0 : i32
    %dma_start3A_90 = tpu.memref_slice %arg3[%add3A, %dma_start3A_84, %dma_start3A_89] : memref<32x80x128xi32, #tpu.memory_space<hbm>> -> memref<1x1x128xi32, #tpu.memory_space<hbm>>
    %dma_start3A_91 = tpu.memref_squeeze %dma_start3A_90 : memref<1x1x128xi32, #tpu.memory_space<hbm>> -> memref<128xi32, #tpu.memory_space<hbm>>
    %dma_start3A_92 = arith.constant 0 : i32
    %dma_start3A_93 = tpu.memref_slice %arg7[%dma_start3A_85, %dma_start3A_92] : memref<4x128xi32, #tpu.memory_space<vmem>> -> memref<1x128xi32, #tpu.memory_space<vmem>>
    %dma_start3A_94 = tpu.memref_squeeze %dma_start3A_93 : memref<1x128xi32, #tpu.memory_space<vmem>> -> memref<128xi32, #tpu.memory_space<vmem>>
    %dma_start3A_95 = arith.constant 0 : i32
    %dma_start3A_96 = tpu.memref_slice %arg3[%add3A, %dma_start3A_84, %dma_start3A_95] : memref<32x80x128xi32, #tpu.memory_space<hbm>> -> memref<1x1x128xi32, #tpu.memory_space<hbm>>
    %dma_start3A_97 = tpu.memref_squeeze %dma_start3A_96 : memref<1x1x128xi32, #tpu.memory_space<hbm>> -> memref<128xi32, #tpu.memory_space<hbm>>
    tpu.enqueue_dma source(%dma_start3A_97 : memref<128xi32, #tpu.memory_space<hbm>>) target(%dma_start3A_94 : memref<128xi32, #tpu.memory_space<vmem>>) target_semaphore(%arg14 : memref<!tpu.dma_semaphore, #tpu.memory_space<semaphore_mem>>)
    %dma_start3A_98 = arith.constant 3 : i32
    %dma_start3A_99 = arith.constant 3 : i32
    %dma_start3A_100 = arith.constant 0 : i32
    %dma_start3A_101 = tpu.memref_slice %arg8[%dma_start3A_99, %dma_start3A_100] : memref<4x128xi32, #tpu.memory_space<vmem>> -> memref<1x128xi32, #tpu.memory_space<vmem>>
    %dma_start3A_102 = tpu.memref_squeeze %dma_start3A_101 : memref<1x128xi32, #tpu.memory_space<vmem>> -> memref<128xi32, #tpu.memory_space<vmem>>
    %dma_start3A_103 = arith.constant 0 : i32
    %dma_start3A_104 = tpu.memref_slice %arg4[%add3A, %dma_start3A_98, %dma_start3A_103] : memref<32x80x128xi32, #tpu.memory_space<hbm>> -> memref<1x1x128xi32, #tpu.memory_space<hbm>>
    %dma_start3A_105 = tpu.memref_squeeze %dma_start3A_104 : memref<1x1x128xi32, #tpu.memory_space<hbm>> -> memref<128xi32, #tpu.memory_space<hbm>>
    %dma_start3A_106 = arith.constant 0 : i32
    %dma_start3A_107 = tpu.memref_slice %arg8[%dma_start3A_99, %dma_start3A_106] : memref<4x128xi32, #tpu.memory_space<vmem>> -> memref<1x128xi32, #tpu.memory_space<vmem>>
    %dma_start3A_108 = tpu.memref_squeeze %dma_start3A_107 : memref<1x128xi32, #tpu.memory_space<vmem>> -> memref<128xi32, #tpu.memory_space<vmem>>
    %dma_start3A_109 = arith.constant 0 : i32
    %dma_start3A_110 = tpu.memref_slice %arg4[%add3A, %dma_start3A_98, %dma_start3A_109] : memref<32x80x128xi32, #tpu.memory_space<hbm>> -> memref<1x1x128xi32, #tpu.memory_space<hbm>>
    %dma_start3A_111 = tpu.memref_squeeze %dma_start3A_110 : memref<1x1x128xi32, #tpu.memory_space<hbm>> -> memref<128xi32, #tpu.memory_space<hbm>>
    tpu.enqueue_dma source(%dma_start3A_111 : memref<128xi32, #tpu.memory_space<hbm>>) target(%dma_start3A_108 : memref<128xi32, #tpu.memory_space<vmem>>) target_semaphore(%arg18 : memref<!tpu.dma_semaphore, #tpu.memory_space<semaphore_mem>>)
    %scan3A = arith.constant 0 : i32
    %scan3A_112 = arith.constant 0 : i32
    %scan3A_113 = arith.constant 128 : i32
    %scan3A_114 = arith.addi %scan3A_112, %scan3A_113 : i32
    %scan3A_115 = arith.constant 1 : i32
    scf.for %scan3A_218 = %scan3A_112 to %scan3A_114 step %scan3A_115  : i32 {
      %broadcast_in_dim3A = arith.constant 0.000000e+00 : f32
      %broadcast_in_dim3A_219 = vector.broadcast %broadcast_in_dim3A : f32 to vector<16xf32>
      %swap3A = arith.constant 0 : i32
      %swap3A_220 = arith.index_cast %swap3A : i32 to index
      %swap3A_221 = arith.index_cast %scan3A_218 : i32 to index
      %swap3A_222 = arith.constant 0 : index
      %swap3A_223 = tpu.vector_load %arg9[%swap3A_220, %swap3A_221, %swap3A_222] {strides = array<i32>} : memref<2x128x128xf32, #tpu.memory_space<vmem>>, vector<1x1x16xf32>,
      %swap3A_224 = vector.shape_cast %swap3A_223 : vector<1x1x16xf32> to vector<16xf32>
      %swap3A_225 = vector.shape_cast %broadcast_in_dim3A_219 : vector<16xf32> to vector<1x1x16xf32>
      tpu.vector_store %arg9[%swap3A_220, %swap3A_221, %swap3A_222], %swap3A_225 {strides = array<i32>} : memref<2x128x128xf32, #tpu.memory_space<vmem>>, vector<1x1x16xf32>,
      %broadcast_in_dim3A_226 = arith.constant 0.000000e+00 : f32
      %broadcast_in_dim3A_227 = vector.broadcast %broadcast_in_dim3A_226 : f32 to vector<16xf32>
      %swap3A_228 = arith.constant 0 : i32
      %swap3A_229 = arith.index_cast %swap3A_228 : i32 to index
      %swap3A_230 = arith.index_cast %scan3A_218 : i32 to index
      %swap3A_231 = arith.constant 16 : index
      %swap3A_232 = tpu.vector_load %arg9[%swap3A_229, %swap3A_230, %swap3A_231] {strides = array<i32>} : memref<2x128x128xf32, #tpu.memory_space<vmem>>, vector<1x1x16xf32>,
      %swap3A_233 = vector.shape_cast %swap3A_232 : vector<1x1x16xf32> to vector<16xf32>
      %swap3A_234 = vector.shape_cast %broadcast_in_dim3A_227 : vector<16xf32> to vector<1x1x16xf32>
      tpu.vector_store %arg9[%swap3A_229, %swap3A_230, %swap3A_231], %swap3A_234 {strides = array<i32>} : memref<2x128x128xf32, #tpu.memory_space<vmem>>, vector<1x1x16xf32>,
      %broadcast_in_dim3A_235 = arith.constant 0.000000e+00 : f32
      %broadcast_in_dim3A_236 = vector.broadcast %broadcast_in_dim3A_235 : f32 to vector<16xf32>
      %swap3A_237 = arith.constant 0 : i32
      %swap3A_238 = arith.index_cast %swap3A_237 : i32 to index
      %swap3A_239 = arith.index_cast %scan3A_218 : i32 to index
      %swap3A_240 = arith.constant 32 : index
      %swap3A_241 = tpu.vector_load %arg9[%swap3A_238, %swap3A_239, %swap3A_240] {strides = array<i32>} : memref<2x128x128xf32, #tpu.memory_space<vmem>>, vector<1x1x16xf32>,
      %swap3A_242 = vector.shape_cast %swap3A_241 : vector<1x1x16xf32> to vector<16xf32>
      %swap3A_243 = vector.shape_cast %broadcast_in_dim3A_236 : vector<16xf32> to vector<1x1x16xf32>
      tpu.vector_store %arg9[%swap3A_238, %swap3A_239, %swap3A_240], %swap3A_243 {strides = array<i32>} : memref<2x128x128xf32, #tpu.memory_space<vmem>>, vector<1x1x16xf32>,
      %broadcast_in_dim3A_244 = arith.constant 0.000000e+00 : f32
      %broadcast_in_dim3A_245 = vector.broadcast %broadcast_in_dim3A_244 : f32 to vector<16xf32>
      %swap3A_246 = arith.constant 0 : i32
      %swap3A_247 = arith.index_cast %swap3A_246 : i32 to index
      %swap3A_248 = arith.index_cast %scan3A_218 : i32 to index
      %swap3A_249 = arith.constant 48 : index
      %swap3A_250 = tpu.vector_load %arg9[%swap3A_247, %swap3A_248, %swap3A_249] {strides = array<i32>} : memref<2x128x128xf32, #tpu.memory_space<vmem>>, vector<1x1x16xf32>,
      %swap3A_251 = vector.shape_cast %swap3A_250 : vector<1x1x16xf32> to vector<16xf32>
      %swap3A_252 = vector.shape_cast %broadcast_in_dim3A_245 : vector<16xf32> to vector<1x1x16xf32>
      tpu.vector_store %arg9[%swap3A_247, %swap3A_248, %swap3A_249], %swap3A_252 {strides = array<i32>} : memref<2x128x128xf32, #tpu.memory_space<vmem>>, vector<1x1x16xf32>,
      %broadcast_in_dim3A_253 = arith.constant 0.000000e+00 : f32
      %broadcast_in_dim3A_254 = vector.broadcast %broadcast_in_dim3A_253 : f32 to vector<16xf32>
      %swap3A_255 = arith.constant 0 : i32
      %swap3A_256 = arith.index_cast %swap3A_255 : i32 to index
      %swap3A_257 = arith.index_cast %scan3A_218 : i32 to index
      %swap3A_258 = arith.constant 64 : index
      %swap3A_259 = tpu.vector_load %arg9[%swap3A_256, %swap3A_257, %swap3A_258] {strides = array<i32>} : memref<2x128x128xf32, #tpu.memory_space<vmem>>, vector<1x1x16xf32>,
      %swap3A_260 = vector.shape_cast %swap3A_259 : vector<1x1x16xf32> to vector<16xf32>
      %swap3A_261 = vector.shape_cast %broadcast_in_dim3A_254 : vector<16xf32> to vector<1x1x16xf32>
      tpu.vector_store %arg9[%swap3A_256, %swap3A_257, %swap3A_258], %swap3A_261 {strides = array<i32>} : memref<2x128x128xf32, #tpu.memory_space<vmem>>, vector<1x1x16xf32>,
      %broadcast_in_dim3A_262 = arith.constant 0.000000e+00 : f32
      %broadcast_in_dim3A_263 = vector.broadcast %broadcast_in_dim3A_262 : f32 to vector<16xf32>
      %swap3A_264 = arith.constant 0 : i32
      %swap3A_265 = arith.index_cast %swap3A_264 : i32 to index
      %swap3A_266 = arith.index_cast %scan3A_218 : i32 to index
      %swap3A_267 = arith.constant 80 : index
      %swap3A_268 = tpu.vector_load %arg9[%swap3A_265, %swap3A_266, %swap3A_267] {strides = array<i32>} : memref<2x128x128xf32, #tpu.memory_space<vmem>>, vector<1x1x16xf32>,
      %swap3A_269 = vector.shape_cast %swap3A_268 : vector<1x1x16xf32> to vector<16xf32>
      %swap3A_270 = vector.shape_cast %broadcast_in_dim3A_263 : vector<16xf32> to vector<1x1x16xf32>
      tpu.vector_store %arg9[%swap3A_265, %swap3A_266, %swap3A_267], %swap3A_270 {strides = array<i32>} : memref<2x128x128xf32, #tpu.memory_space<vmem>>, vector<1x1x16xf32>,
      %broadcast_in_dim3A_271 = arith.constant 0.000000e+00 : f32
      %broadcast_in_dim3A_272 = vector.broadcast %broadcast_in_dim3A_271 : f32 to vector<16xf32>
      %swap3A_273 = arith.constant 0 : i32
      %swap3A_274 = arith.index_cast %swap3A_273 : i32 to index
      %swap3A_275 = arith.index_cast %scan3A_218 : i32 to index
      %swap3A_276 = arith.constant 96 : index
      %swap3A_277 = tpu.vector_load %arg9[%swap3A_274, %swap3A_275, %swap3A_276] {strides = array<i32>} : memref<2x128x128xf32, #tpu.memory_space<vmem>>, vector<1x1x16xf32>,
      %swap3A_278 = vector.shape_cast %swap3A_277 : vector<1x1x16xf32> to vector<16xf32>
      %swap3A_279 = vector.shape_cast %broadcast_in_dim3A_272 : vector<16xf32> to vector<1x1x16xf32>
      tpu.vector_store %arg9[%swap3A_274, %swap3A_275, %swap3A_276], %swap3A_279 {strides = array<i32>} : memref<2x128x128xf32, #tpu.memory_space<vmem>>, vector<1x1x16xf32>,
      %broadcast_in_dim3A_280 = arith.constant 0.000000e+00 : f32
      %broadcast_in_dim3A_281 = vector.broadcast %broadcast_in_dim3A_280 : f32 to vector<16xf32>
      %swap3A_282 = arith.constant 0 : i32
      %swap3A_283 = arith.index_cast %swap3A_282 : i32 to index
      %swap3A_284 = arith.index_cast %scan3A_218 : i32 to index
      %swap3A_285 = arith.constant 112 : index
      %swap3A_286 = tpu.vector_load %arg9[%swap3A_283, %swap3A_284, %swap3A_285] {strides = array<i32>} : memref<2x128x128xf32, #tpu.memory_space<vmem>>, vector<1x1x16xf32>,
      %swap3A_287 = vector.shape_cast %swap3A_286 : vector<1x1x16xf32> to vector<16xf32>
      %swap3A_288 = vector.shape_cast %broadcast_in_dim3A_281 : vector<16xf32> to vector<1x1x16xf32>
      tpu.vector_store %arg9[%swap3A_283, %swap3A_284, %swap3A_285], %swap3A_288 {strides = array<i32>} : memref<2x128x128xf32, #tpu.memory_space<vmem>>, vector<1x1x16xf32>,
    }
    %scan3A_116 = arith.constant 128 : i32
    %mul3A_117 = arith.constant 640 : i32
    %mul3A_118 = arith.muli %arg1, %mul3A_117 : i32
    %add3A_119 = arith.constant 0 : i32
    %add3A_120 = arith.addi %mul3A_118, %add3A_119 : i32
    %run_scoped3A = arith.constant 0 : i32
    "tpu.region"() ({
      %run_scoped3A_218 = tpu.sem_alloc : memref<!tpu.dma_semaphore, #tpu.memory_space<semaphore_mem>>
      %dma_start3A_219 = arith.constant 0 : i32
      %dma_start3A_220 = arith.constant 0 : i32
      %dma_start3A_221 = tpu.memref_slice %arg9[%run_scoped3A, %dma_start3A_219, %dma_start3A_220] : memref<2x128x128xf32, #tpu.memory_space<vmem>> -> memref<1x128x128xf32, #tpu.memory_space<vmem>>
      %dma_start3A_222 = tpu.memref_squeeze %dma_start3A_221 : memref<1x128x128xf32, #tpu.memory_space<vmem>> -> memref<128x128xf32, #tpu.memory_space<vmem>>
      %dma_start3A_223 = arith.constant 0 : i32
      %dma_start3A_224 = tpu.memref_slice %arg10[%add3A_120, %dma_start3A_223] : memref<10240x128xf32, #tpu.memory_space<vmem_shared>> -> memref<128x128xf32, #tpu.memory_space<vmem_shared>>
      %dma_start3A_225 = arith.constant 0 : i32
      %dma_start3A_226 = tpu.memref_slice %arg10[%add3A_120, %dma_start3A_225] : memref<10240x128xf32, #tpu.memory_space<vmem_shared>> -> memref<128x128xf32, #tpu.memory_space<vmem_shared>>
      %dma_start3A_227 = arith.constant 0 : i32
      %dma_start3A_228 = arith.constant 0 : i32
      %dma_start3A_229 = tpu.memref_slice %arg9[%run_scoped3A, %dma_start3A_227, %dma_start3A_228] : memref<2x128x128xf32, #tpu.memory_space<vmem>> -> memref<1x128x128xf32, #tpu.memory_space<vmem>>
      %dma_start3A_230 = tpu.memref_squeeze %dma_start3A_229 : memref<1x128x128xf32, #tpu.memory_space<vmem>> -> memref<128x128xf32, #tpu.memory_space<vmem>>
      tpu.enqueue_dma source(%dma_start3A_230 : memref<128x128xf32, #tpu.memory_space<vmem>>) target(%dma_start3A_226 : memref<128x128xf32, #tpu.memory_space<vmem_shared>>) target_semaphore(%run_scoped3A_218 : memref<!tpu.dma_semaphore, #tpu.memory_space<semaphore_mem>>)
      %dma_wait3A_231 = arith.constant 0 : i32
      %dma_wait3A_232 = arith.constant 0 : i32
      %dma_wait3A_233 = tpu.memref_slice %arg9[%run_scoped3A, %dma_wait3A_231, %dma_wait3A_232] : memref<2x128x128xf32, #tpu.memory_space<vmem>> -> memref<1x128x128xf32, #tpu.memory_space<vmem>>
      %dma_wait3A_234 = tpu.memref_squeeze %dma_wait3A_233 : memref<1x128x128xf32, #tpu.memory_space<vmem>> -> memref<128x128xf32, #tpu.memory_space<vmem>>
      %dma_wait3A_235 = arith.constant 0 : i32
      %dma_wait3A_236 = tpu.memref_slice %arg10[%add3A_120, %dma_wait3A_235] : memref<10240x128xf32, #tpu.memory_space<vmem_shared>> -> memref<128x128xf32, #tpu.memory_space<vmem_shared>>
      %dma_wait3A_237 = arith.constant 0 : i32
      %dma_wait3A_238 = tpu.memref_slice %arg10[%add3A_120, %dma_wait3A_237] : memref<10240x128xf32, #tpu.memory_space<vmem_shared>> -> memref<128x128xf32, #tpu.memory_space<vmem_shared>>
      %dma_wait3A_239 = arith.constant 0 : i32
      %dma_wait3A_240 = arith.constant 0 : i32
      %dma_wait3A_241 = tpu.memref_slice %arg9[%run_scoped3A, %dma_wait3A_239, %dma_wait3A_240] : memref<2x128x128xf32, #tpu.memory_space<vmem>> -> memref<1x128x128xf32, #tpu.memory_space<vmem>>
      %dma_wait3A_242 = tpu.memref_squeeze %dma_wait3A_241 : memref<1x128x128xf32, #tpu.memory_space<vmem>> -> memref<128x128xf32, #tpu.memory_space<vmem>>
      tpu.wait_dma2 semaphore(%run_scoped3A_218 : memref<!tpu.dma_semaphore, #tpu.memory_space<semaphore_mem>>) src(%dma_wait3A_242 : memref<128x128xf32, #tpu.memory_space<vmem>>) dst(%dma_wait3A_238 : memref<128x128xf32, #tpu.memory_space<vmem_shared>>)
      tpu.yield
    }) : () -> ()
    %mul3A_121 = arith.constant 640 : i32
    %mul3A_122 = arith.muli %arg1, %mul3A_121 : i32
    %add3A_123 = arith.constant 128 : i32
    %add3A_124 = arith.addi %mul3A_122, %add3A_123 : i32
    %run_scoped3A_125 = arith.constant 0 : i32
    "tpu.region"() ({
      %run_scoped3A_218 = tpu.sem_alloc : memref<!tpu.dma_semaphore, #tpu.memory_space<semaphore_mem>>
      %dma_start3A_219 = arith.constant 0 : i32
      %dma_start3A_220 = arith.constant 0 : i32
      %dma_start3A_221 = tpu.memref_slice %arg9[%run_scoped3A_125, %dma_start3A_219, %dma_start3A_220] : memref<2x128x128xf32, #tpu.memory_space<vmem>> -> memref<1x128x128xf32, #tpu.memory_space<vmem>>
      %dma_start3A_222 = tpu.memref_squeeze %dma_start3A_221 : memref<1x128x128xf32, #tpu.memory_space<vmem>> -> memref<128x128xf32, #tpu.memory_space<vmem>>
      %dma_start3A_223 = arith.constant 0 : i32
      %dma_start3A_224 = tpu.memref_slice %arg10[%add3A_124, %dma_start3A_223] : memref<10240x128xf32, #tpu.memory_space<vmem_shared>> -> memref<128x128xf32, #tpu.memory_space<vmem_shared>>
      %dma_start3A_225 = arith.constant 0 : i32
      %dma_start3A_226 = tpu.memref_slice %arg10[%add3A_124, %dma_start3A_225] : memref<10240x128xf32, #tpu.memory_space<vmem_shared>> -> memref<128x128xf32, #tpu.memory_space<vmem_shared>>
      %dma_start3A_227 = arith.constant 0 : i32
      %dma_start3A_228 = arith.constant 0 : i32
      %dma_start3A_229 = tpu.memref_slice %arg9[%run_scoped3A_125, %dma_start3A_227, %dma_start3A_228] : memref<2x128x128xf32, #tpu.memory_space<vmem>> -> memref<1x128x128xf32, #tpu.memory_space<vmem>>
      %dma_start3A_230 = tpu.memref_squeeze %dma_start3A_229 : memref<1x128x128xf32, #tpu.memory_space<vmem>> -> memref<128x128xf32, #tpu.memory_space<vmem>>
      tpu.enqueue_dma source(%dma_start3A_230 : memref<128x128xf32, #tpu.memory_space<vmem>>) target(%dma_start3A_226 : memref<128x128xf32, #tpu.memory_space<vmem_shared>>) target_semaphore(%run_scoped3A_218 : memref<!tpu.dma_semaphore, #tpu.memory_space<semaphore_mem>>)
      %dma_wait3A_231 = arith.constant 0 : i32
      %dma_wait3A_232 = arith.constant 0 : i32
      %dma_wait3A_233 = tpu.memref_slice %arg9[%run_scoped3A_125, %dma_wait3A_231, %dma_wait3A_232] : memref<2x128x128xf32, #tpu.memory_space<vmem>> -> memref<1x128x128xf32, #tpu.memory_space<vmem>>
      %dma_wait3A_234 = tpu.memref_squeeze %dma_wait3A_233 : memref<1x128x128xf32, #tpu.memory_space<vmem>> -> memref<128x128xf32, #tpu.memory_space<vmem>>
      %dma_wait3A_235 = arith.constant 0 : i32
      %dma_wait3A_236 = tpu.memref_slice %arg10[%add3A_124, %dma_wait3A_235] : memref<10240x128xf32, #tpu.memory_space<vmem_shared>> -> memref<128x128xf32, #tpu.memory_space<vmem_shared>>
      %dma_wait3A_237 = arith.constant 0 : i32
      %dma_wait3A_238 = tpu.memref_slice %arg10[%add3A_124, %dma_wait3A_237] : memref<10240x128xf32, #tpu.memory_space<vmem_shared>> -> memref<128x128xf32, #tpu.memory_space<vmem_shared>>
      %dma_wait3A_239 = arith.constant 0 : i32
      %dma_wait3A_240 = arith.constant 0 : i32
      %dma_wait3A_241 = tpu.memref_slice %arg9[%run_scoped3A_125, %dma_wait3A_239, %dma_wait3A_240] : memref<2x128x128xf32, #tpu.memory_space<vmem>> -> memref<1x128x128xf32, #tpu.memory_space<vmem>>
      %dma_wait3A_242 = tpu.memref_squeeze %dma_wait3A_241 : memref<1x128x128xf32, #tpu.memory_space<vmem>> -> memref<128x128xf32, #tpu.memory_space<vmem>>
      tpu.wait_dma2 semaphore(%run_scoped3A_218 : memref<!tpu.dma_semaphore, #tpu.memory_space<semaphore_mem>>) src(%dma_wait3A_242 : memref<128x128xf32, #tpu.memory_space<vmem>>) dst(%dma_wait3A_238 : memref<128x128xf32, #tpu.memory_space<vmem_shared>>)
      tpu.yield
    }) : () -> ()
    %mul3A_126 = arith.constant 640 : i32
    %mul3A_127 = arith.muli %arg1, %mul3A_126 : i32
    %add3A_128 = arith.constant 256 : i32
    %add3A_129 = arith.addi %mul3A_127, %add3A_128 : i32
    %run_scoped3A_130 = arith.constant 0 : i32
    "tpu.region"() ({
      %run_scoped3A_218 = tpu.sem_alloc : memref<!tpu.dma_semaphore, #tpu.memory_space<semaphore_mem>>
      %dma_start3A_219 = arith.constant 0 : i32
      %dma_start3A_220 = arith.constant 0 : i32
      %dma_start3A_221 = tpu.memref_slice %arg9[%run_scoped3A_130, %dma_start3A_219, %dma_start3A_220] : memref<2x128x128xf32, #tpu.memory_space<vmem>> -> memref<1x128x128xf32, #tpu.memory_space<vmem>>
      %dma_start3A_222 = tpu.memref_squeeze %dma_start3A_221 : memref<1x128x128xf32, #tpu.memory_space<vmem>> -> memref<128x128xf32, #tpu.memory_space<vmem>>
      %dma_start3A_223 = arith.constant 0 : i32
      %dma_start3A_224 = tpu.memref_slice %arg10[%add3A_129, %dma_start3A_223] : memref<10240x128xf32, #tpu.memory_space<vmem_shared>> -> memref<128x128xf32, #tpu.memory_space<vmem_shared>>
      %dma_start3A_225 = arith.constant 0 : i32
      %dma_start3A_226 = tpu.memref_slice %arg10[%add3A_129, %dma_start3A_225] : memref<10240x128xf32, #tpu.memory_space<vmem_shared>> -> memref<128x128xf32, #tpu.memory_space<vmem_shared>>
      %dma_start3A_227 = arith.constant 0 : i32
      %dma_start3A_228 = arith.constant 0 : i32
      %dma_start3A_229 = tpu.memref_slice %arg9[%run_scoped3A_130, %dma_start3A_227, %dma_start3A_228] : memref<2x128x128xf32, #tpu.memory_space<vmem>> -> memref<1x128x128xf32, #tpu.memory_space<vmem>>
      %dma_start3A_230 = tpu.memref_squeeze %dma_start3A_229 : memref<1x128x128xf32, #tpu.memory_space<vmem>> -> memref<128x128xf32, #tpu.memory_space<vmem>>
      tpu.enqueue_dma source(%dma_start3A_230 : memref<128x128xf32, #tpu.memory_space<vmem>>) target(%dma_start3A_226 : memref<128x128xf32, #tpu.memory_space<vmem_shared>>) target_semaphore(%run_scoped3A_218 : memref<!tpu.dma_semaphore, #tpu.memory_space<semaphore_mem>>)
      %dma_wait3A_231 = arith.constant 0 : i32
      %dma_wait3A_232 = arith.constant 0 : i32
      %dma_wait3A_233 = tpu.memref_slice %arg9[%run_scoped3A_130, %dma_wait3A_231, %dma_wait3A_232] : memref<2x128x128xf32, #tpu.memory_space<vmem>> -> memref<1x128x128xf32, #tpu.memory_space<vmem>>
      %dma_wait3A_234 = tpu.memref_squeeze %dma_wait3A_233 : memref<1x128x128xf32, #tpu.memory_space<vmem>> -> memref<128x128xf32, #tpu.memory_space<vmem>>
      %dma_wait3A_235 = arith.constant 0 : i32
      %dma_wait3A_236 = tpu.memref_slice %arg10[%add3A_129, %dma_wait3A_235] : memref<10240x128xf32, #tpu.memory_space<vmem_shared>> -> memref<128x128xf32, #tpu.memory_space<vmem_shared>>
      %dma_wait3A_237 = arith.constant 0 : i32
      %dma_wait3A_238 = tpu.memref_slice %arg10[%add3A_129, %dma_wait3A_237] : memref<10240x128xf32, #tpu.memory_space<vmem_shared>> -> memref<128x128xf32, #tpu.memory_space<vmem_shared>>
      %dma_wait3A_239 = arith.constant 0 : i32
      %dma_wait3A_240 = arith.constant 0 : i32
      %dma_wait3A_241 = tpu.memref_slice %arg9[%run_scoped3A_130, %dma_wait3A_239, %dma_wait3A_240] : memref<2x128x128xf32, #tpu.memory_space<vmem>> -> memref<1x128x128xf32, #tpu.memory_space<vmem>>
      %dma_wait3A_242 = tpu.memref_squeeze %dma_wait3A_241 : memref<1x128x128xf32, #tpu.memory_space<vmem>> -> memref<128x128xf32, #tpu.memory_space<vmem>>
      tpu.wait_dma2 semaphore(%run_scoped3A_218 : memref<!tpu.dma_semaphore, #tpu.memory_space<semaphore_mem>>) src(%dma_wait3A_242 : memref<128x128xf32, #tpu.memory_space<vmem>>) dst(%dma_wait3A_238 : memref<128x128xf32, #tpu.memory_space<vmem_shared>>)
      tpu.yield
    }) : () -> ()
    %mul3A_131 = arith.constant 640 : i32
    %mul3A_132 = arith.muli %arg1, %mul3A_131 : i32
    %add3A_133 = arith.constant 384 : i32
    %add3A_134 = arith.addi %mul3A_132, %add3A_133 : i32
    %run_scoped3A_135 = arith.constant 0 : i32
    "tpu.region"() ({
      %run_scoped3A_218 = tpu.sem_alloc : memref<!tpu.dma_semaphore, #tpu.memory_space<semaphore_mem>>
      %dma_start3A_219 = arith.constant 0 : i32
      %dma_start3A_220 = arith.constant 0 : i32
      %dma_start3A_221 = tpu.memref_slice %arg9[%run_scoped3A_135, %dma_start3A_219, %dma_start3A_220] : memref<2x128x128xf32, #tpu.memory_space<vmem>> -> memref<1x128x128xf32, #tpu.memory_space<vmem>>
      %dma_start3A_222 = tpu.memref_squeeze %dma_start3A_221 : memref<1x128x128xf32, #tpu.memory_space<vmem>> -> memref<128x128xf32, #tpu.memory_space<vmem>>
      %dma_start3A_223 = arith.constant 0 : i32
      %dma_start3A_224 = tpu.memref_slice %arg10[%add3A_134, %dma_start3A_223] : memref<10240x128xf32, #tpu.memory_space<vmem_shared>> -> memref<128x128xf32, #tpu.memory_space<vmem_shared>>
      %dma_start3A_225 = arith.constant 0 : i32
      %dma_start3A_226 = tpu.memref_slice %arg10[%add3A_134, %dma_start3A_225] : memref<10240x128xf32, #tpu.memory_space<vmem_shared>> -> memref<128x128xf32, #tpu.memory_space<vmem_shared>>
      %dma_start3A_227 = arith.constant 0 : i32
      %dma_start3A_228 = arith.constant 0 : i32
      %dma_start3A_229 = tpu.memref_slice %arg9[%run_scoped3A_135, %dma_start3A_227, %dma_start3A_228] : memref<2x128x128xf32, #tpu.memory_space<vmem>> -> memref<1x128x128xf32, #tpu.memory_space<vmem>>
      %dma_start3A_230 = tpu.memref_squeeze %dma_start3A_229 : memref<1x128x128xf32, #tpu.memory_space<vmem>> -> memref<128x128xf32, #tpu.memory_space<vmem>>
      tpu.enqueue_dma source(%dma_start3A_230 : memref<128x128xf32, #tpu.memory_space<vmem>>) target(%dma_start3A_226 : memref<128x128xf32, #tpu.memory_space<vmem_shared>>) target_semaphore(%run_scoped3A_218 : memref<!tpu.dma_semaphore, #tpu.memory_space<semaphore_mem>>)
      %dma_wait3A_231 = arith.constant 0 : i32
      %dma_wait3A_232 = arith.constant 0 : i32
      %dma_wait3A_233 = tpu.memref_slice %arg9[%run_scoped3A_135, %dma_wait3A_231, %dma_wait3A_232] : memref<2x128x128xf32, #tpu.memory_space<vmem>> -> memref<1x128x128xf32, #tpu.memory_space<vmem>>
      %dma_wait3A_234 = tpu.memref_squeeze %dma_wait3A_233 : memref<1x128x128xf32, #tpu.memory_space<vmem>> -> memref<128x128xf32, #tpu.memory_space<vmem>>
      %dma_wait3A_235 = arith.constant 0 : i32
      %dma_wait3A_236 = tpu.memref_slice %arg10[%add3A_134, %dma_wait3A_235] : memref<10240x128xf32, #tpu.memory_space<vmem_shared>> -> memref<128x128xf32, #tpu.memory_space<vmem_shared>>
      %dma_wait3A_237 = arith.constant 0 : i32
      %dma_wait3A_238 = tpu.memref_slice %arg10[%add3A_134, %dma_wait3A_237] : memref<10240x128xf32, #tpu.memory_space<vmem_shared>> -> memref<128x128xf32, #tpu.memory_space<vmem_shared>>
      %dma_wait3A_239 = arith.constant 0 : i32
      %dma_wait3A_240 = arith.constant 0 : i32
      %dma_wait3A_241 = tpu.memref_slice %arg9[%run_scoped3A_135, %dma_wait3A_239, %dma_wait3A_240] : memref<2x128x128xf32, #tpu.memory_space<vmem>> -> memref<1x128x128xf32, #tpu.memory_space<vmem>>
      %dma_wait3A_242 = tpu.memref_squeeze %dma_wait3A_241 : memref<1x128x128xf32, #tpu.memory_space<vmem>> -> memref<128x128xf32, #tpu.memory_space<vmem>>
      tpu.wait_dma2 semaphore(%run_scoped3A_218 : memref<!tpu.dma_semaphore, #tpu.memory_space<semaphore_mem>>) src(%dma_wait3A_242 : memref<128x128xf32, #tpu.memory_space<vmem>>) dst(%dma_wait3A_238 : memref<128x128xf32, #tpu.memory_space<vmem_shared>>)
      tpu.yield
    }) : () -> ()
    %mul3A_136 = arith.constant 640 : i32
    %mul3A_137 = arith.muli %arg1, %mul3A_136 : i32
    %add3A_138 = arith.constant 512 : i32
    %add3A_139 = arith.addi %mul3A_137, %add3A_138 : i32
    %run_scoped3A_140 = arith.constant 0 : i32
    "tpu.region"() ({
      %run_scoped3A_218 = tpu.sem_alloc : memref<!tpu.dma_semaphore, #tpu.memory_space<semaphore_mem>>
      %dma_start3A_219 = arith.constant 0 : i32
      %dma_start3A_220 = arith.constant 0 : i32
      %dma_start3A_221 = tpu.memref_slice %arg9[%run_scoped3A_140, %dma_start3A_219, %dma_start3A_220] : memref<2x128x128xf32, #tpu.memory_space<vmem>> -> memref<1x128x128xf32, #tpu.memory_space<vmem>>
      %dma_start3A_222 = tpu.memref_squeeze %dma_start3A_221 : memref<1x128x128xf32, #tpu.memory_space<vmem>> -> memref<128x128xf32, #tpu.memory_space<vmem>>
      %dma_start3A_223 = arith.constant 0 : i32
      %dma_start3A_224 = tpu.memref_slice %arg10[%add3A_139, %dma_start3A_223] : memref<10240x128xf32, #tpu.memory_space<vmem_shared>> -> memref<128x128xf32, #tpu.memory_space<vmem_shared>>
      %dma_start3A_225 = arith.constant 0 : i32
      %dma_start3A_226 = tpu.memref_slice %arg10[%add3A_139, %dma_start3A_225] : memref<10240x128xf32, #tpu.memory_space<vmem_shared>> -> memref<128x128xf32, #tpu.memory_space<vmem_shared>>
      %dma_start3A_227 = arith.constant 0 : i32
      %dma_start3A_228 = arith.constant 0 : i32
      %dma_start3A_229 = tpu.memref_slice %arg9[%run_scoped3A_140, %dma_start3A_227, %dma_start3A_228] : memref<2x128x128xf32, #tpu.memory_space<vmem>> -> memref<1x128x128xf32, #tpu.memory_space<vmem>>
      %dma_start3A_230 = tpu.memref_squeeze %dma_start3A_229 : memref<1x128x128xf32, #tpu.memory_space<vmem>> -> memref<128x128xf32, #tpu.memory_space<vmem>>
      tpu.enqueue_dma source(%dma_start3A_230 : memref<128x128xf32, #tpu.memory_space<vmem>>) target(%dma_start3A_226 : memref<128x128xf32, #tpu.memory_space<vmem_shared>>) target_semaphore(%run_scoped3A_218 : memref<!tpu.dma_semaphore, #tpu.memory_space<semaphore_mem>>)
      %dma_wait3A_231 = arith.constant 0 : i32
      %dma_wait3A_232 = arith.constant 0 : i32
      %dma_wait3A_233 = tpu.memref_slice %arg9[%run_scoped3A_140, %dma_wait3A_231, %dma_wait3A_232] : memref<2x128x128xf32, #tpu.memory_space<vmem>> -> memref<1x128x128xf32, #tpu.memory_space<vmem>>
      %dma_wait3A_234 = tpu.memref_squeeze %dma_wait3A_233 : memref<1x128x128xf32, #tpu.memory_space<vmem>> -> memref<128x128xf32, #tpu.memory_space<vmem>>
      %dma_wait3A_235 = arith.constant 0 : i32
      %dma_wait3A_236 = tpu.memref_slice %arg10[%add3A_139, %dma_wait3A_235] : memref<10240x128xf32, #tpu.memory_space<vmem_shared>> -> memref<128x128xf32, #tpu.memory_space<vmem_shared>>
      %dma_wait3A_237 = arith.constant 0 : i32
      %dma_wait3A_238 = tpu.memref_slice %arg10[%add3A_139, %dma_wait3A_237] : memref<10240x128xf32, #tpu.memory_space<vmem_shared>> -> memref<128x128xf32, #tpu.memory_space<vmem_shared>>
      %dma_wait3A_239 = arith.constant 0 : i32
      %dma_wait3A_240 = arith.constant 0 : i32
      %dma_wait3A_241 = tpu.memref_slice %arg9[%run_scoped3A_140, %dma_wait3A_239, %dma_wait3A_240] : memref<2x128x128xf32, #tpu.memory_space<vmem>> -> memref<1x128x128xf32, #tpu.memory_space<vmem>>
      %dma_wait3A_242 = tpu.memref_squeeze %dma_wait3A_241 : memref<1x128x128xf32, #tpu.memory_space<vmem>> -> memref<128x128xf32, #tpu.memory_space<vmem>>
      tpu.wait_dma2 semaphore(%run_scoped3A_218 : memref<!tpu.dma_semaphore, #tpu.memory_space<semaphore_mem>>) src(%dma_wait3A_242 : memref<128x128xf32, #tpu.memory_space<vmem>>) dst(%dma_wait3A_238 : memref<128x128xf32, #tpu.memory_space<vmem_shared>>)
      tpu.yield
    }) : () -> ()
    %barrier3A = arith.constant 0 : index
    tpu.barrier barrier_id(%barrier3A)
    %scan3A_141 = arith.constant 0 : i32
    %scan3A_142 = arith.constant 0 : i32
    %scan3A_143 = arith.constant 20 : i32
    %scan3A_144 = arith.addi %scan3A_142, %scan3A_143 : i32
    %scan3A_145 = arith.constant 1 : i32
    scf.for %scan3A_218 = %scan3A_142 to %scan3A_144 step %scan3A_145  : i32 {
      %mul3A_219 = arith.constant 4 : i32
      %mul3A_220 = arith.muli %scan3A_218, %mul3A_219 : i32
      %add3A_221 = arith.constant 0 : i32
      %add3A_222 = arith.addi %mul3A_220, %add3A_221 : i32
      %gt3A = arith.constant 0 : i32
      %gt3A_223 = arith.cmpi sgt, %scan3A_218, %gt3A : i32
      %convert_element_type3A_224 = arith.extui %gt3A_223 : i1 to i32
      %cond3A_225 = arith.constant 0 : i32
      %cond3A_226 = arith.cmpi ne, %convert_element_type3A_224, %cond3A_225 : i32
      scf.if %cond3A_226 {
        %dma_wait3A_513 = arith.constant 0 : i32
        %dma_wait3A_514 = arith.constant 2 : i32
        %dma_wait3A_515 = arith.constant 0 : i32
        %dma_wait3A_516 = arith.constant 0 : i32
        %dma_wait3A_517 = tpu.memref_slice %arg9[%dma_wait3A_513, %dma_wait3A_515, %dma_wait3A_516] : memref<2x128x128xf32, #tpu.memory_space<vmem>> -> memref<1x128x128xf32, #tpu.memory_space<vmem>>
        %dma_wait3A_518 = tpu.memref_squeeze %dma_wait3A_517 : memref<1x128x128xf32, #tpu.memory_space<vmem>> -> memref<128x128xf32, #tpu.memory_space<vmem>>
        %dma_wait3A_519 = arith.constant 0 : i32
        %dma_wait3A_520 = tpu.memref_slice %arg8[%dma_wait3A_514, %dma_wait3A_519] : memref<4x128xi32, #tpu.memory_space<vmem>> -> memref<1x128xi32, #tpu.memory_space<vmem>>
        %dma_wait3A_521 = tpu.memref_squeeze %dma_wait3A_520 : memref<1x128xi32, #tpu.memory_space<vmem>> -> memref<128xi32, #tpu.memory_space<vmem>>
        %dma_wait3A_522 = arith.constant 0 : i32
        %dma_wait3A_523 = arith.constant 0 : i32
        %dma_wait3A_524 = tpu.memref_slice %arg10[%dma_wait3A_522, %dma_wait3A_523] : memref<10240x128xf32, #tpu.memory_space<vmem_shared>> -> memref<10240x128xf32, #tpu.memory_space<vmem_shared>>
        tpu.wait_indirect_dma semaphore(%arg21 : memref<!tpu.dma_semaphore, #tpu.memory_space<semaphore_mem>>) src(%dma_wait3A_518 : memref<128x128xf32, #tpu.memory_space<vmem>>) dst(%dma_wait3A_524 : memref<10240x128xf32, #tpu.memory_space<vmem_shared>>)
        %add3A_525 = arith.constant 2 : i32
        %add3A_526 = arith.addi %add3A_222, %add3A_525 : i32
        %dma_start3A_527 = arith.constant 2 : i32
        %dma_start3A_528 = arith.constant 0 : i32
        %dma_start3A_529 = tpu.memref_slice %arg8[%dma_start3A_527, %dma_start3A_528] : memref<4x128xi32, #tpu.memory_space<vmem>> -> memref<1x128xi32, #tpu.memory_space<vmem>>
        %dma_start3A_530 = tpu.memref_squeeze %dma_start3A_529 : memref<1x128xi32, #tpu.memory_space<vmem>> -> memref<128xi32, #tpu.memory_space<vmem>>
        %dma_start3A_531 = arith.constant 0 : i32
        %dma_start3A_532 = tpu.memref_slice %arg4[%add3A, %add3A_526, %dma_start3A_531] : memref<32x80x128xi32, #tpu.memory_space<hbm>> -> memref<1x1x128xi32, #tpu.memory_space<hbm>>
        %dma_start3A_533 = tpu.memref_squeeze %dma_start3A_532 : memref<1x1x128xi32, #tpu.memory_space<hbm>> -> memref<128xi32, #tpu.memory_space<hbm>>
        %dma_start3A_534 = arith.constant 0 : i32
        %dma_start3A_535 = tpu.memref_slice %arg8[%dma_start3A_527, %dma_start3A_534] : memref<4x128xi32, #tpu.memory_space<vmem>> -> memref<1x128xi32, #tpu.memory_space<vmem>>
        %dma_start3A_536 = tpu.memref_squeeze %dma_start3A_535 : memref<1x128xi32, #tpu.memory_space<vmem>> -> memref<128xi32, #tpu.memory_space<vmem>>
        %dma_start3A_537 = arith.constant 0 : i32
        %dma_start3A_538 = tpu.memref_slice %arg4[%add3A, %add3A_526, %dma_start3A_537] : memref<32x80x128xi32, #tpu.memory_space<hbm>> -> memref<1x1x128xi32, #tpu.memory_space<hbm>>
        %dma_start3A_539 = tpu.memref_squeeze %dma_start3A_538 : memref<1x1x128xi32, #tpu.memory_space<hbm>> -> memref<128xi32, #tpu.memory_space<hbm>>
        tpu.enqueue_dma source(%dma_start3A_539 : memref<128xi32, #tpu.memory_space<hbm>>) target(%dma_start3A_536 : memref<128xi32, #tpu.memory_space<vmem>>) target_semaphore(%arg17 : memref<!tpu.dma_semaphore, #tpu.memory_space<semaphore_mem>>)
      } else {
      }
      %dma_wait3A_227 = arith.constant 0 : i32
      %dma_wait3A_228 = arith.constant 0 : i32
      %dma_wait3A_229 = tpu.memref_slice %arg7[%dma_wait3A_227, %dma_wait3A_228] : memref<4x128xi32, #tpu.memory_space<vmem>> -> memref<1x128xi32, #tpu.memory_space<vmem>>
      %dma_wait3A_230 = tpu.memref_squeeze %dma_wait3A_229 : memref<1x128xi32, #tpu.memory_space<vmem>> -> memref<128xi32, #tpu.memory_space<vmem>>
      %dma_wait3A_231 = arith.constant 0 : i32
      %dma_wait3A_232 = tpu.memref_slice %arg3[%add3A, %add3A_222, %dma_wait3A_231] : memref<32x80x128xi32, #tpu.memory_space<hbm>> -> memref<1x1x128xi32, #tpu.memory_space<hbm>>
      %dma_wait3A_233 = tpu.memref_squeeze %dma_wait3A_232 : memref<1x1x128xi32, #tpu.memory_space<hbm>> -> memref<128xi32, #tpu.memory_space<hbm>>
      %dma_wait3A_234 = arith.constant 0 : i32
      %dma_wait3A_235 = tpu.memref_slice %arg7[%dma_wait3A_227, %dma_wait3A_234] : memref<4x128xi32, #tpu.memory_space<vmem>> -> memref<1x128xi32, #tpu.memory_space<vmem>>
      %dma_wait3A_236 = tpu.memref_squeeze %dma_wait3A_235 : memref<1x128xi32, #tpu.memory_space<vmem>> -> memref<128xi32, #tpu.memory_space<vmem>>
      %dma_wait3A_237 = arith.constant 0 : i32
      %dma_wait3A_238 = tpu.memref_slice %arg3[%add3A, %add3A_222, %dma_wait3A_237] : memref<32x80x128xi32, #tpu.memory_space<hbm>> -> memref<1x1x128xi32, #tpu.memory_space<hbm>>
      %dma_wait3A_239 = tpu.memref_squeeze %dma_wait3A_238 : memref<1x1x128xi32, #tpu.memory_space<hbm>> -> memref<128xi32, #tpu.memory_space<hbm>>
      tpu.wait_dma2 semaphore(%arg11 : memref<!tpu.dma_semaphore, #tpu.memory_space<semaphore_mem>>) src(%dma_wait3A_239 : memref<128xi32, #tpu.memory_space<hbm>>) dst(%dma_wait3A_236 : memref<128xi32, #tpu.memory_space<vmem>>)
      %dma_start3A_240 = arith.constant 0 : i32
      %dma_start3A_241 = arith.constant 0 : i32
      %dma_start3A_242 = arith.constant 0 : i32
      %dma_start3A_243 = arith.constant 0 : i32
      %dma_start3A_244 = tpu.memref_slice %arg9[%dma_start3A_241, %dma_start3A_242, %dma_start3A_243] : memref<2x128x128xf32, #tpu.memory_space<vmem>> -> memref<1x128x128xf32, #tpu.memory_space<vmem>>
      %dma_start3A_245 = tpu.memref_squeeze %dma_start3A_244 : memref<1x128x128xf32, #tpu.memory_space<vmem>> -> memref<128x128xf32, #tpu.memory_space<vmem>>
      %dma_start3A_246 = arith.constant 0 : i32
      %dma_start3A_247 = tpu.memref_slice %arg7[%dma_start3A_240, %dma_start3A_246] : memref<4x128xi32, #tpu.memory_space<vmem>> -> memref<1x128xi32, #tpu.memory_space<vmem>>
      %dma_start3A_248 = tpu.memref_squeeze %dma_start3A_247 : memref<1x128xi32, #tpu.memory_space<vmem>> -> memref<128xi32, #tpu.memory_space<vmem>>
      %dma_start3A_249 = arith.constant 0 : i32
      %dma_start3A_250 = arith.constant 0 : i32
      %dma_start3A_251 = tpu.memref_slice %arg2[%dma_start3A_249, %dma_start3A_250] : memref<10000x128xf32, #tpu.memory_space<hbm>> -> memref<10000x128xf32, #tpu.memory_space<hbm>>
      tpu.enqueue_indirect_dma source(%dma_start3A_251 : memref<10000x128xf32, #tpu.memory_space<hbm>>) target(%dma_start3A_245 : memref<128x128xf32, #tpu.memory_space<vmem>>) offsets(%dma_start3A_248 : memref<128xi32, #tpu.memory_space<vmem>>) semaphore(%arg19 : memref<!tpu.dma_semaphore, #tpu.memory_space<semaphore_mem>>)
      %gt3A_252 = arith.constant 0 : i32
      %gt3A_253 = arith.cmpi sgt, %scan3A_218, %gt3A_252 : i32
      %convert_element_type3A_254 = arith.extui %gt3A_253 : i1 to i32
      %cond3A_255 = arith.constant 0 : i32
      %cond3A_256 = arith.cmpi ne, %convert_element_type3A_254, %cond3A_255 : i32
      scf.if %cond3A_256 {
        %sub3A_513 = arith.constant 1 : i32
        %sub3A_514 = arith.subi %add3A_222, %sub3A_513 : i32
        %dma_wait3A_515 = arith.constant 3 : i32
        %dma_wait3A_516 = arith.constant 0 : i32
        %dma_wait3A_517 = tpu.memref_slice %arg8[%dma_wait3A_515, %dma_wait3A_516] : memref<4x128xi32, #tpu.memory_space<vmem>> -> memref<1x128xi32, #tpu.memory_space<vmem>>
        %dma_wait3A_518 = tpu.memref_squeeze %dma_wait3A_517 : memref<1x128xi32, #tpu.memory_space<vmem>> -> memref<128xi32, #tpu.memory_space<vmem>>
        %dma_wait3A_519 = arith.constant 0 : i32
        %dma_wait3A_520 = tpu.memref_slice %arg4[%add3A, %sub3A_514, %dma_wait3A_519] : memref<32x80x128xi32, #tpu.memory_space<hbm>> -> memref<1x1x128xi32, #tpu.memory_space<hbm>>
        %dma_wait3A_521 = tpu.memref_squeeze %dma_wait3A_520 : memref<1x1x128xi32, #tpu.memory_space<hbm>> -> memref<128xi32, #tpu.memory_space<hbm>>
        %dma_wait3A_522 = arith.constant 0 : i32
        %dma_wait3A_523 = tpu.memref_slice %arg8[%dma_wait3A_515, %dma_wait3A_522] : memref<4x128xi32, #tpu.memory_space<vmem>> -> memref<1x128xi32, #tpu.memory_space<vmem>>
        %dma_wait3A_524 = tpu.memref_squeeze %dma_wait3A_523 : memref<1x128xi32, #tpu.memory_space<vmem>> -> memref<128xi32, #tpu.memory_space<vmem>>
        %dma_wait3A_525 = arith.constant 0 : i32
        %dma_wait3A_526 = tpu.memref_slice %arg4[%add3A, %sub3A_514, %dma_wait3A_525] : memref<32x80x128xi32, #tpu.memory_space<hbm>> -> memref<1x1x128xi32, #tpu.memory_space<hbm>>
        %dma_wait3A_527 = tpu.memref_squeeze %dma_wait3A_526 : memref<1x1x128xi32, #tpu.memory_space<hbm>> -> memref<128xi32, #tpu.memory_space<hbm>>
        tpu.wait_dma2 semaphore(%arg18 : memref<!tpu.dma_semaphore, #tpu.memory_space<semaphore_mem>>) src(%dma_wait3A_527 : memref<128xi32, #tpu.memory_space<hbm>>) dst(%dma_wait3A_524 : memref<128xi32, #tpu.memory_space<vmem>>)
        %dma_wait3A_528 = arith.constant 3 : i32
        %dma_wait3A_529 = arith.constant 1 : i32
        %dma_wait3A_530 = arith.constant 0 : i32
        %dma_wait3A_531 = arith.constant 0 : i32
        %dma_wait3A_532 = tpu.memref_slice %arg9[%dma_wait3A_529, %dma_wait3A_530, %dma_wait3A_531] : memref<2x128x128xf32, #tpu.memory_space<vmem>> -> memref<1x128x128xf32, #tpu.memory_space<vmem>>
        %dma_wait3A_533 = tpu.memref_squeeze %dma_wait3A_532 : memref<1x128x128xf32, #tpu.memory_space<vmem>> -> memref<128x128xf32, #tpu.memory_space<vmem>>
        %dma_wait3A_534 = arith.constant 0 : i32
        %dma_wait3A_535 = tpu.memref_slice %arg7[%dma_wait3A_528, %dma_wait3A_534] : memref<4x128xi32, #tpu.memory_space<vmem>> -> memref<1x128xi32, #tpu.memory_space<vmem>>
        %dma_wait3A_536 = tpu.memref_squeeze %dma_wait3A_535 : memref<1x128xi32, #tpu.memory_space<vmem>> -> memref<128xi32, #tpu.memory_space<vmem>>
        %dma_wait3A_537 = arith.constant 0 : i32
        %dma_wait3A_538 = arith.constant 0 : i32
        %dma_wait3A_539 = tpu.memref_slice %arg2[%dma_wait3A_537, %dma_wait3A_538] : memref<10000x128xf32, #tpu.memory_space<hbm>> -> memref<10000x128xf32, #tpu.memory_space<hbm>>
        tpu.wait_indirect_dma semaphore(%arg20 : memref<!tpu.dma_semaphore, #tpu.memory_space<semaphore_mem>>) src(%dma_wait3A_539 : memref<10000x128xf32, #tpu.memory_space<hbm>>) dst(%dma_wait3A_533 : memref<128x128xf32, #tpu.memory_space<vmem>>)
        %dma_start3A_540 = arith.constant 1 : i32
        %dma_start3A_541 = arith.constant 3 : i32
        %dma_start3A_542 = arith.constant 0 : i32
        %dma_start3A_543 = arith.constant 0 : i32
        %dma_start3A_544 = tpu.memref_slice %arg9[%dma_start3A_540, %dma_start3A_542, %dma_start3A_543] : memref<2x128x128xf32, #tpu.memory_space<vmem>> -> memref<1x128x128xf32, #tpu.memory_space<vmem>>
        %dma_start3A_545 = tpu.memref_squeeze %dma_start3A_544 : memref<1x128x128xf32, #tpu.memory_space<vmem>> -> memref<128x128xf32, #tpu.memory_space<vmem>>
        %dma_start3A_546 = arith.constant 0 : i32
        %dma_start3A_547 = tpu.memref_slice %arg8[%dma_start3A_541, %dma_start3A_546] : memref<4x128xi32, #tpu.memory_space<vmem>> -> memref<1x128xi32, #tpu.memory_space<vmem>>
        %dma_start3A_548 = tpu.memref_squeeze %dma_start3A_547 : memref<1x128xi32, #tpu.memory_space<vmem>> -> memref<128xi32, #tpu.memory_space<vmem>>
        %dma_start3A_549 = arith.constant 0 : i32
        %dma_start3A_550 = arith.constant 0 : i32
        %dma_start3A_551 = tpu.memref_slice %arg10[%dma_start3A_549, %dma_start3A_550] : memref<10240x128xf32, #tpu.memory_space<vmem_shared>> -> memref<10240x128xf32, #tpu.memory_space<vmem_shared>>
        tpu.enqueue_indirect_dma source(%dma_start3A_545 : memref<128x128xf32, #tpu.memory_space<vmem>>) target(%dma_start3A_551 : memref<10240x128xf32, #tpu.memory_space<vmem_shared>>) offsets(%dma_start3A_548 : memref<128xi32, #tpu.memory_space<vmem>>) semaphore(%arg22 : memref<!tpu.dma_semaphore, #tpu.memory_space<semaphore_mem>>) {add = true}
        %add3A_552 = arith.constant 3 : i32
        %add3A_553 = arith.addi %add3A_222, %add3A_552 : i32
        %dma_start3A_554 = arith.constant 3 : i32
        %dma_start3A_555 = arith.constant 0 : i32
        %dma_start3A_556 = tpu.memref_slice %arg7[%dma_start3A_554, %dma_start3A_555] : memref<4x128xi32, #tpu.memory_space<vmem>> -> memref<1x128xi32, #tpu.memory_space<vmem>>
        %dma_start3A_557 = tpu.memref_squeeze %dma_start3A_556 : memref<1x128xi32, #tpu.memory_space<vmem>> -> memref<128xi32, #tpu.memory_space<vmem>>
        %dma_start3A_558 = arith.constant 0 : i32
        %dma_start3A_559 = tpu.memref_slice %arg3[%add3A, %add3A_553, %dma_start3A_558] : memref<32x80x128xi32, #tpu.memory_space<hbm>> -> memref<1x1x128xi32, #tpu.memory_space<hbm>>
        %dma_start3A_560 = tpu.memref_squeeze %dma_start3A_559 : memref<1x1x128xi32, #tpu.memory_space<hbm>> -> memref<128xi32, #tpu.memory_space<hbm>>
        %dma_start3A_561 = arith.constant 0 : i32
        %dma_start3A_562 = tpu.memref_slice %arg7[%dma_start3A_554, %dma_start3A_561] : memref<4x128xi32, #tpu.memory_space<vmem>> -> memref<1x128xi32, #tpu.memory_space<vmem>>
        %dma_start3A_563 = tpu.memref_squeeze %dma_start3A_562 : memref<1x128xi32, #tpu.memory_space<vmem>> -> memref<128xi32, #tpu.memory_space<vmem>>
        %dma_start3A_564 = arith.constant 0 : i32
        %dma_start3A_565 = tpu.memref_slice %arg3[%add3A, %add3A_553, %dma_start3A_564] : memref<32x80x128xi32, #tpu.memory_space<hbm>> -> memref<1x1x128xi32, #tpu.memory_space<hbm>>
        %dma_start3A_566 = tpu.memref_squeeze %dma_start3A_565 : memref<1x1x128xi32, #tpu.memory_space<hbm>> -> memref<128xi32, #tpu.memory_space<hbm>>
        tpu.enqueue_dma source(%dma_start3A_566 : memref<128xi32, #tpu.memory_space<hbm>>) target(%dma_start3A_563 : memref<128xi32, #tpu.memory_space<vmem>>) target_semaphore(%arg14 : memref<!tpu.dma_semaphore, #tpu.memory_space<semaphore_mem>>)
      } else {
      }
      %mul3A_257 = arith.constant 4 : i32
      %mul3A_258 = arith.muli %scan3A_218, %mul3A_257 : i32
      %add3A_259 = arith.constant 1 : i32
      %add3A_260 = arith.addi %mul3A_258, %add3A_259 : i32
      %gt3A_261 = arith.constant 0 : i32
      %gt3A_262 = arith.cmpi sgt, %scan3A_218, %gt3A_261 : i32
      %convert_element_type3A_263 = arith.extui %gt3A_262 : i1 to i32
      %cond3A_264 = arith.constant 0 : i32
      %cond3A_265 = arith.cmpi ne, %convert_element_type3A_263, %cond3A_264 : i32
      scf.if %cond3A_265 {
        %dma_wait3A_513 = arith.constant 1 : i32
        %dma_wait3A_514 = arith.constant 3 : i32
        %dma_wait3A_515 = arith.constant 0 : i32
        %dma_wait3A_516 = arith.constant 0 : i32
        %dma_wait3A_517 = tpu.memref_slice %arg9[%dma_wait3A_513, %dma_wait3A_515, %dma_wait3A_516] : memref<2x128x128xf32, #tpu.memory_space<vmem>> -> memref<1x128x128xf32, #tpu.memory_space<vmem>>
        %dma_wait3A_518 = tpu.memref_squeeze %dma_wait3A_517 : memref<1x128x128xf32, #tpu.memory_space<vmem>> -> memref<128x128xf32, #tpu.memory_space<vmem>>
        %dma_wait3A_519 = arith.constant 0 : i32
        %dma_wait3A_520 = tpu.memref_slice %arg8[%dma_wait3A_514, %dma_wait3A_519] : memref<4x128xi32, #tpu.memory_space<vmem>> -> memref<1x128xi32, #tpu.memory_space<vmem>>
        %dma_wait3A_521 = tpu.memref_squeeze %dma_wait3A_520 : memref<1x128xi32, #tpu.memory_space<vmem>> -> memref<128xi32, #tpu.memory_space<vmem>>
        %dma_wait3A_522 = arith.constant 0 : i32
        %dma_wait3A_523 = arith.constant 0 : i32
        %dma_wait3A_524 = tpu.memref_slice %arg10[%dma_wait3A_522, %dma_wait3A_523] : memref<10240x128xf32, #tpu.memory_space<vmem_shared>> -> memref<10240x128xf32, #tpu.memory_space<vmem_shared>>
        tpu.wait_indirect_dma semaphore(%arg22 : memref<!tpu.dma_semaphore, #tpu.memory_space<semaphore_mem>>) src(%dma_wait3A_518 : memref<128x128xf32, #tpu.memory_space<vmem>>) dst(%dma_wait3A_524 : memref<10240x128xf32, #tpu.memory_space<vmem_shared>>)
        %add3A_525 = arith.constant 2 : i32
        %add3A_526 = arith.addi %add3A_260, %add3A_525 : i32
        %dma_start3A_527 = arith.constant 3 : i32
        %dma_start3A_528 = arith.constant 0 : i32
        %dma_start3A_529 = tpu.memref_slice %arg8[%dma_start3A_527, %dma_start3A_528] : memref<4x128xi32, #tpu.memory_space<vmem>> -> memref<1x128xi32, #tpu.memory_space<vmem>>
        %dma_start3A_530 = tpu.memref_squeeze %dma_start3A_529 : memref<1x128xi32, #tpu.memory_space<vmem>> -> memref<128xi32, #tpu.memory_space<vmem>>
        %dma_start3A_531 = arith.constant 0 : i32
        %dma_start3A_532 = tpu.memref_slice %arg4[%add3A, %add3A_526, %dma_start3A_531] : memref<32x80x128xi32, #tpu.memory_space<hbm>> -> memref<1x1x128xi32, #tpu.memory_space<hbm>>
        %dma_start3A_533 = tpu.memref_squeeze %dma_start3A_532 : memref<1x1x128xi32, #tpu.memory_space<hbm>> -> memref<128xi32, #tpu.memory_space<hbm>>
        %dma_start3A_534 = arith.constant 0 : i32
        %dma_start3A_535 = tpu.memref_slice %arg8[%dma_start3A_527, %dma_start3A_534] : memref<4x128xi32, #tpu.memory_space<vmem>> -> memref<1x128xi32, #tpu.memory_space<vmem>>
        %dma_start3A_536 = tpu.memref_squeeze %dma_start3A_535 : memref<1x128xi32, #tpu.memory_space<vmem>> -> memref<128xi32, #tpu.memory_space<vmem>>
        %dma_start3A_537 = arith.constant 0 : i32
        %dma_start3A_538 = tpu.memref_slice %arg4[%add3A, %add3A_526, %dma_start3A_537] : memref<32x80x128xi32, #tpu.memory_space<hbm>> -> memref<1x1x128xi32, #tpu.memory_space<hbm>>
        %dma_start3A_539 = tpu.memref_squeeze %dma_start3A_538 : memref<1x1x128xi32, #tpu.memory_space<hbm>> -> memref<128xi32, #tpu.memory_space<hbm>>
        tpu.enqueue_dma source(%dma_start3A_539 : memref<128xi32, #tpu.memory_space<hbm>>) target(%dma_start3A_536 : memref<128xi32, #tpu.memory_space<vmem>>) target_semaphore(%arg18 : memref<!tpu.dma_semaphore, #tpu.memory_space<semaphore_mem>>)
      } else {
      }
      %dma_wait3A_266 = arith.constant 1 : i32
      %dma_wait3A_267 = arith.constant 0 : i32
      %dma_wait3A_268 = tpu.memref_slice %arg7[%dma_wait3A_266, %dma_wait3A_267] : memref<4x128xi32, #tpu.memory_space<vmem>> -> memref<1x128xi32, #tpu.memory_space<vmem>>
      %dma_wait3A_269 = tpu.memref_squeeze %dma_wait3A_268 : memref<1x128xi32, #tpu.memory_space<vmem>> -> memref<128xi32, #tpu.memory_space<vmem>>
      %dma_wait3A_270 = arith.constant 0 : i32
      %dma_wait3A_271 = tpu.memref_slice %arg3[%add3A, %add3A_260, %dma_wait3A_270] : memref<32x80x128xi32, #tpu.memory_space<hbm>> -> memref<1x1x128xi32, #tpu.memory_space<hbm>>
      %dma_wait3A_272 = tpu.memref_squeeze %dma_wait3A_271 : memref<1x1x128xi32, #tpu.memory_space<hbm>> -> memref<128xi32, #tpu.memory_space<hbm>>
      %dma_wait3A_273 = arith.constant 0 : i32
      %dma_wait3A_274 = tpu.memref_slice %arg7[%dma_wait3A_266, %dma_wait3A_273] : memref<4x128xi32, #tpu.memory_space<vmem>> -> memref<1x128xi32, #tpu.memory_space<vmem>>
      %dma_wait3A_275 = tpu.memref_squeeze %dma_wait3A_274 : memref<1x128xi32, #tpu.memory_space<vmem>> -> memref<128xi32, #tpu.memory_space<vmem>>
      %dma_wait3A_276 = arith.constant 0 : i32
      %dma_wait3A_277 = tpu.memref_slice %arg3[%add3A, %add3A_260, %dma_wait3A_276] : memref<32x80x128xi32, #tpu.memory_space<hbm>> -> memref<1x1x128xi32, #tpu.memory_space<hbm>>
      %dma_wait3A_278 = tpu.memref_squeeze %dma_wait3A_277 : memref<1x1x128xi32, #tpu.memory_space<hbm>> -> memref<128xi32, #tpu.memory_space<hbm>>
      tpu.wait_dma2 semaphore(%arg12 : memref<!tpu.dma_semaphore, #tpu.memory_space<semaphore_mem>>) src(%dma_wait3A_278 : memref<128xi32, #tpu.memory_space<hbm>>) dst(%dma_wait3A_275 : memref<128xi32, #tpu.memory_space<vmem>>)
      %dma_start3A_279 = arith.constant 1 : i32
      %dma_start3A_280 = arith.constant 1 : i32
      %dma_start3A_281 = arith.constant 0 : i32
      %dma_start3A_282 = arith.constant 0 : i32
      %dma_start3A_283 = tpu.memref_slice %arg9[%dma_start3A_280, %dma_start3A_281, %dma_start3A_282] : memref<2x128x128xf32, #tpu.memory_space<vmem>> -> memref<1x128x128xf32, #tpu.memory_space<vmem>>
      %dma_start3A_284 = tpu.memref_squeeze %dma_start3A_283 : memref<1x128x128xf32, #tpu.memory_space<vmem>> -> memref<128x128xf32, #tpu.memory_space<vmem>>
      %dma_start3A_285 = arith.constant 0 : i32
      %dma_start3A_286 = tpu.memref_slice %arg7[%dma_start3A_279, %dma_start3A_285] : memref<4x128xi32, #tpu.memory_space<vmem>> -> memref<1x128xi32, #tpu.memory_space<vmem>>
      %dma_start3A_287 = tpu.memref_squeeze %dma_start3A_286 : memref<1x128xi32, #tpu.memory_space<vmem>> -> memref<128xi32, #tpu.memory_space<vmem>>
      %dma_start3A_288 = arith.constant 0 : i32
      %dma_start3A_289 = arith.constant 0 : i32
      %dma_start3A_290 = tpu.memref_slice %arg2[%dma_start3A_288, %dma_start3A_289] : memref<10000x128xf32, #tpu.memory_space<hbm>> -> memref<10000x128xf32, #tpu.memory_space<hbm>>
      tpu.enqueue_indirect_dma source(%dma_start3A_290 : memref<10000x128xf32, #tpu.memory_space<hbm>>) target(%dma_start3A_284 : memref<128x128xf32, #tpu.memory_space<vmem>>) offsets(%dma_start3A_287 : memref<128xi32, #tpu.memory_space<vmem>>) semaphore(%arg20 : memref<!tpu.dma_semaphore, #tpu.memory_space<semaphore_mem>>)
      %sub3A = arith.constant 1 : i32
      %sub3A_291 = arith.subi %add3A_260, %sub3A : i32
      %dma_wait3A_292 = arith.constant 0 : i32
      %dma_wait3A_293 = arith.constant 0 : i32
      %dma_wait3A_294 = tpu.memref_slice %arg8[%dma_wait3A_292, %dma_wait3A_293] : memref<4x128xi32, #tpu.memory_space<vmem>> -> memref<1x128xi32, #tpu.memory_space<vmem>>
      %dma_wait3A_295 = tpu.memref_squeeze %dma_wait3A_294 : memref<1x128xi32, #tpu.memory_space<vmem>> -> memref<128xi32, #tpu.memory_space<vmem>>
      %dma_wait3A_296 = arith.constant 0 : i32
      %dma_wait3A_297 = tpu.memref_slice %arg4[%add3A, %sub3A_291, %dma_wait3A_296] : memref<32x80x128xi32, #tpu.memory_space<hbm>> -> memref<1x1x128xi32, #tpu.memory_space<hbm>>
      %dma_wait3A_298 = tpu.memref_squeeze %dma_wait3A_297 : memref<1x1x128xi32, #tpu.memory_space<hbm>> -> memref<128xi32, #tpu.memory_space<hbm>>
      %dma_wait3A_299 = arith.constant 0 : i32
      %dma_wait3A_300 = tpu.memref_slice %arg8[%dma_wait3A_292, %dma_wait3A_299] : memref<4x128xi32, #tpu.memory_space<vmem>> -> memref<1x128xi32, #tpu.memory_space<vmem>>
      %dma_wait3A_301 = tpu.memref_squeeze %dma_wait3A_300 : memref<1x128xi32, #tpu.memory_space<vmem>> -> memref<128xi32, #tpu.memory_space<vmem>>
      %dma_wait3A_302 = arith.constant 0 : i32
      %dma_wait3A_303 = tpu.memref_slice %arg4[%add3A, %sub3A_291, %dma_wait3A_302] : memref<32x80x128xi32, #tpu.memory_space<hbm>> -> memref<1x1x128xi32, #tpu.memory_space<hbm>>
      %dma_wait3A_304 = tpu.memref_squeeze %dma_wait3A_303 : memref<1x1x128xi32, #tpu.memory_space<hbm>> -> memref<128xi32, #tpu.memory_space<hbm>>
      tpu.wait_dma2 semaphore(%arg15 : memref<!tpu.dma_semaphore, #tpu.memory_space<semaphore_mem>>) src(%dma_wait3A_304 : memref<128xi32, #tpu.memory_space<hbm>>) dst(%dma_wait3A_301 : memref<128xi32, #tpu.memory_space<vmem>>)
      %dma_wait3A_305 = arith.constant 0 : i32
      %dma_wait3A_306 = arith.constant 0 : i32
      %dma_wait3A_307 = arith.constant 0 : i32
      %dma_wait3A_308 = arith.constant 0 : i32
      %dma_wait3A_309 = tpu.memref_slice %arg9[%dma_wait3A_306, %dma_wait3A_307, %dma_wait3A_308] : memref<2x128x128xf32, #tpu.memory_space<vmem>> -> memref<1x128x128xf32, #tpu.memory_space<vmem>>
      %dma_wait3A_310 = tpu.memref_squeeze %dma_wait3A_309 : memref<1x128x128xf32, #tpu.memory_space<vmem>> -> memref<128x128xf32, #tpu.memory_space<vmem>>
      %dma_wait3A_311 = arith.constant 0 : i32
      %dma_wait3A_312 = tpu.memref_slice %arg7[%dma_wait3A_305, %dma_wait3A_311] : memref<4x128xi32, #tpu.memory_space<vmem>> -> memref<1x128xi32, #tpu.memory_space<vmem>>
      %dma_wait3A_313 = tpu.memref_squeeze %dma_wait3A_312 : memref<1x128xi32, #tpu.memory_space<vmem>> -> memref<128xi32, #tpu.memory_space<vmem>>
      %dma_wait3A_314 = arith.constant 0 : i32
      %dma_wait3A_315 = arith.constant 0 : i32
      %dma_wait3A_316 = tpu.memref_slice %arg2[%dma_wait3A_314, %dma_wait3A_315] : memref<10000x128xf32, #tpu.memory_space<hbm>> -> memref<10000x128xf32, #tpu.memory_space<hbm>>
      tpu.wait_indirect_dma semaphore(%arg19 : memref<!tpu.dma_semaphore, #tpu.memory_space<semaphore_mem>>) src(%dma_wait3A_316 : memref<10000x128xf32, #tpu.memory_space<hbm>>) dst(%dma_wait3A_310 : memref<128x128xf32, #tpu.memory_space<vmem>>)
      %dma_start3A_317 = arith.constant 0 : i32
      %dma_start3A_318 = arith.constant 0 : i32
      %dma_start3A_319 = arith.constant 0 : i32
      %dma_start3A_320 = arith.constant 0 : i32
      %dma_start3A_321 = tpu.memref_slice %arg9[%dma_start3A_317, %dma_start3A_319, %dma_start3A_320] : memref<2x128x128xf32, #tpu.memory_space<vmem>> -> memref<1x128x128xf32, #tpu.memory_space<vmem>>
      %dma_start3A_322 = tpu.memref_squeeze %dma_start3A_321 : memref<1x128x128xf32, #tpu.memory_space<vmem>> -> memref<128x128xf32, #tpu.memory_space<vmem>>
      %dma_start3A_323 = arith.constant 0 : i32
      %dma_start3A_324 = tpu.memref_slice %arg8[%dma_start3A_318, %dma_start3A_323] : memref<4x128xi32, #tpu.memory_space<vmem>> -> memref<1x128xi32, #tpu.memory_space<vmem>>
      %dma_start3A_325 = tpu.memref_squeeze %dma_start3A_324 : memref<1x128xi32, #tpu.memory_space<vmem>> -> memref<128xi32, #tpu.memory_space<vmem>>
      %dma_start3A_326 = arith.constant 0 : i32
      %dma_start3A_327 = arith.constant 0 : i32
      %dma_start3A_328 = tpu.memref_slice %arg10[%dma_start3A_326, %dma_start3A_327] : memref<10240x128xf32, #tpu.memory_space<vmem_shared>> -> memref<10240x128xf32, #tpu.memory_space<vmem_shared>>
      tpu.enqueue_indirect_dma source(%dma_start3A_322 : memref<128x128xf32, #tpu.memory_space<vmem>>) target(%dma_start3A_328 : memref<10240x128xf32, #tpu.memory_space<vmem_shared>>) offsets(%dma_start3A_325 : memref<128xi32, #tpu.memory_space<vmem>>) semaphore(%arg21 : memref<!tpu.dma_semaphore, #tpu.memory_space<semaphore_mem>>) {add = true}
      %lt3A = arith.constant 19 : i32
      %lt3A_329 = arith.cmpi slt, %scan3A_218, %lt3A : i32
      %convert_element_type3A_330 = arith.extui %lt3A_329 : i1 to i32
      %cond3A_331 = arith.constant 0 : i32
      %cond3A_332 = arith.cmpi ne, %convert_element_type3A_330, %cond3A_331 : i32
      scf.if %cond3A_332 {
        %add3A_513 = arith.constant 3 : i32
        %add3A_514 = arith.addi %add3A_260, %add3A_513 : i32
        %dma_start3A_515 = arith.constant 0 : i32
        %dma_start3A_516 = arith.constant 0 : i32
        %dma_start3A_517 = tpu.memref_slice %arg7[%dma_start3A_515, %dma_start3A_516] : memref<4x128xi32, #tpu.memory_space<vmem>> -> memref<1x128xi32, #tpu.memory_space<vmem>>
        %dma_start3A_518 = tpu.memref_squeeze %dma_start3A_517 : memref<1x128xi32, #tpu.memory_space<vmem>> -> memref<128xi32, #tpu.memory_space<vmem>>
        %dma_start3A_519 = arith.constant 0 : i32
        %dma_start3A_520 = tpu.memref_slice %arg3[%add3A, %add3A_514, %dma_start3A_519] : memref<32x80x128xi32, #tpu.memory_space<hbm>> -> memref<1x1x128xi32, #tpu.memory_space<hbm>>
        %dma_start3A_521 = tpu.memref_squeeze %dma_start3A_520 : memref<1x1x128xi32, #tpu.memory_space<hbm>> -> memref<128xi32, #tpu.memory_space<hbm>>
        %dma_start3A_522 = arith.constant 0 : i32
        %dma_start3A_523 = tpu.memref_slice %arg7[%dma_start3A_515, %dma_start3A_522] : memref<4x128xi32, #tpu.memory_space<vmem>> -> memref<1x128xi32, #tpu.memory_space<vmem>>
        %dma_start3A_524 = tpu.memref_squeeze %dma_start3A_523 : memref<1x128xi32, #tpu.memory_space<vmem>> -> memref<128xi32, #tpu.memory_space<vmem>>
        %dma_start3A_525 = arith.constant 0 : i32
        %dma_start3A_526 = tpu.memref_slice %arg3[%add3A, %add3A_514, %dma_start3A_525] : memref<32x80x128xi32, #tpu.memory_space<hbm>> -> memref<1x1x128xi32, #tpu.memory_space<hbm>>
        %dma_start3A_527 = tpu.memref_squeeze %dma_start3A_526 : memref<1x1x128xi32, #tpu.memory_space<hbm>> -> memref<128xi32, #tpu.memory_space<hbm>>
        tpu.enqueue_dma source(%dma_start3A_527 : memref<128xi32, #tpu.memory_space<hbm>>) target(%dma_start3A_524 : memref<128xi32, #tpu.memory_space<vmem>>) target_semaphore(%arg11 : memref<!tpu.dma_semaphore, #tpu.memory_space<semaphore_mem>>)
      } else {
      }
      %mul3A_333 = arith.constant 4 : i32
      %mul3A_334 = arith.muli %scan3A_218, %mul3A_333 : i32
      %add3A_335 = arith.constant 2 : i32
      %add3A_336 = arith.addi %mul3A_334, %add3A_335 : i32
      %dma_wait3A_337 = arith.constant 0 : i32
      %dma_wait3A_338 = arith.constant 0 : i32
      %dma_wait3A_339 = arith.constant 0 : i32
      %dma_wait3A_340 = arith.constant 0 : i32
      %dma_wait3A_341 = tpu.memref_slice %arg9[%dma_wait3A_337, %dma_wait3A_339, %dma_wait3A_340] : memref<2x128x128xf32, #tpu.memory_space<vmem>> -> memref<1x128x128xf32, #tpu.memory_space<vmem>>
      %dma_wait3A_342 = tpu.memref_squeeze %dma_wait3A_341 : memref<1x128x128xf32, #tpu.memory_space<vmem>> -> memref<128x128xf32, #tpu.memory_space<vmem>>
      %dma_wait3A_343 = arith.constant 0 : i32
      %dma_wait3A_344 = tpu.memref_slice %arg8[%dma_wait3A_338, %dma_wait3A_343] : memref<4x128xi32, #tpu.memory_space<vmem>> -> memref<1x128xi32, #tpu.memory_space<vmem>>
      %dma_wait3A_345 = tpu.memref_squeeze %dma_wait3A_344 : memref<1x128xi32, #tpu.memory_space<vmem>> -> memref<128xi32, #tpu.memory_space<vmem>>
      %dma_wait3A_346 = arith.constant 0 : i32
      %dma_wait3A_347 = arith.constant 0 : i32
      %dma_wait3A_348 = tpu.memref_slice %arg10[%dma_wait3A_346, %dma_wait3A_347] : memref<10240x128xf32, #tpu.memory_space<vmem_shared>> -> memref<10240x128xf32, #tpu.memory_space<vmem_shared>>
      tpu.wait_indirect_dma semaphore(%arg21 : memref<!tpu.dma_semaphore, #tpu.memory_space<semaphore_mem>>) src(%dma_wait3A_342 : memref<128x128xf32, #tpu.memory_space<vmem>>) dst(%dma_wait3A_348 : memref<10240x128xf32, #tpu.memory_space<vmem_shared>>)
      %lt3A_349 = arith.constant 19 : i32
      %lt3A_350 = arith.cmpi slt, %scan3A_218, %lt3A_349 : i32
      %convert_element_type3A_351 = arith.extui %lt3A_350 : i1 to i32
      %cond3A_352 = arith.constant 0 : i32
      %cond3A_353 = arith.cmpi ne, %convert_element_type3A_351, %cond3A_352 : i32
      scf.if %cond3A_353 {
        %add3A_513 = arith.constant 2 : i32
        %add3A_514 = arith.addi %add3A_336, %add3A_513 : i32
        %dma_start3A_515 = arith.constant 0 : i32
        %dma_start3A_516 = arith.constant 0 : i32
        %dma_start3A_517 = tpu.memref_slice %arg8[%dma_start3A_515, %dma_start3A_516] : memref<4x128xi32, #tpu.memory_space<vmem>> -> memref<1x128xi32, #tpu.memory_space<vmem>>
        %dma_start3A_518 = tpu.memref_squeeze %dma_start3A_517 : memref<1x128xi32, #tpu.memory_space<vmem>> -> memref<128xi32, #tpu.memory_space<vmem>>
        %dma_start3A_519 = arith.constant 0 : i32
        %dma_start3A_520 = tpu.memref_slice %arg4[%add3A, %add3A_514, %dma_start3A_519] : memref<32x80x128xi32, #tpu.memory_space<hbm>> -> memref<1x1x128xi32, #tpu.memory_space<hbm>>
        %dma_start3A_521 = tpu.memref_squeeze %dma_start3A_520 : memref<1x1x128xi32, #tpu.memory_space<hbm>> -> memref<128xi32, #tpu.memory_space<hbm>>
        %dma_start3A_522 = arith.constant 0 : i32
        %dma_start3A_523 = tpu.memref_slice %arg8[%dma_start3A_515, %dma_start3A_522] : memref<4x128xi32, #tpu.memory_space<vmem>> -> memref<1x128xi32, #tpu.memory_space<vmem>>
        %dma_start3A_524 = tpu.memref_squeeze %dma_start3A_523 : memref<1x128xi32, #tpu.memory_space<vmem>> -> memref<128xi32, #tpu.memory_space<vmem>>
        %dma_start3A_525 = arith.constant 0 : i32
        %dma_start3A_526 = tpu.memref_slice %arg4[%add3A, %add3A_514, %dma_start3A_525] : memref<32x80x128xi32, #tpu.memory_space<hbm>> -> memref<1x1x128xi32, #tpu.memory_space<hbm>>
        %dma_start3A_527 = tpu.memref_squeeze %dma_start3A_526 : memref<1x1x128xi32, #tpu.memory_space<hbm>> -> memref<128xi32, #tpu.memory_space<hbm>>
        tpu.enqueue_dma source(%dma_start3A_527 : memref<128xi32, #tpu.memory_space<hbm>>) target(%dma_start3A_524 : memref<128xi32, #tpu.memory_space<vmem>>) target_semaphore(%arg15 : memref<!tpu.dma_semaphore, #tpu.memory_space<semaphore_mem>>)
      } else {
      }
      %dma_wait3A_354 = arith.constant 2 : i32
      %dma_wait3A_355 = arith.constant 0 : i32
      %dma_wait3A_356 = tpu.memref_slice %arg7[%dma_wait3A_354, %dma_wait3A_355] : memref<4x128xi32, #tpu.memory_space<vmem>> -> memref<1x128xi32, #tpu.memory_space<vmem>>
      %dma_wait3A_357 = tpu.memref_squeeze %dma_wait3A_356 : memref<1x128xi32, #tpu.memory_space<vmem>> -> memref<128xi32, #tpu.memory_space<vmem>>
      %dma_wait3A_358 = arith.constant 0 : i32
      %dma_wait3A_359 = tpu.memref_slice %arg3[%add3A, %add3A_336, %dma_wait3A_358] : memref<32x80x128xi32, #tpu.memory_space<hbm>> -> memref<1x1x128xi32, #tpu.memory_space<hbm>>
      %dma_wait3A_360 = tpu.memref_squeeze %dma_wait3A_359 : memref<1x1x128xi32, #tpu.memory_space<hbm>> -> memref<128xi32, #tpu.memory_space<hbm>>
      %dma_wait3A_361 = arith.constant 0 : i32
      %dma_wait3A_362 = tpu.memref_slice %arg7[%dma_wait3A_354, %dma_wait3A_361] : memref<4x128xi32, #tpu.memory_space<vmem>> -> memref<1x128xi32, #tpu.memory_space<vmem>>
      %dma_wait3A_363 = tpu.memref_squeeze %dma_wait3A_362 : memref<1x128xi32, #tpu.memory_space<vmem>> -> memref<128xi32, #tpu.memory_space<vmem>>
      %dma_wait3A_364 = arith.constant 0 : i32
      %dma_wait3A_365 = tpu.memref_slice %arg3[%add3A, %add3A_336, %dma_wait3A_364] : memref<32x80x128xi32, #tpu.memory_space<hbm>> -> memref<1x1x128xi32, #tpu.memory_space<hbm>>
      %dma_wait3A_366 = tpu.memref_squeeze %dma_wait3A_365 : memref<1x1x128xi32, #tpu.memory_space<hbm>> -> memref<128xi32, #tpu.memory_space<hbm>>
      tpu.wait_dma2 semaphore(%arg13 : memref<!tpu.dma_semaphore, #tpu.memory_space<semaphore_mem>>) src(%dma_wait3A_366 : memref<128xi32, #tpu.memory_space<hbm>>) dst(%dma_wait3A_363 : memref<128xi32, #tpu.memory_space<vmem>>)
      %dma_start3A_367 = arith.constant 2 : i32
      %dma_start3A_368 = arith.constant 0 : i32
      %dma_start3A_369 = arith.constant 0 : i32
      %dma_start3A_370 = arith.constant 0 : i32
      %dma_start3A_371 = tpu.memref_slice %arg9[%dma_start3A_368, %dma_start3A_369, %dma_start3A_370] : memref<2x128x128xf32, #tpu.memory_space<vmem>> -> memref<1x128x128xf32, #tpu.memory_space<vmem>>
      %dma_start3A_372 = tpu.memref_squeeze %dma_start3A_371 : memref<1x128x128xf32, #tpu.memory_space<vmem>> -> memref<128x128xf32, #tpu.memory_space<vmem>>
      %dma_start3A_373 = arith.constant 0 : i32
      %dma_start3A_374 = tpu.memref_slice %arg7[%dma_start3A_367, %dma_start3A_373] : memref<4x128xi32, #tpu.memory_space<vmem>> -> memref<1x128xi32, #tpu.memory_space<vmem>>
      %dma_start3A_375 = tpu.memref_squeeze %dma_start3A_374 : memref<1x128xi32, #tpu.memory_space<vmem>> -> memref<128xi32, #tpu.memory_space<vmem>>
      %dma_start3A_376 = arith.constant 0 : i32
      %dma_start3A_377 = arith.constant 0 : i32
      %dma_start3A_378 = tpu.memref_slice %arg2[%dma_start3A_376, %dma_start3A_377] : memref<10000x128xf32, #tpu.memory_space<hbm>> -> memref<10000x128xf32, #tpu.memory_space<hbm>>
      tpu.enqueue_indirect_dma source(%dma_start3A_378 : memref<10000x128xf32, #tpu.memory_space<hbm>>) target(%dma_start3A_372 : memref<128x128xf32, #tpu.memory_space<vmem>>) offsets(%dma_start3A_375 : memref<128xi32, #tpu.memory_space<vmem>>) semaphore(%arg19 : memref<!tpu.dma_semaphore, #tpu.memory_space<semaphore_mem>>)
      %sub3A_379 = arith.constant 1 : i32
      %sub3A_380 = arith.subi %add3A_336, %sub3A_379 : i32
      %dma_wait3A_381 = arith.constant 1 : i32
      %dma_wait3A_382 = arith.constant 0 : i32
      %dma_wait3A_383 = tpu.memref_slice %arg8[%dma_wait3A_381, %dma_wait3A_382] : memref<4x128xi32, #tpu.memory_space<vmem>> -> memref<1x128xi32, #tpu.memory_space<vmem>>
      %dma_wait3A_384 = tpu.memref_squeeze %dma_wait3A_383 : memref<1x128xi32, #tpu.memory_space<vmem>> -> memref<128xi32, #tpu.memory_space<vmem>>
      %dma_wait3A_385 = arith.constant 0 : i32
      %dma_wait3A_386 = tpu.memref_slice %arg4[%add3A, %sub3A_380, %dma_wait3A_385] : memref<32x80x128xi32, #tpu.memory_space<hbm>> -> memref<1x1x128xi32, #tpu.memory_space<hbm>>
      %dma_wait3A_387 = tpu.memref_squeeze %dma_wait3A_386 : memref<1x1x128xi32, #tpu.memory_space<hbm>> -> memref<128xi32, #tpu.memory_space<hbm>>
      %dma_wait3A_388 = arith.constant 0 : i32
      %dma_wait3A_389 = tpu.memref_slice %arg8[%dma_wait3A_381, %dma_wait3A_388] : memref<4x128xi32, #tpu.memory_space<vmem>> -> memref<1x128xi32, #tpu.memory_space<vmem>>
      %dma_wait3A_390 = tpu.memref_squeeze %dma_wait3A_389 : memref<1x128xi32, #tpu.memory_space<vmem>> -> memref<128xi32, #tpu.memory_space<vmem>>
      %dma_wait3A_391 = arith.constant 0 : i32
      %dma_wait3A_392 = tpu.memref_slice %arg4[%add3A, %sub3A_380, %dma_wait3A_391] : memref<32x80x128xi32, #tpu.memory_space<hbm>> -> memref<1x1x128xi32, #tpu.memory_space<hbm>>
      %dma_wait3A_393 = tpu.memref_squeeze %dma_wait3A_392 : memref<1x1x128xi32, #tpu.memory_space<hbm>> -> memref<128xi32, #tpu.memory_space<hbm>>
      tpu.wait_dma2 semaphore(%arg16 : memref<!tpu.dma_semaphore, #tpu.memory_space<semaphore_mem>>) src(%dma_wait3A_393 : memref<128xi32, #tpu.memory_space<hbm>>) dst(%dma_wait3A_390 : memref<128xi32, #tpu.memory_space<vmem>>)
      %dma_wait3A_394 = arith.constant 1 : i32
      %dma_wait3A_395 = arith.constant 1 : i32
      %dma_wait3A_396 = arith.constant 0 : i32
      %dma_wait3A_397 = arith.constant 0 : i32
      %dma_wait3A_398 = tpu.memref_slice %arg9[%dma_wait3A_395, %dma_wait3A_396, %dma_wait3A_397] : memref<2x128x128xf32, #tpu.memory_space<vmem>> -> memref<1x128x128xf32, #tpu.memory_space<vmem>>
      %dma_wait3A_399 = tpu.memref_squeeze %dma_wait3A_398 : memref<1x128x128xf32, #tpu.memory_space<vmem>> -> memref<128x128xf32, #tpu.memory_space<vmem>>
      %dma_wait3A_400 = arith.constant 0 : i32
      %dma_wait3A_401 = tpu.memref_slice %arg7[%dma_wait3A_394, %dma_wait3A_400] : memref<4x128xi32, #tpu.memory_space<vmem>> -> memref<1x128xi32, #tpu.memory_space<vmem>>
      %dma_wait3A_402 = tpu.memref_squeeze %dma_wait3A_401 : memref<1x128xi32, #tpu.memory_space<vmem>> -> memref<128xi32, #tpu.memory_space<vmem>>
      %dma_wait3A_403 = arith.constant 0 : i32
      %dma_wait3A_404 = arith.constant 0 : i32
      %dma_wait3A_405 = tpu.memref_slice %arg2[%dma_wait3A_403, %dma_wait3A_404] : memref<10000x128xf32, #tpu.memory_space<hbm>> -> memref<10000x128xf32, #tpu.memory_space<hbm>>
      tpu.wait_indirect_dma semaphore(%arg20 : memref<!tpu.dma_semaphore, #tpu.memory_space<semaphore_mem>>) src(%dma_wait3A_405 : memref<10000x128xf32, #tpu.memory_space<hbm>>) dst(%dma_wait3A_399 : memref<128x128xf32, #tpu.memory_space<vmem>>)
      %dma_start3A_406 = arith.constant 1 : i32
      %dma_start3A_407 = arith.constant 1 : i32
      %dma_start3A_408 = arith.constant 0 : i32
      %dma_start3A_409 = arith.constant 0 : i32
      %dma_start3A_410 = tpu.memref_slice %arg9[%dma_start3A_406, %dma_start3A_408, %dma_start3A_409] : memref<2x128x128xf32, #tpu.memory_space<vmem>> -> memref<1x128x128xf32, #tpu.memory_space<vmem>>
      %dma_start3A_411 = tpu.memref_squeeze %dma_start3A_410 : memref<1x128x128xf32, #tpu.memory_space<vmem>> -> memref<128x128xf32, #tpu.memory_space<vmem>>
      %dma_start3A_412 = arith.constant 0 : i32
      %dma_start3A_413 = tpu.memref_slice %arg8[%dma_start3A_407, %dma_start3A_412] : memref<4x128xi32, #tpu.memory_space<vmem>> -> memref<1x128xi32, #tpu.memory_space<vmem>>
      %dma_start3A_414 = tpu.memref_squeeze %dma_start3A_413 : memref<1x128xi32, #tpu.memory_space<vmem>> -> memref<128xi32, #tpu.memory_space<vmem>>
      %dma_start3A_415 = arith.constant 0 : i32
      %dma_start3A_416 = arith.constant 0 : i32
      %dma_start3A_417 = tpu.memref_slice %arg10[%dma_start3A_415, %dma_start3A_416] : memref<10240x128xf32, #tpu.memory_space<vmem_shared>> -> memref<10240x128xf32, #tpu.memory_space<vmem_shared>>
      tpu.enqueue_indirect_dma source(%dma_start3A_411 : memref<128x128xf32, #tpu.memory_space<vmem>>) target(%dma_start3A_417 : memref<10240x128xf32, #tpu.memory_space<vmem_shared>>) offsets(%dma_start3A_414 : memref<128xi32, #tpu.memory_space<vmem>>) semaphore(%arg22 : memref<!tpu.dma_semaphore, #tpu.memory_space<semaphore_mem>>) {add = true}
      %lt3A_418 = arith.constant 19 : i32
      %lt3A_419 = arith.cmpi slt, %scan3A_218, %lt3A_418 : i32
      %convert_element_type3A_420 = arith.extui %lt3A_419 : i1 to i32
      %cond3A_421 = arith.constant 0 : i32
      %cond3A_422 = arith.cmpi ne, %convert_element_type3A_420, %cond3A_421 : i32
      scf.if %cond3A_422 {
        %add3A_513 = arith.constant 3 : i32
        %add3A_514 = arith.addi %add3A_336, %add3A_513 : i32
        %dma_start3A_515 = arith.constant 1 : i32
        %dma_start3A_516 = arith.constant 0 : i32
        %dma_start3A_517 = tpu.memref_slice %arg7[%dma_start3A_515, %dma_start3A_516] : memref<4x128xi32, #tpu.memory_space<vmem>> -> memref<1x128xi32, #tpu.memory_space<vmem>>
        %dma_start3A_518 = tpu.memref_squeeze %dma_start3A_517 : memref<1x128xi32, #tpu.memory_space<vmem>> -> memref<128xi32, #tpu.memory_space<vmem>>
        %dma_start3A_519 = arith.constant 0 : i32
        %dma_start3A_520 = tpu.memref_slice %arg3[%add3A, %add3A_514, %dma_start3A_519] : memref<32x80x128xi32, #tpu.memory_space<hbm>> -> memref<1x1x128xi32, #tpu.memory_space<hbm>>
        %dma_start3A_521 = tpu.memref_squeeze %dma_start3A_520 : memref<1x1x128xi32, #tpu.memory_space<hbm>> -> memref<128xi32, #tpu.memory_space<hbm>>
        %dma_start3A_522 = arith.constant 0 : i32
        %dma_start3A_523 = tpu.memref_slice %arg7[%dma_start3A_515, %dma_start3A_522] : memref<4x128xi32, #tpu.memory_space<vmem>> -> memref<1x128xi32, #tpu.memory_space<vmem>>
        %dma_start3A_524 = tpu.memref_squeeze %dma_start3A_523 : memref<1x128xi32, #tpu.memory_space<vmem>> -> memref<128xi32, #tpu.memory_space<vmem>>
        %dma_start3A_525 = arith.constant 0 : i32
        %dma_start3A_526 = tpu.memref_slice %arg3[%add3A, %add3A_514, %dma_start3A_525] : memref<32x80x128xi32, #tpu.memory_space<hbm>> -> memref<1x1x128xi32, #tpu.memory_space<hbm>>
        %dma_start3A_527 = tpu.memref_squeeze %dma_start3A_526 : memref<1x1x128xi32, #tpu.memory_space<hbm>> -> memref<128xi32, #tpu.memory_space<hbm>>
        tpu.enqueue_dma source(%dma_start3A_527 : memref<128xi32, #tpu.memory_space<hbm>>) target(%dma_start3A_524 : memref<128xi32, #tpu.memory_space<vmem>>) target_semaphore(%arg12 : memref<!tpu.dma_semaphore, #tpu.memory_space<semaphore_mem>>)
      } else {
      }
      %mul3A_423 = arith.constant 4 : i32
      %mul3A_424 = arith.muli %scan3A_218, %mul3A_423 : i32
      %add3A_425 = arith.constant 3 : i32
      %add3A_426 = arith.addi %mul3A_424, %add3A_425 : i32
      %dma_wait3A_427 = arith.constant 1 : i32
      %dma_wait3A_428 = arith.constant 1 : i32
      %dma_wait3A_429 = arith.constant 0 : i32
      %dma_wait3A_430 = arith.constant 0 : i32
      %dma_wait3A_431 = tpu.memref_slice %arg9[%dma_wait3A_427, %dma_wait3A_429, %dma_wait3A_430] : memref<2x128x128xf32, #tpu.memory_space<vmem>> -> memref<1x128x128xf32, #tpu.memory_space<vmem>>
      %dma_wait3A_432 = tpu.memref_squeeze %dma_wait3A_431 : memref<1x128x128xf32, #tpu.memory_space<vmem>> -> memref<128x128xf32, #tpu.memory_space<vmem>>
      %dma_wait3A_433 = arith.constant 0 : i32
      %dma_wait3A_434 = tpu.memref_slice %arg8[%dma_wait3A_428, %dma_wait3A_433] : memref<4x128xi32, #tpu.memory_space<vmem>> -> memref<1x128xi32, #tpu.memory_space<vmem>>
      %dma_wait3A_435 = tpu.memref_squeeze %dma_wait3A_434 : memref<1x128xi32, #tpu.memory_space<vmem>> -> memref<128xi32, #tpu.memory_space<vmem>>
      %dma_wait3A_436 = arith.constant 0 : i32
      %dma_wait3A_437 = arith.constant 0 : i32
      %dma_wait3A_438 = tpu.memref_slice %arg10[%dma_wait3A_436, %dma_wait3A_437] : memref<10240x128xf32, #tpu.memory_space<vmem_shared>> -> memref<10240x128xf32, #tpu.memory_space<vmem_shared>>
      tpu.wait_indirect_dma semaphore(%arg22 : memref<!tpu.dma_semaphore, #tpu.memory_space<semaphore_mem>>) src(%dma_wait3A_432 : memref<128x128xf32, #tpu.memory_space<vmem>>) dst(%dma_wait3A_438 : memref<10240x128xf32, #tpu.memory_space<vmem_shared>>)
      %lt3A_439 = arith.constant 19 : i32
      %lt3A_440 = arith.cmpi slt, %scan3A_218, %lt3A_439 : i32
      %convert_element_type3A_441 = arith.extui %lt3A_440 : i1 to i32
      %cond3A_442 = arith.constant 0 : i32
      %cond3A_443 = arith.cmpi ne, %convert_element_type3A_441, %cond3A_442 : i32
      scf.if %cond3A_443 {
        %add3A_513 = arith.constant 2 : i32
        %add3A_514 = arith.addi %add3A_426, %add3A_513 : i32
        %dma_start3A_515 = arith.constant 1 : i32
        %dma_start3A_516 = arith.constant 0 : i32
        %dma_start3A_517 = tpu.memref_slice %arg8[%dma_start3A_515, %dma_start3A_516] : memref<4x128xi32, #tpu.memory_space<vmem>> -> memref<1x128xi32, #tpu.memory_space<vmem>>
        %dma_start3A_518 = tpu.memref_squeeze %dma_start3A_517 : memref<1x128xi32, #tpu.memory_space<vmem>> -> memref<128xi32, #tpu.memory_space<vmem>>
        %dma_start3A_519 = arith.constant 0 : i32
        %dma_start3A_520 = tpu.memref_slice %arg4[%add3A, %add3A_514, %dma_start3A_519] : memref<32x80x128xi32, #tpu.memory_space<hbm>> -> memref<1x1x128xi32, #tpu.memory_space<hbm>>
        %dma_start3A_521 = tpu.memref_squeeze %dma_start3A_520 : memref<1x1x128xi32, #tpu.memory_space<hbm>> -> memref<128xi32, #tpu.memory_space<hbm>>
        %dma_start3A_522 = arith.constant 0 : i32
        %dma_start3A_523 = tpu.memref_slice %arg8[%dma_start3A_515, %dma_start3A_522] : memref<4x128xi32, #tpu.memory_space<vmem>> -> memref<1x128xi32, #tpu.memory_space<vmem>>
        %dma_start3A_524 = tpu.memref_squeeze %dma_start3A_523 : memref<1x128xi32, #tpu.memory_space<vmem>> -> memref<128xi32, #tpu.memory_space<vmem>>
        %dma_start3A_525 = arith.constant 0 : i32
        %dma_start3A_526 = tpu.memref_slice %arg4[%add3A, %add3A_514, %dma_start3A_525] : memref<32x80x128xi32, #tpu.memory_space<hbm>> -> memref<1x1x128xi32, #tpu.memory_space<hbm>>
        %dma_start3A_527 = tpu.memref_squeeze %dma_start3A_526 : memref<1x1x128xi32, #tpu.memory_space<hbm>> -> memref<128xi32, #tpu.memory_space<hbm>>
        tpu.enqueue_dma source(%dma_start3A_527 : memref<128xi32, #tpu.memory_space<hbm>>) target(%dma_start3A_524 : memref<128xi32, #tpu.memory_space<vmem>>) target_semaphore(%arg16 : memref<!tpu.dma_semaphore, #tpu.memory_space<semaphore_mem>>)
      } else {
      }
      %dma_wait3A_444 = arith.constant 3 : i32
      %dma_wait3A_445 = arith.constant 0 : i32
      %dma_wait3A_446 = tpu.memref_slice %arg7[%dma_wait3A_444, %dma_wait3A_445] : memref<4x128xi32, #tpu.memory_space<vmem>> -> memref<1x128xi32, #tpu.memory_space<vmem>>
      %dma_wait3A_447 = tpu.memref_squeeze %dma_wait3A_446 : memref<1x128xi32, #tpu.memory_space<vmem>> -> memref<128xi32, #tpu.memory_space<vmem>>
      %dma_wait3A_448 = arith.constant 0 : i32
      %dma_wait3A_449 = tpu.memref_slice %arg3[%add3A, %add3A_426, %dma_wait3A_448] : memref<32x80x128xi32, #tpu.memory_space<hbm>> -> memref<1x1x128xi32, #tpu.memory_space<hbm>>
      %dma_wait3A_450 = tpu.memref_squeeze %dma_wait3A_449 : memref<1x1x128xi32, #tpu.memory_space<hbm>> -> memref<128xi32, #tpu.memory_space<hbm>>
      %dma_wait3A_451 = arith.constant 0 : i32
      %dma_wait3A_452 = tpu.memref_slice %arg7[%dma_wait3A_444, %dma_wait3A_451] : memref<4x128xi32, #tpu.memory_space<vmem>> -> memref<1x128xi32, #tpu.memory_space<vmem>>
      %dma_wait3A_453 = tpu.memref_squeeze %dma_wait3A_452 : memref<1x128xi32, #tpu.memory_space<vmem>> -> memref<128xi32, #tpu.memory_space<vmem>>
      %dma_wait3A_454 = arith.constant 0 : i32
      %dma_wait3A_455 = tpu.memref_slice %arg3[%add3A, %add3A_426, %dma_wait3A_454] : memref<32x80x128xi32, #tpu.memory_space<hbm>> -> memref<1x1x128xi32, #tpu.memory_space<hbm>>
      %dma_wait3A_456 = tpu.memref_squeeze %dma_wait3A_455 : memref<1x1x128xi32, #tpu.memory_space<hbm>> -> memref<128xi32, #tpu.memory_space<hbm>>
      tpu.wait_dma2 semaphore(%arg14 : memref<!tpu.dma_semaphore, #tpu.memory_space<semaphore_mem>>) src(%dma_wait3A_456 : memref<128xi32, #tpu.memory_space<hbm>>) dst(%dma_wait3A_453 : memref<128xi32, #tpu.memory_space<vmem>>)
      %dma_start3A_457 = arith.constant 3 : i32
      %dma_start3A_458 = arith.constant 1 : i32
      %dma_start3A_459 = arith.constant 0 : i32
      %dma_start3A_460 = arith.constant 0 : i32
      %dma_start3A_461 = tpu.memref_slice %arg9[%dma_start3A_458, %dma_start3A_459, %dma_start3A_460] : memref<2x128x128xf32, #tpu.memory_space<vmem>> -> memref<1x128x128xf32, #tpu.memory_space<vmem>>
      %dma_start3A_462 = tpu.memref_squeeze %dma_start3A_461 : memref<1x128x128xf32, #tpu.memory_space<vmem>> -> memref<128x128xf32, #tpu.memory_space<vmem>>
      %dma_start3A_463 = arith.constant 0 : i32
      %dma_start3A_464 = tpu.memref_slice %arg7[%dma_start3A_457, %dma_start3A_463] : memref<4x128xi32, #tpu.memory_space<vmem>> -> memref<1x128xi32, #tpu.memory_space<vmem>>
      %dma_start3A_465 = tpu.memref_squeeze %dma_start3A_464 : memref<1x128xi32, #tpu.memory_space<vmem>> -> memref<128xi32, #tpu.memory_space<vmem>>
      %dma_start3A_466 = arith.constant 0 : i32
      %dma_start3A_467 = arith.constant 0 : i32
      %dma_start3A_468 = tpu.memref_slice %arg2[%dma_start3A_466, %dma_start3A_467] : memref<10000x128xf32, #tpu.memory_space<hbm>> -> memref<10000x128xf32, #tpu.memory_space<hbm>>
      tpu.enqueue_indirect_dma source(%dma_start3A_468 : memref<10000x128xf32, #tpu.memory_space<hbm>>) target(%dma_start3A_462 : memref<128x128xf32, #tpu.memory_space<vmem>>) offsets(%dma_start3A_465 : memref<128xi32, #tpu.memory_space<vmem>>) semaphore(%arg20 : memref<!tpu.dma_semaphore, #tpu.memory_space<semaphore_mem>>)
      %sub3A_469 = arith.constant 1 : i32
      %sub3A_470 = arith.subi %add3A_426, %sub3A_469 : i32
      %dma_wait3A_471 = arith.constant 2 : i32
      %dma_wait3A_472 = arith.constant 0 : i32
      %dma_wait3A_473 = tpu.memref_slice %arg8[%dma_wait3A_471, %dma_wait3A_472] : memref<4x128xi32, #tpu.memory_space<vmem>> -> memref<1x128xi32, #tpu.memory_space<vmem>>
      %dma_wait3A_474 = tpu.memref_squeeze %dma_wait3A_473 : memref<1x128xi32, #tpu.memory_space<vmem>> -> memref<128xi32, #tpu.memory_space<vmem>>
      %dma_wait3A_475 = arith.constant 0 : i32
      %dma_wait3A_476 = tpu.memref_slice %arg4[%add3A, %sub3A_470, %dma_wait3A_475] : memref<32x80x128xi32, #tpu.memory_space<hbm>> -> memref<1x1x128xi32, #tpu.memory_space<hbm>>
      %dma_wait3A_477 = tpu.memref_squeeze %dma_wait3A_476 : memref<1x1x128xi32, #tpu.memory_space<hbm>> -> memref<128xi32, #tpu.memory_space<hbm>>
      %dma_wait3A_478 = arith.constant 0 : i32
      %dma_wait3A_479 = tpu.memref_slice %arg8[%dma_wait3A_471, %dma_wait3A_478] : memref<4x128xi32, #tpu.memory_space<vmem>> -> memref<1x128xi32, #tpu.memory_space<vmem>>
      %dma_wait3A_480 = tpu.memref_squeeze %dma_wait3A_479 : memref<1x128xi32, #tpu.memory_space<vmem>> -> memref<128xi32, #tpu.memory_space<vmem>>
      %dma_wait3A_481 = arith.constant 0 : i32
      %dma_wait3A_482 = tpu.memref_slice %arg4[%add3A, %sub3A_470, %dma_wait3A_481] : memref<32x80x128xi32, #tpu.memory_space<hbm>> -> memref<1x1x128xi32, #tpu.memory_space<hbm>>
      %dma_wait3A_483 = tpu.memref_squeeze %dma_wait3A_482 : memref<1x1x128xi32, #tpu.memory_space<hbm>> -> memref<128xi32, #tpu.memory_space<hbm>>
      tpu.wait_dma2 semaphore(%arg17 : memref<!tpu.dma_semaphore, #tpu.memory_space<semaphore_mem>>) src(%dma_wait3A_483 : memref<128xi32, #tpu.memory_space<hbm>>) dst(%dma_wait3A_480 : memref<128xi32, #tpu.memory_space<vmem>>)
      %dma_wait3A_484 = arith.constant 2 : i32
      %dma_wait3A_485 = arith.constant 0 : i32
      %dma_wait3A_486 = arith.constant 0 : i32
      %dma_wait3A_487 = arith.constant 0 : i32
      %dma_wait3A_488 = tpu.memref_slice %arg9[%dma_wait3A_485, %dma_wait3A_486, %dma_wait3A_487] : memref<2x128x128xf32, #tpu.memory_space<vmem>> -> memref<1x128x128xf32, #tpu.memory_space<vmem>>
      %dma_wait3A_489 = tpu.memref_squeeze %dma_wait3A_488 : memref<1x128x128xf32, #tpu.memory_space<vmem>> -> memref<128x128xf32, #tpu.memory_space<vmem>>
      %dma_wait3A_490 = arith.constant 0 : i32
      %dma_wait3A_491 = tpu.memref_slice %arg7[%dma_wait3A_484, %dma_wait3A_490] : memref<4x128xi32, #tpu.memory_space<vmem>> -> memref<1x128xi32, #tpu.memory_space<vmem>>
      %dma_wait3A_492 = tpu.memref_squeeze %dma_wait3A_491 : memref<1x128xi32, #tpu.memory_space<vmem>> -> memref<128xi32, #tpu.memory_space<vmem>>
      %dma_wait3A_493 = arith.constant 0 : i32
      %dma_wait3A_494 = arith.constant 0 : i32
      %dma_wait3A_495 = tpu.memref_slice %arg2[%dma_wait3A_493, %dma_wait3A_494] : memref<10000x128xf32, #tpu.memory_space<hbm>> -> memref<10000x128xf32, #tpu.memory_space<hbm>>
      tpu.wait_indirect_dma semaphore(%arg19 : memref<!tpu.dma_semaphore, #tpu.memory_space<semaphore_mem>>) src(%dma_wait3A_495 : memref<10000x128xf32, #tpu.memory_space<hbm>>) dst(%dma_wait3A_489 : memref<128x128xf32, #tpu.memory_space<vmem>>)
      %dma_start3A_496 = arith.constant 0 : i32
      %dma_start3A_497 = arith.constant 2 : i32
      %dma_start3A_498 = arith.constant 0 : i32
      %dma_start3A_499 = arith.constant 0 : i32
      %dma_start3A_500 = tpu.memref_slice %arg9[%dma_start3A_496, %dma_start3A_498, %dma_start3A_499] : memref<2x128x128xf32, #tpu.memory_space<vmem>> -> memref<1x128x128xf32, #tpu.memory_space<vmem>>
      %dma_start3A_501 = tpu.memref_squeeze %dma_start3A_500 : memref<1x128x128xf32, #tpu.memory_space<vmem>> -> memref<128x128xf32, #tpu.memory_space<vmem>>
      %dma_start3A_502 = arith.constant 0 : i32
      %dma_start3A_503 = tpu.memref_slice %arg8[%dma_start3A_497, %dma_start3A_502] : memref<4x128xi32, #tpu.memory_space<vmem>> -> memref<1x128xi32, #tpu.memory_space<vmem>>
      %dma_start3A_504 = tpu.memref_squeeze %dma_start3A_503 : memref<1x128xi32, #tpu.memory_space<vmem>> -> memref<128xi32, #tpu.memory_space<vmem>>
      %dma_start3A_505 = arith.constant 0 : i32
      %dma_start3A_506 = arith.constant 0 : i32
      %dma_start3A_507 = tpu.memref_slice %arg10[%dma_start3A_505, %dma_start3A_506] : memref<10240x128xf32, #tpu.memory_space<vmem_shared>> -> memref<10240x128xf32, #tpu.memory_space<vmem_shared>>
      tpu.enqueue_indirect_dma source(%dma_start3A_501 : memref<128x128xf32, #tpu.memory_space<vmem>>) target(%dma_start3A_507 : memref<10240x128xf32, #tpu.memory_space<vmem_shared>>) offsets(%dma_start3A_504 : memref<128xi32, #tpu.memory_space<vmem>>) semaphore(%arg21 : memref<!tpu.dma_semaphore, #tpu.memory_space<semaphore_mem>>) {add = true}
      %lt3A_508 = arith.constant 19 : i32
      %lt3A_509 = arith.cmpi slt, %scan3A_218, %lt3A_508 : i32
      %convert_element_type3A_510 = arith.extui %lt3A_509 : i1 to i32
      %cond3A_511 = arith.constant 0 : i32
      %cond3A_512 = arith.cmpi ne, %convert_element_type3A_510, %cond3A_511 : i32
      scf.if %cond3A_512 {
        %add3A_513 = arith.constant 3 : i32
        %add3A_514 = arith.addi %add3A_426, %add3A_513 : i32
        %dma_start3A_515 = arith.constant 2 : i32
        %dma_start3A_516 = arith.constant 0 : i32
        %dma_start3A_517 = tpu.memref_slice %arg7[%dma_start3A_515, %dma_start3A_516] : memref<4x128xi32, #tpu.memory_space<vmem>> -> memref<1x128xi32, #tpu.memory_space<vmem>>
        %dma_start3A_518 = tpu.memref_squeeze %dma_start3A_517 : memref<1x128xi32, #tpu.memory_space<vmem>> -> memref<128xi32, #tpu.memory_space<vmem>>
        %dma_start3A_519 = arith.constant 0 : i32
        %dma_start3A_520 = tpu.memref_slice %arg3[%add3A, %add3A_514, %dma_start3A_519] : memref<32x80x128xi32, #tpu.memory_space<hbm>> -> memref<1x1x128xi32, #tpu.memory_space<hbm>>
        %dma_start3A_521 = tpu.memref_squeeze %dma_start3A_520 : memref<1x1x128xi32, #tpu.memory_space<hbm>> -> memref<128xi32, #tpu.memory_space<hbm>>
        %dma_start3A_522 = arith.constant 0 : i32
        %dma_start3A_523 = tpu.memref_slice %arg7[%dma_start3A_515, %dma_start3A_522] : memref<4x128xi32, #tpu.memory_space<vmem>> -> memref<1x128xi32, #tpu.memory_space<vmem>>
        %dma_start3A_524 = tpu.memref_squeeze %dma_start3A_523 : memref<1x128xi32, #tpu.memory_space<vmem>> -> memref<128xi32, #tpu.memory_space<vmem>>
        %dma_start3A_525 = arith.constant 0 : i32
        %dma_start3A_526 = tpu.memref_slice %arg3[%add3A, %add3A_514, %dma_start3A_525] : memref<32x80x128xi32, #tpu.memory_space<hbm>> -> memref<1x1x128xi32, #tpu.memory_space<hbm>>
        %dma_start3A_527 = tpu.memref_squeeze %dma_start3A_526 : memref<1x1x128xi32, #tpu.memory_space<hbm>> -> memref<128xi32, #tpu.memory_space<hbm>>
        tpu.enqueue_dma source(%dma_start3A_527 : memref<128xi32, #tpu.memory_space<hbm>>) target(%dma_start3A_524 : memref<128xi32, #tpu.memory_space<vmem>>) target_semaphore(%arg13 : memref<!tpu.dma_semaphore, #tpu.memory_space<semaphore_mem>>)
      } else {
      }
    }
    %scan3A_146 = arith.constant 20 : i32
    %dma_wait3A = arith.constant 79 : i32
    %dma_wait3A_147 = arith.constant 3 : i32
    %dma_wait3A_148 = arith.constant 0 : i32
    %dma_wait3A_149 = tpu.memref_slice %arg8[%dma_wait3A_147, %dma_wait3A_148] : memref<4x128xi32, #tpu.memory_space<vmem>> -> memref<1x128xi32, #tpu.memory_space<vmem>>
    %dma_wait3A_150 = tpu.memref_squeeze %dma_wait3A_149 : memref<1x128xi32, #tpu.memory_space<vmem>> -> memref<128xi32, #tpu.memory_space<vmem>>
    %dma_wait3A_151 = arith.constant 0 : i32
    %dma_wait3A_152 = tpu.memref_slice %arg4[%add3A, %dma_wait3A, %dma_wait3A_151] : memref<32x80x128xi32, #tpu.memory_space<hbm>> -> memref<1x1x128xi32, #tpu.memory_space<hbm>>
    %dma_wait3A_153 = tpu.memref_squeeze %dma_wait3A_152 : memref<1x1x128xi32, #tpu.memory_space<hbm>> -> memref<128xi32, #tpu.memory_space<hbm>>
    %dma_wait3A_154 = arith.constant 0 : i32
    %dma_wait3A_155 = tpu.memref_slice %arg8[%dma_wait3A_147, %dma_wait3A_154] : memref<4x128xi32, #tpu.memory_space<vmem>> -> memref<1x128xi32, #tpu.memory_space<vmem>>
    %dma_wait3A_156 = tpu.memref_squeeze %dma_wait3A_155 : memref<1x128xi32, #tpu.memory_space<vmem>> -> memref<128xi32, #tpu.memory_space<vmem>>
    %dma_wait3A_157 = arith.constant 0 : i32
    %dma_wait3A_158 = tpu.memref_slice %arg4[%add3A, %dma_wait3A, %dma_wait3A_157] : memref<32x80x128xi32, #tpu.memory_space<hbm>> -> memref<1x1x128xi32, #tpu.memory_space<hbm>>
    %dma_wait3A_159 = tpu.memref_squeeze %dma_wait3A_158 : memref<1x1x128xi32, #tpu.memory_space<hbm>> -> memref<128xi32, #tpu.memory_space<hbm>>
    tpu.wait_dma2 semaphore(%arg18 : memref<!tpu.dma_semaphore, #tpu.memory_space<semaphore_mem>>) src(%dma_wait3A_159 : memref<128xi32, #tpu.memory_space<hbm>>) dst(%dma_wait3A_156 : memref<128xi32, #tpu.memory_space<vmem>>)
    %dma_wait3A_160 = arith.constant 3 : i32
    %dma_wait3A_161 = arith.constant 1 : i32
    %dma_wait3A_162 = arith.constant 0 : i32
    %dma_wait3A_163 = arith.constant 0 : i32
    %dma_wait3A_164 = tpu.memref_slice %arg9[%dma_wait3A_161, %dma_wait3A_162, %dma_wait3A_163] : memref<2x128x128xf32, #tpu.memory_space<vmem>> -> memref<1x128x128xf32, #tpu.memory_space<vmem>>
    %dma_wait3A_165 = tpu.memref_squeeze %dma_wait3A_164 : memref<1x128x128xf32, #tpu.memory_space<vmem>> -> memref<128x128xf32, #tpu.memory_space<vmem>>
    %dma_wait3A_166 = arith.constant 0 : i32
    %dma_wait3A_167 = tpu.memref_slice %arg7[%dma_wait3A_160, %dma_wait3A_166] : memref<4x128xi32, #tpu.memory_space<vmem>> -> memref<1x128xi32, #tpu.memory_space<vmem>>
    %dma_wait3A_168 = tpu.memref_squeeze %dma_wait3A_167 : memref<1x128xi32, #tpu.memory_space<vmem>> -> memref<128xi32, #tpu.memory_space<vmem>>
    %dma_wait3A_169 = arith.constant 0 : i32
    %dma_wait3A_170 = arith.constant 0 : i32
    %dma_wait3A_171 = tpu.memref_slice %arg2[%dma_wait3A_169, %dma_wait3A_170] : memref<10000x128xf32, #tpu.memory_space<hbm>> -> memref<10000x128xf32, #tpu.memory_space<hbm>>
    tpu.wait_indirect_dma semaphore(%arg20 : memref<!tpu.dma_semaphore, #tpu.memory_space<semaphore_mem>>) src(%dma_wait3A_171 : memref<10000x128xf32, #tpu.memory_space<hbm>>) dst(%dma_wait3A_165 : memref<128x128xf32, #tpu.memory_space<vmem>>)
    %dma_start3A_172 = arith.constant 1 : i32
    %dma_start3A_173 = arith.constant 3 : i32
    %dma_start3A_174 = arith.constant 0 : i32
    %dma_start3A_175 = arith.constant 0 : i32
    %dma_start3A_176 = tpu.memref_slice %arg9[%dma_start3A_172, %dma_start3A_174, %dma_start3A_175] : memref<2x128x128xf32, #tpu.memory_space<vmem>> -> memref<1x128x128xf32, #tpu.memory_space<vmem>>
    %dma_start3A_177 = tpu.memref_squeeze %dma_start3A_176 : memref<1x128x128xf32, #tpu.memory_space<vmem>> -> memref<128x128xf32, #tpu.memory_space<vmem>>
    %dma_start3A_178 = arith.constant 0 : i32
    %dma_start3A_179 = tpu.memref_slice %arg8[%dma_start3A_173, %dma_start3A_178] : memref<4x128xi32, #tpu.memory_space<vmem>> -> memref<1x128xi32, #tpu.memory_space<vmem>>
    %dma_start3A_180 = tpu.memref_squeeze %dma_start3A_179 : memref<1x128xi32, #tpu.memory_space<vmem>> -> memref<128xi32, #tpu.memory_space<vmem>>
    %dma_start3A_181 = arith.constant 0 : i32
    %dma_start3A_182 = arith.constant 0 : i32
    %dma_start3A_183 = tpu.memref_slice %arg10[%dma_start3A_181, %dma_start3A_182] : memref<10240x128xf32, #tpu.memory_space<vmem_shared>> -> memref<10240x128xf32, #tpu.memory_space<vmem_shared>>
    tpu.enqueue_indirect_dma source(%dma_start3A_177 : memref<128x128xf32, #tpu.memory_space<vmem>>) target(%dma_start3A_183 : memref<10240x128xf32, #tpu.memory_space<vmem_shared>>) offsets(%dma_start3A_180 : memref<128xi32, #tpu.memory_space<vmem>>) semaphore(%arg22 : memref<!tpu.dma_semaphore, #tpu.memory_space<semaphore_mem>>) {add = true}
    %dma_wait3A_184 = arith.constant 0 : i32
    %dma_wait3A_185 = arith.constant 2 : i32
    %dma_wait3A_186 = arith.constant 0 : i32
    %dma_wait3A_187 = arith.constant 0 : i32
    %dma_wait3A_188 = tpu.memref_slice %arg9[%dma_wait3A_184, %dma_wait3A_186, %dma_wait3A_187] : memref<2x128x128xf32, #tpu.memory_space<vmem>> -> memref<1x128x128xf32, #tpu.memory_space<vmem>>
    %dma_wait3A_189 = tpu.memref_squeeze %dma_wait3A_188 : memref<1x128x128xf32, #tpu.memory_space<vmem>> -> memref<128x128xf32, #tpu.memory_space<vmem>>
    %dma_wait3A_190 = arith.constant 0 : i32
    %dma_wait3A_191 = tpu.memref_slice %arg8[%dma_wait3A_185, %dma_wait3A_190] : memref<4x128xi32, #tpu.memory_space<vmem>> -> memref<1x128xi32, #tpu.memory_space<vmem>>
    %dma_wait3A_192 = tpu.memref_squeeze %dma_wait3A_191 : memref<1x128xi32, #tpu.memory_space<vmem>> -> memref<128xi32, #tpu.memory_space<vmem>>
    %dma_wait3A_193 = arith.constant 0 : i32
    %dma_wait3A_194 = arith.constant 0 : i32
    %dma_wait3A_195 = tpu.memref_slice %arg10[%dma_wait3A_193, %dma_wait3A_194] : memref<10240x128xf32, #tpu.memory_space<vmem_shared>> -> memref<10240x128xf32, #tpu.memory_space<vmem_shared>>
    tpu.wait_indirect_dma semaphore(%arg21 : memref<!tpu.dma_semaphore, #tpu.memory_space<semaphore_mem>>) src(%dma_wait3A_189 : memref<128x128xf32, #tpu.memory_space<vmem>>) dst(%dma_wait3A_195 : memref<10240x128xf32, #tpu.memory_space<vmem_shared>>)
    %dma_wait3A_196 = arith.constant 1 : i32
    %dma_wait3A_197 = arith.constant 3 : i32
    %dma_wait3A_198 = arith.constant 0 : i32
    %dma_wait3A_199 = arith.constant 0 : i32
    %dma_wait3A_200 = tpu.memref_slice %arg9[%dma_wait3A_196, %dma_wait3A_198, %dma_wait3A_199] : memref<2x128x128xf32, #tpu.memory_space<vmem>> -> memref<1x128x128xf32, #tpu.memory_space<vmem>>
    %dma_wait3A_201 = tpu.memref_squeeze %dma_wait3A_200 : memref<1x128x128xf32, #tpu.memory_space<vmem>> -> memref<128x128xf32, #tpu.memory_space<vmem>>
    %dma_wait3A_202 = arith.constant 0 : i32
    %dma_wait3A_203 = tpu.memref_slice %arg8[%dma_wait3A_197, %dma_wait3A_202] : memref<4x128xi32, #tpu.memory_space<vmem>> -> memref<1x128xi32, #tpu.memory_space<vmem>>
    %dma_wait3A_204 = tpu.memref_squeeze %dma_wait3A_203 : memref<1x128xi32, #tpu.memory_space<vmem>> -> memref<128xi32, #tpu.memory_space<vmem>>
    %dma_wait3A_205 = arith.constant 0 : i32
    %dma_wait3A_206 = arith.constant 0 : i32
    %dma_wait3A_207 = tpu.memref_slice %arg10[%dma_wait3A_205, %dma_wait3A_206] : memref<10240x128xf32, #tpu.memory_space<vmem_shared>> -> memref<10240x128xf32, #tpu.memory_space<vmem_shared>>
    tpu.wait_indirect_dma semaphore(%arg22 : memref<!tpu.dma_semaphore, #tpu.memory_space<semaphore_mem>>) src(%dma_wait3A_201 : memref<128x128xf32, #tpu.memory_space<vmem>>) dst(%dma_wait3A_207 : memref<10240x128xf32, #tpu.memory_space<vmem_shared>>)
    %barrier3A_208 = arith.constant 0 : index
    tpu.barrier barrier_id(%barrier3A_208)
    %mul3A_209 = arith.constant 640 : i32
    %mul3A_210 = arith.muli %arg1, %mul3A_209 : i32
    %multiple_of3A = tpu.assume_multiple %mul3A_210, 128 : i32
    %eq3A = arith.constant 0 : i32
    %eq3A_211 = arith.cmpi eq, %arg0, %eq3A : i32
    %convert_element_type3A = arith.extui %eq3A_211 : i1 to i32
    %cond3A = arith.constant 0 : i32
    %cond3A_212 = arith.cmpi ne, %convert_element_type3A, %cond3A : i32
    scf.if %cond3A_212 {
      "tpu.region"() ({
        %run_scoped3A_218 = tpu.sem_alloc : memref<!tpu.dma_semaphore, #tpu.memory_space<semaphore_mem>>
        %dma_start3A_219 = arith.constant 0 : i32
        %dma_start3A_220 = tpu.memref_slice %arg5[%multiple_of3A, %dma_start3A_219] : memref<10240x128xf32, #tpu.memory_space<hbm>> -> memref<640x128xf32, #tpu.memory_space<hbm>>
        %dma_start3A_221 = arith.constant 0 : i32
        %dma_start3A_222 = tpu.memref_slice %arg10[%multiple_of3A, %dma_start3A_221] : memref<10240x128xf32, #tpu.memory_space<vmem_shared>> -> memref<640x128xf32, #tpu.memory_space<vmem_shared>>
        tpu.enqueue_dma source(%dma_start3A_222 : memref<640x128xf32, #tpu.memory_space<vmem_shared>>) target(%dma_start3A_220 : memref<640x128xf32, #tpu.memory_space<hbm>>) target_semaphore(%run_scoped3A_218 : memref<!tpu.dma_semaphore, #tpu.memory_space<semaphore_mem>>)
        %dma_wait3A_223 = arith.constant 0 : i32
        %dma_wait3A_224 = tpu.memref_slice %arg5[%multiple_of3A, %dma_wait3A_223] : memref<10240x128xf32, #tpu.memory_space<hbm>> -> memref<640x128xf32, #tpu.memory_space<hbm>>
        %dma_wait3A_225 = arith.constant 0 : i32
        %dma_wait3A_226 = tpu.memref_slice %arg10[%multiple_of3A, %dma_wait3A_225] : memref<10240x128xf32, #tpu.memory_space<vmem_shared>> -> memref<640x128xf32, #tpu.memory_space<vmem_shared>>
        tpu.wait_dma2 semaphore(%run_scoped3A_218 : memref<!tpu.dma_semaphore, #tpu.memory_space<semaphore_mem>>) src(%dma_wait3A_226 : memref<640x128xf32, #tpu.memory_space<vmem_shared>>) dst(%dma_wait3A_224 : memref<640x128xf32, #tpu.memory_space<hbm>>)
        tpu.yield
      }) : () -> ()
    } else {
    }
    %eq3A_213 = arith.constant 1 : i32
    %eq3A_214 = arith.cmpi eq, %arg0, %eq3A_213 : i32
    %convert_element_type3A_215 = arith.extui %eq3A_214 : i1 to i32
    %cond3A_216 = arith.constant 0 : i32
    %cond3A_217 = arith.cmpi ne, %convert_element_type3A_215, %cond3A_216 : i32
    scf.if %cond3A_217 {
      "tpu.region"() ({
        %run_scoped3A_218 = tpu.sem_alloc : memref<!tpu.dma_semaphore, #tpu.memory_space<semaphore_mem>>
        %dma_start3A_219 = arith.constant 0 : i32
        %dma_start3A_220 = tpu.memref_slice %arg6[%multiple_of3A, %dma_start3A_219] : memref<10240x128xf32, #tpu.memory_space<hbm>> -> memref<640x128xf32, #tpu.memory_space<hbm>>
        %dma_start3A_221 = arith.constant 0 : i32
        %dma_start3A_222 = tpu.memref_slice %arg10[%multiple_of3A, %dma_start3A_221] : memref<10240x128xf32, #tpu.memory_space<vmem_shared>> -> memref<640x128xf32, #tpu.memory_space<vmem_shared>>
        tpu.enqueue_dma source(%dma_start3A_222 : memref<640x128xf32, #tpu.memory_space<vmem_shared>>) target(%dma_start3A_220 : memref<640x128xf32, #tpu.memory_space<hbm>>) target_semaphore(%run_scoped3A_218 : memref<!tpu.dma_semaphore, #tpu.memory_space<semaphore_mem>>)
        %dma_wait3A_223 = arith.constant 0 : i32
        %dma_wait3A_224 = tpu.memref_slice %arg6[%multiple_of3A, %dma_wait3A_223] : memref<10240x128xf32, #tpu.memory_space<hbm>> -> memref<640x128xf32, #tpu.memory_space<hbm>>
        %dma_wait3A_225 = arith.constant 0 : i32
        %dma_wait3A_226 = tpu.memref_slice %arg10[%multiple_of3A, %dma_wait3A_225] : memref<10240x128xf32, #tpu.memory_space<vmem_shared>> -> memref<640x128xf32, #tpu.memory_space<vmem_shared>>
        tpu.wait_dma2 semaphore(%run_scoped3A_218 : memref<!tpu.dma_semaphore, #tpu.memory_space<semaphore_mem>>) src(%dma_wait3A_226 : memref<640x128xf32, #tpu.memory_space<vmem_shared>>) dst(%dma_wait3A_224 : memref<640x128xf32, #tpu.memory_space<hbm>>)
        tpu.yield
      }) : () -> ()
    } else {
    }
    return
  }
}

module attributes {stable_mosaic.version = 14 : i64} {
  func.func @body(%arg0: memref<10000x128xf32, #tpu.memory_space<vmem>>, %arg1: memref<10240x128xf32, #tpu.memory_space<vmem>>, %arg2: memref<10240x128xf32, #tpu.memory_space<vmem>>, %arg3: memref<128x128xf32, #tpu.memory_space<vmem>>, %arg4: memref<1x128xf32, #tpu.memory_space<vmem>>, %arg5: memref<10000x128xf32, #tpu.memory_space<vmem>>, %arg6: memref<1x128xf32, #tpu.memory_space<vmem>>) attributes {dimension_semantics = [], scalar_prefetch = 0 : i64, scratch_operands = 0 : i64, tpu.core_type = #tpu.core_type<tc>} {
    %get3A = arith.constant 0 : index
    %get3A_0 = arith.constant 0 : index
    %get3A_1 = vector.load %arg0[%get3A, %get3A_0] : memref<10000x128xf32, #tpu.memory_space<vmem>>, vector<10000x128xf32>
    %get3A_2 = arith.constant 0 : index
    %get3A_3 = arith.constant 0 : index
    %get3A_4 = vector.load %arg1[%get3A_2, %get3A_3] : memref<10240x128xf32, #tpu.memory_space<vmem>>, vector<10000x128xf32>
    %add3A = arith.addf %get3A_1, %get3A_4 : vector<10000x128xf32>
    %get3A_5 = arith.constant 0 : index
    %get3A_6 = arith.constant 0 : index
    %get3A_7 = vector.load %arg2[%get3A_5, %get3A_6] : memref<10240x128xf32, #tpu.memory_space<vmem>>, vector<10000x128xf32>
    %add3A_8 = arith.addf %add3A, %get3A_7 : vector<10000x128xf32>
    %get3A_9 = arith.constant 0 : index
    %get3A_10 = arith.constant 0 : index
    %get3A_11 = vector.load %arg3[%get3A_9, %get3A_10] : memref<128x128xf32, #tpu.memory_space<vmem>>, vector<128x128xf32>
    %dot_general3A = arith.constant dense<0.000000e+00> : vector<10000x128xf32>
    %dot_general3A_12 = tpu.matmul %add3A_8, %get3A_11, %dot_general3A {dimension_numbers = #tpu.dot_dimension_numbers<[1], [0], [0], [1], [0, 0, 1, 1], [], []>, transpose_lhs_hint = false} : vector<10000x128xf32>, vector<128x128xf32>, vector<10000x128xf32> -> vector<10000x128xf32>
    %get3A_13 = arith.constant 0 : index
    %get3A_14 = arith.constant 0 : index
    %get3A_15 = vector.load %arg4[%get3A_13, %get3A_14] : memref<1x128xf32, #tpu.memory_space<vmem>>, vector<1x128xf32>
    %add3A_16 = vector.broadcast %get3A_15 : vector<1x128xf32> to vector<10000x128xf32>
    %add3A_17 = arith.addf %dot_general3A_12, %add3A_16 : vector<10000x128xf32>
    %max3A = arith.constant 0.000000e+00 : f32
    %max3A_18 = vector.broadcast %max3A : f32 to vector<10000x128xf32>
    %max3A_19 = arith.maximumf %add3A_17, %max3A_18 : vector<10000x128xf32>
    %swap3A = arith.constant 0 : index
    %swap3A_20 = arith.constant 0 : index
    %swap3A_21 = vector.load %arg5[%swap3A, %swap3A_20] : memref<10000x128xf32, #tpu.memory_space<vmem>>, vector<10000x128xf32>
    tpu.vector_store %arg5[%swap3A, %swap3A_20], %max3A_19 {strides = array<i32>} : memref<10000x128xf32, #tpu.memory_space<vmem>>, vector<10000x128xf32>,
    %reduce_sum3A = arith.constant dense<0.000000e+00> : vector<128xf32>
    %reduce_sum3A_22 = vector.multi_reduction <add>, %max3A_19, %reduce_sum3A [0] : vector<10000x128xf32> to vector<128xf32>
    %broadcast_in_dim3A = vector.shape_cast %reduce_sum3A_22 : vector<128xf32> to vector<1x128xf32>
    %swap3A_23 = arith.constant 0 : index
    %swap3A_24 = arith.constant 0 : index
    %swap3A_25 = vector.load %arg6[%swap3A_23, %swap3A_24] : memref<1x128xf32, #tpu.memory_space<vmem>>, vector<1x128xf32>
    tpu.vector_store %arg6[%swap3A_23, %swap3A_24], %broadcast_in_dim3A {strides = array<i32>} : memref<1x128xf32, #tpu.memory_space<vmem>>, vector<1x128xf32>,
    return
  }
}

module attributes {stable_mosaic.version = 14 : i64} {
  func.func @body(%arg0: memref<10000x128xf32, #tpu.memory_space<vmem>>, %arg1: memref<10240x128xf32, #tpu.memory_space<vmem>>, %arg2: memref<10240x128xf32, #tpu.memory_space<vmem>>, %arg3: memref<128x128xf32, #tpu.memory_space<vmem>>, %arg4: memref<1x128xf32, #tpu.memory_space<vmem>>, %arg5: memref<10000x128xf32, #tpu.memory_space<vmem>>, %arg6: memref<1x128xf32, #tpu.memory_space<vmem>>) attributes {dimension_semantics = [], scalar_prefetch = 0 : i64, scratch_operands = 0 : i64, tpu.core_type = #tpu.core_type<tc>} {
    %get3A = arith.constant 0 : index
    %get3A_0 = arith.constant 0 : index
    %get3A_1 = vector.load %arg0[%get3A, %get3A_0] : memref<10000x128xf32, #tpu.memory_space<vmem>>, vector<10000x128xf32>
    %get3A_2 = arith.constant 0 : index
    %get3A_3 = arith.constant 0 : index
    %get3A_4 = vector.load %arg1[%get3A_2, %get3A_3] : memref<10240x128xf32, #tpu.memory_space<vmem>>, vector<10000x128xf32>
    %add3A = arith.addf %get3A_1, %get3A_4 : vector<10000x128xf32>
    %get3A_5 = arith.constant 0 : index
    %get3A_6 = arith.constant 0 : index
    %get3A_7 = vector.load %arg2[%get3A_5, %get3A_6] : memref<10240x128xf32, #tpu.memory_space<vmem>>, vector<10000x128xf32>
    %add3A_8 = arith.addf %add3A, %get3A_7 : vector<10000x128xf32>
    %get3A_9 = arith.constant 0 : index
    %get3A_10 = arith.constant 0 : index
    %get3A_11 = vector.load %arg3[%get3A_9, %get3A_10] : memref<128x128xf32, #tpu.memory_space<vmem>>, vector<128x128xf32>
    %dot_general3A = arith.constant dense<0.000000e+00> : vector<10000x128xf32>
    %dot_general3A_12 = tpu.matmul %add3A_8, %get3A_11, %dot_general3A {dimension_numbers = #tpu.dot_dimension_numbers<[1], [0], [0], [1], [0, 0, 1, 1], [], []>, transpose_lhs_hint = false} : vector<10000x128xf32>, vector<128x128xf32>, vector<10000x128xf32> -> vector<10000x128xf32>
    %get3A_13 = arith.constant 0 : index
    %get3A_14 = arith.constant 0 : index
    %get3A_15 = vector.load %arg4[%get3A_13, %get3A_14] : memref<1x128xf32, #tpu.memory_space<vmem>>, vector<1x128xf32>
    %add3A_16 = vector.broadcast %get3A_15 : vector<1x128xf32> to vector<10000x128xf32>
    %add3A_17 = arith.addf %dot_general3A_12, %add3A_16 : vector<10000x128xf32>
    %max3A = arith.constant 0.000000e+00 : f32
    %max3A_18 = vector.broadcast %max3A : f32 to vector<10000x128xf32>
    %max3A_19 = arith.maximumf %add3A_17, %max3A_18 : vector<10000x128xf32>
    %swap3A = arith.constant 0 : index
    %swap3A_20 = arith.constant 0 : index
    %swap3A_21 = vector.load %arg5[%swap3A, %swap3A_20] : memref<10000x128xf32, #tpu.memory_space<vmem>>, vector<10000x128xf32>
    tpu.vector_store %arg5[%swap3A, %swap3A_20], %max3A_19 {strides = array<i32>} : memref<10000x128xf32, #tpu.memory_space<vmem>>, vector<10000x128xf32>,
    %reduce_sum3A = arith.constant dense<0.000000e+00> : vector<128xf32>
    %reduce_sum3A_22 = vector.multi_reduction <add>, %max3A_19, %reduce_sum3A [0] : vector<10000x128xf32> to vector<128xf32>
    %broadcast_in_dim3A = vector.shape_cast %reduce_sum3A_22 : vector<128xf32> to vector<1x128xf32>
    %swap3A_23 = arith.constant 0 : index
    %swap3A_24 = arith.constant 0 : index
    %swap3A_25 = vector.load %arg6[%swap3A_23, %swap3A_24] : memref<1x128xf32, #tpu.memory_space<vmem>>, vector<1x128xf32>
    tpu.vector_store %arg6[%swap3A_23, %swap3A_24], %broadcast_in_dim3A {strides = array<i32>} : memref<1x128xf32, #tpu.memory_space<vmem>>, vector<1x128xf32>,
    return
  }
}

</mosaic_0001>

<sc_bundles>
// kernel: kernel.11.cloned.1.call-start
scs
__scs_entry_jumppad:
0x0: {  	(pc) =	sbr.rel $0x88, $3  }
0x1: {  	(tag) =	ssettag $0x0;
	lr =	simm.s32 $0x1  }
0x2: {  	[smem:$0x3F99] =	sst lr;
	_ =	strace $0xD0000000  }
0x3: {  	_ = 	snop  }
0x4: {  	_ = 	snop  }
0x5: {  	_ = 	snop  }
0x6: {  	_ = 	snop  }
0x7: {  	_ = 	snop  }
__scs_overlays_trampoline_lowered:
0x8: {  	[smem:$0x3FA8] =	sst s0  }
0x9: {  	[smem:$0x3FA9] =	sst s1  }
0xa: {  	[smem:$0x3FAA] =	sst s2  }
0xb: {  	[smem:$0x3FAB] =	sst s3  }
0xc: {  	[smem:$0x3FAC] =	sst s4  }
0xd: {  	[smem:$0x3FAD] =	sst s5  }
0xe: {  	[smem:$0x3FAE] =	sst s6  }
0xf: {  	[smem:$0x3FAF] =	sst s7  }
0x10: {  	[smem:$0x3FB0] =	sst s8  }
0x11: {  	[smem:$0x3FB1] =	sst s9;
	s0 =	simm.s32 @!p0 $0x0  }
0x12: {  	s1 =	sld [smem:$0x3F97];
	s0 =	simm.s32 @p0 $0x1  }
0x13: {  	[smem:$0x3FB2] =	sst s0;
	s0 =	simm.s32 @!p1 $0x0  }
0x14: {  	s2 =	sld [smem:$0x3F96];
	s0 =	simm.s32 @p1 $0x1  }
0x15: {  	[smem:$0x3FB3] =	sst s0;
	s0 =	simm.s32 @!p2 $0x0  }
0x16: {  	s3 =	sld [smem:$0x3FDB];
	s0 =	simm.s32 @p2 $0x1  }
0x17: {  	s4 =	simm.s32 $0x1BF5;
	[smem:$0x3FB5] =	sst s0  }
0x18: {  	s0 =	sld [smem:$0x3F98];
	_ =	swait.ge [sflag:s4], $0x0  }
0x19: {  	s7 =	sld [smem:$0x3F99]  }
0x1a: {  	s8 =	sadd.s32 $0xFFFFE003, lr  }
0x1b: {  	s9 =	sadd.s32 $0xFFFFFEF7, lr;
	s5 =	simm.s32 $0xFFFFFFFF;
	p2 =	slt.u32 s8, $0xFFFFF086  }
0x1c: {  	p1 =	slt.u32 s9, $0xF7A;
	s5 =	simm.s32 @!p2 $0x0  }
0x1d: {  	s5 =	simm.s32 @p1 $0x1;
	p0 =	seq.s32 s7, s2  }
0x1e: {  	s7 =	smul.u32 @!p0 $0xF7A, s2;
	p2 =	seq.s32 @!p0 s5, $0x0  }
0x1f: {  	s9 =	smul.u32 $0xF7A, s1;
	s8 =	simm.s32 @!p0 $0x1BF5;
	p2 =	por !p2, p0  }
0x20: {  	[sflag:s8] =	ssyncset.s32 @!p0 $0xFFFFF086;
	s6 =	sadd.s32 @!p0 s3, s7;
	s7 =	simm.s32 @!p0 $0x108  }
0x21: {  	s3 =	sadd.s32 s3, s9;
	s6 =	sadd.s32 @!p0 $0x88, s6;
	s7 =	simm.s32 @p2 $0x1082  }
0x22: {  	[simem:s7], [sflag:s8] =	dma.local @!p0 [hbm:s6], $0xF7A  }
0x23: {  	s9 =	sor.u32 $0xD0000000, s2;
	s6 =	simm.s32 $0x108;
	_ =	swait.ge @!p0 [sflag:s8], $0x0  }
0x24: {  	s3 =	sadd.s32 $0x88, s3;
	s6 =	simm.s32 @!p1 $0x1082;
	[sflag:s4] =	ssyncset.s32 $0xFFFFF086  }
0x25: {  	[simem:s6], [sflag:s4] =	dma.local [hbm:s3], $0xF7A  }
0x26: {  	[smem:$0x3F99] =	sst s1;
	(tag) =	ssettag s2;
	_ =	strace s9  }
0x27: {  	s1 =	sld [smem:$0x3FA9]  }
0x28: {  	s2 =	sld [smem:$0x3FAA]  }
0x29: {  	s4 =	sld [smem:$0x3FAC]  }
0x2a: {  	p0 =	seq.s32 s5, $0x0;
	s5 =	sld [smem:$0x3FAD]  }
0x2b: {  	s6 =	sld [smem:$0x3FAE]  }
0x2c: {  	s7 =	sld [smem:$0x3FAF]  }
0x2d: {  	s3 =	simm.s32 $0x108;
	s8 =	sld [smem:$0x3FB0]  }
0x2e: {  	s3 =	simm.s32 @!p0 $0x1082;
	s9 =	sld [smem:$0x3FB1]  }
0x2f: {  	lr =	sadd.s32 s0, s3;
	s0 =	sld [smem:$0x3FA8]  }
0x30: {  	s3 =	sld [smem:$0x3FAB]  }
0x31: {  	[smem:$0x3FB4] =	sst s10  }
0x32: {  	s10 =	sld [smem:$0x3FB2];
	_ =	sdelay $0x3  }
0x33: {  	p0 =	seq.s32 s10, $0x1;
	s10 =	sld [smem:$0x3FB4];
	_ =	sdelay $0x3  }
0x34: {  	[smem:$0x3FB4] =	sst s10  }
0x35: {  	s10 =	sld [smem:$0x3FB3];
	_ =	sdelay $0x3  }
0x36: {  	p1 =	seq.s32 s10, $0x1;
	s10 =	sld [smem:$0x3FB4];
	_ =	sdelay $0x3  }
0x37: {  	[smem:$0x3FB4] =	sst s10  }
0x38: {  	s10 =	sld [smem:$0x3FB5]  }
0x39: {  	_ = 	snop;
	(pc) =	sbr.ind lr, $3  }
0x3a: {  	_ = 	snop  }
0x3b: {  	_ = 	snop  }
0x3c: {  	p2 =	seq.s32 s10, $0x1;
	s10 =	sld [smem:$0x3FB4]  }
0x3d: {  	_ =	shalt  }
0x3e: {  	_ =	shalt  }
0x3f: {  	_ =	shalt  }
0x40: {  	_ =	shalt  }
0x41: {  	_ =	shalt  }
0x42: {  	_ =	shalt  }
0x43: {  	_ =	shalt  }
0x44: {  	_ =	shalt  }
0x45: {  	_ =	shalt  }
0x46: {  	_ =	shalt  }
0x47: {  	_ =	shalt  }
0x48: {  	_ =	shalt  }
0x49: {  	_ =	shalt  }
0x4a: {  	_ =	shalt  }
0x4b: {  	_ =	shalt  }
0x4c: {  	_ =	shalt  }
0x4d: {  	_ =	shalt  }
0x4e: {  	_ =	shalt  }
0x4f: {  	_ =	shalt  }
0x50: {  	_ =	shalt  }
0x51: {  	_ =	shalt  }
0x52: {  	_ =	shalt  }
0x53: {  	_ =	shalt  }
0x54: {  	_ =	shalt  }
0x55: {  	_ =	shalt  }
0x56: {  	_ =	shalt  }
0x57: {  	_ =	shalt  }
0x58: {  	_ =	shalt  }
0x59: {  	_ =	shalt  }
0x5a: {  	_ =	shalt  }
0x5b: {  	_ =	shalt  }
0x5c: {  	_ =	shalt  }
0x5d: {  	_ =	shalt  }
0x5e: {  	_ =	shalt  }
0x5f: {  	_ =	shalt  }
0x60: {  	_ =	shalt  }
0x61: {  	_ =	shalt  }
0x62: {  	_ =	shalt  }
0x63: {  	_ =	shalt  }
0x64: {  	_ =	shalt  }
0x65: {  	_ =	shalt  }
0x66: {  	_ =	shalt  }
0x67: {  	_ =	shalt  }
0x68: {  	_ =	shalt  }
0x69: {  	_ =	shalt  }
0x6a: {  	_ =	shalt  }
0x6b: {  	_ =	shalt  }
0x6c: {  	_ =	shalt  }
0x6d: {  	_ =	shalt  }
0x6e: {  	_ =	shalt  }
0x6f: {  	_ =	shalt  }
0x70: {  	_ =	shalt  }
0x71: {  	_ =	shalt  }
0x72: {  	_ =	shalt  }
0x73: {  	_ =	shalt  }
0x74: {  	_ =	shalt  }
0x75: {  	_ =	shalt  }
0x76: {  	_ =	shalt  }
0x77: {  	_ =	shalt  }
0x78: {  	_ =	shalt  }
0x79: {  	_ =	shalt  }
0x7a: {  	_ =	shalt  }
0x7b: {  	_ =	shalt  }
0x7c: {  	_ =	shalt  }
0x7d: {  	_ =	shalt  }
0x7e: {  	_ =	shalt  }
0x7f: {  	_ =	shalt  }
0x80: {  	_ =	shalt  }
0x81: {  	_ =	shalt  }
0x82: {  	_ =	shalt  }
0x83: {  	_ =	shalt  }
0x84: {  	_ =	shalt  }
0x85: {  	_ =	shalt  }
0x86: {  	_ =	shalt  }
0x87: {  	_ =	shalt  }
.Lfunc_end0:
.L_simem_size_0:
called_computation.1_lowered:
.L_overlay_start_0:
0x88: {  	s2 =	sld [smem:$0x3FD9]  }
0x89: {  	s3 =	sld [smem:$0x3FFE];
	_ =	sdelay $0x1  }
0x8a: {  	s1 =	srdreg.scid  }
0x8b: {  	s0 =	sand.u32 $0x1, s1  }
0x8c: {  	s16 =	sshll.u32 s0, $0xA;
	s2 =	sadd.s32 s3, s2  }
0x8d: {  	s2 =	sadd.s32 s2, s16  }
0x8e: {  	[smem:$0x3FC0] =	sst s2  }
0x8f: {  	_ = 	snop  }
0x90: {  	(tm) =	ssettm $0x1  }
0x91: {  	s17 =	sld [smem:$0x3FFB];
	_ =	sdelay $0x3  }
0x92: {  	_ =	strace s17  }
0x93: {  	s2 =	sld [smem:$0x3FFC];
	_ =	sdelay $0x3  }
0x94: {  	_ =	strace s2  }
0x95: {  	s2 =	sld [smem:$0x3FFD];
	_ =	sdelay $0x3  }
0x96: {  	_ =	strace s2  }
0x97: {  	_ =	strace $0x8FFFFFFF  }
0x98: {  	s18 =	sld [smem:$0x3FDB];
	_ =	sdelay $0x1  }
0x99: {  	s19 =	simm.s32 $_scs_section_size  }
0x9a: {  	s4 =	simm.s32 $_size__tile_overlayer_lowered;
	s5 =	simm.s32 $_tile_overlayer_lowered  }
0x9b: {  	s22 =	simm.s32 $0x1BFF;
	s21 =	sshll.u32 s5, $0x1;
	s2 =	sadd.s32 s19, s18  }
0x9c: {  	s6 =	simm.s32 $0x0;
	s20 =	sshll.u32 s4, $0x1;
	s4 =	sadd.s32 s21, s2  }
0x9d: {  	[timem:s6], [sflag:s22] =	dma.local [hbm:s4], s20  }
0x9e: {  	_ =	swait.ge [sflag:s22], s20  }
0x9f: {  	s3 =	ssub.s32 $0x0, s20;
	[sflag:s22] =	ssyncset.done $0x0  }
0xa0: {  	[sflag:s22] =	ssyncadd.s32 s3;
	_ =	sdelay $0x1  }
0xa1: {  	s23 =	simm.s32 $0x1B8B  }
0xa2: {  	_ =	swait.ge [sflag:s23], $0x1  }
0xa3: {  	[sflag:s23] =	ssyncset.done $0x0  }
0xa4: {  	s25 =	simm.s32 $0x1B8E;
	s24 =	sld [smem:$0x3FFE];
	[sflag:s23] =	ssyncadd.s32 $0xFFFFFFFF  }
0xa5: {  	s26 =	simm.s32 $execute0_lowered;
	[smem:$0x3FD2] =	sst s25  }
0xa6: {  	s4 =	sshll.u32 s26, $0x1;
	_ =	strace $0x80000049;
	[dreg:$0x1] =	wrdreg $0xFFFFFFFF  }
0xa7: {  	s28 =	simm.s32 $_size_execute0_lowered;
	s2 =	sadd.s32 s2, s4;
	[dreg:$0x0] =	wrdreg $0x0  }
0xa8: {  	s4 =	sshll.u32 s28, $0x1;
	[dreg:$0x2] =	wrdreg s2  }
0xa9: {  	[dreg:$0x3] =	wrdreg s4  }
0xaa: {  	[dreg:$0x4] =	wrdreg $0xC0  }
0xab: {  	_ =	task [dreg:s6], $0x5FFFF  }
0xac: {  	[dreg:$0x1] =	wrdreg $0xFFFFFFFF  }
0xad: {  	[dreg:$0x0] =	wrdreg $0x60  }
0xae: {  	[dreg:$0x2] =	wrdreg s24  }
0xaf: {  	[dreg:$0x3] =	wrdreg $0x84000  }
0xb0: {  	[dreg:$0x4] =	wrdreg $0x9  }
0xb1: {  	_ =	task.clear_ibuf [dreg:s6], $0x5FFFF;
	_ =	strace $0x90000049  }
0xb2: {  	s29 =	simm.s32 $0x9;
	_ =	strace $0x8000004B  }
0xb3: {  	_ =	swait.ge [sflag:s29], $0x1  }
0xb4: {  	[sflag:s29] =	ssyncadd.s32 $0xFFFFFFFF  }
0xb5: {  	_ =	strace $0x9000004B  }
0xb6: {  	_ =	sfence  }
0xb7: {  	s30 =	sld [smem:$0x0];
	_ =	sdelay $0x2  }
0xb8: {  	s31 =	sshll.u32 s1, $0xD;
	s1 =	sshrl.u32 s1, $0x2  }
0xb9: {  	s3 =	sand.u32 $0x4000, s31;
	s1 =	sadd.s32 s1, s30  }
0xba: {  	s0 =	sor.u32 s3, s0;
	s1 =	sshll.u32 s1, $0x11  }
0xbb: {  	s0 =	sor.u32 s1, s0  }
0xbc: {  	s0 =	sadd.s32 $0x8F2B, s0  }
0xbd: {  	[sflag:s0] =	ssyncadd.remote.s32 $0x1  }
0xbe: {  	_ =	sfence.sel $0xFFFF  }
0xbf: {  	[dreg:$0x0] =	wrdreg $0xFFFFFFFF;
	(pc) =	sbr.abs _section_cstart, $3  }
0xc0: {  	[dreg:$0x1] =	wrdreg $0xFFFFFFFF  }
0xc1: {  	_ =	task.clear_ibuf [dreg:s6], $0x2FFFF;
	_ =	strace $0x9FFFFFFF  }
0xc2: {  	(tm) =	ssettm $0x7FFFFFFF  }
0xc3: {  	_ =	shalt  }
tec
execute0_lowered:
.L_overlay_start_1:
0x0: {  	(tag) =	ssettag $0x1  }
0x1: {  	s0 =	rddreg [dreg:$0x0]  }
0x2: {  	s2 =	rddreg [dreg:$0x1]  }
0x3: {  	s1 =	srdreg.scid;
	s13 =	stileid.u32;
	s3 =	simm.s32 $0x0  }
0x4: {  	s28 =	simm.s32 $0x300;
	s29 =	simm.s32 $0x180;
	s31 =	simm.s32 $0x400  }
0x5: {  	s1 =	sand.u32 $0x1, s1;
	s4 =	sshll.u32 s13, $0x1;
	[smem:$0x7FF] =	sst s3  }
0x6: {  	s5 =	sadd.s32 $0x17E00, s0;
	s6 =	sadd.s32 $0xDE00, s0;
	s12 =	smul.u32 $0x50000, s13  }
0x7: {  	s7 =	sadd.s32 $0x3E00, s0;
	s25 =	smul.u32 $0x2800, s13;
	s13 =	simm.s32 $0xA  }
0x8: {  	s4 =	sor.u32 s1, s4;
	_ =	strace $0x8000004A;
	s8 =	ssub.s32 $0x2, s1  }
0x9: {  	p0 =	seq.s32 s1, $0x1;
	s1 =	simm.s32 $0x67000;
	s4 =	smul.u32 $0x2800, s4  }
0xa: {  	s9 =	sshrl.u32 s8, $0x1;
	s21 =	sshrl.u32 s12, $0x2;
	s1 =	simm.s32 @!p0 $0x3F000  }
0xb: {  	s12 =	simm.s32 $0x6;
	s8 =	ssub.s32 s8, s9;
	s0 =	sadd.s32 s1, s0  }
0xc: {  	s1 =	simm.s32 $0x2;
	s10 =	sshrl.u32 s4, $0x3;
	s30 =	smax.u32 s8, $0x1  }
0xd: {  	s0 =	sadd.s32 s0, s25;
	s25 =	simm.s32 $0x280;
	[dreg:$0xf] =	wrdreg s30  }
0xe: {  	s8 =	simm.s32 $0x4400;
	s15 =	sadd.s32 s6, s10;
	[dreg:$0x10] =	wrdreg s0  }
0xf: {  	s16 =	sadd.s32 s7, s10;
	s17 =	sor.u32 $0x10, s10;
	[dreg:$0x3] =	wrdreg s15  }
0x10: {  	s11 =	sor.u32 $0x20, s10;
	[dreg:$0x4] =	wrdreg s16;
	s14 =	sadd.s32 s6, s17  }
0x11: {  	s20 =	sor.u32 $0x30, s10;
	s9 =	sadd.s32 s7, s17;
	[dreg:$0x5] =	wrdreg s14  }
0x12: {  	s0 =	simm.s32 $0xD;
	s18 =	sadd.s32 s6, s11;
	[dreg:$0x6] =	wrdreg s9  }
0x13: {  	s19 =	sadd.s32 s7, s11;
	s22 =	sadd.s32 s6, s20;
	[dreg:$0x7] =	wrdreg s18  }
0x14: {  	s16 =	sadd.s32 s21, s2;
	s21 =	simm.s32 $0x380;
	[dreg:$0x8] =	wrdreg s19  }
0x15: {  	s11 =	simm.s32 $0x3;
	[dreg:$0x9] =	wrdreg s22;
	s9 =	sadd.s32 s7, s20  }
0x16: {  	s15 =	simm.s32 $0x7;
	s23 =	sadd.s32 $0x4000, s16;
	[dreg:$0xa] =	wrdreg s9  }
.Ltmp0:
0x17: {  	s24 =	sadd.s32 $0x8000, s16;
	[dreg:$0xb] =	wrdreg s23;
	(pc) =	sbr.rel .LBB2_1-.Ltmp0, $4  }
0x18: {  	s10 =	sadd.s32 $0xC000, s16;
	s26 =	sadd.s32 $0x10000, s16;
	[dreg:$0xc] =	wrdreg s24  }
0x19: {  	s14 =	simm.s32 $0x4;
	s20 =	simm.s32 $0x0;
	[dreg:$0xd] =	wrdreg s10  }
0x1a: {  	[dreg:$0xe] =	wrdreg s26;
	s23 =	simm.s32 $0x200;
	s24 =	simm.s32 $0x80  }
0x1b: {  	v0 =	vimm.f32 $0.0e+00;
	s26 =	simm.s32 $0x100;
	s9 =	simm.s32 $0x5;
	s10 =	simm.s32 $0x9  }
.LBB2_6:
0x1c: {  	s17 =	simm.s32 $0x8  }
0x1d: {  	_ =	swait.ge [sflag:s17], $0x80  }
0x1e: {  	[sflag:s17] =	ssyncset.done $0x0  }
0x1f: {  	[sflag:s17] =	ssyncadd.s32 $0xFFFFFF80  }
0x20: {  	_ =	swait.ge [sflag:s13], $0x4000  }
0x21: {  	[sflag:s13] =	ssyncset.done $0x0  }
0x22: {  	s21 =	simm.s32 $0x380;
	s18 =	simm.s32 $0xB;
	[sflag:s13] =	ssyncadd.s32 $0xFFFFC000  }
0x23: {  	[spmem:s2] =	stream.indirect.scatter.add.f32 [tilespmem:s8], [sflag:$0xC], $0x80, s21, s24, $0xb8;
	[tilespmem:$0x1C400] =	vst v63  }
0x24: {  	_ =	swait.ge [sflag:s18], $0x4000  }
0x25: {  	[sflag:s18] =	ssyncset.done $0x0  }
0x26: {  	s19 =	simm.s32 $0xC;
	[sflag:s18] =	ssyncadd.s32 $0xFFFFC000  }
0x27: {  	_ =	swait.ge [sflag:s19], $0x4000  }
0x28: {  	[sflag:s19] =	ssyncset.done $0x0  }
0x29: {  	s22 =	stileid.u32;
	[sflag:s19] =	ssyncadd.s32 $0xFFFFC000  }
0x2a: {  	s17 =	sshll.u32 s22, $0x6;
	[bflag:$0x0] =	sbarrier.arrive $0xFFFF  }
0x2b: {  	s17 =	sor.u32 $0x1C0D, s17;
	s18 =	sshrl.u32 s16, $0x3;
	s19 =	rddreg [dreg:$0x10]  }
0x2c: {  	[hbm:s19], [sflag:s17] =	dma.local [spmem:s18], $0x2800  }
0x2d: {  	_ =	swait.ge [sflag:s0], $0x2800  }
0x2e: {  	s20 =	sadd.s32 $0x1, s20;
	s30 =	rddreg [dreg:$0xf]  }
0x2f: {  	p0 =	sne.s32 s20, s30  }
.Ltmp1:
0x30: {  	_ = 	snop;
	(pc) =	sbr.rel @!p0 .LBB2_7-.Ltmp1, $3  }
0x31: {  	_ =	sdelay $0x1  }
0x32: {  	[sflag:s0] =	ssyncset.done $0x0  }
0x33: {  	[sflag:s0] =	ssyncadd.s32 $0xFFFFD800  }
.LBB2_1:
0x34: {  	s17 =	rddreg [dreg:$0x3]  }
0x35: {  	[tilespmem:s3], [sflag:$0x1] =	stream.linear.gather [hbm4b:s17+s3], $0x80, $0x38;
	[tilespmem:$0x1C400] =	vst v63  }
0x36: {  	s19 =	rddreg [dreg:$0x4]  }
0x37: {  	[tilespmem:s23], [sflag:$0x5] =	stream.linear.gather [hbm4b:s19+s3], $0x80, $0x38;
	[tilespmem:$0x1C400] =	vst v63  }
0x38: {  	s22 =	rddreg [dreg:$0x5]  }
0x39: {  	[tilespmem:s24], [sflag:$0x2] =	stream.linear.gather [hbm4b:s22+s3], $0x80, $0x38;
	[tilespmem:$0x1C400] =	vst v63  }
0x3a: {  	s30 =	rddreg [dreg:$0x6]  }
0x3b: {  	[tilespmem:s25], [sflag:$0x6] =	stream.linear.gather [hbm4b:s30+s3], $0x80, $0x38;
	[tilespmem:$0x1C400] =	vst v63  }
0x3c: {  	s18 =	rddreg [dreg:$0x7]  }
0x3d: {  	[tilespmem:s26], [sflag:$0x3] =	stream.linear.gather [hbm4b:s18+s3], $0x80, $0x38;
	[tilespmem:$0x1C400] =	vst v63  }
0x3e: {  	s19 =	rddreg [dreg:$0x8]  }
0x3f: {  	[tilespmem:s28], [sflag:$0x7] =	stream.linear.gather [hbm4b:s19+s3], $0x80, $0x38;
	[tilespmem:$0x1C400] =	vst v63  }
0x40: {  	s22 =	rddreg [dreg:$0x9]  }
0x41: {  	[tilespmem:s29], [sflag:$0x4] =	stream.linear.gather [hbm4b:s22+s3], $0x80, $0x38;
	[tilespmem:$0x1C400] =	vst v63  }
0x42: {  	s30 =	rddreg [dreg:$0xa]  }
0x43: {  	[tilespmem:s21], [sflag:$0x8] =	stream.linear.gather [hbm4b:s30+s3], $0x80, $0x38;
	[tilespmem:$0x1C400] =	vst v63  }
0x44: {  	s22 =	simm.s32 $0x200;
	s21 =	simm.s32 $0x0  }
.LBB2_2:
0x45: {  	p0 =	sne.s32 s22, $0xFE00;
	[tilespmem:s21+$0x470] =	vst v0  }
0x46: {  	[tilespmem:s21+$0x400] =	vst v0  }
0x47: {  	[tilespmem:s21+$0x410] =	vst v0  }
.Ltmp2:
0x48: {  	[tilespmem:s21+$0x420] =	vst v0;
	(pc) =	sbr.rel @p0 .LBB2_2-.Ltmp2, $4  }
0x49: {  	[tilespmem:s21+$0x430] =	vst v0  }
0x4a: {  	[tilespmem:s21+$0x440] =	vst v0  }
0x4b: {  	[tilespmem:s21+$0x450] =	vst v0  }
0x4c: {  	[tilespmem:s21+$0x460] =	vst v0;
	s21 =	sshra.s32 s22, $0x2;
	s22 =	sadd.s32 $0x200, s22  }
0x4d: {  	[tilespmem:s21+$0x470] =	vst v0  }
0x4e: {  	[tilespmem:s21+$0x400] =	vst v0  }
0x4f: {  	[tilespmem:s21+$0x410] =	vst v0  }
0x50: {  	[tilespmem:s21+$0x420] =	vst v0  }
0x51: {  	[tilespmem:s21+$0x430] =	vst v0  }
0x52: {  	[tilespmem:s21+$0x440] =	vst v0  }
0x53: {  	[tilespmem:s21+$0x450] =	vst v0  }
0x54: {  	[tilespmem:s21+$0x460] =	vst v0  }
0x55: {  	[spmem:s16] =	stream.linear.scatter [tilespmem:s31], [sflag:$0xD], $0x4000, $0x38;
	[tilespmem:$0x1C400] =	vst v63  }
0x56: {  	_ =	swait.ge [sflag:s0], $0x4000  }
0x57: {  	[sflag:s0] =	ssyncset.done $0x0  }
0x58: {  	s17 =	rddreg [dreg:$0xb];
	[sflag:s0] =	ssyncadd.s32 $0xFFFFC000  }
0x59: {  	[spmem:s17] =	stream.linear.scatter [tilespmem:s31], [sflag:$0xD], $0x4000, $0x38;
	[tilespmem:$0x1C400] =	vst v63  }
0x5a: {  	_ =	swait.ge [sflag:s0], $0x4000  }
0x5b: {  	[sflag:s0] =	ssyncset.done $0x0  }
0x5c: {  	s21 =	rddreg [dreg:$0xc];
	[sflag:s0] =	ssyncadd.s32 $0xFFFFC000  }
0x5d: {  	[spmem:s21] =	stream.linear.scatter [tilespmem:s31], [sflag:$0xD], $0x4000, $0x38;
	[tilespmem:$0x1C400] =	vst v63  }
0x5e: {  	_ =	swait.ge [sflag:s0], $0x4000  }
0x5f: {  	[sflag:s0] =	ssyncset.done $0x0  }
0x60: {  	s22 =	rddreg [dreg:$0xd];
	[sflag:s0] =	ssyncadd.s32 $0xFFFFC000  }
0x61: {  	[spmem:s22] =	stream.linear.scatter [tilespmem:s31], [sflag:$0xD], $0x4000, $0x38;
	[tilespmem:$0x1C400] =	vst v63  }
0x62: {  	_ =	swait.ge [sflag:s0], $0x4000  }
0x63: {  	[sflag:s0] =	ssyncset.done $0x0  }
0x64: {  	s30 =	rddreg [dreg:$0xe];
	[sflag:s0] =	ssyncadd.s32 $0xFFFFC000  }
0x65: {  	[spmem:s30] =	stream.linear.scatter [tilespmem:s31], [sflag:$0xD], $0x4000, $0x38;
	[tilespmem:$0x1C400] =	vst v63  }
0x66: {  	_ =	swait.ge [sflag:s0], $0x4000  }
0x67: {  	[sflag:s0] =	ssyncset.done $0x0  }
0x68: {  	[sflag:s0] =	ssyncadd.s32 $0xFFFFC000  }
0x69: {  	s21 =	simm.s32 $0x0;
	[bflag:$0x0] =	sbarrier.arrive $0xFFFF  }
.LBB2_4:
0x6a: {  	p0 =	seq.s32 s21, $0x0  }
0x6b: {  	s22 =	simm.s32 @p0 $0x1  }
0x6c: {  	_ =	swait.ge @p0 [sflag:s22], $0x80  }
0x6d: {  	s30 =	simm.s32 @p0 $0x0;
	[sflag:s22] =	ssyncset.done @p0 $0x0  }
0x6e: {  	s17 =	simm.s32 @p0 $0x400;
	[sflag:s22] =	ssyncadd.s32 @p0 $0xFFFFFF80;
	s22 =	simm.s32 @p0 $0x80  }
0x6f: {  	[tilespmem:s17], [sflag:$0x9] =	stream.indirect.gather @p0 [hbm4b:s5+s22], $0x80, s30, s22, $0xb8;
	[tilespmem:$0x1C400] =	vst v63  }
0x70: {  	s17 =	sand.u32 @!p0 $0x3C00, s21  }
0x71: {  	s22 =	simm.s32 @!p0 $0xB;
	s30 =	sand.u32 @!p0 $0x200, s21;
	s17 =	sadd.s32 @!p0 s4, s17  }
0x72: {  	_ =	swait.ge @!p0 [sflag:s22], $0x4000;
	s17 =	sor.u32 @!p0 s30, s17  }
0x73: {  	[sflag:s22] =	ssyncset.done @!p0 $0x0;
	s17 =	sshrl.u32 @!p0 s17, $0x3  }
0x74: {  	[sflag:s22] =	ssyncadd.s32 @!p0 $0xFFFFC000;
	s22 =	sadd.s32 @!p0 s17, s7  }
0x75: {  	s18 =	simm.s32 @!p0 $0x300;
	s30 =	simm.s32 @!p0 $0x0;
	s22 =	sadd.s32 @!p0 $0x20, s22  }
0x76: {  	[tilespmem:s18], [sflag:$0x7] =	stream.linear.gather @!p0 [hbm4b:s22+s30], $0x80, $0x38;
	[tilespmem:$0x1C400] =	vst v63  }
0x77: {  	s18 =	simm.s32 @!p0 $0x1  }
0x78: {  	_ =	swait.ge @!p0 [sflag:s18], $0x80  }
0x79: {  	[sflag:s18] =	ssyncset.done @!p0 $0x0  }
0x7a: {  	s22 =	simm.s32 @!p0 $0x400;
	[sflag:s18] =	ssyncadd.s32 @!p0 $0xFFFFFF80;
	s18 =	simm.s32 @!p0 $0x80  }
0x7b: {  	[tilespmem:s22], [sflag:$0x9] =	stream.indirect.gather @!p0 [hbm4b:s5+s18], $0x80, s30, s18, $0xb8;
	[tilespmem:$0x1C400] =	vst v63  }
0x7c: {  	s22 =	simm.s32 @!p0 $0x8  }
0x7d: {  	_ =	swait.ge @!p0 [sflag:s22], $0x80  }
0x7e: {  	[sflag:s22] =	ssyncset.done @!p0 $0x0  }
0x7f: {  	[sflag:s22] =	ssyncadd.s32 @!p0 $0xFFFFFF80;
	s22 =	simm.s32 @!p0 $0xA  }
0x80: {  	_ =	swait.ge @!p0 [sflag:s22], $0x4000  }
0x81: {  	s19 =	simm.s32 @!p0 $0x4400;
	[sflag:s22] =	ssyncset.done @!p0 $0x0  }
0x82: {  	s17 =	sor.u32 @!p0 $0x30, s17;
	[sflag:s22] =	ssyncadd.s32 @!p0 $0xFFFFC000;
	s22 =	simm.s32 @!p0 $0x380  }
0x83: {  	[spmem:s2] =	stream.indirect.scatter.add.f32 @!p0 [tilespmem:s19], [sflag:$0xC], $0x80, s22, s18, $0xb8;
	[tilespmem:$0x1C400] =	vst v63  }
0x84: {  	s18 =	sadd.s32 @!p0 s6, s17;
	s19 =	simm.s32 @!p0 $0x180  }
0x85: {  	[tilespmem:s19], [sflag:$0x4] =	stream.linear.gather @!p0 [hbm4b:s18+s30], $0x80, $0x38;
	[tilespmem:$0x1C400] =	vst v63  }
0x86: {  	s18 =	simm.s32 @!p0 $0xC  }
0x87: {  	_ =	swait.ge @!p0 [sflag:s18], $0x4000  }
0x88: {  	[sflag:s18] =	ssyncset.done @!p0 $0x0  }
0x89: {  	s17 =	sadd.s32 @!p0 s7, s17;
	[sflag:s18] =	ssyncadd.s32 @!p0 $0xFFFFC000  }
0x8a: {  	[tilespmem:s22], [sflag:$0x8] =	stream.linear.gather @!p0 [hbm4b:s17+s30], $0x80, $0x38;
	[tilespmem:$0x1C400] =	vst v63  }
0x8b: {  	_ =	swait.ge [sflag:s1], $0x80  }
0x8c: {  	[sflag:s1] =	ssyncset.done $0x0  }
0x8d: {  	[sflag:s1] =	ssyncadd.s32 $0xFFFFFF80  }
0x8e: {  	[tilespmem:s8], [sflag:$0xA] =	stream.indirect.gather [hbm4b:s5+s24], $0x80, s24, s24, $0xb8;
	[tilespmem:$0x1C400] =	vst v63  }
0x8f: {  	_ =	swait.ge [sflag:s9], $0x80  }
0x90: {  	[sflag:s9] =	ssyncset.done $0x0  }
0x91: {  	p0 =	seq.s32 s21, $0x2600;
	[sflag:s9] =	ssyncadd.s32 $0xFFFFFF80  }
0x92: {  	s17 =	sadd.s32 @!p0 $0x200, s21;
	_ =	swait.ge [sflag:s10], $0x4000  }
0x93: {  	s19 =	simm.s32 @p0 $0xB;
	s18 =	sand.u32 @!p0 $0x7C00, s17;
	[sflag:s10] =	ssyncset.done $0x0  }
0x94: {  	s17 =	sand.u32 @!p0 $0x200, s17;
	s18 =	sadd.s32 @!p0 s4, s18;
	[sflag:s10] =	ssyncadd.s32 $0xFFFFC000  }
0x95: {  	[spmem:s2] =	stream.indirect.scatter.add.f32 [tilespmem:s31], [sflag:$0xB], $0x80, s23, s24, $0xb8;
	[tilespmem:$0x1C400] =	vst v63  }
0x96: {  	s17 =	sor.u32 @!p0 s17, s18;
	_ =	swait.ge @p0 [sflag:s19], $0x4000  }
0x97: {  	s17 =	sshrl.u32 @!p0 s17, $0x3;
	[sflag:s19] =	ssyncset.done @p0 $0x0  }
0x98: {  	s18 =	sadd.s32 @!p0 s6, s17;
	[sflag:s19] =	ssyncadd.s32 @p0 $0xFFFFC000;
	s19 =	simm.s32 @!p0 $0x0  }
0x99: {  	[tilespmem:s19], [sflag:$0x1] =	stream.linear.gather @!p0 [hbm4b:s18+s19], $0x80, $0x38;
	[tilespmem:$0x1C400] =	vst v63  }
0x9a: {  	s18 =	simm.s32 @!p0 $0xB  }
0x9b: {  	_ =	swait.ge @!p0 [sflag:s18], $0x4000  }
0x9c: {  	[sflag:s18] =	ssyncset.done @!p0 $0x0  }
0x9d: {  	s17 =	sadd.s32 @!p0 s7, s17;
	[sflag:s18] =	ssyncadd.s32 @!p0 $0xFFFFC000;
	s18 =	simm.s32 @!p0 $0x200  }
0x9e: {  	[tilespmem:s18], [sflag:$0x5] =	stream.linear.gather @!p0 [hbm4b:s17+s19], $0x80, $0x38;
	[tilespmem:$0x1C400] =	vst v63  }
0x9f: {  	_ =	swait.ge [sflag:s11], $0x80  }
0xa0: {  	[sflag:s11] =	ssyncset.done $0x0  }
0xa1: {  	[sflag:s11] =	ssyncadd.s32 $0xFFFFFF80  }
0xa2: {  	[tilespmem:s31], [sflag:$0x9] =	stream.indirect.gather [hbm4b:s5+s24], $0x80, s26, s24, $0xb8;
	[tilespmem:$0x1C400] =	vst v63  }
0xa3: {  	_ =	swait.ge [sflag:s12], $0x80  }
0xa4: {  	[sflag:s12] =	ssyncset.done $0x0  }
0xa5: {  	[sflag:s12] =	ssyncadd.s32 $0xFFFFFF80  }
0xa6: {  	s17 =	sadd.s32 @!p0 $0x280, s21;
	_ =	swait.ge [sflag:s13], $0x4000  }
0xa7: {  	s22 =	simm.s32 @p0 $0xC;
	s18 =	sand.u32 @!p0 $0x7C00, s17;
	[sflag:s13] =	ssyncset.done $0x0  }
0xa8: {  	s17 =	sand.u32 @!p0 $0x280, s17;
	s18 =	sadd.s32 @!p0 s4, s18;
	[sflag:s13] =	ssyncadd.s32 $0xFFFFC000  }
0xa9: {  	[spmem:s2] =	stream.indirect.scatter.add.f32 [tilespmem:s8], [sflag:$0xC], $0x80, s25, s24, $0xb8;
	[tilespmem:$0x1C400] =	vst v63  }
0xaa: {  	s17 =	sor.u32 @!p0 s17, s18;
	_ =	swait.ge @p0 [sflag:s22], $0x4000  }
0xab: {  	s17 =	sshrl.u32 @!p0 s17, $0x3;
	[sflag:s22] =	ssyncset.done @p0 $0x0  }
0xac: {  	s18 =	sadd.s32 @!p0 s6, s17;
	[sflag:s22] =	ssyncadd.s32 @p0 $0xFFFFC000;
	s22 =	simm.s32 @!p0 $0x80  }
0xad: {  	[tilespmem:s22], [sflag:$0x2] =	stream.linear.gather @!p0 [hbm4b:s18+s19], $0x80, $0x38;
	[tilespmem:$0x1C400] =	vst v63  }
0xae: {  	s18 =	simm.s32 @!p0 $0xC  }
0xaf: {  	_ =	swait.ge @!p0 [sflag:s18], $0x4000  }
0xb0: {  	[sflag:s18] =	ssyncset.done @!p0 $0x0  }
0xb1: {  	s17 =	sadd.s32 @!p0 s7, s17;
	[sflag:s18] =	ssyncadd.s32 @!p0 $0xFFFFC000;
	s18 =	simm.s32 @!p0 $0x280  }
0xb2: {  	[tilespmem:s18], [sflag:$0x6] =	stream.linear.gather @!p0 [hbm4b:s17+s19], $0x80, $0x38;
	[tilespmem:$0x1C400] =	vst v63  }
0xb3: {  	_ =	swait.ge [sflag:s14], $0x80  }
0xb4: {  	[sflag:s14] =	ssyncset.done $0x0  }
0xb5: {  	[sflag:s14] =	ssyncadd.s32 $0xFFFFFF80  }
0xb6: {  	[tilespmem:s8], [sflag:$0xA] =	stream.indirect.gather [hbm4b:s5+s24], $0x80, s29, s24, $0xb8;
	[tilespmem:$0x1C400] =	vst v63  }
0xb7: {  	_ =	swait.ge [sflag:s15], $0x80  }
0xb8: {  	[sflag:s15] =	ssyncset.done $0x0  }
.Ltmp3:
0xb9: {  	[sflag:s15] =	ssyncadd.s32 $0xFFFFFF80;
	(pc) =	sbr.rel @p0 .LBB2_6-.Ltmp3, $4  }
0xba: {  	_ =	swait.ge [sflag:s10], $0x4000  }
0xbb: {  	[sflag:s10] =	ssyncset.done $0x0  }
0xbc: {  	[sflag:s10] =	ssyncadd.s32 $0xFFFFC000  }
0xbd: {  	[spmem:s2] =	stream.indirect.scatter.add.f32 [tilespmem:s31], [sflag:$0xB], $0x80, s28, s24, $0xb8;
	[tilespmem:$0x1C400] =	vst v63  }
0xbe: {  	s17 =	sadd.s32 $0x300, s21  }
0xbf: {  	s18 =	sand.u32 $0x7C00, s17  }
.Ltmp4:
0xc0: {  	s17 =	sand.u32 $0x300, s17;
	s18 =	sadd.s32 s4, s18;
	(pc) =	sbr.rel .LBB2_4-.Ltmp4, $4  }
0xc1: {  	s17 =	sor.u32 s17, s18  }
0xc2: {  	s17 =	sshrl.u32 s17, $0x3  }
0xc3: {  	s21 =	sadd.s32 $0x200, s21;
	s17 =	sadd.s32 s6, s17  }
0xc4: {  	[tilespmem:s26], [sflag:$0x3] =	stream.linear.gather [hbm4b:s17+s3], $0x80, $0x38;
	[tilespmem:$0x1C400] =	vst v63  }
.LBB2_7:
0xc5: {  	_ =	sfence.sel $0x180000  }
0xc6: {  	[bflag:$0x0] =	sbarrier.arrive $0xFFFF  }
0xc7: {  	_ =	strace $0x9000004A  }
0xc8: {  	s0 =	stileid.u32;
	[bflag:$0x2] =	sbarrier.arrive $0xFFFF  }
0xc9: {  	p0 =	sne.s32 s0, $0x0;
	s0 =	rddreg [dreg:$0x2]  }
0xca: {  	s0 =	sadd.s32 @!p0 $0x100000, s0  }
0xcb: {  	[sflag:s0] =	ssyncadd.tile.s32 @!p0 $0x1;
	_ =	shalt  }
.Lfunc_end2:
_tile_overlayer_lowered:
.L_overlay_start_2:
0xcc: {  	(tag) =	ssettag $0x2  }
0xcd: {  	s0 =	rddreg [dreg:$0x0];
	s2 =	stileid.u32  }
0xce: {  	s1 =	rddreg [dreg:$0x1];
	p0 =	sne.s32 s2, $0x0  }
0xcf: {  	s3 =	rddreg [dreg:$0x2];
	[bflag:$0x3] =	sbarrier.arrive $0xFFFF;
	s2 =	simm.s32 @!p0 $0x1C0D  }
0xd0: {  	[timem:s3], [sflag:s2] =	dma.local @!p0 [hbm:s0], s1  }
0xd1: {  	s0 =	simm.s32 @!p0 $0xD  }
0xd2: {  	_ =	swait.ge @!p0 [sflag:s0], s1  }
0xd3: {  	s1 =	ssub.s32 @!p0 $0x0, s1;
	[sflag:s0] =	ssyncset.done @!p0 $0x0  }
0xd4: {  	[sflag:s0] =	ssyncadd.s32 @!p0 s1  }
0xd5: {  	[bflag:$0x3] =	sbarrier.arrive $0xFFFF  }
0xd6: {  	_ =	shalt  }

// kernel: kernel.14.cloned.1.call-start
scs
__scs_entry_jumppad:
0x0: {  	(pc) =	sbr.rel $0x88, $3  }
0x1: {  	(tag) =	ssettag $0x0;
	lr =	simm.s32 $0x1  }
0x2: {  	[smem:$0x3F99] =	sst lr;
	_ =	strace $0xD0000000  }
0x3: {  	_ = 	snop  }
0x4: {  	_ = 	snop  }
0x5: {  	_ = 	snop  }
0x6: {  	_ = 	snop  }
0x7: {  	_ = 	snop  }
__scs_overlays_trampoline_lowered:
0x8: {  	[smem:$0x3FA8] =	sst s0  }
0x9: {  	[smem:$0x3FA9] =	sst s1  }
0xa: {  	[smem:$0x3FAA] =	sst s2  }
0xb: {  	[smem:$0x3FAB] =	sst s3  }
0xc: {  	[smem:$0x3FAC] =	sst s4  }
0xd: {  	[smem:$0x3FAD] =	sst s5  }
0xe: {  	[smem:$0x3FAE] =	sst s6  }
0xf: {  	[smem:$0x3FAF] =	sst s7  }
0x10: {  	[smem:$0x3FB0] =	sst s8  }
0x11: {  	[smem:$0x3FB1] =	sst s9;
	s0 =	simm.s32 @!p0 $0x0  }
0x12: {  	s1 =	sld [smem:$0x3F97];
	s0 =	simm.s32 @p0 $0x1  }
0x13: {  	[smem:$0x3FB2] =	sst s0;
	s0 =	simm.s32 @!p1 $0x0  }
0x14: {  	s2 =	sld [smem:$0x3F96];
	s0 =	simm.s32 @p1 $0x1  }
0x15: {  	[smem:$0x3FB3] =	sst s0;
	s0 =	simm.s32 @!p2 $0x0  }
0x16: {  	s3 =	sld [smem:$0x3FDB];
	s0 =	simm.s32 @p2 $0x1  }
0x17: {  	s4 =	simm.s32 $0x1BF5;
	[smem:$0x3FB5] =	sst s0  }
0x18: {  	s0 =	sld [smem:$0x3F98];
	_ =	swait.ge [sflag:s4], $0x0  }
0x19: {  	s7 =	sld [smem:$0x3F99]  }
0x1a: {  	s8 =	sadd.s32 $0xFFFFE003, lr  }
0x1b: {  	s9 =	sadd.s32 $0xFFFFFEF7, lr;
	s5 =	simm.s32 $0xFFFFFFFF;
	p2 =	slt.u32 s8, $0xFFFFF086  }
0x1c: {  	p1 =	slt.u32 s9, $0xF7A;
	s5 =	simm.s32 @!p2 $0x0  }
0x1d: {  	s5 =	simm.s32 @p1 $0x1;
	p0 =	seq.s32 s7, s2  }
0x1e: {  	s7 =	smul.u32 @!p0 $0xF7A, s2;
	p2 =	seq.s32 @!p0 s5, $0x0  }
0x1f: {  	s9 =	smul.u32 $0xF7A, s1;
	s8 =	simm.s32 @!p0 $0x1BF5;
	p2 =	por !p2, p0  }
0x20: {  	[sflag:s8] =	ssyncset.s32 @!p0 $0xFFFFF086;
	s6 =	sadd.s32 @!p0 s3, s7;
	s7 =	simm.s32 @!p0 $0x108  }
0x21: {  	s3 =	sadd.s32 s3, s9;
	s6 =	sadd.s32 @!p0 $0x88, s6;
	s7 =	simm.s32 @p2 $0x1082  }
0x22: {  	[simem:s7], [sflag:s8] =	dma.local @!p0 [hbm:s6], $0xF7A  }
0x23: {  	s9 =	sor.u32 $0xD0000000, s2;
	s6 =	simm.s32 $0x108;
	_ =	swait.ge @!p0 [sflag:s8], $0x0  }
0x24: {  	s3 =	sadd.s32 $0x88, s3;
	s6 =	simm.s32 @!p1 $0x1082;
	[sflag:s4] =	ssyncset.s32 $0xFFFFF086  }
0x25: {  	[simem:s6], [sflag:s4] =	dma.local [hbm:s3], $0xF7A  }
0x26: {  	[smem:$0x3F99] =	sst s1;
	(tag) =	ssettag s2;
	_ =	strace s9  }
0x27: {  	s1 =	sld [smem:$0x3FA9]  }
0x28: {  	s2 =	sld [smem:$0x3FAA]  }
0x29: {  	s4 =	sld [smem:$0x3FAC]  }
0x2a: {  	p0 =	seq.s32 s5, $0x0;
	s5 =	sld [smem:$0x3FAD]  }
0x2b: {  	s6 =	sld [smem:$0x3FAE]  }
0x2c: {  	s7 =	sld [smem:$0x3FAF]  }
0x2d: {  	s3 =	simm.s32 $0x108;
	s8 =	sld [smem:$0x3FB0]  }
0x2e: {  	s3 =	simm.s32 @!p0 $0x1082;
	s9 =	sld [smem:$0x3FB1]  }
0x2f: {  	lr =	sadd.s32 s0, s3;
	s0 =	sld [smem:$0x3FA8]  }
0x30: {  	s3 =	sld [smem:$0x3FAB]  }
0x31: {  	[smem:$0x3FB4] =	sst s10  }
0x32: {  	s10 =	sld [smem:$0x3FB2];
	_ =	sdelay $0x3  }
0x33: {  	p0 =	seq.s32 s10, $0x1;
	s10 =	sld [smem:$0x3FB4];
	_ =	sdelay $0x3  }
0x34: {  	[smem:$0x3FB4] =	sst s10  }
0x35: {  	s10 =	sld [smem:$0x3FB3];
	_ =	sdelay $0x3  }
0x36: {  	p1 =	seq.s32 s10, $0x1;
	s10 =	sld [smem:$0x3FB4];
	_ =	sdelay $0x3  }
0x37: {  	[smem:$0x3FB4] =	sst s10  }
0x38: {  	s10 =	sld [smem:$0x3FB5]  }
0x39: {  	_ = 	snop;
	(pc) =	sbr.ind lr, $3  }
0x3a: {  	_ = 	snop  }
0x3b: {  	_ = 	snop  }
0x3c: {  	p2 =	seq.s32 s10, $0x1;
	s10 =	sld [smem:$0x3FB4]  }
0x3d: {  	_ =	shalt  }
0x3e: {  	_ =	shalt  }
0x3f: {  	_ =	shalt  }
0x40: {  	_ =	shalt  }
0x41: {  	_ =	shalt  }
0x42: {  	_ =	shalt  }
0x43: {  	_ =	shalt  }
0x44: {  	_ =	shalt  }
0x45: {  	_ =	shalt  }
0x46: {  	_ =	shalt  }
0x47: {  	_ =	shalt  }
0x48: {  	_ =	shalt  }
0x49: {  	_ =	shalt  }
0x4a: {  	_ =	shalt  }
0x4b: {  	_ =	shalt  }
0x4c: {  	_ =	shalt  }
0x4d: {  	_ =	shalt  }
0x4e: {  	_ =	shalt  }
0x4f: {  	_ =	shalt  }
0x50: {  	_ =	shalt  }
0x51: {  	_ =	shalt  }
0x52: {  	_ =	shalt  }
0x53: {  	_ =	shalt  }
0x54: {  	_ =	shalt  }
0x55: {  	_ =	shalt  }
0x56: {  	_ =	shalt  }
0x57: {  	_ =	shalt  }
0x58: {  	_ =	shalt  }
0x59: {  	_ =	shalt  }
0x5a: {  	_ =	shalt  }
0x5b: {  	_ =	shalt  }
0x5c: {  	_ =	shalt  }
0x5d: {  	_ =	shalt  }
0x5e: {  	_ =	shalt  }
0x5f: {  	_ =	shalt  }
0x60: {  	_ =	shalt  }
0x61: {  	_ =	shalt  }
0x62: {  	_ =	shalt  }
0x63: {  	_ =	shalt  }
0x64: {  	_ =	shalt  }
0x65: {  	_ =	shalt  }
0x66: {  	_ =	shalt  }
0x67: {  	_ =	shalt  }
0x68: {  	_ =	shalt  }
0x69: {  	_ =	shalt  }
0x6a: {  	_ =	shalt  }
0x6b: {  	_ =	shalt  }
0x6c: {  	_ =	shalt  }
0x6d: {  	_ =	shalt  }
0x6e: {  	_ =	shalt  }
0x6f: {  	_ =	shalt  }
0x70: {  	_ =	shalt  }
0x71: {  	_ =	shalt  }
0x72: {  	_ =	shalt  }
0x73: {  	_ =	shalt  }
0x74: {  	_ =	shalt  }
0x75: {  	_ =	shalt  }
0x76: {  	_ =	shalt  }
0x77: {  	_ =	shalt  }
0x78: {  	_ =	shalt  }
0x79: {  	_ =	shalt  }
0x7a: {  	_ =	shalt  }
0x7b: {  	_ =	shalt  }
0x7c: {  	_ =	shalt  }
0x7d: {  	_ =	shalt  }
0x7e: {  	_ =	shalt  }
0x7f: {  	_ =	shalt  }
0x80: {  	_ =	shalt  }
0x81: {  	_ =	shalt  }
0x82: {  	_ =	shalt  }
0x83: {  	_ =	shalt  }
0x84: {  	_ =	shalt  }
0x85: {  	_ =	shalt  }
0x86: {  	_ =	shalt  }
0x87: {  	_ =	shalt  }
.Lfunc_end0:
.L_simem_size_0:
called_computation.2_lowered:
.L_overlay_start_0:
0x88: {  	s2 =	sld [smem:$0x3FD9]  }
0x89: {  	s3 =	sld [smem:$0x3FFE];
	_ =	sdelay $0x1  }
0x8a: {  	s1 =	srdreg.scid  }
0x8b: {  	s0 =	sand.u32 $0x1, s1  }
0x8c: {  	s16 =	sshll.u32 s0, $0xA;
	s2 =	sadd.s32 s3, s2  }
0x8d: {  	s2 =	sadd.s32 s2, s16  }
0x8e: {  	[smem:$0x3FC0] =	sst s2  }
0x8f: {  	_ = 	snop  }
0x90: {  	(tm) =	ssettm $0x1  }
0x91: {  	s17 =	sld [smem:$0x3FFB];
	_ =	sdelay $0x3  }
0x92: {  	_ =	strace s17  }
0x93: {  	s2 =	sld [smem:$0x3FFC];
	_ =	sdelay $0x3  }
0x94: {  	_ =	strace s2  }
0x95: {  	s2 =	sld [smem:$0x3FFD];
	_ =	sdelay $0x3  }
0x96: {  	_ =	strace s2  }
0x97: {  	_ =	strace $0x8FFFFFFF  }
0x98: {  	s18 =	sld [smem:$0x3FDB];
	_ =	sdelay $0x1  }
0x99: {  	s19 =	simm.s32 $_scs_section_size  }
0x9a: {  	s4 =	simm.s32 $_size__tile_overlayer_lowered;
	s5 =	simm.s32 $_tile_overlayer_lowered  }
0x9b: {  	s22 =	simm.s32 $0x1BFF;
	s21 =	sshll.u32 s5, $0x1;
	s2 =	sadd.s32 s19, s18  }
0x9c: {  	s6 =	simm.s32 $0x0;
	s20 =	sshll.u32 s4, $0x1;
	s4 =	sadd.s32 s21, s2  }
0x9d: {  	[timem:s6], [sflag:s22] =	dma.local [hbm:s4], s20  }
0x9e: {  	_ =	swait.ge [sflag:s22], s20  }
0x9f: {  	s3 =	ssub.s32 $0x0, s20;
	[sflag:s22] =	ssyncset.done $0x0  }
0xa0: {  	[sflag:s22] =	ssyncadd.s32 s3;
	_ =	sdelay $0x1  }
0xa1: {  	s23 =	simm.s32 $0x1B8B  }
0xa2: {  	_ =	swait.ge [sflag:s23], $0x1  }
0xa3: {  	[sflag:s23] =	ssyncset.done $0x0  }
0xa4: {  	s25 =	simm.s32 $0x1B8E;
	s24 =	sld [smem:$0x3FFE];
	[sflag:s23] =	ssyncadd.s32 $0xFFFFFFFF  }
0xa5: {  	s26 =	simm.s32 $execute0_lowered;
	[smem:$0x3FD2] =	sst s25  }
0xa6: {  	s4 =	sshll.u32 s26, $0x1;
	_ =	strace $0x8000004C;
	[dreg:$0x1] =	wrdreg $0xFFFFFFFF  }
0xa7: {  	s28 =	simm.s32 $_size_execute0_lowered;
	s2 =	sadd.s32 s2, s4;
	[dreg:$0x0] =	wrdreg $0x0  }
0xa8: {  	s4 =	sshll.u32 s28, $0x1;
	[dreg:$0x2] =	wrdreg s2  }
0xa9: {  	[dreg:$0x3] =	wrdreg s4  }
0xaa: {  	[dreg:$0x4] =	wrdreg $0xC0  }
0xab: {  	_ =	task [dreg:s6], $0x5FFFF  }
0xac: {  	[dreg:$0x1] =	wrdreg $0xFFFFFFFF  }
0xad: {  	[dreg:$0x0] =	wrdreg $0x60  }
0xae: {  	[dreg:$0x2] =	wrdreg s24  }
0xaf: {  	[dreg:$0x3] =	wrdreg $0x84000  }
0xb0: {  	[dreg:$0x4] =	wrdreg $0x9  }
0xb1: {  	_ =	task.clear_ibuf [dreg:s6], $0x5FFFF;
	_ =	strace $0x9000004C  }
0xb2: {  	s29 =	simm.s32 $0x9;
	_ =	strace $0x8000004E  }
0xb3: {  	_ =	swait.ge [sflag:s29], $0x1  }
0xb4: {  	[sflag:s29] =	ssyncadd.s32 $0xFFFFFFFF  }
0xb5: {  	_ =	strace $0x9000004E  }
0xb6: {  	_ =	sfence  }
0xb7: {  	s30 =	sld [smem:$0x0];
	_ =	sdelay $0x2  }
0xb8: {  	s31 =	sshll.u32 s1, $0xD;
	s1 =	sshrl.u32 s1, $0x2  }
0xb9: {  	s3 =	sand.u32 $0x4000, s31;
	s1 =	sadd.s32 s1, s30  }
0xba: {  	s0 =	sor.u32 s3, s0;
	s1 =	sshll.u32 s1, $0x11  }
0xbb: {  	s0 =	sor.u32 s1, s0  }
0xbc: {  	s0 =	sadd.s32 $0x8F2B, s0  }
0xbd: {  	[sflag:s0] =	ssyncadd.remote.s32 $0x1  }
0xbe: {  	_ =	sfence.sel $0xFFFF  }
0xbf: {  	[dreg:$0x0] =	wrdreg $0xFFFFFFFF;
	(pc) =	sbr.abs _section_cstart, $3  }
0xc0: {  	[dreg:$0x1] =	wrdreg $0xFFFFFFFF  }
0xc1: {  	_ =	task.clear_ibuf [dreg:s6], $0x2FFFF;
	_ =	strace $0x9FFFFFFF  }
0xc2: {  	(tm) =	ssettm $0x7FFFFFFF  }
0xc3: {  	_ =	shalt  }
tec
execute0_lowered:
.L_overlay_start_1:
0x0: {  	(tag) =	ssettag $0x1  }
0x1: {  	s0 =	rddreg [dreg:$0x0]  }
0x2: {  	s2 =	rddreg [dreg:$0x1]  }
0x3: {  	s1 =	srdreg.scid;
	s13 =	stileid.u32;
	s3 =	simm.s32 $0x0  }
0x4: {  	s28 =	simm.s32 $0x300;
	s29 =	simm.s32 $0x180;
	s31 =	simm.s32 $0x400  }
0x5: {  	s1 =	sand.u32 $0x1, s1;
	s4 =	sshll.u32 s13, $0x1;
	[smem:$0x7FF] =	sst s3  }
0x6: {  	s5 =	sadd.s32 $0x17E00, s0;
	s6 =	sadd.s32 $0xDE00, s0;
	s12 =	smul.u32 $0x50000, s13  }
0x7: {  	s7 =	sadd.s32 $0x3E00, s0;
	s25 =	smul.u32 $0x2800, s13;
	s13 =	simm.s32 $0xA  }
0x8: {  	s4 =	sor.u32 s1, s4;
	_ =	strace $0x8000004D;
	s8 =	ssub.s32 $0x2, s1  }
0x9: {  	p0 =	seq.s32 s1, $0x1;
	s1 =	simm.s32 $0x67000;
	s4 =	smul.u32 $0x2800, s4  }
0xa: {  	s9 =	sshrl.u32 s8, $0x1;
	s21 =	sshrl.u32 s12, $0x2;
	s1 =	simm.s32 @!p0 $0x3F000  }
0xb: {  	s12 =	simm.s32 $0x6;
	s8 =	ssub.s32 s8, s9;
	s0 =	sadd.s32 s1, s0  }
0xc: {  	s1 =	simm.s32 $0x2;
	s10 =	sshrl.u32 s4, $0x3;
	s30 =	smax.u32 s8, $0x1  }
0xd: {  	s0 =	sadd.s32 s0, s25;
	s25 =	simm.s32 $0x280;
	[dreg:$0xf] =	wrdreg s30  }
0xe: {  	s8 =	simm.s32 $0x4400;
	s15 =	sadd.s32 s6, s10;
	[dreg:$0x10] =	wrdreg s0  }
0xf: {  	s16 =	sadd.s32 s7, s10;
	s17 =	sor.u32 $0x10, s10;
	[dreg:$0x3] =	wrdreg s15  }
0x10: {  	s11 =	sor.u32 $0x20, s10;
	[dreg:$0x4] =	wrdreg s16;
	s14 =	sadd.s32 s6, s17  }
0x11: {  	s20 =	sor.u32 $0x30, s10;
	s9 =	sadd.s32 s7, s17;
	[dreg:$0x5] =	wrdreg s14  }
0x12: {  	s0 =	simm.s32 $0xD;
	s18 =	sadd.s32 s6, s11;
	[dreg:$0x6] =	wrdreg s9  }
0x13: {  	s19 =	sadd.s32 s7, s11;
	s22 =	sadd.s32 s6, s20;
	[dreg:$0x7] =	wrdreg s18  }
0x14: {  	s16 =	sadd.s32 s21, s2;
	s21 =	simm.s32 $0x380;
	[dreg:$0x8] =	wrdreg s19  }
0x15: {  	s11 =	simm.s32 $0x3;
	[dreg:$0x9] =	wrdreg s22;
	s9 =	sadd.s32 s7, s20  }
0x16: {  	s15 =	simm.s32 $0x7;
	s23 =	sadd.s32 $0x4000, s16;
	[dreg:$0xa] =	wrdreg s9  }
.Ltmp0:
0x17: {  	s24 =	sadd.s32 $0x8000, s16;
	[dreg:$0xb] =	wrdreg s23;
	(pc) =	sbr.rel .LBB2_1-.Ltmp0, $4  }
0x18: {  	s10 =	sadd.s32 $0xC000, s16;
	s26 =	sadd.s32 $0x10000, s16;
	[dreg:$0xc] =	wrdreg s24  }
0x19: {  	s14 =	simm.s32 $0x4;
	s20 =	simm.s32 $0x0;
	[dreg:$0xd] =	wrdreg s10  }
0x1a: {  	[dreg:$0xe] =	wrdreg s26;
	s23 =	simm.s32 $0x200;
	s24 =	simm.s32 $0x80  }
0x1b: {  	v0 =	vimm.f32 $0.0e+00;
	s26 =	simm.s32 $0x100;
	s9 =	simm.s32 $0x5;
	s10 =	simm.s32 $0x9  }
.LBB2_6:
0x1c: {  	s17 =	simm.s32 $0x8  }
0x1d: {  	_ =	swait.ge [sflag:s17], $0x80  }
0x1e: {  	[sflag:s17] =	ssyncset.done $0x0  }
0x1f: {  	[sflag:s17] =	ssyncadd.s32 $0xFFFFFF80  }
0x20: {  	_ =	swait.ge [sflag:s13], $0x4000  }
0x21: {  	[sflag:s13] =	ssyncset.done $0x0  }
0x22: {  	s21 =	simm.s32 $0x380;
	s18 =	simm.s32 $0xB;
	[sflag:s13] =	ssyncadd.s32 $0xFFFFC000  }
0x23: {  	[spmem:s2] =	stream.indirect.scatter.add.f32 [tilespmem:s8], [sflag:$0xC], $0x80, s21, s24, $0xb8;
	[tilespmem:$0x1C400] =	vst v63  }
0x24: {  	_ =	swait.ge [sflag:s18], $0x4000  }
0x25: {  	[sflag:s18] =	ssyncset.done $0x0  }
0x26: {  	s19 =	simm.s32 $0xC;
	[sflag:s18] =	ssyncadd.s32 $0xFFFFC000  }
0x27: {  	_ =	swait.ge [sflag:s19], $0x4000  }
0x28: {  	[sflag:s19] =	ssyncset.done $0x0  }
0x29: {  	s22 =	stileid.u32;
	[sflag:s19] =	ssyncadd.s32 $0xFFFFC000  }
0x2a: {  	s17 =	sshll.u32 s22, $0x6;
	[bflag:$0x0] =	sbarrier.arrive $0xFFFF  }
0x2b: {  	s17 =	sor.u32 $0x1C0D, s17;
	s18 =	sshrl.u32 s16, $0x3;
	s19 =	rddreg [dreg:$0x10]  }
0x2c: {  	[hbm:s19], [sflag:s17] =	dma.local [spmem:s18], $0x2800  }
0x2d: {  	_ =	swait.ge [sflag:s0], $0x2800  }
0x2e: {  	s20 =	sadd.s32 $0x1, s20;
	s30 =	rddreg [dreg:$0xf]  }
0x2f: {  	p0 =	sne.s32 s20, s30  }
.Ltmp1:
0x30: {  	_ = 	snop;
	(pc) =	sbr.rel @!p0 .LBB2_7-.Ltmp1, $3  }
0x31: {  	_ =	sdelay $0x1  }
0x32: {  	[sflag:s0] =	ssyncset.done $0x0  }
0x33: {  	[sflag:s0] =	ssyncadd.s32 $0xFFFFD800  }
.LBB2_1:
0x34: {  	s17 =	rddreg [dreg:$0x3]  }
0x35: {  	[tilespmem:s3], [sflag:$0x1] =	stream.linear.gather [hbm4b:s17+s3], $0x80, $0x38;
	[tilespmem:$0x1C400] =	vst v63  }
0x36: {  	s19 =	rddreg [dreg:$0x4]  }
0x37: {  	[tilespmem:s23], [sflag:$0x5] =	stream.linear.gather [hbm4b:s19+s3], $0x80, $0x38;
	[tilespmem:$0x1C400] =	vst v63  }
0x38: {  	s22 =	rddreg [dreg:$0x5]  }
0x39: {  	[tilespmem:s24], [sflag:$0x2] =	stream.linear.gather [hbm4b:s22+s3], $0x80, $0x38;
	[tilespmem:$0x1C400] =	vst v63  }
0x3a: {  	s30 =	rddreg [dreg:$0x6]  }
0x3b: {  	[tilespmem:s25], [sflag:$0x6] =	stream.linear.gather [hbm4b:s30+s3], $0x80, $0x38;
	[tilespmem:$0x1C400] =	vst v63  }
0x3c: {  	s18 =	rddreg [dreg:$0x7]  }
0x3d: {  	[tilespmem:s26], [sflag:$0x3] =	stream.linear.gather [hbm4b:s18+s3], $0x80, $0x38;
	[tilespmem:$0x1C400] =	vst v63  }
0x3e: {  	s19 =	rddreg [dreg:$0x8]  }
0x3f: {  	[tilespmem:s28], [sflag:$0x7] =	stream.linear.gather [hbm4b:s19+s3], $0x80, $0x38;
	[tilespmem:$0x1C400] =	vst v63  }
0x40: {  	s22 =	rddreg [dreg:$0x9]  }
0x41: {  	[tilespmem:s29], [sflag:$0x4] =	stream.linear.gather [hbm4b:s22+s3], $0x80, $0x38;
	[tilespmem:$0x1C400] =	vst v63  }
0x42: {  	s30 =	rddreg [dreg:$0xa]  }
0x43: {  	[tilespmem:s21], [sflag:$0x8] =	stream.linear.gather [hbm4b:s30+s3], $0x80, $0x38;
	[tilespmem:$0x1C400] =	vst v63  }
0x44: {  	s22 =	simm.s32 $0x200;
	s21 =	simm.s32 $0x0  }
.LBB2_2:
0x45: {  	p0 =	sne.s32 s22, $0xFE00;
	[tilespmem:s21+$0x470] =	vst v0  }
0x46: {  	[tilespmem:s21+$0x400] =	vst v0  }
0x47: {  	[tilespmem:s21+$0x410] =	vst v0  }
.Ltmp2:
0x48: {  	[tilespmem:s21+$0x420] =	vst v0;
	(pc) =	sbr.rel @p0 .LBB2_2-.Ltmp2, $4  }
0x49: {  	[tilespmem:s21+$0x430] =	vst v0  }
0x4a: {  	[tilespmem:s21+$0x440] =	vst v0  }
0x4b: {  	[tilespmem:s21+$0x450] =	vst v0  }
0x4c: {  	[tilespmem:s21+$0x460] =	vst v0;
	s21 =	sshra.s32 s22, $0x2;
	s22 =	sadd.s32 $0x200, s22  }
0x4d: {  	[tilespmem:s21+$0x470] =	vst v0  }
0x4e: {  	[tilespmem:s21+$0x400] =	vst v0  }
0x4f: {  	[tilespmem:s21+$0x410] =	vst v0  }
0x50: {  	[tilespmem:s21+$0x420] =	vst v0  }
0x51: {  	[tilespmem:s21+$0x430] =	vst v0  }
0x52: {  	[tilespmem:s21+$0x440] =	vst v0  }
0x53: {  	[tilespmem:s21+$0x450] =	vst v0  }
0x54: {  	[tilespmem:s21+$0x460] =	vst v0  }
0x55: {  	[spmem:s16] =	stream.linear.scatter [tilespmem:s31], [sflag:$0xD], $0x4000, $0x38;
	[tilespmem:$0x1C400] =	vst v63  }
0x56: {  	_ =	swait.ge [sflag:s0], $0x4000  }
0x57: {  	[sflag:s0] =	ssyncset.done $0x0  }
0x58: {  	s17 =	rddreg [dreg:$0xb];
	[sflag:s0] =	ssyncadd.s32 $0xFFFFC000  }
0x59: {  	[spmem:s17] =	stream.linear.scatter [tilespmem:s31], [sflag:$0xD], $0x4000, $0x38;
	[tilespmem:$0x1C400] =	vst v63  }
0x5a: {  	_ =	swait.ge [sflag:s0], $0x4000  }
0x5b: {  	[sflag:s0] =	ssyncset.done $0x0  }
0x5c: {  	s21 =	rddreg [dreg:$0xc];
	[sflag:s0] =	ssyncadd.s32 $0xFFFFC000  }
0x5d: {  	[spmem:s21] =	stream.linear.scatter [tilespmem:s31], [sflag:$0xD], $0x4000, $0x38;
	[tilespmem:$0x1C400] =	vst v63  }
0x5e: {  	_ =	swait.ge [sflag:s0], $0x4000  }
0x5f: {  	[sflag:s0] =	ssyncset.done $0x0  }
0x60: {  	s22 =	rddreg [dreg:$0xd];
	[sflag:s0] =	ssyncadd.s32 $0xFFFFC000  }
0x61: {  	[spmem:s22] =	stream.linear.scatter [tilespmem:s31], [sflag:$0xD], $0x4000, $0x38;
	[tilespmem:$0x1C400] =	vst v63  }
0x62: {  	_ =	swait.ge [sflag:s0], $0x4000  }
0x63: {  	[sflag:s0] =	ssyncset.done $0x0  }
0x64: {  	s30 =	rddreg [dreg:$0xe];
	[sflag:s0] =	ssyncadd.s32 $0xFFFFC000  }
0x65: {  	[spmem:s30] =	stream.linear.scatter [tilespmem:s31], [sflag:$0xD], $0x4000, $0x38;
	[tilespmem:$0x1C400] =	vst v63  }
0x66: {  	_ =	swait.ge [sflag:s0], $0x4000  }
0x67: {  	[sflag:s0] =	ssyncset.done $0x0  }
0x68: {  	[sflag:s0] =	ssyncadd.s32 $0xFFFFC000  }
0x69: {  	s21 =	simm.s32 $0x0;
	[bflag:$0x0] =	sbarrier.arrive $0xFFFF  }
.LBB2_4:
0x6a: {  	p0 =	seq.s32 s21, $0x0  }
0x6b: {  	s22 =	simm.s32 @p0 $0x1  }
0x6c: {  	_ =	swait.ge @p0 [sflag:s22], $0x80  }
0x6d: {  	s30 =	simm.s32 @p0 $0x0;
	[sflag:s22] =	ssyncset.done @p0 $0x0  }
0x6e: {  	s17 =	simm.s32 @p0 $0x400;
	[sflag:s22] =	ssyncadd.s32 @p0 $0xFFFFFF80;
	s22 =	simm.s32 @p0 $0x80  }
0x6f: {  	[tilespmem:s17], [sflag:$0x9] =	stream.indirect.gather @p0 [hbm4b:s5+s22], $0x80, s30, s22, $0xb8;
	[tilespmem:$0x1C400] =	vst v63  }
0x70: {  	s17 =	sand.u32 @!p0 $0x3C00, s21  }
0x71: {  	s22 =	simm.s32 @!p0 $0xB;
	s30 =	sand.u32 @!p0 $0x200, s21;
	s17 =	sadd.s32 @!p0 s4, s17  }
0x72: {  	_ =	swait.ge @!p0 [sflag:s22], $0x4000;
	s17 =	sor.u32 @!p0 s30, s17  }
0x73: {  	[sflag:s22] =	ssyncset.done @!p0 $0x0;
	s17 =	sshrl.u32 @!p0 s17, $0x3  }
0x74: {  	[sflag:s22] =	ssyncadd.s32 @!p0 $0xFFFFC000;
	s22 =	sadd.s32 @!p0 s17, s7  }
0x75: {  	s18 =	simm.s32 @!p0 $0x300;
	s30 =	simm.s32 @!p0 $0x0;
	s22 =	sadd.s32 @!p0 $0x20, s22  }
0x76: {  	[tilespmem:s18], [sflag:$0x7] =	stream.linear.gather @!p0 [hbm4b:s22+s30], $0x80, $0x38;
	[tilespmem:$0x1C400] =	vst v63  }
0x77: {  	s18 =	simm.s32 @!p0 $0x1  }
0x78: {  	_ =	swait.ge @!p0 [sflag:s18], $0x80  }
0x79: {  	[sflag:s18] =	ssyncset.done @!p0 $0x0  }
0x7a: {  	s22 =	simm.s32 @!p0 $0x400;
	[sflag:s18] =	ssyncadd.s32 @!p0 $0xFFFFFF80;
	s18 =	simm.s32 @!p0 $0x80  }
0x7b: {  	[tilespmem:s22], [sflag:$0x9] =	stream.indirect.gather @!p0 [hbm4b:s5+s18], $0x80, s30, s18, $0xb8;
	[tilespmem:$0x1C400] =	vst v63  }
0x7c: {  	s22 =	simm.s32 @!p0 $0x8  }
0x7d: {  	_ =	swait.ge @!p0 [sflag:s22], $0x80  }
0x7e: {  	[sflag:s22] =	ssyncset.done @!p0 $0x0  }
0x7f: {  	[sflag:s22] =	ssyncadd.s32 @!p0 $0xFFFFFF80;
	s22 =	simm.s32 @!p0 $0xA  }
0x80: {  	_ =	swait.ge @!p0 [sflag:s22], $0x4000  }
0x81: {  	s19 =	simm.s32 @!p0 $0x4400;
	[sflag:s22] =	ssyncset.done @!p0 $0x0  }
0x82: {  	s17 =	sor.u32 @!p0 $0x30, s17;
	[sflag:s22] =	ssyncadd.s32 @!p0 $0xFFFFC000;
	s22 =	simm.s32 @!p0 $0x380  }
0x83: {  	[spmem:s2] =	stream.indirect.scatter.add.f32 @!p0 [tilespmem:s19], [sflag:$0xC], $0x80, s22, s18, $0xb8;
	[tilespmem:$0x1C400] =	vst v63  }
0x84: {  	s18 =	sadd.s32 @!p0 s6, s17;
	s19 =	simm.s32 @!p0 $0x180  }
0x85: {  	[tilespmem:s19], [sflag:$0x4] =	stream.linear.gather @!p0 [hbm4b:s18+s30], $0x80, $0x38;
	[tilespmem:$0x1C400] =	vst v63  }
0x86: {  	s18 =	simm.s32 @!p0 $0xC  }
0x87: {  	_ =	swait.ge @!p0 [sflag:s18], $0x4000  }
0x88: {  	[sflag:s18] =	ssyncset.done @!p0 $0x0  }
0x89: {  	s17 =	sadd.s32 @!p0 s7, s17;
	[sflag:s18] =	ssyncadd.s32 @!p0 $0xFFFFC000  }
0x8a: {  	[tilespmem:s22], [sflag:$0x8] =	stream.linear.gather @!p0 [hbm4b:s17+s30], $0x80, $0x38;
	[tilespmem:$0x1C400] =	vst v63  }
0x8b: {  	_ =	swait.ge [sflag:s1], $0x80  }
0x8c: {  	[sflag:s1] =	ssyncset.done $0x0  }
0x8d: {  	[sflag:s1] =	ssyncadd.s32 $0xFFFFFF80  }
0x8e: {  	[tilespmem:s8], [sflag:$0xA] =	stream.indirect.gather [hbm4b:s5+s24], $0x80, s24, s24, $0xb8;
	[tilespmem:$0x1C400] =	vst v63  }
0x8f: {  	_ =	swait.ge [sflag:s9], $0x80  }
0x90: {  	[sflag:s9] =	ssyncset.done $0x0  }
0x91: {  	p0 =	seq.s32 s21, $0x2600;
	[sflag:s9] =	ssyncadd.s32 $0xFFFFFF80  }
0x92: {  	s17 =	sadd.s32 @!p0 $0x200, s21;
	_ =	swait.ge [sflag:s10], $0x4000  }
0x93: {  	s19 =	simm.s32 @p0 $0xB;
	s18 =	sand.u32 @!p0 $0x7C00, s17;
	[sflag:s10] =	ssyncset.done $0x0  }
0x94: {  	s17 =	sand.u32 @!p0 $0x200, s17;
	s18 =	sadd.s32 @!p0 s4, s18;
	[sflag:s10] =	ssyncadd.s32 $0xFFFFC000  }
0x95: {  	[spmem:s2] =	stream.indirect.scatter.add.f32 [tilespmem:s31], [sflag:$0xB], $0x80, s23, s24, $0xb8;
	[tilespmem:$0x1C400] =	vst v63  }
0x96: {  	s17 =	sor.u32 @!p0 s17, s18;
	_ =	swait.ge @p0 [sflag:s19], $0x4000  }
0x97: {  	s17 =	sshrl.u32 @!p0 s17, $0x3;
	[sflag:s19] =	ssyncset.done @p0 $0x0  }
0x98: {  	s18 =	sadd.s32 @!p0 s6, s17;
	[sflag:s19] =	ssyncadd.s32 @p0 $0xFFFFC000;
	s19 =	simm.s32 @!p0 $0x0  }
0x99: {  	[tilespmem:s19], [sflag:$0x1] =	stream.linear.gather @!p0 [hbm4b:s18+s19], $0x80, $0x38;
	[tilespmem:$0x1C400] =	vst v63  }
0x9a: {  	s18 =	simm.s32 @!p0 $0xB  }
0x9b: {  	_ =	swait.ge @!p0 [sflag:s18], $0x4000  }
0x9c: {  	[sflag:s18] =	ssyncset.done @!p0 $0x0  }
0x9d: {  	s17 =	sadd.s32 @!p0 s7, s17;
	[sflag:s18] =	ssyncadd.s32 @!p0 $0xFFFFC000;
	s18 =	simm.s32 @!p0 $0x200  }
0x9e: {  	[tilespmem:s18], [sflag:$0x5] =	stream.linear.gather @!p0 [hbm4b:s17+s19], $0x80, $0x38;
	[tilespmem:$0x1C400] =	vst v63  }
0x9f: {  	_ =	swait.ge [sflag:s11], $0x80  }
0xa0: {  	[sflag:s11] =	ssyncset.done $0x0  }
0xa1: {  	[sflag:s11] =	ssyncadd.s32 $0xFFFFFF80  }
0xa2: {  	[tilespmem:s31], [sflag:$0x9] =	stream.indirect.gather [hbm4b:s5+s24], $0x80, s26, s24, $0xb8;
	[tilespmem:$0x1C400] =	vst v63  }
0xa3: {  	_ =	swait.ge [sflag:s12], $0x80  }
0xa4: {  	[sflag:s12] =	ssyncset.done $0x0  }
0xa5: {  	[sflag:s12] =	ssyncadd.s32 $0xFFFFFF80  }
0xa6: {  	s17 =	sadd.s32 @!p0 $0x280, s21;
	_ =	swait.ge [sflag:s13], $0x4000  }
0xa7: {  	s22 =	simm.s32 @p0 $0xC;
	s18 =	sand.u32 @!p0 $0x7C00, s17;
	[sflag:s13] =	ssyncset.done $0x0  }
0xa8: {  	s17 =	sand.u32 @!p0 $0x280, s17;
	s18 =	sadd.s32 @!p0 s4, s18;
	[sflag:s13] =	ssyncadd.s32 $0xFFFFC000  }
0xa9: {  	[spmem:s2] =	stream.indirect.scatter.add.f32 [tilespmem:s8], [sflag:$0xC], $0x80, s25, s24, $0xb8;
	[tilespmem:$0x1C400] =	vst v63  }
0xaa: {  	s17 =	sor.u32 @!p0 s17, s18;
	_ =	swait.ge @p0 [sflag:s22], $0x4000  }
0xab: {  	s17 =	sshrl.u32 @!p0 s17, $0x3;
	[sflag:s22] =	ssyncset.done @p0 $0x0  }
0xac: {  	s18 =	sadd.s32 @!p0 s6, s17;
	[sflag:s22] =	ssyncadd.s32 @p0 $0xFFFFC000;
	s22 =	simm.s32 @!p0 $0x80  }
0xad: {  	[tilespmem:s22], [sflag:$0x2] =	stream.linear.gather @!p0 [hbm4b:s18+s19], $0x80, $0x38;
	[tilespmem:$0x1C400] =	vst v63  }
0xae: {  	s18 =	simm.s32 @!p0 $0xC  }
0xaf: {  	_ =	swait.ge @!p0 [sflag:s18], $0x4000  }
0xb0: {  	[sflag:s18] =	ssyncset.done @!p0 $0x0  }
0xb1: {  	s17 =	sadd.s32 @!p0 s7, s17;
	[sflag:s18] =	ssyncadd.s32 @!p0 $0xFFFFC000;
	s18 =	simm.s32 @!p0 $0x280  }
0xb2: {  	[tilespmem:s18], [sflag:$0x6] =	stream.linear.gather @!p0 [hbm4b:s17+s19], $0x80, $0x38;
	[tilespmem:$0x1C400] =	vst v63  }
0xb3: {  	_ =	swait.ge [sflag:s14], $0x80  }
0xb4: {  	[sflag:s14] =	ssyncset.done $0x0  }
0xb5: {  	[sflag:s14] =	ssyncadd.s32 $0xFFFFFF80  }
0xb6: {  	[tilespmem:s8], [sflag:$0xA] =	stream.indirect.gather [hbm4b:s5+s24], $0x80, s29, s24, $0xb8;
	[tilespmem:$0x1C400] =	vst v63  }
0xb7: {  	_ =	swait.ge [sflag:s15], $0x80  }
0xb8: {  	[sflag:s15] =	ssyncset.done $0x0  }
.Ltmp3:
0xb9: {  	[sflag:s15] =	ssyncadd.s32 $0xFFFFFF80;
	(pc) =	sbr.rel @p0 .LBB2_6-.Ltmp3, $4  }
0xba: {  	_ =	swait.ge [sflag:s10], $0x4000  }
0xbb: {  	[sflag:s10] =	ssyncset.done $0x0  }
0xbc: {  	[sflag:s10] =	ssyncadd.s32 $0xFFFFC000  }
0xbd: {  	[spmem:s2] =	stream.indirect.scatter.add.f32 [tilespmem:s31], [sflag:$0xB], $0x80, s28, s24, $0xb8;
	[tilespmem:$0x1C400] =	vst v63  }
0xbe: {  	s17 =	sadd.s32 $0x300, s21  }
0xbf: {  	s18 =	sand.u32 $0x7C00, s17  }
.Ltmp4:
0xc0: {  	s17 =	sand.u32 $0x300, s17;
	s18 =	sadd.s32 s4, s18;
	(pc) =	sbr.rel .LBB2_4-.Ltmp4, $4  }
0xc1: {  	s17 =	sor.u32 s17, s18  }
0xc2: {  	s17 =	sshrl.u32 s17, $0x3  }
0xc3: {  	s21 =	sadd.s32 $0x200, s21;
	s17 =	sadd.s32 s6, s17  }
0xc4: {  	[tilespmem:s26], [sflag:$0x3] =	stream.linear.gather [hbm4b:s17+s3], $0x80, $0x38;
	[tilespmem:$0x1C400] =	vst v63  }
.LBB2_7:
0xc5: {  	_ =	sfence.sel $0x180000  }
0xc6: {  	[bflag:$0x0] =	sbarrier.arrive $0xFFFF  }
0xc7: {  	_ =	strace $0x9000004D  }
0xc8: {  	s0 =	stileid.u32;
	[bflag:$0x2] =	sbarrier.arrive $0xFFFF  }
0xc9: {  	p0 =	sne.s32 s0, $0x0;
	s0 =	rddreg [dreg:$0x2]  }
0xca: {  	s0 =	sadd.s32 @!p0 $0x100000, s0  }
0xcb: {  	[sflag:s0] =	ssyncadd.tile.s32 @!p0 $0x1;
	_ =	shalt  }
.Lfunc_end2:
_tile_overlayer_lowered:
.L_overlay_start_2:
0xcc: {  	(tag) =	ssettag $0x2  }
0xcd: {  	s0 =	rddreg [dreg:$0x0];
	s2 =	stileid.u32  }
0xce: {  	s1 =	rddreg [dreg:$0x1];
	p0 =	sne.s32 s2, $0x0  }
0xcf: {  	s3 =	rddreg [dreg:$0x2];
	[bflag:$0x3] =	sbarrier.arrive $0xFFFF;
	s2 =	simm.s32 @!p0 $0x1C0D  }
0xd0: {  	[timem:s3], [sflag:s2] =	dma.local @!p0 [hbm:s0], s1  }
0xd1: {  	s0 =	simm.s32 @!p0 $0xD  }
0xd2: {  	_ =	swait.ge @!p0 [sflag:s0], s1  }
0xd3: {  	s1 =	ssub.s32 @!p0 $0x0, s1;
	[sflag:s0] =	ssyncset.done @!p0 $0x0  }
0xd4: {  	[sflag:s0] =	ssyncadd.s32 @!p0 s1  }
0xd5: {  	[bflag:$0x3] =	sbarrier.arrive $0xFFFF  }
0xd6: {  	_ =	shalt  }

// kernel: kernel.8.cloned.1.call-start
scs
__scs_entry_jumppad:
0x0: {  	(pc) =	sbr.rel $0x88, $3  }
0x1: {  	(tag) =	ssettag $0x0;
	lr =	simm.s32 $0x1  }
0x2: {  	[smem:$0x3F99] =	sst lr;
	_ =	strace $0xD0000000  }
0x3: {  	_ = 	snop  }
0x4: {  	_ = 	snop  }
0x5: {  	_ = 	snop  }
0x6: {  	_ = 	snop  }
0x7: {  	_ = 	snop  }
__scs_overlays_trampoline_lowered:
0x8: {  	[smem:$0x3FA8] =	sst s0  }
0x9: {  	[smem:$0x3FA9] =	sst s1  }
0xa: {  	[smem:$0x3FAA] =	sst s2  }
0xb: {  	[smem:$0x3FAB] =	sst s3  }
0xc: {  	[smem:$0x3FAC] =	sst s4  }
0xd: {  	[smem:$0x3FAD] =	sst s5  }
0xe: {  	[smem:$0x3FAE] =	sst s6  }
0xf: {  	[smem:$0x3FAF] =	sst s7  }
0x10: {  	[smem:$0x3FB0] =	sst s8  }
0x11: {  	[smem:$0x3FB1] =	sst s9;
	s0 =	simm.s32 @!p0 $0x0  }
0x12: {  	s1 =	sld [smem:$0x3F97];
	s0 =	simm.s32 @p0 $0x1  }
0x13: {  	[smem:$0x3FB2] =	sst s0;
	s0 =	simm.s32 @!p1 $0x0  }
0x14: {  	s2 =	sld [smem:$0x3F96];
	s0 =	simm.s32 @p1 $0x1  }
0x15: {  	[smem:$0x3FB3] =	sst s0;
	s0 =	simm.s32 @!p2 $0x0  }
0x16: {  	s3 =	sld [smem:$0x3FDB];
	s0 =	simm.s32 @p2 $0x1  }
0x17: {  	s4 =	simm.s32 $0x1BF5;
	[smem:$0x3FB5] =	sst s0  }
0x18: {  	s0 =	sld [smem:$0x3F98];
	_ =	swait.ge [sflag:s4], $0x0  }
0x19: {  	s7 =	sld [smem:$0x3F99]  }
0x1a: {  	s8 =	sadd.s32 $0xFFFFE003, lr  }
0x1b: {  	s9 =	sadd.s32 $0xFFFFFEF7, lr;
	s5 =	simm.s32 $0xFFFFFFFF;
	p2 =	slt.u32 s8, $0xFFFFF086  }
0x1c: {  	p1 =	slt.u32 s9, $0xF7A;
	s5 =	simm.s32 @!p2 $0x0  }
0x1d: {  	s5 =	simm.s32 @p1 $0x1;
	p0 =	seq.s32 s7, s2  }
0x1e: {  	s7 =	smul.u32 @!p0 $0xF7A, s2;
	p2 =	seq.s32 @!p0 s5, $0x0  }
0x1f: {  	s9 =	smul.u32 $0xF7A, s1;
	s8 =	simm.s32 @!p0 $0x1BF5;
	p2 =	por !p2, p0  }
0x20: {  	[sflag:s8] =	ssyncset.s32 @!p0 $0xFFFFF086;
	s6 =	sadd.s32 @!p0 s3, s7;
	s7 =	simm.s32 @!p0 $0x108  }
0x21: {  	s3 =	sadd.s32 s3, s9;
	s6 =	sadd.s32 @!p0 $0x88, s6;
	s7 =	simm.s32 @p2 $0x1082  }
0x22: {  	[simem:s7], [sflag:s8] =	dma.local @!p0 [hbm:s6], $0xF7A  }
0x23: {  	s9 =	sor.u32 $0xD0000000, s2;
	s6 =	simm.s32 $0x108;
	_ =	swait.ge @!p0 [sflag:s8], $0x0  }
0x24: {  	s3 =	sadd.s32 $0x88, s3;
	s6 =	simm.s32 @!p1 $0x1082;
	[sflag:s4] =	ssyncset.s32 $0xFFFFF086  }
0x25: {  	[simem:s6], [sflag:s4] =	dma.local [hbm:s3], $0xF7A  }
0x26: {  	[smem:$0x3F99] =	sst s1;
	(tag) =	ssettag s2;
	_ =	strace s9  }
0x27: {  	s1 =	sld [smem:$0x3FA9]  }
0x28: {  	s2 =	sld [smem:$0x3FAA]  }
0x29: {  	s4 =	sld [smem:$0x3FAC]  }
0x2a: {  	p0 =	seq.s32 s5, $0x0;
	s5 =	sld [smem:$0x3FAD]  }
0x2b: {  	s6 =	sld [smem:$0x3FAE]  }
0x2c: {  	s7 =	sld [smem:$0x3FAF]  }
0x2d: {  	s3 =	simm.s32 $0x108;
	s8 =	sld [smem:$0x3FB0]  }
0x2e: {  	s3 =	simm.s32 @!p0 $0x1082;
	s9 =	sld [smem:$0x3FB1]  }
0x2f: {  	lr =	sadd.s32 s0, s3;
	s0 =	sld [smem:$0x3FA8]  }
0x30: {  	s3 =	sld [smem:$0x3FAB]  }
0x31: {  	[smem:$0x3FB4] =	sst s10  }
0x32: {  	s10 =	sld [smem:$0x3FB2];
	_ =	sdelay $0x3  }
0x33: {  	p0 =	seq.s32 s10, $0x1;
	s10 =	sld [smem:$0x3FB4];
	_ =	sdelay $0x3  }
0x34: {  	[smem:$0x3FB4] =	sst s10  }
0x35: {  	s10 =	sld [smem:$0x3FB3];
	_ =	sdelay $0x3  }
0x36: {  	p1 =	seq.s32 s10, $0x1;
	s10 =	sld [smem:$0x3FB4];
	_ =	sdelay $0x3  }
0x37: {  	[smem:$0x3FB4] =	sst s10  }
0x38: {  	s10 =	sld [smem:$0x3FB5]  }
0x39: {  	_ = 	snop;
	(pc) =	sbr.ind lr, $3  }
0x3a: {  	_ = 	snop  }
0x3b: {  	_ = 	snop  }
0x3c: {  	p2 =	seq.s32 s10, $0x1;
	s10 =	sld [smem:$0x3FB4]  }
0x3d: {  	_ =	shalt  }
0x3e: {  	_ =	shalt  }
0x3f: {  	_ =	shalt  }
0x40: {  	_ =	shalt  }
0x41: {  	_ =	shalt  }
0x42: {  	_ =	shalt  }
0x43: {  	_ =	shalt  }
0x44: {  	_ =	shalt  }
0x45: {  	_ =	shalt  }
0x46: {  	_ =	shalt  }
0x47: {  	_ =	shalt  }
0x48: {  	_ =	shalt  }
0x49: {  	_ =	shalt  }
0x4a: {  	_ =	shalt  }
0x4b: {  	_ =	shalt  }
0x4c: {  	_ =	shalt  }
0x4d: {  	_ =	shalt  }
0x4e: {  	_ =	shalt  }
0x4f: {  	_ =	shalt  }
0x50: {  	_ =	shalt  }
0x51: {  	_ =	shalt  }
0x52: {  	_ =	shalt  }
0x53: {  	_ =	shalt  }
0x54: {  	_ =	shalt  }
0x55: {  	_ =	shalt  }
0x56: {  	_ =	shalt  }
0x57: {  	_ =	shalt  }
0x58: {  	_ =	shalt  }
0x59: {  	_ =	shalt  }
0x5a: {  	_ =	shalt  }
0x5b: {  	_ =	shalt  }
0x5c: {  	_ =	shalt  }
0x5d: {  	_ =	shalt  }
0x5e: {  	_ =	shalt  }
0x5f: {  	_ =	shalt  }
0x60: {  	_ =	shalt  }
0x61: {  	_ =	shalt  }
0x62: {  	_ =	shalt  }
0x63: {  	_ =	shalt  }
0x64: {  	_ =	shalt  }
0x65: {  	_ =	shalt  }
0x66: {  	_ =	shalt  }
0x67: {  	_ =	shalt  }
0x68: {  	_ =	shalt  }
0x69: {  	_ =	shalt  }
0x6a: {  	_ =	shalt  }
0x6b: {  	_ =	shalt  }
0x6c: {  	_ =	shalt  }
0x6d: {  	_ =	shalt  }
0x6e: {  	_ =	shalt  }
0x6f: {  	_ =	shalt  }
0x70: {  	_ =	shalt  }
0x71: {  	_ =	shalt  }
0x72: {  	_ =	shalt  }
0x73: {  	_ =	shalt  }
0x74: {  	_ =	shalt  }
0x75: {  	_ =	shalt  }
0x76: {  	_ =	shalt  }
0x77: {  	_ =	shalt  }
0x78: {  	_ =	shalt  }
0x79: {  	_ =	shalt  }
0x7a: {  	_ =	shalt  }
0x7b: {  	_ =	shalt  }
0x7c: {  	_ =	shalt  }
0x7d: {  	_ =	shalt  }
0x7e: {  	_ =	shalt  }
0x7f: {  	_ =	shalt  }
0x80: {  	_ =	shalt  }
0x81: {  	_ =	shalt  }
0x82: {  	_ =	shalt  }
0x83: {  	_ =	shalt  }
0x84: {  	_ =	shalt  }
0x85: {  	_ =	shalt  }
0x86: {  	_ =	shalt  }
0x87: {  	_ =	shalt  }
.Lfunc_end0:
.L_simem_size_0:
called_computation_lowered:
.L_overlay_start_0:
0x88: {  	s2 =	sld [smem:$0x3FD9]  }
0x89: {  	s3 =	sld [smem:$0x3FFE];
	_ =	sdelay $0x1  }
0x8a: {  	s1 =	srdreg.scid  }
0x8b: {  	s0 =	sand.u32 $0x1, s1  }
0x8c: {  	s17 =	sshll.u32 s0, $0xA;
	s2 =	sadd.s32 s3, s2  }
0x8d: {  	s2 =	sadd.s32 s2, s17  }
0x8e: {  	[smem:$0x3FC0] =	sst s2  }
0x8f: {  	_ = 	snop  }
0x90: {  	s2 =	sld [smem:$0x3FC9];
	(tm) =	ssettm $0x1  }
0x91: {  	s18 =	sld [smem:$0x3FFB];
	_ =	sdelay $0x3  }
0x92: {  	_ =	strace s18  }
0x93: {  	s3 =	sld [smem:$0x3FFC];
	_ =	sdelay $0x3  }
0x94: {  	_ =	strace s3  }
0x95: {  	s3 =	sld [smem:$0x3FFD];
	_ =	sdelay $0x3  }
0x96: {  	_ =	strace s3  }
0x97: {  	_ =	strace $0x8FFFFFFF  }
0x98: {  	s19 =	sld [smem:$0x3FDB];
	_ =	sdelay $0x1  }
0x99: {  	s4 =	simm.s32 $_scs_section_size  }
0x9a: {  	s5 =	simm.s32 $_size__tile_overlayer_lowered;
	s6 =	simm.s32 $_tile_overlayer_lowered  }
0x9b: {  	s22 =	simm.s32 $0x1BFF;
	s21 =	sshll.u32 s6, $0x1;
	s3 =	sadd.s32 s4, s19  }
0x9c: {  	s7 =	simm.s32 $0x0;
	s20 =	sshll.u32 s5, $0x1;
	s5 =	sadd.s32 s21, s3  }
0x9d: {  	[timem:s7], [sflag:s22] =	dma.local [hbm:s5], s20  }
0x9e: {  	_ =	swait.ge [sflag:s22], s20  }
0x9f: {  	s4 =	ssub.s32 $0x0, s20;
	[sflag:s22] =	ssyncset.done $0x0  }
0xa0: {  	[sflag:s22] =	ssyncadd.s32 s4;
	_ =	sdelay $0x1  }
0xa1: {  	s23 =	simm.s32 $0x1B8B  }
0xa2: {  	_ =	swait.ge [sflag:s23], $0x1  }
0xa3: {  	[sflag:s23] =	ssyncset.done $0x0  }
0xa4: {  	s25 =	simm.s32 $0x1B8E;
	s24 =	sld [smem:$0x3FFE];
	[sflag:s23] =	ssyncadd.s32 $0xFFFFFFFF  }
0xa5: {  	s26 =	simm.s32 $execute0_lowered;
	[smem:$0x3FD2] =	sst s25  }
0xa6: {  	s5 =	sshll.u32 s26, $0x1;
	_ =	strace $0x80000046;
	[dreg:$0x1] =	wrdreg $0xFFFFFFFF  }
0xa7: {  	s28 =	simm.s32 $_size_execute0_lowered;
	s3 =	sadd.s32 s3, s5;
	[dreg:$0x0] =	wrdreg $0x0  }
0xa8: {  	s5 =	sshll.u32 s28, $0x1;
	[dreg:$0x2] =	wrdreg s3  }
0xa9: {  	[dreg:$0x3] =	wrdreg s5  }
0xaa: {  	[dreg:$0x4] =	wrdreg $0xC0  }
0xab: {  	_ =	task [dreg:s7], $0x5FFFF  }
0xac: {  	[dreg:$0x1] =	wrdreg $0xFFFFFFFF  }
0xad: {  	[dreg:$0x0] =	wrdreg $0x60  }
0xae: {  	[dreg:$0x2] =	wrdreg s2  }
0xaf: {  	[dreg:$0x3] =	wrdreg s24  }
0xb0: {  	[dreg:$0x4] =	wrdreg $0x84000  }
0xb1: {  	[dreg:$0x5] =	wrdreg $0x9  }
0xb2: {  	_ =	task.clear_ibuf [dreg:s7], $0x6FFFF;
	_ =	strace $0x90000046  }
0xb3: {  	s29 =	simm.s32 $0x9;
	_ =	strace $0x80000048  }
0xb4: {  	_ =	swait.ge [sflag:s29], $0x1  }
0xb5: {  	[sflag:s29] =	ssyncadd.s32 $0xFFFFFFFF  }
0xb6: {  	_ =	strace $0x90000048  }
0xb7: {  	_ =	sfence  }
0xb8: {  	s30 =	sld [smem:$0x0];
	_ =	sdelay $0x2  }
0xb9: {  	s31 =	sshll.u32 s1, $0xD;
	s1 =	sshrl.u32 s1, $0x2  }
0xba: {  	s3 =	sand.u32 $0x4000, s31;
	s1 =	sadd.s32 s1, s30  }
0xbb: {  	s0 =	sor.u32 s3, s0;
	s1 =	sshll.u32 s1, $0x11  }
0xbc: {  	s0 =	sor.u32 s1, s0  }
0xbd: {  	s0 =	sadd.s32 $0x8F2B, s0  }
0xbe: {  	[sflag:s0] =	ssyncadd.remote.s32 $0x1  }
0xbf: {  	_ =	sfence.sel $0xFFFF  }
0xc0: {  	[dreg:$0x0] =	wrdreg $0xFFFFFFFF;
	(pc) =	sbr.abs _section_cstart, $3  }
0xc1: {  	[dreg:$0x1] =	wrdreg $0xFFFFFFFF  }
0xc2: {  	_ =	task.clear_ibuf [dreg:s7], $0x2FFFF;
	_ =	strace $0x9FFFFFFF  }
0xc3: {  	(tm) =	ssettm $0x7FFFFFFF  }
tec
execute0_lowered:
.L_overlay_start_1:
0x0: {  	(tag) =	ssettag $0x1  }
0x1: {  	s1 =	rddreg [dreg:$0x0]  }
0x2: {  	s0 =	rddreg [dreg:$0x1];
	s2 =	srdreg.scid  }
0x3: {  	s13 =	stileid.u32;
	s3 =	rddreg [dreg:$0x2]  }
0x4: {  	s4 =	simm.s32 $0x0;
	s28 =	simm.s32 $0x300;
	s29 =	simm.s32 $0x180  }
0x5: {  	s31 =	simm.s32 $0x400;
	s2 =	sand.u32 $0x1, s2;
	s5 =	sshll.u32 s13, $0x1  }
0x6: {  	[smem:$0x7FF] =	sst s4;
	s6 =	sadd.s32 $0xDE00, s0;
	s12 =	smul.u32 $0x50000, s13  }
0x7: {  	s7 =	sadd.s32 $0x3E00, s0;
	s25 =	smul.u32 $0x2800, s13;
	s13 =	simm.s32 $0xA  }
0x8: {  	s5 =	sor.u32 s2, s5;
	_ =	strace $0x80000047;
	s8 =	ssub.s32 $0x2, s2  }
0x9: {  	p0 =	seq.s32 s2, $0x1;
	s2 =	simm.s32 $0x3FE00;
	s5 =	smul.u32 $0x2800, s5  }
0xa: {  	s9 =	sshrl.u32 s8, $0x1;
	s21 =	sshrl.u32 s12, $0x2;
	s2 =	simm.s32 @!p0 $0x17E00  }
0xb: {  	s12 =	simm.s32 $0x6;
	s8 =	ssub.s32 s8, s9;
	s0 =	sadd.s32 s2, s0  }
0xc: {  	s2 =	simm.s32 $0xD;
	s10 =	sshrl.u32 s5, $0x3;
	s30 =	smax.u32 s8, $0x1  }
0xd: {  	s0 =	sadd.s32 s0, s25;
	s25 =	simm.s32 $0x280;
	[dreg:$0x10] =	wrdreg s30  }
0xe: {  	s8 =	simm.s32 $0x4400;
	s15 =	sadd.s32 s6, s10;
	[dreg:$0x11] =	wrdreg s0  }
0xf: {  	s16 =	sadd.s32 s7, s10;
	s17 =	sor.u32 $0x10, s10;
	[dreg:$0x4] =	wrdreg s15  }
0x10: {  	s11 =	sor.u32 $0x20, s10;
	[dreg:$0x5] =	wrdreg s16;
	s14 =	sadd.s32 s6, s17  }
0x11: {  	s20 =	sor.u32 $0x30, s10;
	s9 =	sadd.s32 s7, s17;
	[dreg:$0x6] =	wrdreg s14  }
0x12: {  	s0 =	simm.s32 $0x2;
	s18 =	sadd.s32 s6, s11;
	[dreg:$0x7] =	wrdreg s9  }
0x13: {  	s19 =	sadd.s32 s7, s11;
	s22 =	sadd.s32 s6, s20;
	[dreg:$0x8] =	wrdreg s18  }
0x14: {  	s16 =	sadd.s32 s21, s3;
	s21 =	simm.s32 $0x380;
	[dreg:$0x9] =	wrdreg s19  }
0x15: {  	s11 =	simm.s32 $0x3;
	[dreg:$0xa] =	wrdreg s22;
	s9 =	sadd.s32 s7, s20  }
0x16: {  	s15 =	simm.s32 $0x7;
	s23 =	sadd.s32 $0x4000, s16;
	[dreg:$0xb] =	wrdreg s9  }
.Ltmp0:
0x17: {  	s24 =	sadd.s32 $0x8000, s16;
	[dreg:$0xc] =	wrdreg s23;
	(pc) =	sbr.rel .LBB2_1-.Ltmp0, $4  }
0x18: {  	s10 =	sadd.s32 $0xC000, s16;
	s26 =	sadd.s32 $0x10000, s16;
	[dreg:$0xd] =	wrdreg s24  }
0x19: {  	s14 =	simm.s32 $0x4;
	s20 =	simm.s32 $0x0;
	[dreg:$0xe] =	wrdreg s10  }
0x1a: {  	[dreg:$0xf] =	wrdreg s26;
	s23 =	simm.s32 $0x200;
	s24 =	simm.s32 $0x80  }
0x1b: {  	v0 =	vimm.f32 $0.0e+00;
	s26 =	simm.s32 $0x100;
	s9 =	simm.s32 $0x5;
	s10 =	simm.s32 $0x9  }
.LBB2_6:
0x1c: {  	s17 =	simm.s32 $0x8  }
0x1d: {  	_ =	swait.ge [sflag:s17], $0x80  }
0x1e: {  	[sflag:s17] =	ssyncset.done $0x0  }
0x1f: {  	[sflag:s17] =	ssyncadd.s32 $0xFFFFFF80  }
0x20: {  	_ =	swait.ge [sflag:s13], $0x4000  }
0x21: {  	[sflag:s13] =	ssyncset.done $0x0  }
0x22: {  	s21 =	simm.s32 $0x380;
	s18 =	simm.s32 $0xB;
	[sflag:s13] =	ssyncadd.s32 $0xFFFFC000  }
0x23: {  	[spmem:s3] =	stream.indirect.scatter.add.f32 [tilespmem:s8], [sflag:$0xC], $0x80, s21, s24, $0xb8;
	[tilespmem:$0x1C400] =	vst v63  }
0x24: {  	_ =	swait.ge [sflag:s18], $0x4000  }
0x25: {  	[sflag:s18] =	ssyncset.done $0x0  }
0x26: {  	s19 =	simm.s32 $0xC;
	[sflag:s18] =	ssyncadd.s32 $0xFFFFC000  }
0x27: {  	_ =	swait.ge [sflag:s19], $0x4000  }
0x28: {  	[sflag:s19] =	ssyncset.done $0x0  }
0x29: {  	s22 =	stileid.u32;
	[sflag:s19] =	ssyncadd.s32 $0xFFFFC000  }
0x2a: {  	s17 =	sshll.u32 s22, $0x6;
	[bflag:$0x0] =	sbarrier.arrive $0xFFFF  }
0x2b: {  	s17 =	sor.u32 $0x1C0D, s17;
	s18 =	sshrl.u32 s16, $0x3;
	s19 =	rddreg [dreg:$0x11]  }
0x2c: {  	[hbm:s19], [sflag:s17] =	dma.local [spmem:s18], $0x2800  }
0x2d: {  	_ =	swait.ge [sflag:s2], $0x2800  }
0x2e: {  	s20 =	sadd.s32 $0x1, s20;
	s30 =	rddreg [dreg:$0x10]  }
0x2f: {  	p0 =	sne.s32 s20, s30  }
.Ltmp1:
0x30: {  	_ = 	snop;
	(pc) =	sbr.rel @!p0 .LBB2_7-.Ltmp1, $3  }
0x31: {  	_ =	sdelay $0x1  }
0x32: {  	[sflag:s2] =	ssyncset.done $0x0  }
0x33: {  	[sflag:s2] =	ssyncadd.s32 $0xFFFFD800  }
.LBB2_1:
0x34: {  	s17 =	rddreg [dreg:$0x4]  }
0x35: {  	[tilespmem:s4], [sflag:$0x1] =	stream.linear.gather [hbm4b:s17+s4], $0x80, $0x38;
	[tilespmem:$0x1C400] =	vst v63  }
0x36: {  	s19 =	rddreg [dreg:$0x5]  }
0x37: {  	[tilespmem:s23], [sflag:$0x5] =	stream.linear.gather [hbm4b:s19+s4], $0x80, $0x38;
	[tilespmem:$0x1C400] =	vst v63  }
0x38: {  	s22 =	rddreg [dreg:$0x6]  }
0x39: {  	[tilespmem:s24], [sflag:$0x2] =	stream.linear.gather [hbm4b:s22+s4], $0x80, $0x38;
	[tilespmem:$0x1C400] =	vst v63  }
0x3a: {  	s30 =	rddreg [dreg:$0x7]  }
0x3b: {  	[tilespmem:s25], [sflag:$0x6] =	stream.linear.gather [hbm4b:s30+s4], $0x80, $0x38;
	[tilespmem:$0x1C400] =	vst v63  }
0x3c: {  	s18 =	rddreg [dreg:$0x8]  }
0x3d: {  	[tilespmem:s26], [sflag:$0x3] =	stream.linear.gather [hbm4b:s18+s4], $0x80, $0x38;
	[tilespmem:$0x1C400] =	vst v63  }
0x3e: {  	s19 =	rddreg [dreg:$0x9]  }
0x3f: {  	[tilespmem:s28], [sflag:$0x7] =	stream.linear.gather [hbm4b:s19+s4], $0x80, $0x38;
	[tilespmem:$0x1C400] =	vst v63  }
0x40: {  	s22 =	rddreg [dreg:$0xa]  }
0x41: {  	[tilespmem:s29], [sflag:$0x4] =	stream.linear.gather [hbm4b:s22+s4], $0x80, $0x38;
	[tilespmem:$0x1C400] =	vst v63  }
0x42: {  	s30 =	rddreg [dreg:$0xb]  }
0x43: {  	[tilespmem:s21], [sflag:$0x8] =	stream.linear.gather [hbm4b:s30+s4], $0x80, $0x38;
	[tilespmem:$0x1C400] =	vst v63  }
0x44: {  	s22 =	simm.s32 $0x200;
	s21 =	simm.s32 $0x0  }
.LBB2_2:
0x45: {  	p0 =	sne.s32 s22, $0xFE00;
	[tilespmem:s21+$0x470] =	vst v0  }
0x46: {  	[tilespmem:s21+$0x400] =	vst v0  }
0x47: {  	[tilespmem:s21+$0x410] =	vst v0  }
.Ltmp2:
0x48: {  	[tilespmem:s21+$0x420] =	vst v0;
	(pc) =	sbr.rel @p0 .LBB2_2-.Ltmp2, $4  }
0x49: {  	[tilespmem:s21+$0x430] =	vst v0  }
0x4a: {  	[tilespmem:s21+$0x440] =	vst v0  }
0x4b: {  	[tilespmem:s21+$0x450] =	vst v0  }
0x4c: {  	[tilespmem:s21+$0x460] =	vst v0;
	s21 =	sshra.s32 s22, $0x2;
	s22 =	sadd.s32 $0x200, s22  }
0x4d: {  	[tilespmem:s21+$0x470] =	vst v0  }
0x4e: {  	[tilespmem:s21+$0x400] =	vst v0  }
0x4f: {  	[tilespmem:s21+$0x410] =	vst v0  }
0x50: {  	[tilespmem:s21+$0x420] =	vst v0  }
0x51: {  	[tilespmem:s21+$0x430] =	vst v0  }
0x52: {  	[tilespmem:s21+$0x440] =	vst v0  }
0x53: {  	[tilespmem:s21+$0x450] =	vst v0  }
0x54: {  	[tilespmem:s21+$0x460] =	vst v0  }
0x55: {  	[spmem:s16] =	stream.linear.scatter [tilespmem:s31], [sflag:$0xD], $0x4000, $0x38;
	[tilespmem:$0x1C400] =	vst v63  }
0x56: {  	_ =	swait.ge [sflag:s2], $0x4000  }
0x57: {  	[sflag:s2] =	ssyncset.done $0x0  }
0x58: {  	s17 =	rddreg [dreg:$0xc];
	[sflag:s2] =	ssyncadd.s32 $0xFFFFC000  }
0x59: {  	[spmem:s17] =	stream.linear.scatter [tilespmem:s31], [sflag:$0xD], $0x4000, $0x38;
	[tilespmem:$0x1C400] =	vst v63  }
0x5a: {  	_ =	swait.ge [sflag:s2], $0x4000  }
0x5b: {  	[sflag:s2] =	ssyncset.done $0x0  }
0x5c: {  	s21 =	rddreg [dreg:$0xd];
	[sflag:s2] =	ssyncadd.s32 $0xFFFFC000  }
0x5d: {  	[spmem:s21] =	stream.linear.scatter [tilespmem:s31], [sflag:$0xD], $0x4000, $0x38;
	[tilespmem:$0x1C400] =	vst v63  }
0x5e: {  	_ =	swait.ge [sflag:s2], $0x4000  }
0x5f: {  	[sflag:s2] =	ssyncset.done $0x0  }
0x60: {  	s22 =	rddreg [dreg:$0xe];
	[sflag:s2] =	ssyncadd.s32 $0xFFFFC000  }
0x61: {  	[spmem:s22] =	stream.linear.scatter [tilespmem:s31], [sflag:$0xD], $0x4000, $0x38;
	[tilespmem:$0x1C400] =	vst v63  }
0x62: {  	_ =	swait.ge [sflag:s2], $0x4000  }
0x63: {  	[sflag:s2] =	ssyncset.done $0x0  }
0x64: {  	s30 =	rddreg [dreg:$0xf];
	[sflag:s2] =	ssyncadd.s32 $0xFFFFC000  }
0x65: {  	[spmem:s30] =	stream.linear.scatter [tilespmem:s31], [sflag:$0xD], $0x4000, $0x38;
	[tilespmem:$0x1C400] =	vst v63  }
0x66: {  	_ =	swait.ge [sflag:s2], $0x4000  }
0x67: {  	[sflag:s2] =	ssyncset.done $0x0  }
0x68: {  	[sflag:s2] =	ssyncadd.s32 $0xFFFFC000  }
0x69: {  	s21 =	simm.s32 $0x0;
	[bflag:$0x0] =	sbarrier.arrive $0xFFFF  }
.LBB2_4:
0x6a: {  	p0 =	seq.s32 s21, $0x0  }
0x6b: {  	s22 =	simm.s32 @p0 $0x1  }
0x6c: {  	_ =	swait.ge @p0 [sflag:s22], $0x80  }
0x6d: {  	s30 =	simm.s32 @p0 $0x0;
	[sflag:s22] =	ssyncset.done @p0 $0x0  }
0x6e: {  	s17 =	simm.s32 @p0 $0x400;
	[sflag:s22] =	ssyncadd.s32 @p0 $0xFFFFFF80;
	s22 =	simm.s32 @p0 $0x80  }
0x6f: {  	[tilespmem:s17], [sflag:$0x9] =	stream.indirect.gather @p0 [hbm4b:s1+s22], $0x80, s30, s22, $0xb8;
	[tilespmem:$0x1C400] =	vst v63  }
0x70: {  	s17 =	sand.u32 @!p0 $0x3C00, s21  }
0x71: {  	s22 =	simm.s32 @!p0 $0xB;
	s30 =	sand.u32 @!p0 $0x200, s21;
	s17 =	sadd.s32 @!p0 s5, s17  }
0x72: {  	_ =	swait.ge @!p0 [sflag:s22], $0x4000;
	s17 =	sor.u32 @!p0 s30, s17  }
0x73: {  	[sflag:s22] =	ssyncset.done @!p0 $0x0;
	s17 =	sshrl.u32 @!p0 s17, $0x3  }
0x74: {  	[sflag:s22] =	ssyncadd.s32 @!p0 $0xFFFFC000;
	s22 =	sadd.s32 @!p0 s17, s7  }
0x75: {  	s18 =	simm.s32 @!p0 $0x300;
	s30 =	simm.s32 @!p0 $0x0;
	s22 =	sadd.s32 @!p0 $0x20, s22  }
0x76: {  	[tilespmem:s18], [sflag:$0x7] =	stream.linear.gather @!p0 [hbm4b:s22+s30], $0x80, $0x38;
	[tilespmem:$0x1C400] =	vst v63  }
0x77: {  	s18 =	simm.s32 @!p0 $0x1  }
0x78: {  	_ =	swait.ge @!p0 [sflag:s18], $0x80  }
0x79: {  	[sflag:s18] =	ssyncset.done @!p0 $0x0  }
0x7a: {  	s22 =	simm.s32 @!p0 $0x400;
	[sflag:s18] =	ssyncadd.s32 @!p0 $0xFFFFFF80;
	s18 =	simm.s32 @!p0 $0x80  }
0x7b: {  	[tilespmem:s22], [sflag:$0x9] =	stream.indirect.gather @!p0 [hbm4b:s1+s18], $0x80, s30, s18, $0xb8;
	[tilespmem:$0x1C400] =	vst v63  }
0x7c: {  	s22 =	simm.s32 @!p0 $0x8  }
0x7d: {  	_ =	swait.ge @!p0 [sflag:s22], $0x80  }
0x7e: {  	[sflag:s22] =	ssyncset.done @!p0 $0x0  }
0x7f: {  	[sflag:s22] =	ssyncadd.s32 @!p0 $0xFFFFFF80;
	s22 =	simm.s32 @!p0 $0xA  }
0x80: {  	_ =	swait.ge @!p0 [sflag:s22], $0x4000  }
0x81: {  	s19 =	simm.s32 @!p0 $0x4400;
	[sflag:s22] =	ssyncset.done @!p0 $0x0  }
0x82: {  	s17 =	sor.u32 @!p0 $0x30, s17;
	[sflag:s22] =	ssyncadd.s32 @!p0 $0xFFFFC000;
	s22 =	simm.s32 @!p0 $0x380  }
0x83: {  	[spmem:s3] =	stream.indirect.scatter.add.f32 @!p0 [tilespmem:s19], [sflag:$0xC], $0x80, s22, s18, $0xb8;
	[tilespmem:$0x1C400] =	vst v63  }
0x84: {  	s18 =	sadd.s32 @!p0 s6, s17;
	s19 =	simm.s32 @!p0 $0x180  }
0x85: {  	[tilespmem:s19], [sflag:$0x4] =	stream.linear.gather @!p0 [hbm4b:s18+s30], $0x80, $0x38;
	[tilespmem:$0x1C400] =	vst v63  }
0x86: {  	s18 =	simm.s32 @!p0 $0xC  }
0x87: {  	_ =	swait.ge @!p0 [sflag:s18], $0x4000  }
0x88: {  	[sflag:s18] =	ssyncset.done @!p0 $0x0  }
0x89: {  	s17 =	sadd.s32 @!p0 s7, s17;
	[sflag:s18] =	ssyncadd.s32 @!p0 $0xFFFFC000  }
0x8a: {  	[tilespmem:s22], [sflag:$0x8] =	stream.linear.gather @!p0 [hbm4b:s17+s30], $0x80, $0x38;
	[tilespmem:$0x1C400] =	vst v63  }
0x8b: {  	_ =	swait.ge [sflag:s0], $0x80  }
0x8c: {  	[sflag:s0] =	ssyncset.done $0x0  }
0x8d: {  	[sflag:s0] =	ssyncadd.s32 $0xFFFFFF80  }
0x8e: {  	[tilespmem:s8], [sflag:$0xA] =	stream.indirect.gather [hbm4b:s1+s24], $0x80, s24, s24, $0xb8;
	[tilespmem:$0x1C400] =	vst v63  }
0x8f: {  	_ =	swait.ge [sflag:s9], $0x80  }
0x90: {  	[sflag:s9] =	ssyncset.done $0x0  }
0x91: {  	p0 =	seq.s32 s21, $0x2600;
	[sflag:s9] =	ssyncadd.s32 $0xFFFFFF80  }
0x92: {  	s17 =	sadd.s32 @!p0 $0x200, s21;
	_ =	swait.ge [sflag:s10], $0x4000  }
0x93: {  	s19 =	simm.s32 @p0 $0xB;
	s18 =	sand.u32 @!p0 $0x7C00, s17;
	[sflag:s10] =	ssyncset.done $0x0  }
0x94: {  	s17 =	sand.u32 @!p0 $0x200, s17;
	s18 =	sadd.s32 @!p0 s5, s18;
	[sflag:s10] =	ssyncadd.s32 $0xFFFFC000  }
0x95: {  	[spmem:s3] =	stream.indirect.scatter.add.f32 [tilespmem:s31], [sflag:$0xB], $0x80, s23, s24, $0xb8;
	[tilespmem:$0x1C400] =	vst v63  }
0x96: {  	s17 =	sor.u32 @!p0 s17, s18;
	_ =	swait.ge @p0 [sflag:s19], $0x4000  }
0x97: {  	s17 =	sshrl.u32 @!p0 s17, $0x3;
	[sflag:s19] =	ssyncset.done @p0 $0x0  }
0x98: {  	s18 =	sadd.s32 @!p0 s6, s17;
	[sflag:s19] =	ssyncadd.s32 @p0 $0xFFFFC000;
	s19 =	simm.s32 @!p0 $0x0  }
0x99: {  	[tilespmem:s19], [sflag:$0x1] =	stream.linear.gather @!p0 [hbm4b:s18+s19], $0x80, $0x38;
	[tilespmem:$0x1C400] =	vst v63  }
0x9a: {  	s18 =	simm.s32 @!p0 $0xB  }
0x9b: {  	_ =	swait.ge @!p0 [sflag:s18], $0x4000  }
0x9c: {  	[sflag:s18] =	ssyncset.done @!p0 $0x0  }
0x9d: {  	s17 =	sadd.s32 @!p0 s7, s17;
	[sflag:s18] =	ssyncadd.s32 @!p0 $0xFFFFC000;
	s18 =	simm.s32 @!p0 $0x200  }
0x9e: {  	[tilespmem:s18], [sflag:$0x5] =	stream.linear.gather @!p0 [hbm4b:s17+s19], $0x80, $0x38;
	[tilespmem:$0x1C400] =	vst v63  }
0x9f: {  	_ =	swait.ge [sflag:s11], $0x80  }
0xa0: {  	[sflag:s11] =	ssyncset.done $0x0  }
0xa1: {  	[sflag:s11] =	ssyncadd.s32 $0xFFFFFF80  }
0xa2: {  	[tilespmem:s31], [sflag:$0x9] =	stream.indirect.gather [hbm4b:s1+s24], $0x80, s26, s24, $0xb8;
	[tilespmem:$0x1C400] =	vst v63  }
0xa3: {  	_ =	swait.ge [sflag:s12], $0x80  }
0xa4: {  	[sflag:s12] =	ssyncset.done $0x0  }
0xa5: {  	[sflag:s12] =	ssyncadd.s32 $0xFFFFFF80  }
0xa6: {  	s17 =	sadd.s32 @!p0 $0x280, s21;
	_ =	swait.ge [sflag:s13], $0x4000  }
0xa7: {  	s22 =	simm.s32 @p0 $0xC;
	s18 =	sand.u32 @!p0 $0x7C00, s17;
	[sflag:s13] =	ssyncset.done $0x0  }
0xa8: {  	s17 =	sand.u32 @!p0 $0x280, s17;
	s18 =	sadd.s32 @!p0 s5, s18;
	[sflag:s13] =	ssyncadd.s32 $0xFFFFC000  }
0xa9: {  	[spmem:s3] =	stream.indirect.scatter.add.f32 [tilespmem:s8], [sflag:$0xC], $0x80, s25, s24, $0xb8;
	[tilespmem:$0x1C400] =	vst v63  }
0xaa: {  	s17 =	sor.u32 @!p0 s17, s18;
	_ =	swait.ge @p0 [sflag:s22], $0x4000  }
0xab: {  	s17 =	sshrl.u32 @!p0 s17, $0x3;
	[sflag:s22] =	ssyncset.done @p0 $0x0  }
0xac: {  	s18 =	sadd.s32 @!p0 s6, s17;
	[sflag:s22] =	ssyncadd.s32 @p0 $0xFFFFC000;
	s22 =	simm.s32 @!p0 $0x80  }
0xad: {  	[tilespmem:s22], [sflag:$0x2] =	stream.linear.gather @!p0 [hbm4b:s18+s19], $0x80, $0x38;
	[tilespmem:$0x1C400] =	vst v63  }
0xae: {  	s18 =	simm.s32 @!p0 $0xC  }
0xaf: {  	_ =	swait.ge @!p0 [sflag:s18], $0x4000  }
0xb0: {  	[sflag:s18] =	ssyncset.done @!p0 $0x0  }
0xb1: {  	s17 =	sadd.s32 @!p0 s7, s17;
	[sflag:s18] =	ssyncadd.s32 @!p0 $0xFFFFC000;
	s18 =	simm.s32 @!p0 $0x280  }
0xb2: {  	[tilespmem:s18], [sflag:$0x6] =	stream.linear.gather @!p0 [hbm4b:s17+s19], $0x80, $0x38;
	[tilespmem:$0x1C400] =	vst v63  }
0xb3: {  	_ =	swait.ge [sflag:s14], $0x80  }
0xb4: {  	[sflag:s14] =	ssyncset.done $0x0  }
0xb5: {  	[sflag:s14] =	ssyncadd.s32 $0xFFFFFF80  }
0xb6: {  	[tilespmem:s8], [sflag:$0xA] =	stream.indirect.gather [hbm4b:s1+s24], $0x80, s29, s24, $0xb8;
	[tilespmem:$0x1C400] =	vst v63  }
0xb7: {  	_ =	swait.ge [sflag:s15], $0x80  }
0xb8: {  	[sflag:s15] =	ssyncset.done $0x0  }
.Ltmp3:
0xb9: {  	[sflag:s15] =	ssyncadd.s32 $0xFFFFFF80;
	(pc) =	sbr.rel @p0 .LBB2_6-.Ltmp3, $4  }
0xba: {  	_ =	swait.ge [sflag:s10], $0x4000  }
0xbb: {  	[sflag:s10] =	ssyncset.done $0x0  }
0xbc: {  	[sflag:s10] =	ssyncadd.s32 $0xFFFFC000  }
0xbd: {  	[spmem:s3] =	stream.indirect.scatter.add.f32 [tilespmem:s31], [sflag:$0xB], $0x80, s28, s24, $0xb8;
	[tilespmem:$0x1C400] =	vst v63  }
0xbe: {  	s17 =	sadd.s32 $0x300, s21  }
0xbf: {  	s18 =	sand.u32 $0x7C00, s17  }
.Ltmp4:
0xc0: {  	s17 =	sand.u32 $0x300, s17;
	s18 =	sadd.s32 s5, s18;
	(pc) =	sbr.rel .LBB2_4-.Ltmp4, $4  }
0xc1: {  	s17 =	sor.u32 s17, s18  }
0xc2: {  	s17 =	sshrl.u32 s17, $0x3  }
0xc3: {  	s21 =	sadd.s32 $0x200, s21;
	s17 =	sadd.s32 s6, s17  }
0xc4: {  	[tilespmem:s26], [sflag:$0x3] =	stream.linear.gather [hbm4b:s17+s4], $0x80, $0x38;
	[tilespmem:$0x1C400] =	vst v63  }
.LBB2_7:
0xc5: {  	_ =	sfence.sel $0x180000  }
0xc6: {  	[bflag:$0x0] =	sbarrier.arrive $0xFFFF  }
0xc7: {  	_ =	strace $0x90000047  }
0xc8: {  	s0 =	stileid.u32;
	[bflag:$0x2] =	sbarrier.arrive $0xFFFF  }
0xc9: {  	p0 =	sne.s32 s0, $0x0;
	s0 =	rddreg [dreg:$0x3]  }
0xca: {  	s0 =	sadd.s32 @!p0 $0x100000, s0  }
0xcb: {  	[sflag:s0] =	ssyncadd.tile.s32 @!p0 $0x1;
	_ =	shalt  }
.Lfunc_end2:
_tile_overlayer_lowered:
.L_overlay_start_2:
0xcc: {  	(tag) =	ssettag $0x2  }
0xcd: {  	s0 =	rddreg [dreg:$0x0];
	s2 =	stileid.u32  }
0xce: {  	s1 =	rddreg [dreg:$0x1];
	p0 =	sne.s32 s2, $0x0  }
0xcf: {  	s3 =	rddreg [dreg:$0x2];
	[bflag:$0x3] =	sbarrier.arrive $0xFFFF;
	s2 =	simm.s32 @!p0 $0x1C0D  }
0xd0: {  	[timem:s3], [sflag:s2] =	dma.local @!p0 [hbm:s0], s1  }
0xd1: {  	s0 =	simm.s32 @!p0 $0xD  }
0xd2: {  	_ =	swait.ge @!p0 [sflag:s0], s1  }
0xd3: {  	s1 =	ssub.s32 @!p0 $0x0, s1;
	[sflag:s0] =	ssyncset.done @!p0 $0x0  }
0xd4: {  	[sflag:s0] =	ssyncadd.s32 @!p0 s1  }
0xd5: {  	[bflag:$0x3] =	sbarrier.arrive $0xFFFF  }
0xd6: {  	_ =	shalt  }

</sc_bundles>
